<compile_context>
chip_gen: v7x
topology: tpu7x:2x2x1
jax: 0.10.2.dev20260603
libtpu: 0.0.44.dev20260713+nightly
codegen_flags: <defaults>
</compile_context>

<pallas_src>
import functools

import jax
import jax.numpy as jnp
from jax import lax
from jax.experimental import pallas as pl
from jax.experimental.pallas import tpu as pltpu
from jax.experimental.pallas import tpu_sc as plsc

_N = 10000
_E = 320000
_D = 128
_NC, _NS = 2, 16
_NW = _NC * _NS
_EPW = _E // _NW
_CHUNK = 80
_NCHUNK = _EPW // _CHUNK
_NPAD = 10240
_ROWS_T = _NPAD // _NS

_BLK = 1000
_GRID = _N // _BLK


def _mesh():
    return plsc.VectorSubcoreMesh(
        core_axis_name="c", subcore_axis_name="s",
        num_cores=_NC, num_subcores=_NS)


_DHR = 80


@functools.cache
def _get_deg_kernel():
    return functools.partial(
        pl.kernel,
        out_type=jax.ShapeDtypeStruct((_NC, _DHR, _D), jnp.float32),
        mesh=_mesh(),
        scratch_types=[
            pltpu.VMEM((_NCHUNK, _CHUNK), jnp.int32),
            pltpu.VMEM((_DHR, _D), jnp.float32),
            pltpu.VMEM((_DHR,), jnp.int32),
            pltpu.VMEM_SHARED((_DHR, _D), jnp.float32),
        ],
        compiler_params=pltpu.CompilerParams(needs_layout_passes=False),
    )(_deg_body)


def _deg_body(pk_hbm, zeros_hbm, out_hbm, pk_v, hist, rowidx, accum):
    c = lax.axis_index("c")
    s = lax.axis_index("s")
    w = s * _NC + c
    pltpu.sync_copy(pk_hbm.at[w], pk_v)

    zeros16 = jnp.zeros((16,), jnp.float32)

    def zbody(i, carry):
        hist[i >> 3, pl.ds((i & 7) * 16, 16)] = zeros16
        return carry
    lax.fori_loop(0, _DHR * 8, zbody, 0)

    iota16 = lax.broadcasted_iota(jnp.int32, (16,), 0)
    for i in range(_DHR // 16):
        rowidx[pl.ds(i * 16, 16)] = iota16 + i * 16

    ones = jnp.ones((16,), jnp.float32)

    def cbody(i, carry):
        idx = pk_v[i // 5, pl.ds((i % 5) * 16, 16)] >> 16
        plsc.addupdate_scatter(hist, [idx >> 7, idx & 127], ones)
        return carry
    lax.fori_loop(0, _EPW // 16, cbody, 0)

    @pl.when(s < 10)
    def _():
        pltpu.sync_copy(zeros_hbm.at[pl.ds(8 * s, 8)],
                        accum.at[pl.ds(8 * s, 8)])
    plsc.subcore_barrier()
    pltpu.sync_copy(hist, accum.at[rowidx], add=True)
    plsc.subcore_barrier()

    @pl.when(s < 10)
    def _():
        pltpu.sync_copy(accum.at[pl.ds(8 * s, 8)],
                        out_hbm.at[c, pl.ds(8 * s, 8)])


_NBUF = 3


@functools.cache
def _get_mp_kernel():
    return functools.partial(
        pl.kernel,
        out_type=jax.ShapeDtypeStruct((_NC, _NPAD, _D), jnp.float32),
        mesh=_mesh(),
        scratch_types=[
            pltpu.VMEM_SHARED((_NPAD, _D), jnp.float32),
        ]
        + [pltpu.VMEM((_CHUNK, _D), jnp.float32) for _ in range(_NBUF)]
        + [pltpu.VMEM((_CHUNK,), jnp.int32) for _ in range(3 * _NBUF)]
        + [pltpu.SemaphoreType.DMA for _ in range(3 * _NBUF)],
        compiler_params=pltpu.CompilerParams(needs_layout_passes=False),
    )(_mp_body)


def _mp_body(g_hbm, pk_hbm, zeros_hbm, out_hbm,
             accum, *bufs_and_sems):
    bufs = bufs_and_sems[:_NBUF]
    pkbufs = bufs_and_sems[_NBUF:2 * _NBUF]
    srcbufs = bufs_and_sems[2 * _NBUF:3 * _NBUF]
    dstbufs = bufs_and_sems[3 * _NBUF:4 * _NBUF]
    gsems = bufs_and_sems[4 * _NBUF:5 * _NBUF]
    ssems = bufs_and_sems[5 * _NBUF:6 * _NBUF]
    psems = bufs_and_sems[6 * _NBUF:]
    c = lax.axis_index("c")
    s = lax.axis_index("s")
    w = s * _NC + c

    def pkstart(j, b):
        pltpu.async_copy(pk_hbm.at[w, j], pkbufs[b], psems[b])

    def pkwait(b):
        pltpu.make_async_copy(pk_hbm.at[w, 0], pkbufs[b], psems[b]).wait()

    def unpack(b):
        for i in range(_CHUNK // 16):
            p = pkbufs[b][pl.ds(i * 16, 16)]
            srcbufs[b][pl.ds(i * 16, 16)] = p & 0xFFFF
            dstbufs[b][pl.ds(i * 16, 16)] = p >> 16

    def gstart(b):
        pltpu.async_copy(g_hbm.at[srcbufs[b]], bufs[b], gsems[b])

    def gwait(b):
        pltpu.make_async_copy(g_hbm.at[srcbufs[b]], bufs[b],
                              gsems[b]).wait()

    def sstart(b):
        pltpu.async_copy(bufs[b], accum.at[dstbufs[b]], ssems[b], add=True)

    def swait(b):
        pltpu.make_async_copy(bufs[b], accum.at[dstbufs[b]],
                              ssems[b]).wait()

    for b in range(_NBUF):
        pkstart(b, b)
    for b in range(_NBUF):
        pkwait(b)
        unpack(b)
        gstart(b)
        pkstart(b + _NBUF, b)
    pltpu.sync_copy(zeros_hbm.at[pl.ds(s * _ROWS_T, _ROWS_T)],
                    accum.at[pl.ds(s * _ROWS_T, _ROWS_T)])
    plsc.subcore_barrier()

    def body(k, carry):
        for b in range(_NBUF):
            gwait(b)
            sstart(b)
        for b in range(_NBUF):
            jn = k * _NBUF + b + _NBUF

            @pl.when(jn < _NCHUNK)
            def _():
                swait(b)
                pkwait(b)
                unpack(b)
                gstart(b)

                @pl.when(jn + _NBUF < _NCHUNK)
                def _():
                    pkstart(jn + _NBUF, b)
        return carry
    lax.fori_loop(0, _NCHUNK // _NBUF, body, 0)

    for b in range(_NCHUNK % _NBUF):
        gwait(b)
        sstart(b)
    for b in range(_NBUF):
        swait(b)

    plsc.subcore_barrier()
    pltpu.sync_copy(accum.at[pl.ds(s * _ROWS_T, _ROWS_T)],
                    out_hbm.at[c, pl.ds(s * _ROWS_T, _ROWS_T)])



def _elu(x):
    return jnp.where(x > 0, x, jnp.exp(jnp.where(x > 0, 0.0, x)) - 1.0)


def _row_spec(width):
    return pl.BlockSpec((_BLK, width), lambda i: (i, 0))


def _full_spec(shape):
    return pl.BlockSpec(shape, lambda i: tuple(0 for _ in shape))


def _t_spec():
    return pl.BlockSpec((_NC, _BLK, _D), lambda i: (0, i, 0))


def _tc0_body(x_ref, w0_ref, d0_ref, d1_ref, qe_ref, f0w_ref, f0b_ref,
              g0_ref, dinv_ref, q_ref):
    dinv = lax.rsqrt(d0_ref[...] + d1_ref[...] + 1.0)
    dinv_ref[...] = dinv
    g0_ref[...] = dinv * jnp.dot(x_ref[...], w0_ref[...],
                                 preferred_element_type=jnp.float32)

    @pl.when(pl.program_id(0) == 0)
    def _():
        q = jnp.dot(qe_ref[...], f0w_ref[...],
                    preferred_element_type=jnp.float32) + f0b_ref[...]
        q_ref[...] = _elu(q)


def _tc0(x, W0, d0, d1, qe, f0w, f0b):
    return pl.pallas_call(
        _tc0_body,
        grid=(_GRID,),
        in_specs=[_row_spec(_D), _full_spec((_D, _D)), _row_spec(1),
                  _row_spec(1), _full_spec((64, 256)), _full_spec((256, 64)),
                  _full_spec((1, 64))],
        out_specs=[_row_spec(_D), _row_spec(1), _full_spec((64, 64))],
        out_shape=[jax.ShapeDtypeStruct((_N, _D), jnp.float32),
                   jax.ShapeDtypeStruct((_N, 1), jnp.float32),
                   jax.ShapeDtypeStruct((64, 64), jnp.float32)],
    )(x, W0, d0, d1, qe, f0w, f0b)


def _tc_mid_body(emit_h, t_ref, g_ref, dinv_ref, b_ref, w_ref, *out_refs):
    dinv = dinv_ref[...]
    h = _elu(dinv * (t_ref[0] + t_ref[1] + g_ref[...]) + b_ref[...])
    if emit_h:
        out_refs[1][...] = h
    out_refs[0][...] = dinv * jnp.dot(h, w_ref[...],
                                      preferred_element_type=jnp.float32)


def _tc_mid(t, g, dinv, b, W_next, emit_h):
    out_specs = [_row_spec(_D)]
    out_shape = [jax.ShapeDtypeStruct((_N, _D), jnp.float32)]
    if emit_h:
        out_specs.append(_row_spec(_D))
        out_shape.append(jax.ShapeDtypeStruct((_N, _D), jnp.float32))
    return pl.pallas_call(
        functools.partial(_tc_mid_body, emit_h),
        grid=(_GRID,),
        in_specs=[_t_spec(), _row_spec(_D), _row_spec(1),
                  _full_spec((1, _D)), _full_spec((_D, _D))],
        out_specs=out_specs,
        out_shape=out_shape,
    )(t, g, dinv, b, W_next)


def _tc_final_body(t_ref, g_ref, dinv_ref, b_ref, r_ref, q_ref, batch_ref,
                   f1a_ref, f1b_ref, f1bias_ref, f2w_ref, f2b_ref, out_ref):
    dinv = dinv_ref[...]
    h = _elu(dinv * (t_ref[0] + t_ref[1] + g_ref[...]) + b_ref[...])
    h = h + r_ref[...]
    onehot = (batch_ref[...] ==
              lax.broadcasted_iota(jnp.int32, (_BLK, 64), 1)
              ).astype(jnp.float32)
    qx = jnp.dot(onehot, q_ref[...], preferred_element_type=jnp.float32)
    pre = (jnp.dot(h, f1a_ref[...], preferred_element_type=jnp.float32)
           + jnp.dot(qx, f1b_ref[...], preferred_element_type=jnp.float32)
           + f1bias_ref[...])
    h2 = _elu(pre)
    out_ref[...] = (jnp.dot(h2, f2w_ref[...],
                            preferred_element_type=jnp.float32)
                    + f2b_ref[...])


def _tc_final(t, g, dinv, b, r, q, batch2, f1a, f1b, f1bias, f2w, f2b):
    return pl.pallas_call(
        _tc_final_body,
        grid=(_GRID,),
        in_specs=[_t_spec(), _row_spec(_D), _row_spec(1),
                  _full_spec((1, _D)), _row_spec(_D), _full_spec((64, 64)),
                  _row_spec(1), _full_spec((_D, _D)), _full_spec((64, _D)),
                  _full_spec((1, _D)), _full_spec((_D, _D)),
                  _full_spec((1, _D))],
        out_specs=_row_spec(_D),
        out_shape=jax.ShapeDtypeStruct((_N, _D), jnp.float32),
    )(t, g, dinv, b, r, q, batch2, f1a, f1b, f1bias, f2w, f2b)



def kernel(x, edge_index, batch, question_embedding,
           W0, b0, W1, b1, W2, b2, W3, b3,
           fc0_W, fc0_b, fc1_W, fc1_b, fc2_W, fc2_b):
    src = edge_index[0].reshape(_NW, _NCHUNK, _CHUNK)
    dst = edge_index[1].reshape(_NW, _NCHUNK, _CHUNK)
    packed = src | (dst << 16)
    zeros_nd = jnp.zeros((_NPAD, _D), jnp.float32)

    degp = _get_deg_kernel()(packed, zeros_nd).reshape(_NC, _DHR * _D)
    d0 = degp[0, :_N].reshape(_N, 1)
    d1 = degp[1, :_N].reshape(_N, 1)

    g0, dinv, q = _tc0(x, W0, d0, d1, question_embedding, fc0_W,
                       fc0_b.reshape(1, 64))

    t = _get_mp_kernel()(g0, packed, zeros_nd)
    (g1,) = _tc_mid(t, g0, dinv, b0.reshape(1, _D), W1, False)
    t = _get_mp_kernel()(g1, packed, zeros_nd)
    g2, r = _tc_mid(t, g1, dinv, b1.reshape(1, _D), W2, True)
    t = _get_mp_kernel()(g2, packed, zeros_nd)
    (g3,) = _tc_mid(t, g2, dinv, b2.reshape(1, _D), W3, False)
    t = _get_mp_kernel()(g3, packed, zeros_nd)

    out = _tc_final(t, g3, dinv, b3.reshape(1, _D), r, q,
                    batch.reshape(_N, 1),
                    fc1_W[:_D], fc1_W[_D:], fc1_b.reshape(1, _D),
                    fc2_W, fc2_b.reshape(1, _D))
    return out

# --- scband reference (transcript-rebuilt; emitter-appended) ---
"""Pipeline reference for scband-gcnmodel-60601988547217 (READ-ONLY COPY).

The authoritative reference and input builder live on the scoring server;
editing this copy changes nothing except your own understanding.
"""

import jax, jax.numpy as jnp
import numpy as np

N = 10000
E = 320000
B = 64
D_IN = 128
HID = 128
QDIM = 256
PROC_QN = 64
PROC_X = 128
OUT = 128


def _lin_init(key, fan_in, fan_out):
    kw, kb = jax.random.split(key)
    bound = 1.0 / np.sqrt(fan_in)
    W = jax.random.uniform(kw, (fan_in, fan_out), jnp.float32, -bound, bound)
    b = jax.random.uniform(kb, (fan_out,), jnp.float32, -bound, bound)
    return W, b


def setup_inputs(seed: int = 0):
    key = jax.random.key(seed)
    ks = jax.random.split(key, 12)
    inp = {}
    inp['x'] = jax.random.normal(ks[0], (N, D_IN), dtype=jnp.float32)
    inp['edge_index'] = jax.random.randint(ks[1], (2, E), 0, N, dtype=jnp.int32)
    inp['batch'] = jnp.sort(jax.random.randint(ks[2], (N,), 0, B, dtype=jnp.int32))
    inp['question_embedding'] = jax.random.normal(ks[3], (B, QDIM), dtype=jnp.float32)
    # GCN layer params: dims 128->128, 128->128, 128->128, 128->PROC_X(128)
    inp['W0'], inp['b0'] = _lin_init(ks[4], D_IN, HID)
    inp['W1'], inp['b1'] = _lin_init(ks[5], HID, HID)
    inp['W2'], inp['b2'] = _lin_init(ks[6], HID, HID)
    inp['W3'], inp['b3'] = _lin_init(ks[7], HID, PROC_X)
    inp['fc0_W'], inp['fc0_b'] = _lin_init(ks[8], QDIM, PROC_QN)
    inp['fc1_W'], inp['fc1_b'] = _lin_init(ks[9], PROC_X + PROC_QN, HID)
    inp['fc2_W'], inp['fc2_b'] = _lin_init(ks[10], HID, OUT)
    return inp


def _gcn_conv(x, edge_index, W, b):
    # PyG GCNConv: add self-loops, symmetric normalization D^-1/2 (A+I) D^-1/2 X W + b
    src = edge_index[0]
    dst = edge_index[1]
    loop = jnp.arange(N, dtype=edge_index.dtype)
    s = jnp.concatenate([src, loop])
    d = jnp.concatenate([dst, loop])
    deg = jnp.zeros((N,), x.dtype).at[d].add(1.0)
    dinv = jnp.where(deg > 0, deg ** -0.5, 0.0)
    norm = dinv[s] * dinv[d]
    h = x @ W
    msg = h[s] * norm[:, None]
    out = jnp.zeros((N, W.shape[1]), x.dtype).at[d].add(msg)
    return out + b


def reference(x, edge_index, batch, question_embedding,
              W0, b0, W1, b1, W2, b2, W3, b3,
              fc0_W, fc0_b, fc1_W, fc1_b, fc2_W, fc2_b):
    layers = [(W0, b0), (W1, b1), (W2, b2), (W3, b3)]
    h = x
    residual = None
    for i, (W, b) in enumerate(layers):
        h = jax.nn.elu(_gcn_conv(h, edge_index, W, b))
        if (i + 1) % 2 == 0:
            if residual is not None:
                h = h + residual
            residual = h
    q = jax.nn.elu(question_embedding @ fc0_W + fc0_b)
    q_exp = q[batch]
    combined = jnp.concatenate([h, q_exp], axis=1)
    h2 = jax.nn.elu(combined @ fc1_W + fc1_b)
    out = h2 @ fc2_W + fc2_b
    return out

if __name__ == "__main__":
    import jax
    _d = setup_inputs()
    print(jax.jit(kernel)(*tuple(_d.values())))

</pallas_src>

<mosaic_0001>
#map = affine_map<(d0, d1) -> (0, 0)>
#map1 = affine_map<(d0, d1) -> (0, 0, 0)>
module attributes {stable_mosaic.version = 14 : i64} {
  func.func @_mp_body(%arg0: i32, %arg1: i32, %arg2: memref<10000x128xf32, #tpu.memory_space<hbm>>, %arg3: memref<32x125x80xi32, #tpu.memory_space<hbm>>, %arg4: memref<10240x128xf32, #tpu.memory_space<hbm>>, %arg5: memref<2x10240x128xf32, #tpu.memory_space<hbm>>, %arg6: memref<10240x128xf32, #tpu.memory_space<vmem_shared>>, %arg7: memref<80x128xf32, #tpu.memory_space<vmem>>, %arg8: memref<80x128xf32, #tpu.memory_space<vmem>>, %arg9: memref<80x128xf32, #tpu.memory_space<vmem>>, %arg10: memref<80xi32, #tpu.memory_space<vmem>>, %arg11: memref<80xi32, #tpu.memory_space<vmem>>, %arg12: memref<80xi32, #tpu.memory_space<vmem>>, %arg13: memref<80xi32, #tpu.memory_space<vmem>>, %arg14: memref<80xi32, #tpu.memory_space<vmem>>, %arg15: memref<80xi32, #tpu.memory_space<vmem>>, %arg16: memref<80xi32, #tpu.memory_space<vmem>>, %arg17: memref<80xi32, #tpu.memory_space<vmem>>, %arg18: memref<80xi32, #tpu.memory_space<vmem>>, %arg19: memref<!tpu.dma_semaphore, #tpu.memory_space<semaphore_mem>>, %arg20: memref<!tpu.dma_semaphore, #tpu.memory_space<semaphore_mem>>, %arg21: memref<!tpu.dma_semaphore, #tpu.memory_space<semaphore_mem>>, %arg22: memref<!tpu.dma_semaphore, #tpu.memory_space<semaphore_mem>>, %arg23: memref<!tpu.dma_semaphore, #tpu.memory_space<semaphore_mem>>, %arg24: memref<!tpu.dma_semaphore, #tpu.memory_space<semaphore_mem>>, %arg25: memref<!tpu.dma_semaphore, #tpu.memory_space<semaphore_mem>>, %arg26: memref<!tpu.dma_semaphore, #tpu.memory_space<semaphore_mem>>, %arg27: memref<!tpu.dma_semaphore, #tpu.memory_space<semaphore_mem>>) attributes {dimension_semantics = [#tpu.dimension_semantics<core_parallel>, #tpu.dimension_semantics<subcore_parallel>], iteration_bounds = array<i64: 2, 16>, scalar_prefetch = 0 : i64, scratch_operands = 22 : i64, tpu.core_type = #tpu.core_type<sc_vector_subcore>, window_params = [{transform_indices = #map}, {transform_indices = #map1}, {transform_indices = #map}, {transform_indices = #map1}]} {
    %mul3A = arith.constant 2 : i32
    %mul3A_0 = arith.muli %arg1, %mul3A : i32
    %add3A = arith.addi %mul3A_0, %arg0 : i32
    %dma_start3A = arith.constant 0 : i32
    %dma_start3A_1 = arith.constant 0 : i32
    %dma_start3A_2 = tpu.memref_slice %arg3[%add3A, %dma_start3A, %dma_start3A_1] : memref<32x125x80xi32, #tpu.memory_space<hbm>> -> memref<1x1x80xi32, #tpu.memory_space<hbm>>
    %dma_start3A_3 = tpu.memref_squeeze %dma_start3A_2 : memref<1x1x80xi32, #tpu.memory_space<hbm>> -> memref<80xi32, #tpu.memory_space<hbm>>
    %dma_start3A_4 = arith.constant 0 : i32
    %dma_start3A_5 = tpu.memref_slice %arg3[%add3A, %dma_start3A, %dma_start3A_4] : memref<32x125x80xi32, #tpu.memory_space<hbm>> -> memref<1x1x80xi32, #tpu.memory_space<hbm>>
    %dma_start3A_6 = tpu.memref_squeeze %dma_start3A_5 : memref<1x1x80xi32, #tpu.memory_space<hbm>> -> memref<80xi32, #tpu.memory_space<hbm>>
    tpu.enqueue_dma source(%dma_start3A_6 : memref<80xi32, #tpu.memory_space<hbm>>) target(%arg10 : memref<80xi32, #tpu.memory_space<vmem>>) target_semaphore(%arg25 : memref<!tpu.dma_semaphore, #tpu.memory_space<semaphore_mem>>)
    %dma_start3A_7 = arith.constant 1 : i32
    %dma_start3A_8 = arith.constant 0 : i32
    %dma_start3A_9 = tpu.memref_slice %arg3[%add3A, %dma_start3A_7, %dma_start3A_8] : memref<32x125x80xi32, #tpu.memory_space<hbm>> -> memref<1x1x80xi32, #tpu.memory_space<hbm>>
    %dma_start3A_10 = tpu.memref_squeeze %dma_start3A_9 : memref<1x1x80xi32, #tpu.memory_space<hbm>> -> memref<80xi32, #tpu.memory_space<hbm>>
    %dma_start3A_11 = arith.constant 0 : i32
    %dma_start3A_12 = tpu.memref_slice %arg3[%add3A, %dma_start3A_7, %dma_start3A_11] : memref<32x125x80xi32, #tpu.memory_space<hbm>> -> memref<1x1x80xi32, #tpu.memory_space<hbm>>
    %dma_start3A_13 = tpu.memref_squeeze %dma_start3A_12 : memref<1x1x80xi32, #tpu.memory_space<hbm>> -> memref<80xi32, #tpu.memory_space<hbm>>
    tpu.enqueue_dma source(%dma_start3A_13 : memref<80xi32, #tpu.memory_space<hbm>>) target(%arg11 : memref<80xi32, #tpu.memory_space<vmem>>) target_semaphore(%arg26 : memref<!tpu.dma_semaphore, #tpu.memory_space<semaphore_mem>>)
    %dma_start3A_14 = arith.constant 2 : i32
    %dma_start3A_15 = arith.constant 0 : i32
    %dma_start3A_16 = tpu.memref_slice %arg3[%add3A, %dma_start3A_14, %dma_start3A_15] : memref<32x125x80xi32, #tpu.memory_space<hbm>> -> memref<1x1x80xi32, #tpu.memory_space<hbm>>
    %dma_start3A_17 = tpu.memref_squeeze %dma_start3A_16 : memref<1x1x80xi32, #tpu.memory_space<hbm>> -> memref<80xi32, #tpu.memory_space<hbm>>
    %dma_start3A_18 = arith.constant 0 : i32
    %dma_start3A_19 = tpu.memref_slice %arg3[%add3A, %dma_start3A_14, %dma_start3A_18] : memref<32x125x80xi32, #tpu.memory_space<hbm>> -> memref<1x1x80xi32, #tpu.memory_space<hbm>>
    %dma_start3A_20 = tpu.memref_squeeze %dma_start3A_19 : memref<1x1x80xi32, #tpu.memory_space<hbm>> -> memref<80xi32, #tpu.memory_space<hbm>>
    tpu.enqueue_dma source(%dma_start3A_20 : memref<80xi32, #tpu.memory_space<hbm>>) target(%arg12 : memref<80xi32, #tpu.memory_space<vmem>>) target_semaphore(%arg27 : memref<!tpu.dma_semaphore, #tpu.memory_space<semaphore_mem>>)
    %dma_wait3A = arith.constant 0 : i32
    %dma_wait3A_21 = arith.constant 0 : i32
    %dma_wait3A_22 = tpu.memref_slice %arg3[%add3A, %dma_wait3A, %dma_wait3A_21] : memref<32x125x80xi32, #tpu.memory_space<hbm>> -> memref<1x1x80xi32, #tpu.memory_space<hbm>>
    %dma_wait3A_23 = tpu.memref_squeeze %dma_wait3A_22 : memref<1x1x80xi32, #tpu.memory_space<hbm>> -> memref<80xi32, #tpu.memory_space<hbm>>
    %dma_wait3A_24 = arith.constant 0 : i32
    %dma_wait3A_25 = tpu.memref_slice %arg3[%add3A, %dma_wait3A, %dma_wait3A_24] : memref<32x125x80xi32, #tpu.memory_space<hbm>> -> memref<1x1x80xi32, #tpu.memory_space<hbm>>
    %dma_wait3A_26 = tpu.memref_squeeze %dma_wait3A_25 : memref<1x1x80xi32, #tpu.memory_space<hbm>> -> memref<80xi32, #tpu.memory_space<hbm>>
    tpu.wait_dma2 semaphore(%arg25 : memref<!tpu.dma_semaphore, #tpu.memory_space<semaphore_mem>>) src(%dma_wait3A_26 : memref<80xi32, #tpu.memory_space<hbm>>) dst(%arg10 : memref<80xi32, #tpu.memory_space<vmem>>)
    %get3A = arith.constant 0 : index
    %get3A_27 = tpu.vector_load %arg10[%get3A] {strides = array<i32>} : memref<80xi32, #tpu.memory_space<vmem>>, vector<16xi32>,
    %and3A = arith.constant 65535 : i32
    %and3A_28 = vector.broadcast %and3A : i32 to vector<16xi32>
    %and3A_29 = arith.andi %get3A_27, %and3A_28 : vector<16xi32>
    %swap3A = arith.constant 0 : index
    %swap3A_30 = tpu.vector_load %arg13[%swap3A] {strides = array<i32>} : memref<80xi32, #tpu.memory_space<vmem>>, vector<16xi32>,
    tpu.vector_store %arg13[%swap3A], %and3A_29 {strides = array<i32>} : memref<80xi32, #tpu.memory_space<vmem>>, vector<16xi32>,
    %shift_right_arithmetic3A = arith.constant 16 : i32
    %shift_right_arithmetic3A_31 = vector.broadcast %shift_right_arithmetic3A : i32 to vector<16xi32>
    %shift_right_arithmetic3A_32 = arith.shrsi %get3A_27, %shift_right_arithmetic3A_31 : vector<16xi32>
    %swap3A_33 = arith.constant 0 : index
    %swap3A_34 = tpu.vector_load %arg16[%swap3A_33] {strides = array<i32>} : memref<80xi32, #tpu.memory_space<vmem>>, vector<16xi32>,
    tpu.vector_store %arg16[%swap3A_33], %shift_right_arithmetic3A_32 {strides = array<i32>} : memref<80xi32, #tpu.memory_space<vmem>>, vector<16xi32>,
    %get3A_35 = arith.constant 16 : index
    %get3A_36 = tpu.vector_load %arg10[%get3A_35] {strides = array<i32>} : memref<80xi32, #tpu.memory_space<vmem>>, vector<16xi32>,
    %and3A_37 = arith.constant 65535 : i32
    %and3A_38 = vector.broadcast %and3A_37 : i32 to vector<16xi32>
    %and3A_39 = arith.andi %get3A_36, %and3A_38 : vector<16xi32>
    %swap3A_40 = arith.constant 16 : index
    %swap3A_41 = tpu.vector_load %arg13[%swap3A_40] {strides = array<i32>} : memref<80xi32, #tpu.memory_space<vmem>>, vector<16xi32>,
    tpu.vector_store %arg13[%swap3A_40], %and3A_39 {strides = array<i32>} : memref<80xi32, #tpu.memory_space<vmem>>, vector<16xi32>,
    %shift_right_arithmetic3A_42 = arith.constant 16 : i32
    %shift_right_arithmetic3A_43 = vector.broadcast %shift_right_arithmetic3A_42 : i32 to vector<16xi32>
    %shift_right_arithmetic3A_44 = arith.shrsi %get3A_36, %shift_right_arithmetic3A_43 : vector<16xi32>
    %swap3A_45 = arith.constant 16 : index
    %swap3A_46 = tpu.vector_load %arg16[%swap3A_45] {strides = array<i32>} : memref<80xi32, #tpu.memory_space<vmem>>, vector<16xi32>,
    tpu.vector_store %arg16[%swap3A_45], %shift_right_arithmetic3A_44 {strides = array<i32>} : memref<80xi32, #tpu.memory_space<vmem>>, vector<16xi32>,
    %get3A_47 = arith.constant 32 : index
    %get3A_48 = tpu.vector_load %arg10[%get3A_47] {strides = array<i32>} : memref<80xi32, #tpu.memory_space<vmem>>, vector<16xi32>,
    %and3A_49 = arith.constant 65535 : i32
    %and3A_50 = vector.broadcast %and3A_49 : i32 to vector<16xi32>
    %and3A_51 = arith.andi %get3A_48, %and3A_50 : vector<16xi32>
    %swap3A_52 = arith.constant 32 : index
    %swap3A_53 = tpu.vector_load %arg13[%swap3A_52] {strides = array<i32>} : memref<80xi32, #tpu.memory_space<vmem>>, vector<16xi32>,
    tpu.vector_store %arg13[%swap3A_52], %and3A_51 {strides = array<i32>} : memref<80xi32, #tpu.memory_space<vmem>>, vector<16xi32>,
    %shift_right_arithmetic3A_54 = arith.constant 16 : i32
    %shift_right_arithmetic3A_55 = vector.broadcast %shift_right_arithmetic3A_54 : i32 to vector<16xi32>
    %shift_right_arithmetic3A_56 = arith.shrsi %get3A_48, %shift_right_arithmetic3A_55 : vector<16xi32>
    %swap3A_57 = arith.constant 32 : index
    %swap3A_58 = tpu.vector_load %arg16[%swap3A_57] {strides = array<i32>} : memref<80xi32, #tpu.memory_space<vmem>>, vector<16xi32>,
    tpu.vector_store %arg16[%swap3A_57], %shift_right_arithmetic3A_56 {strides = array<i32>} : memref<80xi32, #tpu.memory_space<vmem>>, vector<16xi32>,
    %get3A_59 = arith.constant 48 : index
    %get3A_60 = tpu.vector_load %arg10[%get3A_59] {strides = array<i32>} : memref<80xi32, #tpu.memory_space<vmem>>, vector<16xi32>,
    %and3A_61 = arith.constant 65535 : i32
    %and3A_62 = vector.broadcast %and3A_61 : i32 to vector<16xi32>
    %and3A_63 = arith.andi %get3A_60, %and3A_62 : vector<16xi32>
    %swap3A_64 = arith.constant 48 : index
    %swap3A_65 = tpu.vector_load %arg13[%swap3A_64] {strides = array<i32>} : memref<80xi32, #tpu.memory_space<vmem>>, vector<16xi32>,
    tpu.vector_store %arg13[%swap3A_64], %and3A_63 {strides = array<i32>} : memref<80xi32, #tpu.memory_space<vmem>>, vector<16xi32>,
    %shift_right_arithmetic3A_66 = arith.constant 16 : i32
    %shift_right_arithmetic3A_67 = vector.broadcast %shift_right_arithmetic3A_66 : i32 to vector<16xi32>
    %shift_right_arithmetic3A_68 = arith.shrsi %get3A_60, %shift_right_arithmetic3A_67 : vector<16xi32>
    %swap3A_69 = arith.constant 48 : index
    %swap3A_70 = tpu.vector_load %arg16[%swap3A_69] {strides = array<i32>} : memref<80xi32, #tpu.memory_space<vmem>>, vector<16xi32>,
    tpu.vector_store %arg16[%swap3A_69], %shift_right_arithmetic3A_68 {strides = array<i32>} : memref<80xi32, #tpu.memory_space<vmem>>, vector<16xi32>,
    %get3A_71 = arith.constant 64 : index
    %get3A_72 = tpu.vector_load %arg10[%get3A_71] {strides = array<i32>} : memref<80xi32, #tpu.memory_space<vmem>>, vector<16xi32>,
    %and3A_73 = arith.constant 65535 : i32
    %and3A_74 = vector.broadcast %and3A_73 : i32 to vector<16xi32>
    %and3A_75 = arith.andi %get3A_72, %and3A_74 : vector<16xi32>
    %swap3A_76 = arith.constant 64 : index
    %swap3A_77 = tpu.vector_load %arg13[%swap3A_76] {strides = array<i32>} : memref<80xi32, #tpu.memory_space<vmem>>, vector<16xi32>,
    tpu.vector_store %arg13[%swap3A_76], %and3A_75 {strides = array<i32>} : memref<80xi32, #tpu.memory_space<vmem>>, vector<16xi32>,
    %shift_right_arithmetic3A_78 = arith.constant 16 : i32
    %shift_right_arithmetic3A_79 = vector.broadcast %shift_right_arithmetic3A_78 : i32 to vector<16xi32>
    %shift_right_arithmetic3A_80 = arith.shrsi %get3A_72, %shift_right_arithmetic3A_79 : vector<16xi32>
    %swap3A_81 = arith.constant 64 : index
    %swap3A_82 = tpu.vector_load %arg16[%swap3A_81] {strides = array<i32>} : memref<80xi32, #tpu.memory_space<vmem>>, vector<16xi32>,
    tpu.vector_store %arg16[%swap3A_81], %shift_right_arithmetic3A_80 {strides = array<i32>} : memref<80xi32, #tpu.memory_space<vmem>>, vector<16xi32>,
    %dma_start3A_83 = arith.constant 0 : i32
    %dma_start3A_84 = arith.constant 0 : i32
    %dma_start3A_85 = tpu.memref_slice %arg2[%dma_start3A_83, %dma_start3A_84] : memref<10000x128xf32, #tpu.memory_space<hbm>> -> memref<10000x128xf32, #tpu.memory_space<hbm>>
    tpu.enqueue_indirect_dma source(%dma_start3A_85 : memref<10000x128xf32, #tpu.memory_space<hbm>>) target(%arg7 : memref<80x128xf32, #tpu.memory_space<vmem>>) offsets(%arg13 : memref<80xi32, #tpu.memory_space<vmem>>) semaphore(%arg19 : memref<!tpu.dma_semaphore, #tpu.memory_space<semaphore_mem>>)
    %dma_start3A_86 = arith.constant 3 : i32
    %dma_start3A_87 = arith.constant 0 : i32
    %dma_start3A_88 = tpu.memref_slice %arg3[%add3A, %dma_start3A_86, %dma_start3A_87] : memref<32x125x80xi32, #tpu.memory_space<hbm>> -> memref<1x1x80xi32, #tpu.memory_space<hbm>>
    %dma_start3A_89 = tpu.memref_squeeze %dma_start3A_88 : memref<1x1x80xi32, #tpu.memory_space<hbm>> -> memref<80xi32, #tpu.memory_space<hbm>>
    %dma_start3A_90 = arith.constant 0 : i32
    %dma_start3A_91 = tpu.memref_slice %arg3[%add3A, %dma_start3A_86, %dma_start3A_90] : memref<32x125x80xi32, #tpu.memory_space<hbm>> -> memref<1x1x80xi32, #tpu.memory_space<hbm>>
    %dma_start3A_92 = tpu.memref_squeeze %dma_start3A_91 : memref<1x1x80xi32, #tpu.memory_space<hbm>> -> memref<80xi32, #tpu.memory_space<hbm>>
    tpu.enqueue_dma source(%dma_start3A_92 : memref<80xi32, #tpu.memory_space<hbm>>) target(%arg10 : memref<80xi32, #tpu.memory_space<vmem>>) target_semaphore(%arg25 : memref<!tpu.dma_semaphore, #tpu.memory_space<semaphore_mem>>)
    %dma_wait3A_93 = arith.constant 0 : i32
    %dma_wait3A_94 = arith.constant 0 : i32
    %dma_wait3A_95 = tpu.memref_slice %arg3[%add3A, %dma_wait3A_93, %dma_wait3A_94] : memref<32x125x80xi32, #tpu.memory_space<hbm>> -> memref<1x1x80xi32, #tpu.memory_space<hbm>>
    %dma_wait3A_96 = tpu.memref_squeeze %dma_wait3A_95 : memref<1x1x80xi32, #tpu.memory_space<hbm>> -> memref<80xi32, #tpu.memory_space<hbm>>
    %dma_wait3A_97 = arith.constant 0 : i32
    %dma_wait3A_98 = tpu.memref_slice %arg3[%add3A, %dma_wait3A_93, %dma_wait3A_97] : memref<32x125x80xi32, #tpu.memory_space<hbm>> -> memref<1x1x80xi32, #tpu.memory_space<hbm>>
    %dma_wait3A_99 = tpu.memref_squeeze %dma_wait3A_98 : memref<1x1x80xi32, #tpu.memory_space<hbm>> -> memref<80xi32, #tpu.memory_space<hbm>>
    tpu.wait_dma2 semaphore(%arg26 : memref<!tpu.dma_semaphore, #tpu.memory_space<semaphore_mem>>) src(%dma_wait3A_99 : memref<80xi32, #tpu.memory_space<hbm>>) dst(%arg11 : memref<80xi32, #tpu.memory_space<vmem>>)
    %get3A_100 = arith.constant 0 : index
    %get3A_101 = tpu.vector_load %arg11[%get3A_100] {strides = array<i32>} : memref<80xi32, #tpu.memory_space<vmem>>, vector<16xi32>,
    %and3A_102 = arith.constant 65535 : i32
    %and3A_103 = vector.broadcast %and3A_102 : i32 to vector<16xi32>
    %and3A_104 = arith.andi %get3A_101, %and3A_103 : vector<16xi32>
    %swap3A_105 = arith.constant 0 : index
    %swap3A_106 = tpu.vector_load %arg14[%swap3A_105] {strides = array<i32>} : memref<80xi32, #tpu.memory_space<vmem>>, vector<16xi32>,
    tpu.vector_store %arg14[%swap3A_105], %and3A_104 {strides = array<i32>} : memref<80xi32, #tpu.memory_space<vmem>>, vector<16xi32>,
    %shift_right_arithmetic3A_107 = arith.constant 16 : i32
    %shift_right_arithmetic3A_108 = vector.broadcast %shift_right_arithmetic3A_107 : i32 to vector<16xi32>
    %shift_right_arithmetic3A_109 = arith.shrsi %get3A_101, %shift_right_arithmetic3A_108 : vector<16xi32>
    %swap3A_110 = arith.constant 0 : index
    %swap3A_111 = tpu.vector_load %arg17[%swap3A_110] {strides = array<i32>} : memref<80xi32, #tpu.memory_space<vmem>>, vector<16xi32>,
    tpu.vector_store %arg17[%swap3A_110], %shift_right_arithmetic3A_109 {strides = array<i32>} : memref<80xi32, #tpu.memory_space<vmem>>, vector<16xi32>,
    %get3A_112 = arith.constant 16 : index
    %get3A_113 = tpu.vector_load %arg11[%get3A_112] {strides = array<i32>} : memref<80xi32, #tpu.memory_space<vmem>>, vector<16xi32>,
    %and3A_114 = arith.constant 65535 : i32
    %and3A_115 = vector.broadcast %and3A_114 : i32 to vector<16xi32>
    %and3A_116 = arith.andi %get3A_113, %and3A_115 : vector<16xi32>
    %swap3A_117 = arith.constant 16 : index
    %swap3A_118 = tpu.vector_load %arg14[%swap3A_117] {strides = array<i32>} : memref<80xi32, #tpu.memory_space<vmem>>, vector<16xi32>,
    tpu.vector_store %arg14[%swap3A_117], %and3A_116 {strides = array<i32>} : memref<80xi32, #tpu.memory_space<vmem>>, vector<16xi32>,
    %shift_right_arithmetic3A_119 = arith.constant 16 : i32
    %shift_right_arithmetic3A_120 = vector.broadcast %shift_right_arithmetic3A_119 : i32 to vector<16xi32>
    %shift_right_arithmetic3A_121 = arith.shrsi %get3A_113, %shift_right_arithmetic3A_120 : vector<16xi32>
    %swap3A_122 = arith.constant 16 : index
    %swap3A_123 = tpu.vector_load %arg17[%swap3A_122] {strides = array<i32>} : memref<80xi32, #tpu.memory_space<vmem>>, vector<16xi32>,
    tpu.vector_store %arg17[%swap3A_122], %shift_right_arithmetic3A_121 {strides = array<i32>} : memref<80xi32, #tpu.memory_space<vmem>>, vector<16xi32>,
    %get3A_124 = arith.constant 32 : index
    %get3A_125 = tpu.vector_load %arg11[%get3A_124] {strides = array<i32>} : memref<80xi32, #tpu.memory_space<vmem>>, vector<16xi32>,
    %and3A_126 = arith.constant 65535 : i32
    %and3A_127 = vector.broadcast %and3A_126 : i32 to vector<16xi32>
    %and3A_128 = arith.andi %get3A_125, %and3A_127 : vector<16xi32>
    %swap3A_129 = arith.constant 32 : index
    %swap3A_130 = tpu.vector_load %arg14[%swap3A_129] {strides = array<i32>} : memref<80xi32, #tpu.memory_space<vmem>>, vector<16xi32>,
    tpu.vector_store %arg14[%swap3A_129], %and3A_128 {strides = array<i32>} : memref<80xi32, #tpu.memory_space<vmem>>, vector<16xi32>,
    %shift_right_arithmetic3A_131 = arith.constant 16 : i32
    %shift_right_arithmetic3A_132 = vector.broadcast %shift_right_arithmetic3A_131 : i32 to vector<16xi32>
    %shift_right_arithmetic3A_133 = arith.shrsi %get3A_125, %shift_right_arithmetic3A_132 : vector<16xi32>
    %swap3A_134 = arith.constant 32 : index
    %swap3A_135 = tpu.vector_load %arg17[%swap3A_134] {strides = array<i32>} : memref<80xi32, #tpu.memory_space<vmem>>, vector<16xi32>,
    tpu.vector_store %arg17[%swap3A_134], %shift_right_arithmetic3A_133 {strides = array<i32>} : memref<80xi32, #tpu.memory_space<vmem>>, vector<16xi32>,
    %get3A_136 = arith.constant 48 : index
    %get3A_137 = tpu.vector_load %arg11[%get3A_136] {strides = array<i32>} : memref<80xi32, #tpu.memory_space<vmem>>, vector<16xi32>,
    %and3A_138 = arith.constant 65535 : i32
    %and3A_139 = vector.broadcast %and3A_138 : i32 to vector<16xi32>
    %and3A_140 = arith.andi %get3A_137, %and3A_139 : vector<16xi32>
    %swap3A_141 = arith.constant 48 : index
    %swap3A_142 = tpu.vector_load %arg14[%swap3A_141] {strides = array<i32>} : memref<80xi32, #tpu.memory_space<vmem>>, vector<16xi32>,
    tpu.vector_store %arg14[%swap3A_141], %and3A_140 {strides = array<i32>} : memref<80xi32, #tpu.memory_space<vmem>>, vector<16xi32>,
    %shift_right_arithmetic3A_143 = arith.constant 16 : i32
    %shift_right_arithmetic3A_144 = vector.broadcast %shift_right_arithmetic3A_143 : i32 to vector<16xi32>
    %shift_right_arithmetic3A_145 = arith.shrsi %get3A_137, %shift_right_arithmetic3A_144 : vector<16xi32>
    %swap3A_146 = arith.constant 48 : index
    %swap3A_147 = tpu.vector_load %arg17[%swap3A_146] {strides = array<i32>} : memref<80xi32, #tpu.memory_space<vmem>>, vector<16xi32>,
    tpu.vector_store %arg17[%swap3A_146], %shift_right_arithmetic3A_145 {strides = array<i32>} : memref<80xi32, #tpu.memory_space<vmem>>, vector<16xi32>,
    %get3A_148 = arith.constant 64 : index
    %get3A_149 = tpu.vector_load %arg11[%get3A_148] {strides = array<i32>} : memref<80xi32, #tpu.memory_space<vmem>>, vector<16xi32>,
    %and3A_150 = arith.constant 65535 : i32
    %and3A_151 = vector.broadcast %and3A_150 : i32 to vector<16xi32>
    %and3A_152 = arith.andi %get3A_149, %and3A_151 : vector<16xi32>
    %swap3A_153 = arith.constant 64 : index
    %swap3A_154 = tpu.vector_load %arg14[%swap3A_153] {strides = array<i32>} : memref<80xi32, #tpu.memory_space<vmem>>, vector<16xi32>,
    tpu.vector_store %arg14[%swap3A_153], %and3A_152 {strides = array<i32>} : memref<80xi32, #tpu.memory_space<vmem>>, vector<16xi32>,
    %shift_right_arithmetic3A_155 = arith.constant 16 : i32
    %shift_right_arithmetic3A_156 = vector.broadcast %shift_right_arithmetic3A_155 : i32 to vector<16xi32>
    %shift_right_arithmetic3A_157 = arith.shrsi %get3A_149, %shift_right_arithmetic3A_156 : vector<16xi32>
    %swap3A_158 = arith.constant 64 : index
    %swap3A_159 = tpu.vector_load %arg17[%swap3A_158] {strides = array<i32>} : memref<80xi32, #tpu.memory_space<vmem>>, vector<16xi32>,
    tpu.vector_store %arg17[%swap3A_158], %shift_right_arithmetic3A_157 {strides = array<i32>} : memref<80xi32, #tpu.memory_space<vmem>>, vector<16xi32>,
    %dma_start3A_160 = arith.constant 0 : i32
    %dma_start3A_161 = arith.constant 0 : i32
    %dma_start3A_162 = tpu.memref_slice %arg2[%dma_start3A_160, %dma_start3A_161] : memref<10000x128xf32, #tpu.memory_space<hbm>> -> memref<10000x128xf32, #tpu.memory_space<hbm>>
    tpu.enqueue_indirect_dma source(%dma_start3A_162 : memref<10000x128xf32, #tpu.memory_space<hbm>>) target(%arg8 : memref<80x128xf32, #tpu.memory_space<vmem>>) offsets(%arg14 : memref<80xi32, #tpu.memory_space<vmem>>) semaphore(%arg20 : memref<!tpu.dma_semaphore, #tpu.memory_space<semaphore_mem>>)
    %dma_start3A_163 = arith.constant 4 : i32
    %dma_start3A_164 = arith.constant 0 : i32
    %dma_start3A_165 = tpu.memref_slice %arg3[%add3A, %dma_start3A_163, %dma_start3A_164] : memref<32x125x80xi32, #tpu.memory_space<hbm>> -> memref<1x1x80xi32, #tpu.memory_space<hbm>>
    %dma_start3A_166 = tpu.memref_squeeze %dma_start3A_165 : memref<1x1x80xi32, #tpu.memory_space<hbm>> -> memref<80xi32, #tpu.memory_space<hbm>>
    %dma_start3A_167 = arith.constant 0 : i32
    %dma_start3A_168 = tpu.memref_slice %arg3[%add3A, %dma_start3A_163, %dma_start3A_167] : memref<32x125x80xi32, #tpu.memory_space<hbm>> -> memref<1x1x80xi32, #tpu.memory_space<hbm>>
    %dma_start3A_169 = tpu.memref_squeeze %dma_start3A_168 : memref<1x1x80xi32, #tpu.memory_space<hbm>> -> memref<80xi32, #tpu.memory_space<hbm>>
    tpu.enqueue_dma source(%dma_start3A_169 : memref<80xi32, #tpu.memory_space<hbm>>) target(%arg11 : memref<80xi32, #tpu.memory_space<vmem>>) target_semaphore(%arg26 : memref<!tpu.dma_semaphore, #tpu.memory_space<semaphore_mem>>)
    %dma_wait3A_170 = arith.constant 0 : i32
    %dma_wait3A_171 = arith.constant 0 : i32
    %dma_wait3A_172 = tpu.memref_slice %arg3[%add3A, %dma_wait3A_170, %dma_wait3A_171] : memref<32x125x80xi32, #tpu.memory_space<hbm>> -> memref<1x1x80xi32, #tpu.memory_space<hbm>>
    %dma_wait3A_173 = tpu.memref_squeeze %dma_wait3A_172 : memref<1x1x80xi32, #tpu.memory_space<hbm>> -> memref<80xi32, #tpu.memory_space<hbm>>
    %dma_wait3A_174 = arith.constant 0 : i32
    %dma_wait3A_175 = tpu.memref_slice %arg3[%add3A, %dma_wait3A_170, %dma_wait3A_174] : memref<32x125x80xi32, #tpu.memory_space<hbm>> -> memref<1x1x80xi32, #tpu.memory_space<hbm>>
    %dma_wait3A_176 = tpu.memref_squeeze %dma_wait3A_175 : memref<1x1x80xi32, #tpu.memory_space<hbm>> -> memref<80xi32, #tpu.memory_space<hbm>>
    tpu.wait_dma2 semaphore(%arg27 : memref<!tpu.dma_semaphore, #tpu.memory_space<semaphore_mem>>) src(%dma_wait3A_176 : memref<80xi32, #tpu.memory_space<hbm>>) dst(%arg12 : memref<80xi32, #tpu.memory_space<vmem>>)
    %get3A_177 = arith.constant 0 : index
    %get3A_178 = tpu.vector_load %arg12[%get3A_177] {strides = array<i32>} : memref<80xi32, #tpu.memory_space<vmem>>, vector<16xi32>,
    %and3A_179 = arith.constant 65535 : i32
    %and3A_180 = vector.broadcast %and3A_179 : i32 to vector<16xi32>
    %and3A_181 = arith.andi %get3A_178, %and3A_180 : vector<16xi32>
    %swap3A_182 = arith.constant 0 : index
    %swap3A_183 = tpu.vector_load %arg15[%swap3A_182] {strides = array<i32>} : memref<80xi32, #tpu.memory_space<vmem>>, vector<16xi32>,
    tpu.vector_store %arg15[%swap3A_182], %and3A_181 {strides = array<i32>} : memref<80xi32, #tpu.memory_space<vmem>>, vector<16xi32>,
    %shift_right_arithmetic3A_184 = arith.constant 16 : i32
    %shift_right_arithmetic3A_185 = vector.broadcast %shift_right_arithmetic3A_184 : i32 to vector<16xi32>
    %shift_right_arithmetic3A_186 = arith.shrsi %get3A_178, %shift_right_arithmetic3A_185 : vector<16xi32>
    %swap3A_187 = arith.constant 0 : index
    %swap3A_188 = tpu.vector_load %arg18[%swap3A_187] {strides = array<i32>} : memref<80xi32, #tpu.memory_space<vmem>>, vector<16xi32>,
    tpu.vector_store %arg18[%swap3A_187], %shift_right_arithmetic3A_186 {strides = array<i32>} : memref<80xi32, #tpu.memory_space<vmem>>, vector<16xi32>,
    %get3A_189 = arith.constant 16 : index
    %get3A_190 = tpu.vector_load %arg12[%get3A_189] {strides = array<i32>} : memref<80xi32, #tpu.memory_space<vmem>>, vector<16xi32>,
    %and3A_191 = arith.constant 65535 : i32
    %and3A_192 = vector.broadcast %and3A_191 : i32 to vector<16xi32>
    %and3A_193 = arith.andi %get3A_190, %and3A_192 : vector<16xi32>
    %swap3A_194 = arith.constant 16 : index
    %swap3A_195 = tpu.vector_load %arg15[%swap3A_194] {strides = array<i32>} : memref<80xi32, #tpu.memory_space<vmem>>, vector<16xi32>,
    tpu.vector_store %arg15[%swap3A_194], %and3A_193 {strides = array<i32>} : memref<80xi32, #tpu.memory_space<vmem>>, vector<16xi32>,
    %shift_right_arithmetic3A_196 = arith.constant 16 : i32
    %shift_right_arithmetic3A_197 = vector.broadcast %shift_right_arithmetic3A_196 : i32 to vector<16xi32>
    %shift_right_arithmetic3A_198 = arith.shrsi %get3A_190, %shift_right_arithmetic3A_197 : vector<16xi32>
    %swap3A_199 = arith.constant 16 : index
    %swap3A_200 = tpu.vector_load %arg18[%swap3A_199] {strides = array<i32>} : memref<80xi32, #tpu.memory_space<vmem>>, vector<16xi32>,
    tpu.vector_store %arg18[%swap3A_199], %shift_right_arithmetic3A_198 {strides = array<i32>} : memref<80xi32, #tpu.memory_space<vmem>>, vector<16xi32>,
    %get3A_201 = arith.constant 32 : index
    %get3A_202 = tpu.vector_load %arg12[%get3A_201] {strides = array<i32>} : memref<80xi32, #tpu.memory_space<vmem>>, vector<16xi32>,
    %and3A_203 = arith.constant 65535 : i32
    %and3A_204 = vector.broadcast %and3A_203 : i32 to vector<16xi32>
    %and3A_205 = arith.andi %get3A_202, %and3A_204 : vector<16xi32>
    %swap3A_206 = arith.constant 32 : index
    %swap3A_207 = tpu.vector_load %arg15[%swap3A_206] {strides = array<i32>} : memref<80xi32, #tpu.memory_space<vmem>>, vector<16xi32>,
    tpu.vector_store %arg15[%swap3A_206], %and3A_205 {strides = array<i32>} : memref<80xi32, #tpu.memory_space<vmem>>, vector<16xi32>,
    %shift_right_arithmetic3A_208 = arith.constant 16 : i32
    %shift_right_arithmetic3A_209 = vector.broadcast %shift_right_arithmetic3A_208 : i32 to vector<16xi32>
    %shift_right_arithmetic3A_210 = arith.shrsi %get3A_202, %shift_right_arithmetic3A_209 : vector<16xi32>
    %swap3A_211 = arith.constant 32 : index
    %swap3A_212 = tpu.vector_load %arg18[%swap3A_211] {strides = array<i32>} : memref<80xi32, #tpu.memory_space<vmem>>, vector<16xi32>,
    tpu.vector_store %arg18[%swap3A_211], %shift_right_arithmetic3A_210 {strides = array<i32>} : memref<80xi32, #tpu.memory_space<vmem>>, vector<16xi32>,
    %get3A_213 = arith.constant 48 : index
    %get3A_214 = tpu.vector_load %arg12[%get3A_213] {strides = array<i32>} : memref<80xi32, #tpu.memory_space<vmem>>, vector<16xi32>,
    %and3A_215 = arith.constant 65535 : i32
    %and3A_216 = vector.broadcast %and3A_215 : i32 to vector<16xi32>
    %and3A_217 = arith.andi %get3A_214, %and3A_216 : vector<16xi32>
    %swap3A_218 = arith.constant 48 : index
    %swap3A_219 = tpu.vector_load %arg15[%swap3A_218] {strides = array<i32>} : memref<80xi32, #tpu.memory_space<vmem>>, vector<16xi32>,
    tpu.vector_store %arg15[%swap3A_218], %and3A_217 {strides = array<i32>} : memref<80xi32, #tpu.memory_space<vmem>>, vector<16xi32>,
    %shift_right_arithmetic3A_220 = arith.constant 16 : i32
    %shift_right_arithmetic3A_221 = vector.broadcast %shift_right_arithmetic3A_220 : i32 to vector<16xi32>
    %shift_right_arithmetic3A_222 = arith.shrsi %get3A_214, %shift_right_arithmetic3A_221 : vector<16xi32>
    %swap3A_223 = arith.constant 48 : index
    %swap3A_224 = tpu.vector_load %arg18[%swap3A_223] {strides = array<i32>} : memref<80xi32, #tpu.memory_space<vmem>>, vector<16xi32>,
    tpu.vector_store %arg18[%swap3A_223], %shift_right_arithmetic3A_222 {strides = array<i32>} : memref<80xi32, #tpu.memory_space<vmem>>, vector<16xi32>,
    %get3A_225 = arith.constant 64 : index
    %get3A_226 = tpu.vector_load %arg12[%get3A_225] {strides = array<i32>} : memref<80xi32, #tpu.memory_space<vmem>>, vector<16xi32>,
    %and3A_227 = arith.constant 65535 : i32
    %and3A_228 = vector.broadcast %and3A_227 : i32 to vector<16xi32>
    %and3A_229 = arith.andi %get3A_226, %and3A_228 : vector<16xi32>
    %swap3A_230 = arith.constant 64 : index
    %swap3A_231 = tpu.vector_load %arg15[%swap3A_230] {strides = array<i32>} : memref<80xi32, #tpu.memory_space<vmem>>, vector<16xi32>,
    tpu.vector_store %arg15[%swap3A_230], %and3A_229 {strides = array<i32>} : memref<80xi32, #tpu.memory_space<vmem>>, vector<16xi32>,
    %shift_right_arithmetic3A_232 = arith.constant 16 : i32
    %shift_right_arithmetic3A_233 = vector.broadcast %shift_right_arithmetic3A_232 : i32 to vector<16xi32>
    %shift_right_arithmetic3A_234 = arith.shrsi %get3A_226, %shift_right_arithmetic3A_233 : vector<16xi32>
    %swap3A_235 = arith.constant 64 : index
    %swap3A_236 = tpu.vector_load %arg18[%swap3A_235] {strides = array<i32>} : memref<80xi32, #tpu.memory_space<vmem>>, vector<16xi32>,
    tpu.vector_store %arg18[%swap3A_235], %shift_right_arithmetic3A_234 {strides = array<i32>} : memref<80xi32, #tpu.memory_space<vmem>>, vector<16xi32>,
    %dma_start3A_237 = arith.constant 0 : i32
    %dma_start3A_238 = arith.constant 0 : i32
    %dma_start3A_239 = tpu.memref_slice %arg2[%dma_start3A_237, %dma_start3A_238] : memref<10000x128xf32, #tpu.memory_space<hbm>> -> memref<10000x128xf32, #tpu.memory_space<hbm>>
    tpu.enqueue_indirect_dma source(%dma_start3A_239 : memref<10000x128xf32, #tpu.memory_space<hbm>>) target(%arg9 : memref<80x128xf32, #tpu.memory_space<vmem>>) offsets(%arg15 : memref<80xi32, #tpu.memory_space<vmem>>) semaphore(%arg21 : memref<!tpu.dma_semaphore, #tpu.memory_space<semaphore_mem>>)
    %dma_start3A_240 = arith.constant 5 : i32
    %dma_start3A_241 = arith.constant 0 : i32
    %dma_start3A_242 = tpu.memref_slice %arg3[%add3A, %dma_start3A_240, %dma_start3A_241] : memref<32x125x80xi32, #tpu.memory_space<hbm>> -> memref<1x1x80xi32, #tpu.memory_space<hbm>>
    %dma_start3A_243 = tpu.memref_squeeze %dma_start3A_242 : memref<1x1x80xi32, #tpu.memory_space<hbm>> -> memref<80xi32, #tpu.memory_space<hbm>>
    %dma_start3A_244 = arith.constant 0 : i32
    %dma_start3A_245 = tpu.memref_slice %arg3[%add3A, %dma_start3A_240, %dma_start3A_244] : memref<32x125x80xi32, #tpu.memory_space<hbm>> -> memref<1x1x80xi32, #tpu.memory_space<hbm>>
    %dma_start3A_246 = tpu.memref_squeeze %dma_start3A_245 : memref<1x1x80xi32, #tpu.memory_space<hbm>> -> memref<80xi32, #tpu.memory_space<hbm>>
    tpu.enqueue_dma source(%dma_start3A_246 : memref<80xi32, #tpu.memory_space<hbm>>) target(%arg12 : memref<80xi32, #tpu.memory_space<vmem>>) target_semaphore(%arg27 : memref<!tpu.dma_semaphore, #tpu.memory_space<semaphore_mem>>)
    %mul3A_247 = arith.constant 640 : i32
    %mul3A_248 = arith.muli %arg1, %mul3A_247 : i32
    %mul3A_249 = arith.constant 640 : i32
    %mul3A_250 = arith.muli %arg1, %mul3A_249 : i32
    "tpu.region"() ({
      %run_scoped3A = tpu.sem_alloc : memref<!tpu.dma_semaphore, #tpu.memory_space<semaphore_mem>>
      %dma_start3A_282 = arith.constant 0 : i32
      %dma_start3A_283 = tpu.memref_slice %arg6[%mul3A_250, %dma_start3A_282] : memref<10240x128xf32, #tpu.memory_space<vmem_shared>> -> memref<640x128xf32, #tpu.memory_space<vmem_shared>>
      %dma_start3A_284 = arith.constant 0 : i32
      %dma_start3A_285 = tpu.memref_slice %arg4[%mul3A_248, %dma_start3A_284] : memref<10240x128xf32, #tpu.memory_space<hbm>> -> memref<640x128xf32, #tpu.memory_space<hbm>>
      tpu.enqueue_dma source(%dma_start3A_285 : memref<640x128xf32, #tpu.memory_space<hbm>>) target(%dma_start3A_283 : memref<640x128xf32, #tpu.memory_space<vmem_shared>>) target_semaphore(%run_scoped3A : memref<!tpu.dma_semaphore, #tpu.memory_space<semaphore_mem>>)
      %dma_wait3A_286 = arith.constant 0 : i32
      %dma_wait3A_287 = tpu.memref_slice %arg6[%mul3A_250, %dma_wait3A_286] : memref<10240x128xf32, #tpu.memory_space<vmem_shared>> -> memref<640x128xf32, #tpu.memory_space<vmem_shared>>
      %dma_wait3A_288 = arith.constant 0 : i32
      %dma_wait3A_289 = tpu.memref_slice %arg4[%mul3A_248, %dma_wait3A_288] : memref<10240x128xf32, #tpu.memory_space<hbm>> -> memref<640x128xf32, #tpu.memory_space<hbm>>
      tpu.wait_dma2 semaphore(%run_scoped3A : memref<!tpu.dma_semaphore, #tpu.memory_space<semaphore_mem>>) src(%dma_wait3A_289 : memref<640x128xf32, #tpu.memory_space<hbm>>) dst(%dma_wait3A_287 : memref<640x128xf32, #tpu.memory_space<vmem_shared>>)
      tpu.yield
    }) : () -> ()
    %barrier3A = arith.constant 0 : index
    tpu.barrier barrier_id(%barrier3A)
    %scan3A = arith.constant 0 : i32
    %scan3A_251 = arith.constant 0 : i32
    %scan3A_252 = arith.constant 41 : i32
    %scan3A_253 = arith.addi %scan3A_251, %scan3A_252 : i32
    %scan3A_254 = arith.constant 1 : i32
    scf.for %scan3A_282 = %scan3A_251 to %scan3A_253 step %scan3A_254  : i32 {
      %dma_wait3A_283 = arith.constant 0 : i32
      %dma_wait3A_284 = arith.constant 0 : i32
      %dma_wait3A_285 = tpu.memref_slice %arg2[%dma_wait3A_283, %dma_wait3A_284] : memref<10000x128xf32, #tpu.memory_space<hbm>> -> memref<10000x128xf32, #tpu.memory_space<hbm>>
      tpu.wait_indirect_dma semaphore(%arg19 : memref<!tpu.dma_semaphore, #tpu.memory_space<semaphore_mem>>) src(%dma_wait3A_285 : memref<10000x128xf32, #tpu.memory_space<hbm>>) dst(%arg7 : memref<80x128xf32, #tpu.memory_space<vmem>>)
      %dma_start3A_286 = arith.constant 0 : i32
      %dma_start3A_287 = arith.constant 0 : i32
      %dma_start3A_288 = tpu.memref_slice %arg6[%dma_start3A_286, %dma_start3A_287] : memref<10240x128xf32, #tpu.memory_space<vmem_shared>> -> memref<10240x128xf32, #tpu.memory_space<vmem_shared>>
      tpu.enqueue_indirect_dma source(%arg7 : memref<80x128xf32, #tpu.memory_space<vmem>>) target(%dma_start3A_288 : memref<10240x128xf32, #tpu.memory_space<vmem_shared>>) offsets(%arg16 : memref<80xi32, #tpu.memory_space<vmem>>) semaphore(%arg22 : memref<!tpu.dma_semaphore, #tpu.memory_space<semaphore_mem>>) {add = true}
      %dma_wait3A_289 = arith.constant 0 : i32
      %dma_wait3A_290 = arith.constant 0 : i32
      %dma_wait3A_291 = tpu.memref_slice %arg2[%dma_wait3A_289, %dma_wait3A_290] : memref<10000x128xf32, #tpu.memory_space<hbm>> -> memref<10000x128xf32, #tpu.memory_space<hbm>>
      tpu.wait_indirect_dma semaphore(%arg20 : memref<!tpu.dma_semaphore, #tpu.memory_space<semaphore_mem>>) src(%dma_wait3A_291 : memref<10000x128xf32, #tpu.memory_space<hbm>>) dst(%arg8 : memref<80x128xf32, #tpu.memory_space<vmem>>)
      %dma_start3A_292 = arith.constant 0 : i32
      %dma_start3A_293 = arith.constant 0 : i32
      %dma_start3A_294 = tpu.memref_slice %arg6[%dma_start3A_292, %dma_start3A_293] : memref<10240x128xf32, #tpu.memory_space<vmem_shared>> -> memref<10240x128xf32, #tpu.memory_space<vmem_shared>>
      tpu.enqueue_indirect_dma source(%arg8 : memref<80x128xf32, #tpu.memory_space<vmem>>) target(%dma_start3A_294 : memref<10240x128xf32, #tpu.memory_space<vmem_shared>>) offsets(%arg17 : memref<80xi32, #tpu.memory_space<vmem>>) semaphore(%arg23 : memref<!tpu.dma_semaphore, #tpu.memory_space<semaphore_mem>>) {add = true}
      %dma_wait3A_295 = arith.constant 0 : i32
      %dma_wait3A_296 = arith.constant 0 : i32
      %dma_wait3A_297 = tpu.memref_slice %arg2[%dma_wait3A_295, %dma_wait3A_296] : memref<10000x128xf32, #tpu.memory_space<hbm>> -> memref<10000x128xf32, #tpu.memory_space<hbm>>
      tpu.wait_indirect_dma semaphore(%arg21 : memref<!tpu.dma_semaphore, #tpu.memory_space<semaphore_mem>>) src(%dma_wait3A_297 : memref<10000x128xf32, #tpu.memory_space<hbm>>) dst(%arg9 : memref<80x128xf32, #tpu.memory_space<vmem>>)
      %dma_start3A_298 = arith.constant 0 : i32
      %dma_start3A_299 = arith.constant 0 : i32
      %dma_start3A_300 = tpu.memref_slice %arg6[%dma_start3A_298, %dma_start3A_299] : memref<10240x128xf32, #tpu.memory_space<vmem_shared>> -> memref<10240x128xf32, #tpu.memory_space<vmem_shared>>
      tpu.enqueue_indirect_dma source(%arg9 : memref<80x128xf32, #tpu.memory_space<vmem>>) target(%dma_start3A_300 : memref<10240x128xf32, #tpu.memory_space<vmem_shared>>) offsets(%arg18 : memref<80xi32, #tpu.memory_space<vmem>>) semaphore(%arg24 : memref<!tpu.dma_semaphore, #tpu.memory_space<semaphore_mem>>) {add = true}
      %mul3A_301 = arith.constant 3 : i32
      %mul3A_302 = arith.muli %scan3A_282, %mul3A_301 : i32
      %add3A_303 = arith.constant 0 : i32
      %add3A_304 = arith.addi %mul3A_302, %add3A_303 : i32
      %add3A_305 = arith.constant 3 : i32
      %add3A_306 = arith.addi %add3A_304, %add3A_305 : i32
      %lt3A = arith.constant 125 : i32
      %lt3A_307 = arith.cmpi slt, %add3A_306, %lt3A : i32
      %convert_element_type3A = arith.extui %lt3A_307 : i1 to i32
      %cond3A = arith.constant 0 : i32
      %cond3A_308 = arith.cmpi ne, %convert_element_type3A, %cond3A : i32
      scf.if %cond3A_308 {
        %dma_wait3A_331 = arith.constant 0 : i32
        %dma_wait3A_332 = arith.constant 0 : i32
        %dma_wait3A_333 = tpu.memref_slice %arg6[%dma_wait3A_331, %dma_wait3A_332] : memref<10240x128xf32, #tpu.memory_space<vmem_shared>> -> memref<10240x128xf32, #tpu.memory_space<vmem_shared>>
        tpu.wait_indirect_dma semaphore(%arg22 : memref<!tpu.dma_semaphore, #tpu.memory_space<semaphore_mem>>) src(%arg7 : memref<80x128xf32, #tpu.memory_space<vmem>>) dst(%dma_wait3A_333 : memref<10240x128xf32, #tpu.memory_space<vmem_shared>>)
        %dma_wait3A_334 = arith.constant 0 : i32
        %dma_wait3A_335 = arith.constant 0 : i32
        %dma_wait3A_336 = tpu.memref_slice %arg3[%add3A, %dma_wait3A_334, %dma_wait3A_335] : memref<32x125x80xi32, #tpu.memory_space<hbm>> -> memref<1x1x80xi32, #tpu.memory_space<hbm>>
        %dma_wait3A_337 = tpu.memref_squeeze %dma_wait3A_336 : memref<1x1x80xi32, #tpu.memory_space<hbm>> -> memref<80xi32, #tpu.memory_space<hbm>>
        %dma_wait3A_338 = arith.constant 0 : i32
        %dma_wait3A_339 = tpu.memref_slice %arg3[%add3A, %dma_wait3A_334, %dma_wait3A_338] : memref<32x125x80xi32, #tpu.memory_space<hbm>> -> memref<1x1x80xi32, #tpu.memory_space<hbm>>
        %dma_wait3A_340 = tpu.memref_squeeze %dma_wait3A_339 : memref<1x1x80xi32, #tpu.memory_space<hbm>> -> memref<80xi32, #tpu.memory_space<hbm>>
        tpu.wait_dma2 semaphore(%arg25 : memref<!tpu.dma_semaphore, #tpu.memory_space<semaphore_mem>>) src(%dma_wait3A_340 : memref<80xi32, #tpu.memory_space<hbm>>) dst(%arg10 : memref<80xi32, #tpu.memory_space<vmem>>)
        %get3A_341 = arith.constant 0 : index
        %get3A_342 = tpu.vector_load %arg10[%get3A_341] {strides = array<i32>} : memref<80xi32, #tpu.memory_space<vmem>>, vector<16xi32>,
        %and3A_343 = arith.constant 65535 : i32
        %and3A_344 = vector.broadcast %and3A_343 : i32 to vector<16xi32>
        %and3A_345 = arith.andi %get3A_342, %and3A_344 : vector<16xi32>
        %swap3A_346 = arith.constant 0 : index
        %swap3A_347 = tpu.vector_load %arg13[%swap3A_346] {strides = array<i32>} : memref<80xi32, #tpu.memory_space<vmem>>, vector<16xi32>,
        tpu.vector_store %arg13[%swap3A_346], %and3A_345 {strides = array<i32>} : memref<80xi32, #tpu.memory_space<vmem>>, vector<16xi32>,
        %shift_right_arithmetic3A_348 = arith.constant 16 : i32
        %shift_right_arithmetic3A_349 = vector.broadcast %shift_right_arithmetic3A_348 : i32 to vector<16xi32>
        %shift_right_arithmetic3A_350 = arith.shrsi %get3A_342, %shift_right_arithmetic3A_349 : vector<16xi32>
        %swap3A_351 = arith.constant 0 : index
        %swap3A_352 = tpu.vector_load %arg16[%swap3A_351] {strides = array<i32>} : memref<80xi32, #tpu.memory_space<vmem>>, vector<16xi32>,
        tpu.vector_store %arg16[%swap3A_351], %shift_right_arithmetic3A_350 {strides = array<i32>} : memref<80xi32, #tpu.memory_space<vmem>>, vector<16xi32>,
        %get3A_353 = arith.constant 16 : index
        %get3A_354 = tpu.vector_load %arg10[%get3A_353] {strides = array<i32>} : memref<80xi32, #tpu.memory_space<vmem>>, vector<16xi32>,
        %and3A_355 = arith.constant 65535 : i32
        %and3A_356 = vector.broadcast %and3A_355 : i32 to vector<16xi32>
        %and3A_357 = arith.andi %get3A_354, %and3A_356 : vector<16xi32>
        %swap3A_358 = arith.constant 16 : index
        %swap3A_359 = tpu.vector_load %arg13[%swap3A_358] {strides = array<i32>} : memref<80xi32, #tpu.memory_space<vmem>>, vector<16xi32>,
        tpu.vector_store %arg13[%swap3A_358], %and3A_357 {strides = array<i32>} : memref<80xi32, #tpu.memory_space<vmem>>, vector<16xi32>,
        %shift_right_arithmetic3A_360 = arith.constant 16 : i32
        %shift_right_arithmetic3A_361 = vector.broadcast %shift_right_arithmetic3A_360 : i32 to vector<16xi32>
        %shift_right_arithmetic3A_362 = arith.shrsi %get3A_354, %shift_right_arithmetic3A_361 : vector<16xi32>
        %swap3A_363 = arith.constant 16 : index
        %swap3A_364 = tpu.vector_load %arg16[%swap3A_363] {strides = array<i32>} : memref<80xi32, #tpu.memory_space<vmem>>, vector<16xi32>,
        tpu.vector_store %arg16[%swap3A_363], %shift_right_arithmetic3A_362 {strides = array<i32>} : memref<80xi32, #tpu.memory_space<vmem>>, vector<16xi32>,
        %get3A_365 = arith.constant 32 : index
        %get3A_366 = tpu.vector_load %arg10[%get3A_365] {strides = array<i32>} : memref<80xi32, #tpu.memory_space<vmem>>, vector<16xi32>,
        %and3A_367 = arith.constant 65535 : i32
        %and3A_368 = vector.broadcast %and3A_367 : i32 to vector<16xi32>
        %and3A_369 = arith.andi %get3A_366, %and3A_368 : vector<16xi32>
        %swap3A_370 = arith.constant 32 : index
        %swap3A_371 = tpu.vector_load %arg13[%swap3A_370] {strides = array<i32>} : memref<80xi32, #tpu.memory_space<vmem>>, vector<16xi32>,
        tpu.vector_store %arg13[%swap3A_370], %and3A_369 {strides = array<i32>} : memref<80xi32, #tpu.memory_space<vmem>>, vector<16xi32>,
        %shift_right_arithmetic3A_372 = arith.constant 16 : i32
        %shift_right_arithmetic3A_373 = vector.broadcast %shift_right_arithmetic3A_372 : i32 to vector<16xi32>
        %shift_right_arithmetic3A_374 = arith.shrsi %get3A_366, %shift_right_arithmetic3A_373 : vector<16xi32>
        %swap3A_375 = arith.constant 32 : index
        %swap3A_376 = tpu.vector_load %arg16[%swap3A_375] {strides = array<i32>} : memref<80xi32, #tpu.memory_space<vmem>>, vector<16xi32>,
        tpu.vector_store %arg16[%swap3A_375], %shift_right_arithmetic3A_374 {strides = array<i32>} : memref<80xi32, #tpu.memory_space<vmem>>, vector<16xi32>,
        %get3A_377 = arith.constant 48 : index
        %get3A_378 = tpu.vector_load %arg10[%get3A_377] {strides = array<i32>} : memref<80xi32, #tpu.memory_space<vmem>>, vector<16xi32>,
        %and3A_379 = arith.constant 65535 : i32
        %and3A_380 = vector.broadcast %and3A_379 : i32 to vector<16xi32>
        %and3A_381 = arith.andi %get3A_378, %and3A_380 : vector<16xi32>
        %swap3A_382 = arith.constant 48 : index
        %swap3A_383 = tpu.vector_load %arg13[%swap3A_382] {strides = array<i32>} : memref<80xi32, #tpu.memory_space<vmem>>, vector<16xi32>,
        tpu.vector_store %arg13[%swap3A_382], %and3A_381 {strides = array<i32>} : memref<80xi32, #tpu.memory_space<vmem>>, vector<16xi32>,
        %shift_right_arithmetic3A_384 = arith.constant 16 : i32
        %shift_right_arithmetic3A_385 = vector.broadcast %shift_right_arithmetic3A_384 : i32 to vector<16xi32>
        %shift_right_arithmetic3A_386 = arith.shrsi %get3A_378, %shift_right_arithmetic3A_385 : vector<16xi32>
        %swap3A_387 = arith.constant 48 : index
        %swap3A_388 = tpu.vector_load %arg16[%swap3A_387] {strides = array<i32>} : memref<80xi32, #tpu.memory_space<vmem>>, vector<16xi32>,
        tpu.vector_store %arg16[%swap3A_387], %shift_right_arithmetic3A_386 {strides = array<i32>} : memref<80xi32, #tpu.memory_space<vmem>>, vector<16xi32>,
        %get3A_389 = arith.constant 64 : index
        %get3A_390 = tpu.vector_load %arg10[%get3A_389] {strides = array<i32>} : memref<80xi32, #tpu.memory_space<vmem>>, vector<16xi32>,
        %and3A_391 = arith.constant 65535 : i32
        %and3A_392 = vector.broadcast %and3A_391 : i32 to vector<16xi32>
        %and3A_393 = arith.andi %get3A_390, %and3A_392 : vector<16xi32>
        %swap3A_394 = arith.constant 64 : index
        %swap3A_395 = tpu.vector_load %arg13[%swap3A_394] {strides = array<i32>} : memref<80xi32, #tpu.memory_space<vmem>>, vector<16xi32>,
        tpu.vector_store %arg13[%swap3A_394], %and3A_393 {strides = array<i32>} : memref<80xi32, #tpu.memory_space<vmem>>, vector<16xi32>,
        %shift_right_arithmetic3A_396 = arith.constant 16 : i32
        %shift_right_arithmetic3A_397 = vector.broadcast %shift_right_arithmetic3A_396 : i32 to vector<16xi32>
        %shift_right_arithmetic3A_398 = arith.shrsi %get3A_390, %shift_right_arithmetic3A_397 : vector<16xi32>
        %swap3A_399 = arith.constant 64 : index
        %swap3A_400 = tpu.vector_load %arg16[%swap3A_399] {strides = array<i32>} : memref<80xi32, #tpu.memory_space<vmem>>, vector<16xi32>,
        tpu.vector_store %arg16[%swap3A_399], %shift_right_arithmetic3A_398 {strides = array<i32>} : memref<80xi32, #tpu.memory_space<vmem>>, vector<16xi32>,
        %dma_start3A_401 = arith.constant 0 : i32
        %dma_start3A_402 = arith.constant 0 : i32
        %dma_start3A_403 = tpu.memref_slice %arg2[%dma_start3A_401, %dma_start3A_402] : memref<10000x128xf32, #tpu.memory_space<hbm>> -> memref<10000x128xf32, #tpu.memory_space<hbm>>
        tpu.enqueue_indirect_dma source(%dma_start3A_403 : memref<10000x128xf32, #tpu.memory_space<hbm>>) target(%arg7 : memref<80x128xf32, #tpu.memory_space<vmem>>) offsets(%arg13 : memref<80xi32, #tpu.memory_space<vmem>>) semaphore(%arg19 : memref<!tpu.dma_semaphore, #tpu.memory_space<semaphore_mem>>)
        %add3A_404 = arith.constant 3 : i32
        %add3A_405 = arith.addi %add3A_306, %add3A_404 : i32
        %lt3A_406 = arith.constant 125 : i32
        %lt3A_407 = arith.cmpi slt, %add3A_405, %lt3A_406 : i32
        %convert_element_type3A_408 = arith.extui %lt3A_407 : i1 to i32
        %cond3A_409 = arith.constant 0 : i32
        %cond3A_410 = arith.cmpi ne, %convert_element_type3A_408, %cond3A_409 : i32
        scf.if %cond3A_410 {
          %add3A_411 = arith.constant 3 : i32
          %add3A_412 = arith.addi %add3A_306, %add3A_411 : i32
          %dma_start3A_413 = arith.constant 0 : i32
          %dma_start3A_414 = tpu.memref_slice %arg3[%add3A, %add3A_412, %dma_start3A_413] : memref<32x125x80xi32, #tpu.memory_space<hbm>> -> memref<1x1x80xi32, #tpu.memory_space<hbm>>
          %dma_start3A_415 = tpu.memref_squeeze %dma_start3A_414 : memref<1x1x80xi32, #tpu.memory_space<hbm>> -> memref<80xi32, #tpu.memory_space<hbm>>
          %dma_start3A_416 = arith.constant 0 : i32
          %dma_start3A_417 = tpu.memref_slice %arg3[%add3A, %add3A_412, %dma_start3A_416] : memref<32x125x80xi32, #tpu.memory_space<hbm>> -> memref<1x1x80xi32, #tpu.memory_space<hbm>>
          %dma_start3A_418 = tpu.memref_squeeze %dma_start3A_417 : memref<1x1x80xi32, #tpu.memory_space<hbm>> -> memref<80xi32, #tpu.memory_space<hbm>>
          tpu.enqueue_dma source(%dma_start3A_418 : memref<80xi32, #tpu.memory_space<hbm>>) target(%arg10 : memref<80xi32, #tpu.memory_space<vmem>>) target_semaphore(%arg25 : memref<!tpu.dma_semaphore, #tpu.memory_space<semaphore_mem>>)
        } else {
        }
      } else {
      }
      %mul3A_309 = arith.constant 3 : i32
      %mul3A_310 = arith.muli %scan3A_282, %mul3A_309 : i32
      %add3A_311 = arith.constant 1 : i32
      %add3A_312 = arith.addi %mul3A_310, %add3A_311 : i32
      %add3A_313 = arith.constant 3 : i32
      %add3A_314 = arith.addi %add3A_312, %add3A_313 : i32
      %lt3A_315 = arith.constant 125 : i32
      %lt3A_316 = arith.cmpi slt, %add3A_314, %lt3A_315 : i32
      %convert_element_type3A_317 = arith.extui %lt3A_316 : i1 to i32
      %cond3A_318 = arith.constant 0 : i32
      %cond3A_319 = arith.cmpi ne, %convert_element_type3A_317, %cond3A_318 : i32
      scf.if %cond3A_319 {
        %dma_wait3A_331 = arith.constant 0 : i32
        %dma_wait3A_332 = arith.constant 0 : i32
        %dma_wait3A_333 = tpu.memref_slice %arg6[%dma_wait3A_331, %dma_wait3A_332] : memref<10240x128xf32, #tpu.memory_space<vmem_shared>> -> memref<10240x128xf32, #tpu.memory_space<vmem_shared>>
        tpu.wait_indirect_dma semaphore(%arg23 : memref<!tpu.dma_semaphore, #tpu.memory_space<semaphore_mem>>) src(%arg8 : memref<80x128xf32, #tpu.memory_space<vmem>>) dst(%dma_wait3A_333 : memref<10240x128xf32, #tpu.memory_space<vmem_shared>>)
        %dma_wait3A_334 = arith.constant 0 : i32
        %dma_wait3A_335 = arith.constant 0 : i32
        %dma_wait3A_336 = tpu.memref_slice %arg3[%add3A, %dma_wait3A_334, %dma_wait3A_335] : memref<32x125x80xi32, #tpu.memory_space<hbm>> -> memref<1x1x80xi32, #tpu.memory_space<hbm>>
        %dma_wait3A_337 = tpu.memref_squeeze %dma_wait3A_336 : memref<1x1x80xi32, #tpu.memory_space<hbm>> -> memref<80xi32, #tpu.memory_space<hbm>>
        %dma_wait3A_338 = arith.constant 0 : i32
        %dma_wait3A_339 = tpu.memref_slice %arg3[%add3A, %dma_wait3A_334, %dma_wait3A_338] : memref<32x125x80xi32, #tpu.memory_space<hbm>> -> memref<1x1x80xi32, #tpu.memory_space<hbm>>
        %dma_wait3A_340 = tpu.memref_squeeze %dma_wait3A_339 : memref<1x1x80xi32, #tpu.memory_space<hbm>> -> memref<80xi32, #tpu.memory_space<hbm>>
        tpu.wait_dma2 semaphore(%arg26 : memref<!tpu.dma_semaphore, #tpu.memory_space<semaphore_mem>>) src(%dma_wait3A_340 : memref<80xi32, #tpu.memory_space<hbm>>) dst(%arg11 : memref<80xi32, #tpu.memory_space<vmem>>)
        %get3A_341 = arith.constant 0 : index
        %get3A_342 = tpu.vector_load %arg11[%get3A_341] {strides = array<i32>} : memref<80xi32, #tpu.memory_space<vmem>>, vector<16xi32>,
        %and3A_343 = arith.constant 65535 : i32
        %and3A_344 = vector.broadcast %and3A_343 : i32 to vector<16xi32>
        %and3A_345 = arith.andi %get3A_342, %and3A_344 : vector<16xi32>
        %swap3A_346 = arith.constant 0 : index
        %swap3A_347 = tpu.vector_load %arg14[%swap3A_346] {strides = array<i32>} : memref<80xi32, #tpu.memory_space<vmem>>, vector<16xi32>,
        tpu.vector_store %arg14[%swap3A_346], %and3A_345 {strides = array<i32>} : memref<80xi32, #tpu.memory_space<vmem>>, vector<16xi32>,
        %shift_right_arithmetic3A_348 = arith.constant 16 : i32
        %shift_right_arithmetic3A_349 = vector.broadcast %shift_right_arithmetic3A_348 : i32 to vector<16xi32>
        %shift_right_arithmetic3A_350 = arith.shrsi %get3A_342, %shift_right_arithmetic3A_349 : vector<16xi32>
        %swap3A_351 = arith.constant 0 : index
        %swap3A_352 = tpu.vector_load %arg17[%swap3A_351] {strides = array<i32>} : memref<80xi32, #tpu.memory_space<vmem>>, vector<16xi32>,
        tpu.vector_store %arg17[%swap3A_351], %shift_right_arithmetic3A_350 {strides = array<i32>} : memref<80xi32, #tpu.memory_space<vmem>>, vector<16xi32>,
        %get3A_353 = arith.constant 16 : index
        %get3A_354 = tpu.vector_load %arg11[%get3A_353] {strides = array<i32>} : memref<80xi32, #tpu.memory_space<vmem>>, vector<16xi32>,
        %and3A_355 = arith.constant 65535 : i32
        %and3A_356 = vector.broadcast %and3A_355 : i32 to vector<16xi32>
        %and3A_357 = arith.andi %get3A_354, %and3A_356 : vector<16xi32>
        %swap3A_358 = arith.constant 16 : index
        %swap3A_359 = tpu.vector_load %arg14[%swap3A_358] {strides = array<i32>} : memref<80xi32, #tpu.memory_space<vmem>>, vector<16xi32>,
        tpu.vector_store %arg14[%swap3A_358], %and3A_357 {strides = array<i32>} : memref<80xi32, #tpu.memory_space<vmem>>, vector<16xi32>,
        %shift_right_arithmetic3A_360 = arith.constant 16 : i32
        %shift_right_arithmetic3A_361 = vector.broadcast %shift_right_arithmetic3A_360 : i32 to vector<16xi32>
        %shift_right_arithmetic3A_362 = arith.shrsi %get3A_354, %shift_right_arithmetic3A_361 : vector<16xi32>
        %swap3A_363 = arith.constant 16 : index
        %swap3A_364 = tpu.vector_load %arg17[%swap3A_363] {strides = array<i32>} : memref<80xi32, #tpu.memory_space<vmem>>, vector<16xi32>,
        tpu.vector_store %arg17[%swap3A_363], %shift_right_arithmetic3A_362 {strides = array<i32>} : memref<80xi32, #tpu.memory_space<vmem>>, vector<16xi32>,
        %get3A_365 = arith.constant 32 : index
        %get3A_366 = tpu.vector_load %arg11[%get3A_365] {strides = array<i32>} : memref<80xi32, #tpu.memory_space<vmem>>, vector<16xi32>,
        %and3A_367 = arith.constant 65535 : i32
        %and3A_368 = vector.broadcast %and3A_367 : i32 to vector<16xi32>
        %and3A_369 = arith.andi %get3A_366, %and3A_368 : vector<16xi32>
        %swap3A_370 = arith.constant 32 : index
        %swap3A_371 = tpu.vector_load %arg14[%swap3A_370] {strides = array<i32>} : memref<80xi32, #tpu.memory_space<vmem>>, vector<16xi32>,
        tpu.vector_store %arg14[%swap3A_370], %and3A_369 {strides = array<i32>} : memref<80xi32, #tpu.memory_space<vmem>>, vector<16xi32>,
        %shift_right_arithmetic3A_372 = arith.constant 16 : i32
        %shift_right_arithmetic3A_373 = vector.broadcast %shift_right_arithmetic3A_372 : i32 to vector<16xi32>
        %shift_right_arithmetic3A_374 = arith.shrsi %get3A_366, %shift_right_arithmetic3A_373 : vector<16xi32>
        %swap3A_375 = arith.constant 32 : index
        %swap3A_376 = tpu.vector_load %arg17[%swap3A_375] {strides = array<i32>} : memref<80xi32, #tpu.memory_space<vmem>>, vector<16xi32>,
        tpu.vector_store %arg17[%swap3A_375], %shift_right_arithmetic3A_374 {strides = array<i32>} : memref<80xi32, #tpu.memory_space<vmem>>, vector<16xi32>,
        %get3A_377 = arith.constant 48 : index
        %get3A_378 = tpu.vector_load %arg11[%get3A_377] {strides = array<i32>} : memref<80xi32, #tpu.memory_space<vmem>>, vector<16xi32>,
        %and3A_379 = arith.constant 65535 : i32
        %and3A_380 = vector.broadcast %and3A_379 : i32 to vector<16xi32>
        %and3A_381 = arith.andi %get3A_378, %and3A_380 : vector<16xi32>
        %swap3A_382 = arith.constant 48 : index
        %swap3A_383 = tpu.vector_load %arg14[%swap3A_382] {strides = array<i32>} : memref<80xi32, #tpu.memory_space<vmem>>, vector<16xi32>,
        tpu.vector_store %arg14[%swap3A_382], %and3A_381 {strides = array<i32>} : memref<80xi32, #tpu.memory_space<vmem>>, vector<16xi32>,
        %shift_right_arithmetic3A_384 = arith.constant 16 : i32
        %shift_right_arithmetic3A_385 = vector.broadcast %shift_right_arithmetic3A_384 : i32 to vector<16xi32>
        %shift_right_arithmetic3A_386 = arith.shrsi %get3A_378, %shift_right_arithmetic3A_385 : vector<16xi32>
        %swap3A_387 = arith.constant 48 : index
        %swap3A_388 = tpu.vector_load %arg17[%swap3A_387] {strides = array<i32>} : memref<80xi32, #tpu.memory_space<vmem>>, vector<16xi32>,
        tpu.vector_store %arg17[%swap3A_387], %shift_right_arithmetic3A_386 {strides = array<i32>} : memref<80xi32, #tpu.memory_space<vmem>>, vector<16xi32>,
        %get3A_389 = arith.constant 64 : index
        %get3A_390 = tpu.vector_load %arg11[%get3A_389] {strides = array<i32>} : memref<80xi32, #tpu.memory_space<vmem>>, vector<16xi32>,
        %and3A_391 = arith.constant 65535 : i32
        %and3A_392 = vector.broadcast %and3A_391 : i32 to vector<16xi32>
        %and3A_393 = arith.andi %get3A_390, %and3A_392 : vector<16xi32>
        %swap3A_394 = arith.constant 64 : index
        %swap3A_395 = tpu.vector_load %arg14[%swap3A_394] {strides = array<i32>} : memref<80xi32, #tpu.memory_space<vmem>>, vector<16xi32>,
        tpu.vector_store %arg14[%swap3A_394], %and3A_393 {strides = array<i32>} : memref<80xi32, #tpu.memory_space<vmem>>, vector<16xi32>,
        %shift_right_arithmetic3A_396 = arith.constant 16 : i32
        %shift_right_arithmetic3A_397 = vector.broadcast %shift_right_arithmetic3A_396 : i32 to vector<16xi32>
        %shift_right_arithmetic3A_398 = arith.shrsi %get3A_390, %shift_right_arithmetic3A_397 : vector<16xi32>
        %swap3A_399 = arith.constant 64 : index
        %swap3A_400 = tpu.vector_load %arg17[%swap3A_399] {strides = array<i32>} : memref<80xi32, #tpu.memory_space<vmem>>, vector<16xi32>,
        tpu.vector_store %arg17[%swap3A_399], %shift_right_arithmetic3A_398 {strides = array<i32>} : memref<80xi32, #tpu.memory_space<vmem>>, vector<16xi32>,
        %dma_start3A_401 = arith.constant 0 : i32
        %dma_start3A_402 = arith.constant 0 : i32
        %dma_start3A_403 = tpu.memref_slice %arg2[%dma_start3A_401, %dma_start3A_402] : memref<10000x128xf32, #tpu.memory_space<hbm>> -> memref<10000x128xf32, #tpu.memory_space<hbm>>
        tpu.enqueue_indirect_dma source(%dma_start3A_403 : memref<10000x128xf32, #tpu.memory_space<hbm>>) target(%arg8 : memref<80x128xf32, #tpu.memory_space<vmem>>) offsets(%arg14 : memref<80xi32, #tpu.memory_space<vmem>>) semaphore(%arg20 : memref<!tpu.dma_semaphore, #tpu.memory_space<semaphore_mem>>)
        %add3A_404 = arith.constant 3 : i32
        %add3A_405 = arith.addi %add3A_314, %add3A_404 : i32
        %lt3A_406 = arith.constant 125 : i32
        %lt3A_407 = arith.cmpi slt, %add3A_405, %lt3A_406 : i32
        %convert_element_type3A_408 = arith.extui %lt3A_407 : i1 to i32
        %cond3A_409 = arith.constant 0 : i32
        %cond3A_410 = arith.cmpi ne, %convert_element_type3A_408, %cond3A_409 : i32
        scf.if %cond3A_410 {
          %add3A_411 = arith.constant 3 : i32
          %add3A_412 = arith.addi %add3A_314, %add3A_411 : i32
          %dma_start3A_413 = arith.constant 0 : i32
          %dma_start3A_414 = tpu.memref_slice %arg3[%add3A, %add3A_412, %dma_start3A_413] : memref<32x125x80xi32, #tpu.memory_space<hbm>> -> memref<1x1x80xi32, #tpu.memory_space<hbm>>
          %dma_start3A_415 = tpu.memref_squeeze %dma_start3A_414 : memref<1x1x80xi32, #tpu.memory_space<hbm>> -> memref<80xi32, #tpu.memory_space<hbm>>
          %dma_start3A_416 = arith.constant 0 : i32
          %dma_start3A_417 = tpu.memref_slice %arg3[%add3A, %add3A_412, %dma_start3A_416] : memref<32x125x80xi32, #tpu.memory_space<hbm>> -> memref<1x1x80xi32, #tpu.memory_space<hbm>>
          %dma_start3A_418 = tpu.memref_squeeze %dma_start3A_417 : memref<1x1x80xi32, #tpu.memory_space<hbm>> -> memref<80xi32, #tpu.memory_space<hbm>>
          tpu.enqueue_dma source(%dma_start3A_418 : memref<80xi32, #tpu.memory_space<hbm>>) target(%arg11 : memref<80xi32, #tpu.memory_space<vmem>>) target_semaphore(%arg26 : memref<!tpu.dma_semaphore, #tpu.memory_space<semaphore_mem>>)
        } else {
        }
      } else {
      }
      %mul3A_320 = arith.constant 3 : i32
      %mul3A_321 = arith.muli %scan3A_282, %mul3A_320 : i32
      %add3A_322 = arith.constant 2 : i32
      %add3A_323 = arith.addi %mul3A_321, %add3A_322 : i32
      %add3A_324 = arith.constant 3 : i32
      %add3A_325 = arith.addi %add3A_323, %add3A_324 : i32
      %lt3A_326 = arith.constant 125 : i32
      %lt3A_327 = arith.cmpi slt, %add3A_325, %lt3A_326 : i32
      %convert_element_type3A_328 = arith.extui %lt3A_327 : i1 to i32
      %cond3A_329 = arith.constant 0 : i32
      %cond3A_330 = arith.cmpi ne, %convert_element_type3A_328, %cond3A_329 : i32
      scf.if %cond3A_330 {
        %dma_wait3A_331 = arith.constant 0 : i32
        %dma_wait3A_332 = arith.constant 0 : i32
        %dma_wait3A_333 = tpu.memref_slice %arg6[%dma_wait3A_331, %dma_wait3A_332] : memref<10240x128xf32, #tpu.memory_space<vmem_shared>> -> memref<10240x128xf32, #tpu.memory_space<vmem_shared>>
        tpu.wait_indirect_dma semaphore(%arg24 : memref<!tpu.dma_semaphore, #tpu.memory_space<semaphore_mem>>) src(%arg9 : memref<80x128xf32, #tpu.memory_space<vmem>>) dst(%dma_wait3A_333 : memref<10240x128xf32, #tpu.memory_space<vmem_shared>>)
        %dma_wait3A_334 = arith.constant 0 : i32
        %dma_wait3A_335 = arith.constant 0 : i32
        %dma_wait3A_336 = tpu.memref_slice %arg3[%add3A, %dma_wait3A_334, %dma_wait3A_335] : memref<32x125x80xi32, #tpu.memory_space<hbm>> -> memref<1x1x80xi32, #tpu.memory_space<hbm>>
        %dma_wait3A_337 = tpu.memref_squeeze %dma_wait3A_336 : memref<1x1x80xi32, #tpu.memory_space<hbm>> -> memref<80xi32, #tpu.memory_space<hbm>>
        %dma_wait3A_338 = arith.constant 0 : i32
        %dma_wait3A_339 = tpu.memref_slice %arg3[%add3A, %dma_wait3A_334, %dma_wait3A_338] : memref<32x125x80xi32, #tpu.memory_space<hbm>> -> memref<1x1x80xi32, #tpu.memory_space<hbm>>
        %dma_wait3A_340 = tpu.memref_squeeze %dma_wait3A_339 : memref<1x1x80xi32, #tpu.memory_space<hbm>> -> memref<80xi32, #tpu.memory_space<hbm>>
        tpu.wait_dma2 semaphore(%arg27 : memref<!tpu.dma_semaphore, #tpu.memory_space<semaphore_mem>>) src(%dma_wait3A_340 : memref<80xi32, #tpu.memory_space<hbm>>) dst(%arg12 : memref<80xi32, #tpu.memory_space<vmem>>)
        %get3A_341 = arith.constant 0 : index
        %get3A_342 = tpu.vector_load %arg12[%get3A_341] {strides = array<i32>} : memref<80xi32, #tpu.memory_space<vmem>>, vector<16xi32>,
        %and3A_343 = arith.constant 65535 : i32
        %and3A_344 = vector.broadcast %and3A_343 : i32 to vector<16xi32>
        %and3A_345 = arith.andi %get3A_342, %and3A_344 : vector<16xi32>
        %swap3A_346 = arith.constant 0 : index
        %swap3A_347 = tpu.vector_load %arg15[%swap3A_346] {strides = array<i32>} : memref<80xi32, #tpu.memory_space<vmem>>, vector<16xi32>,
        tpu.vector_store %arg15[%swap3A_346], %and3A_345 {strides = array<i32>} : memref<80xi32, #tpu.memory_space<vmem>>, vector<16xi32>,
        %shift_right_arithmetic3A_348 = arith.constant 16 : i32
        %shift_right_arithmetic3A_349 = vector.broadcast %shift_right_arithmetic3A_348 : i32 to vector<16xi32>
        %shift_right_arithmetic3A_350 = arith.shrsi %get3A_342, %shift_right_arithmetic3A_349 : vector<16xi32>
        %swap3A_351 = arith.constant 0 : index
        %swap3A_352 = tpu.vector_load %arg18[%swap3A_351] {strides = array<i32>} : memref<80xi32, #tpu.memory_space<vmem>>, vector<16xi32>,
        tpu.vector_store %arg18[%swap3A_351], %shift_right_arithmetic3A_350 {strides = array<i32>} : memref<80xi32, #tpu.memory_space<vmem>>, vector<16xi32>,
        %get3A_353 = arith.constant 16 : index
        %get3A_354 = tpu.vector_load %arg12[%get3A_353] {strides = array<i32>} : memref<80xi32, #tpu.memory_space<vmem>>, vector<16xi32>,
        %and3A_355 = arith.constant 65535 : i32
        %and3A_356 = vector.broadcast %and3A_355 : i32 to vector<16xi32>
        %and3A_357 = arith.andi %get3A_354, %and3A_356 : vector<16xi32>
        %swap3A_358 = arith.constant 16 : index
        %swap3A_359 = tpu.vector_load %arg15[%swap3A_358] {strides = array<i32>} : memref<80xi32, #tpu.memory_space<vmem>>, vector<16xi32>,
        tpu.vector_store %arg15[%swap3A_358], %and3A_357 {strides = array<i32>} : memref<80xi32, #tpu.memory_space<vmem>>, vector<16xi32>,
        %shift_right_arithmetic3A_360 = arith.constant 16 : i32
        %shift_right_arithmetic3A_361 = vector.broadcast %shift_right_arithmetic3A_360 : i32 to vector<16xi32>
        %shift_right_arithmetic3A_362 = arith.shrsi %get3A_354, %shift_right_arithmetic3A_361 : vector<16xi32>
        %swap3A_363 = arith.constant 16 : index
        %swap3A_364 = tpu.vector_load %arg18[%swap3A_363] {strides = array<i32>} : memref<80xi32, #tpu.memory_space<vmem>>, vector<16xi32>,
        tpu.vector_store %arg18[%swap3A_363], %shift_right_arithmetic3A_362 {strides = array<i32>} : memref<80xi32, #tpu.memory_space<vmem>>, vector<16xi32>,
        %get3A_365 = arith.constant 32 : index
        %get3A_366 = tpu.vector_load %arg12[%get3A_365] {strides = array<i32>} : memref<80xi32, #tpu.memory_space<vmem>>, vector<16xi32>,
        %and3A_367 = arith.constant 65535 : i32
        %and3A_368 = vector.broadcast %and3A_367 : i32 to vector<16xi32>
        %and3A_369 = arith.andi %get3A_366, %and3A_368 : vector<16xi32>
        %swap3A_370 = arith.constant 32 : index
        %swap3A_371 = tpu.vector_load %arg15[%swap3A_370] {strides = array<i32>} : memref<80xi32, #tpu.memory_space<vmem>>, vector<16xi32>,
        tpu.vector_store %arg15[%swap3A_370], %and3A_369 {strides = array<i32>} : memref<80xi32, #tpu.memory_space<vmem>>, vector<16xi32>,
        %shift_right_arithmetic3A_372 = arith.constant 16 : i32
        %shift_right_arithmetic3A_373 = vector.broadcast %shift_right_arithmetic3A_372 : i32 to vector<16xi32>
        %shift_right_arithmetic3A_374 = arith.shrsi %get3A_366, %shift_right_arithmetic3A_373 : vector<16xi32>
        %swap3A_375 = arith.constant 32 : index
        %swap3A_376 = tpu.vector_load %arg18[%swap3A_375] {strides = array<i32>} : memref<80xi32, #tpu.memory_space<vmem>>, vector<16xi32>,
        tpu.vector_store %arg18[%swap3A_375], %shift_right_arithmetic3A_374 {strides = array<i32>} : memref<80xi32, #tpu.memory_space<vmem>>, vector<16xi32>,
        %get3A_377 = arith.constant 48 : index
        %get3A_378 = tpu.vector_load %arg12[%get3A_377] {strides = array<i32>} : memref<80xi32, #tpu.memory_space<vmem>>, vector<16xi32>,
        %and3A_379 = arith.constant 65535 : i32
        %and3A_380 = vector.broadcast %and3A_379 : i32 to vector<16xi32>
        %and3A_381 = arith.andi %get3A_378, %and3A_380 : vector<16xi32>
        %swap3A_382 = arith.constant 48 : index
        %swap3A_383 = tpu.vector_load %arg15[%swap3A_382] {strides = array<i32>} : memref<80xi32, #tpu.memory_space<vmem>>, vector<16xi32>,
        tpu.vector_store %arg15[%swap3A_382], %and3A_381 {strides = array<i32>} : memref<80xi32, #tpu.memory_space<vmem>>, vector<16xi32>,
        %shift_right_arithmetic3A_384 = arith.constant 16 : i32
        %shift_right_arithmetic3A_385 = vector.broadcast %shift_right_arithmetic3A_384 : i32 to vector<16xi32>
        %shift_right_arithmetic3A_386 = arith.shrsi %get3A_378, %shift_right_arithmetic3A_385 : vector<16xi32>
        %swap3A_387 = arith.constant 48 : index
        %swap3A_388 = tpu.vector_load %arg18[%swap3A_387] {strides = array<i32>} : memref<80xi32, #tpu.memory_space<vmem>>, vector<16xi32>,
        tpu.vector_store %arg18[%swap3A_387], %shift_right_arithmetic3A_386 {strides = array<i32>} : memref<80xi32, #tpu.memory_space<vmem>>, vector<16xi32>,
        %get3A_389 = arith.constant 64 : index
        %get3A_390 = tpu.vector_load %arg12[%get3A_389] {strides = array<i32>} : memref<80xi32, #tpu.memory_space<vmem>>, vector<16xi32>,
        %and3A_391 = arith.constant 65535 : i32
        %and3A_392 = vector.broadcast %and3A_391 : i32 to vector<16xi32>
        %and3A_393 = arith.andi %get3A_390, %and3A_392 : vector<16xi32>
        %swap3A_394 = arith.constant 64 : index
        %swap3A_395 = tpu.vector_load %arg15[%swap3A_394] {strides = array<i32>} : memref<80xi32, #tpu.memory_space<vmem>>, vector<16xi32>,
        tpu.vector_store %arg15[%swap3A_394], %and3A_393 {strides = array<i32>} : memref<80xi32, #tpu.memory_space<vmem>>, vector<16xi32>,
        %shift_right_arithmetic3A_396 = arith.constant 16 : i32
        %shift_right_arithmetic3A_397 = vector.broadcast %shift_right_arithmetic3A_396 : i32 to vector<16xi32>
        %shift_right_arithmetic3A_398 = arith.shrsi %get3A_390, %shift_right_arithmetic3A_397 : vector<16xi32>
        %swap3A_399 = arith.constant 64 : index
        %swap3A_400 = tpu.vector_load %arg18[%swap3A_399] {strides = array<i32>} : memref<80xi32, #tpu.memory_space<vmem>>, vector<16xi32>,
        tpu.vector_store %arg18[%swap3A_399], %shift_right_arithmetic3A_398 {strides = array<i32>} : memref<80xi32, #tpu.memory_space<vmem>>, vector<16xi32>,
        %dma_start3A_401 = arith.constant 0 : i32
        %dma_start3A_402 = arith.constant 0 : i32
        %dma_start3A_403 = tpu.memref_slice %arg2[%dma_start3A_401, %dma_start3A_402] : memref<10000x128xf32, #tpu.memory_space<hbm>> -> memref<10000x128xf32, #tpu.memory_space<hbm>>
        tpu.enqueue_indirect_dma source(%dma_start3A_403 : memref<10000x128xf32, #tpu.memory_space<hbm>>) target(%arg9 : memref<80x128xf32, #tpu.memory_space<vmem>>) offsets(%arg15 : memref<80xi32, #tpu.memory_space<vmem>>) semaphore(%arg21 : memref<!tpu.dma_semaphore, #tpu.memory_space<semaphore_mem>>)
        %add3A_404 = arith.constant 3 : i32
        %add3A_405 = arith.addi %add3A_325, %add3A_404 : i32
        %lt3A_406 = arith.constant 125 : i32
        %lt3A_407 = arith.cmpi slt, %add3A_405, %lt3A_406 : i32
        %convert_element_type3A_408 = arith.extui %lt3A_407 : i1 to i32
        %cond3A_409 = arith.constant 0 : i32
        %cond3A_410 = arith.cmpi ne, %convert_element_type3A_408, %cond3A_409 : i32
        scf.if %cond3A_410 {
          %add3A_411 = arith.constant 3 : i32
          %add3A_412 = arith.addi %add3A_325, %add3A_411 : i32
          %dma_start3A_413 = arith.constant 0 : i32
          %dma_start3A_414 = tpu.memref_slice %arg3[%add3A, %add3A_412, %dma_start3A_413] : memref<32x125x80xi32, #tpu.memory_space<hbm>> -> memref<1x1x80xi32, #tpu.memory_space<hbm>>
          %dma_start3A_415 = tpu.memref_squeeze %dma_start3A_414 : memref<1x1x80xi32, #tpu.memory_space<hbm>> -> memref<80xi32, #tpu.memory_space<hbm>>
          %dma_start3A_416 = arith.constant 0 : i32
          %dma_start3A_417 = tpu.memref_slice %arg3[%add3A, %add3A_412, %dma_start3A_416] : memref<32x125x80xi32, #tpu.memory_space<hbm>> -> memref<1x1x80xi32, #tpu.memory_space<hbm>>
          %dma_start3A_418 = tpu.memref_squeeze %dma_start3A_417 : memref<1x1x80xi32, #tpu.memory_space<hbm>> -> memref<80xi32, #tpu.memory_space<hbm>>
          tpu.enqueue_dma source(%dma_start3A_418 : memref<80xi32, #tpu.memory_space<hbm>>) target(%arg12 : memref<80xi32, #tpu.memory_space<vmem>>) target_semaphore(%arg27 : memref<!tpu.dma_semaphore, #tpu.memory_space<semaphore_mem>>)
        } else {
        }
      } else {
      }
    }
    %scan3A_255 = arith.constant 41 : i32
    %dma_wait3A_256 = arith.constant 0 : i32
    %dma_wait3A_257 = arith.constant 0 : i32
    %dma_wait3A_258 = tpu.memref_slice %arg2[%dma_wait3A_256, %dma_wait3A_257] : memref<10000x128xf32, #tpu.memory_space<hbm>> -> memref<10000x128xf32, #tpu.memory_space<hbm>>
    tpu.wait_indirect_dma semaphore(%arg19 : memref<!tpu.dma_semaphore, #tpu.memory_space<semaphore_mem>>) src(%dma_wait3A_258 : memref<10000x128xf32, #tpu.memory_space<hbm>>) dst(%arg7 : memref<80x128xf32, #tpu.memory_space<vmem>>)
    %dma_start3A_259 = arith.constant 0 : i32
    %dma_start3A_260 = arith.constant 0 : i32
    %dma_start3A_261 = tpu.memref_slice %arg6[%dma_start3A_259, %dma_start3A_260] : memref<10240x128xf32, #tpu.memory_space<vmem_shared>> -> memref<10240x128xf32, #tpu.memory_space<vmem_shared>>
    tpu.enqueue_indirect_dma source(%arg7 : memref<80x128xf32, #tpu.memory_space<vmem>>) target(%dma_start3A_261 : memref<10240x128xf32, #tpu.memory_space<vmem_shared>>) offsets(%arg16 : memref<80xi32, #tpu.memory_space<vmem>>) semaphore(%arg22 : memref<!tpu.dma_semaphore, #tpu.memory_space<semaphore_mem>>) {add = true}
    %dma_wait3A_262 = arith.constant 0 : i32
    %dma_wait3A_263 = arith.constant 0 : i32
    %dma_wait3A_264 = tpu.memref_slice %arg2[%dma_wait3A_262, %dma_wait3A_263] : memref<10000x128xf32, #tpu.memory_space<hbm>> -> memref<10000x128xf32, #tpu.memory_space<hbm>>
    tpu.wait_indirect_dma semaphore(%arg20 : memref<!tpu.dma_semaphore, #tpu.memory_space<semaphore_mem>>) src(%dma_wait3A_264 : memref<10000x128xf32, #tpu.memory_space<hbm>>) dst(%arg8 : memref<80x128xf32, #tpu.memory_space<vmem>>)
    %dma_start3A_265 = arith.constant 0 : i32
    %dma_start3A_266 = arith.constant 0 : i32
    %dma_start3A_267 = tpu.memref_slice %arg6[%dma_start3A_265, %dma_start3A_266] : memref<10240x128xf32, #tpu.memory_space<vmem_shared>> -> memref<10240x128xf32, #tpu.memory_space<vmem_shared>>
    tpu.enqueue_indirect_dma source(%arg8 : memref<80x128xf32, #tpu.memory_space<vmem>>) target(%dma_start3A_267 : memref<10240x128xf32, #tpu.memory_space<vmem_shared>>) offsets(%arg17 : memref<80xi32, #tpu.memory_space<vmem>>) semaphore(%arg23 : memref<!tpu.dma_semaphore, #tpu.memory_space<semaphore_mem>>) {add = true}
    %dma_wait3A_268 = arith.constant 0 : i32
    %dma_wait3A_269 = arith.constant 0 : i32
    %dma_wait3A_270 = tpu.memref_slice %arg6[%dma_wait3A_268, %dma_wait3A_269] : memref<10240x128xf32, #tpu.memory_space<vmem_shared>> -> memref<10240x128xf32, #tpu.memory_space<vmem_shared>>
    tpu.wait_indirect_dma semaphore(%arg22 : memref<!tpu.dma_semaphore, #tpu.memory_space<semaphore_mem>>) src(%arg7 : memref<80x128xf32, #tpu.memory_space<vmem>>) dst(%dma_wait3A_270 : memref<10240x128xf32, #tpu.memory_space<vmem_shared>>)
    %dma_wait3A_271 = arith.constant 0 : i32
    %dma_wait3A_272 = arith.constant 0 : i32
    %dma_wait3A_273 = tpu.memref_slice %arg6[%dma_wait3A_271, %dma_wait3A_272] : memref<10240x128xf32, #tpu.memory_space<vmem_shared>> -> memref<10240x128xf32, #tpu.memory_space<vmem_shared>>
    tpu.wait_indirect_dma semaphore(%arg23 : memref<!tpu.dma_semaphore, #tpu.memory_space<semaphore_mem>>) src(%arg8 : memref<80x128xf32, #tpu.memory_space<vmem>>) dst(%dma_wait3A_273 : memref<10240x128xf32, #tpu.memory_space<vmem_shared>>)
    %dma_wait3A_274 = arith.constant 0 : i32
    %dma_wait3A_275 = arith.constant 0 : i32
    %dma_wait3A_276 = tpu.memref_slice %arg6[%dma_wait3A_274, %dma_wait3A_275] : memref<10240x128xf32, #tpu.memory_space<vmem_shared>> -> memref<10240x128xf32, #tpu.memory_space<vmem_shared>>
    tpu.wait_indirect_dma semaphore(%arg24 : memref<!tpu.dma_semaphore, #tpu.memory_space<semaphore_mem>>) src(%arg9 : memref<80x128xf32, #tpu.memory_space<vmem>>) dst(%dma_wait3A_276 : memref<10240x128xf32, #tpu.memory_space<vmem_shared>>)
    %barrier3A_277 = arith.constant 0 : index
    tpu.barrier barrier_id(%barrier3A_277)
    %mul3A_278 = arith.constant 640 : i32
    %mul3A_279 = arith.muli %arg1, %mul3A_278 : i32
    %mul3A_280 = arith.constant 640 : i32
    %mul3A_281 = arith.muli %arg1, %mul3A_280 : i32
    "tpu.region"() ({
      %run_scoped3A = tpu.sem_alloc : memref<!tpu.dma_semaphore, #tpu.memory_space<semaphore_mem>>
      %dma_start3A_282 = arith.constant 0 : i32
      %dma_start3A_283 = tpu.memref_slice %arg5[%arg0, %mul3A_281, %dma_start3A_282] : memref<2x10240x128xf32, #tpu.memory_space<hbm>> -> memref<1x640x128xf32, #tpu.memory_space<hbm>>
      %dma_start3A_284 = tpu.memref_squeeze %dma_start3A_283 : memref<1x640x128xf32, #tpu.memory_space<hbm>> -> memref<640x128xf32, #tpu.memory_space<hbm>>
      %dma_start3A_285 = arith.constant 0 : i32
      %dma_start3A_286 = tpu.memref_slice %arg6[%mul3A_279, %dma_start3A_285] : memref<10240x128xf32, #tpu.memory_space<vmem_shared>> -> memref<640x128xf32, #tpu.memory_space<vmem_shared>>
      tpu.enqueue_dma source(%dma_start3A_286 : memref<640x128xf32, #tpu.memory_space<vmem_shared>>) target(%dma_start3A_284 : memref<640x128xf32, #tpu.memory_space<hbm>>) target_semaphore(%run_scoped3A : memref<!tpu.dma_semaphore, #tpu.memory_space<semaphore_mem>>)
      %dma_wait3A_287 = arith.constant 0 : i32
      %dma_wait3A_288 = tpu.memref_slice %arg5[%arg0, %mul3A_281, %dma_wait3A_287] : memref<2x10240x128xf32, #tpu.memory_space<hbm>> -> memref<1x640x128xf32, #tpu.memory_space<hbm>>
      %dma_wait3A_289 = tpu.memref_squeeze %dma_wait3A_288 : memref<1x640x128xf32, #tpu.memory_space<hbm>> -> memref<640x128xf32, #tpu.memory_space<hbm>>
      %dma_wait3A_290 = arith.constant 0 : i32
      %dma_wait3A_291 = tpu.memref_slice %arg6[%mul3A_279, %dma_wait3A_290] : memref<10240x128xf32, #tpu.memory_space<vmem_shared>> -> memref<640x128xf32, #tpu.memory_space<vmem_shared>>
      tpu.wait_dma2 semaphore(%run_scoped3A : memref<!tpu.dma_semaphore, #tpu.memory_space<semaphore_mem>>) src(%dma_wait3A_291 : memref<640x128xf32, #tpu.memory_space<vmem_shared>>) dst(%dma_wait3A_289 : memref<640x128xf32, #tpu.memory_space<hbm>>)
      tpu.yield
    }) : () -> ()
    return
  }
}

#map = affine_map<(d0, d1) -> (0, 0)>
#map1 = affine_map<(d0, d1) -> (0, 0, 0)>
module attributes {stable_mosaic.version = 14 : i64} {
  func.func @_mp_body(%arg0: i32, %arg1: i32, %arg2: memref<10000x128xf32, #tpu.memory_space<hbm>>, %arg3: memref<32x125x80xi32, #tpu.memory_space<hbm>>, %arg4: memref<10240x128xf32, #tpu.memory_space<hbm>>, %arg5: memref<2x10240x128xf32, #tpu.memory_space<hbm>>, %arg6: memref<10240x128xf32, #tpu.memory_space<vmem_shared>>, %arg7: memref<80x128xf32, #tpu.memory_space<vmem>>, %arg8: memref<80x128xf32, #tpu.memory_space<vmem>>, %arg9: memref<80x128xf32, #tpu.memory_space<vmem>>, %arg10: memref<80xi32, #tpu.memory_space<vmem>>, %arg11: memref<80xi32, #tpu.memory_space<vmem>>, %arg12: memref<80xi32, #tpu.memory_space<vmem>>, %arg13: memref<80xi32, #tpu.memory_space<vmem>>, %arg14: memref<80xi32, #tpu.memory_space<vmem>>, %arg15: memref<80xi32, #tpu.memory_space<vmem>>, %arg16: memref<80xi32, #tpu.memory_space<vmem>>, %arg17: memref<80xi32, #tpu.memory_space<vmem>>, %arg18: memref<80xi32, #tpu.memory_space<vmem>>, %arg19: memref<!tpu.dma_semaphore, #tpu.memory_space<semaphore_mem>>, %arg20: memref<!tpu.dma_semaphore, #tpu.memory_space<semaphore_mem>>, %arg21: memref<!tpu.dma_semaphore, #tpu.memory_space<semaphore_mem>>, %arg22: memref<!tpu.dma_semaphore, #tpu.memory_space<semaphore_mem>>, %arg23: memref<!tpu.dma_semaphore, #tpu.memory_space<semaphore_mem>>, %arg24: memref<!tpu.dma_semaphore, #tpu.memory_space<semaphore_mem>>, %arg25: memref<!tpu.dma_semaphore, #tpu.memory_space<semaphore_mem>>, %arg26: memref<!tpu.dma_semaphore, #tpu.memory_space<semaphore_mem>>, %arg27: memref<!tpu.dma_semaphore, #tpu.memory_space<semaphore_mem>>) attributes {dimension_semantics = [#tpu.dimension_semantics<core_parallel>, #tpu.dimension_semantics<subcore_parallel>], iteration_bounds = array<i64: 2, 16>, scalar_prefetch = 0 : i64, scratch_operands = 22 : i64, tpu.core_type = #tpu.core_type<sc_vector_subcore>, window_params = [{transform_indices = #map}, {transform_indices = #map1}, {transform_indices = #map}, {transform_indices = #map1}]} {
    %mul3A = arith.constant 2 : i32
    %mul3A_0 = arith.muli %arg1, %mul3A : i32
    %add3A = arith.addi %mul3A_0, %arg0 : i32
    %dma_start3A = arith.constant 0 : i32
    %dma_start3A_1 = arith.constant 0 : i32
    %dma_start3A_2 = tpu.memref_slice %arg3[%add3A, %dma_start3A, %dma_start3A_1] : memref<32x125x80xi32, #tpu.memory_space<hbm>> -> memref<1x1x80xi32, #tpu.memory_space<hbm>>
    %dma_start3A_3 = tpu.memref_squeeze %dma_start3A_2 : memref<1x1x80xi32, #tpu.memory_space<hbm>> -> memref<80xi32, #tpu.memory_space<hbm>>
    %dma_start3A_4 = arith.constant 0 : i32
    %dma_start3A_5 = tpu.memref_slice %arg3[%add3A, %dma_start3A, %dma_start3A_4] : memref<32x125x80xi32, #tpu.memory_space<hbm>> -> memref<1x1x80xi32, #tpu.memory_space<hbm>>
    %dma_start3A_6 = tpu.memref_squeeze %dma_start3A_5 : memref<1x1x80xi32, #tpu.memory_space<hbm>> -> memref<80xi32, #tpu.memory_space<hbm>>
    tpu.enqueue_dma source(%dma_start3A_6 : memref<80xi32, #tpu.memory_space<hbm>>) target(%arg10 : memref<80xi32, #tpu.memory_space<vmem>>) target_semaphore(%arg25 : memref<!tpu.dma_semaphore, #tpu.memory_space<semaphore_mem>>)
    %dma_start3A_7 = arith.constant 1 : i32
    %dma_start3A_8 = arith.constant 0 : i32
    %dma_start3A_9 = tpu.memref_slice %arg3[%add3A, %dma_start3A_7, %dma_start3A_8] : memref<32x125x80xi32, #tpu.memory_space<hbm>> -> memref<1x1x80xi32, #tpu.memory_space<hbm>>
    %dma_start3A_10 = tpu.memref_squeeze %dma_start3A_9 : memref<1x1x80xi32, #tpu.memory_space<hbm>> -> memref<80xi32, #tpu.memory_space<hbm>>
    %dma_start3A_11 = arith.constant 0 : i32
    %dma_start3A_12 = tpu.memref_slice %arg3[%add3A, %dma_start3A_7, %dma_start3A_11] : memref<32x125x80xi32, #tpu.memory_space<hbm>> -> memref<1x1x80xi32, #tpu.memory_space<hbm>>
    %dma_start3A_13 = tpu.memref_squeeze %dma_start3A_12 : memref<1x1x80xi32, #tpu.memory_space<hbm>> -> memref<80xi32, #tpu.memory_space<hbm>>
    tpu.enqueue_dma source(%dma_start3A_13 : memref<80xi32, #tpu.memory_space<hbm>>) target(%arg11 : memref<80xi32, #tpu.memory_space<vmem>>) target_semaphore(%arg26 : memref<!tpu.dma_semaphore, #tpu.memory_space<semaphore_mem>>)
    %dma_start3A_14 = arith.constant 2 : i32
    %dma_start3A_15 = arith.constant 0 : i32
    %dma_start3A_16 = tpu.memref_slice %arg3[%add3A, %dma_start3A_14, %dma_start3A_15] : memref<32x125x80xi32, #tpu.memory_space<hbm>> -> memref<1x1x80xi32, #tpu.memory_space<hbm>>
    %dma_start3A_17 = tpu.memref_squeeze %dma_start3A_16 : memref<1x1x80xi32, #tpu.memory_space<hbm>> -> memref<80xi32, #tpu.memory_space<hbm>>
    %dma_start3A_18 = arith.constant 0 : i32
    %dma_start3A_19 = tpu.memref_slice %arg3[%add3A, %dma_start3A_14, %dma_start3A_18] : memref<32x125x80xi32, #tpu.memory_space<hbm>> -> memref<1x1x80xi32, #tpu.memory_space<hbm>>
    %dma_start3A_20 = tpu.memref_squeeze %dma_start3A_19 : memref<1x1x80xi32, #tpu.memory_space<hbm>> -> memref<80xi32, #tpu.memory_space<hbm>>
    tpu.enqueue_dma source(%dma_start3A_20 : memref<80xi32, #tpu.memory_space<hbm>>) target(%arg12 : memref<80xi32, #tpu.memory_space<vmem>>) target_semaphore(%arg27 : memref<!tpu.dma_semaphore, #tpu.memory_space<semaphore_mem>>)
    %dma_wait3A = arith.constant 0 : i32
    %dma_wait3A_21 = arith.constant 0 : i32
    %dma_wait3A_22 = tpu.memref_slice %arg3[%add3A, %dma_wait3A, %dma_wait3A_21] : memref<32x125x80xi32, #tpu.memory_space<hbm>> -> memref<1x1x80xi32, #tpu.memory_space<hbm>>
    %dma_wait3A_23 = tpu.memref_squeeze %dma_wait3A_22 : memref<1x1x80xi32, #tpu.memory_space<hbm>> -> memref<80xi32, #tpu.memory_space<hbm>>
    %dma_wait3A_24 = arith.constant 0 : i32
    %dma_wait3A_25 = tpu.memref_slice %arg3[%add3A, %dma_wait3A, %dma_wait3A_24] : memref<32x125x80xi32, #tpu.memory_space<hbm>> -> memref<1x1x80xi32, #tpu.memory_space<hbm>>
    %dma_wait3A_26 = tpu.memref_squeeze %dma_wait3A_25 : memref<1x1x80xi32, #tpu.memory_space<hbm>> -> memref<80xi32, #tpu.memory_space<hbm>>
    tpu.wait_dma2 semaphore(%arg25 : memref<!tpu.dma_semaphore, #tpu.memory_space<semaphore_mem>>) src(%dma_wait3A_26 : memref<80xi32, #tpu.memory_space<hbm>>) dst(%arg10 : memref<80xi32, #tpu.memory_space<vmem>>)
    %get3A = arith.constant 0 : index
    %get3A_27 = tpu.vector_load %arg10[%get3A] {strides = array<i32>} : memref<80xi32, #tpu.memory_space<vmem>>, vector<16xi32>,
    %and3A = arith.constant 65535 : i32
    %and3A_28 = vector.broadcast %and3A : i32 to vector<16xi32>
    %and3A_29 = arith.andi %get3A_27, %and3A_28 : vector<16xi32>
    %swap3A = arith.constant 0 : index
    %swap3A_30 = tpu.vector_load %arg13[%swap3A] {strides = array<i32>} : memref<80xi32, #tpu.memory_space<vmem>>, vector<16xi32>,
    tpu.vector_store %arg13[%swap3A], %and3A_29 {strides = array<i32>} : memref<80xi32, #tpu.memory_space<vmem>>, vector<16xi32>,
    %shift_right_arithmetic3A = arith.constant 16 : i32
    %shift_right_arithmetic3A_31 = vector.broadcast %shift_right_arithmetic3A : i32 to vector<16xi32>
    %shift_right_arithmetic3A_32 = arith.shrsi %get3A_27, %shift_right_arithmetic3A_31 : vector<16xi32>
    %swap3A_33 = arith.constant 0 : index
    %swap3A_34 = tpu.vector_load %arg16[%swap3A_33] {strides = array<i32>} : memref<80xi32, #tpu.memory_space<vmem>>, vector<16xi32>,
    tpu.vector_store %arg16[%swap3A_33], %shift_right_arithmetic3A_32 {strides = array<i32>} : memref<80xi32, #tpu.memory_space<vmem>>, vector<16xi32>,
    %get3A_35 = arith.constant 16 : index
    %get3A_36 = tpu.vector_load %arg10[%get3A_35] {strides = array<i32>} : memref<80xi32, #tpu.memory_space<vmem>>, vector<16xi32>,
    %and3A_37 = arith.constant 65535 : i32
    %and3A_38 = vector.broadcast %and3A_37 : i32 to vector<16xi32>
    %and3A_39 = arith.andi %get3A_36, %and3A_38 : vector<16xi32>
    %swap3A_40 = arith.constant 16 : index
    %swap3A_41 = tpu.vector_load %arg13[%swap3A_40] {strides = array<i32>} : memref<80xi32, #tpu.memory_space<vmem>>, vector<16xi32>,
    tpu.vector_store %arg13[%swap3A_40], %and3A_39 {strides = array<i32>} : memref<80xi32, #tpu.memory_space<vmem>>, vector<16xi32>,
    %shift_right_arithmetic3A_42 = arith.constant 16 : i32
    %shift_right_arithmetic3A_43 = vector.broadcast %shift_right_arithmetic3A_42 : i32 to vector<16xi32>
    %shift_right_arithmetic3A_44 = arith.shrsi %get3A_36, %shift_right_arithmetic3A_43 : vector<16xi32>
    %swap3A_45 = arith.constant 16 : index
    %swap3A_46 = tpu.vector_load %arg16[%swap3A_45] {strides = array<i32>} : memref<80xi32, #tpu.memory_space<vmem>>, vector<16xi32>,
    tpu.vector_store %arg16[%swap3A_45], %shift_right_arithmetic3A_44 {strides = array<i32>} : memref<80xi32, #tpu.memory_space<vmem>>, vector<16xi32>,
    %get3A_47 = arith.constant 32 : index
    %get3A_48 = tpu.vector_load %arg10[%get3A_47] {strides = array<i32>} : memref<80xi32, #tpu.memory_space<vmem>>, vector<16xi32>,
    %and3A_49 = arith.constant 65535 : i32
    %and3A_50 = vector.broadcast %and3A_49 : i32 to vector<16xi32>
    %and3A_51 = arith.andi %get3A_48, %and3A_50 : vector<16xi32>
    %swap3A_52 = arith.constant 32 : index
    %swap3A_53 = tpu.vector_load %arg13[%swap3A_52] {strides = array<i32>} : memref<80xi32, #tpu.memory_space<vmem>>, vector<16xi32>,
    tpu.vector_store %arg13[%swap3A_52], %and3A_51 {strides = array<i32>} : memref<80xi32, #tpu.memory_space<vmem>>, vector<16xi32>,
    %shift_right_arithmetic3A_54 = arith.constant 16 : i32
    %shift_right_arithmetic3A_55 = vector.broadcast %shift_right_arithmetic3A_54 : i32 to vector<16xi32>
    %shift_right_arithmetic3A_56 = arith.shrsi %get3A_48, %shift_right_arithmetic3A_55 : vector<16xi32>
    %swap3A_57 = arith.constant 32 : index
    %swap3A_58 = tpu.vector_load %arg16[%swap3A_57] {strides = array<i32>} : memref<80xi32, #tpu.memory_space<vmem>>, vector<16xi32>,
    tpu.vector_store %arg16[%swap3A_57], %shift_right_arithmetic3A_56 {strides = array<i32>} : memref<80xi32, #tpu.memory_space<vmem>>, vector<16xi32>,
    %get3A_59 = arith.constant 48 : index
    %get3A_60 = tpu.vector_load %arg10[%get3A_59] {strides = array<i32>} : memref<80xi32, #tpu.memory_space<vmem>>, vector<16xi32>,
    %and3A_61 = arith.constant 65535 : i32
    %and3A_62 = vector.broadcast %and3A_61 : i32 to vector<16xi32>
    %and3A_63 = arith.andi %get3A_60, %and3A_62 : vector<16xi32>
    %swap3A_64 = arith.constant 48 : index
    %swap3A_65 = tpu.vector_load %arg13[%swap3A_64] {strides = array<i32>} : memref<80xi32, #tpu.memory_space<vmem>>, vector<16xi32>,
    tpu.vector_store %arg13[%swap3A_64], %and3A_63 {strides = array<i32>} : memref<80xi32, #tpu.memory_space<vmem>>, vector<16xi32>,
    %shift_right_arithmetic3A_66 = arith.constant 16 : i32
    %shift_right_arithmetic3A_67 = vector.broadcast %shift_right_arithmetic3A_66 : i32 to vector<16xi32>
    %shift_right_arithmetic3A_68 = arith.shrsi %get3A_60, %shift_right_arithmetic3A_67 : vector<16xi32>
    %swap3A_69 = arith.constant 48 : index
    %swap3A_70 = tpu.vector_load %arg16[%swap3A_69] {strides = array<i32>} : memref<80xi32, #tpu.memory_space<vmem>>, vector<16xi32>,
    tpu.vector_store %arg16[%swap3A_69], %shift_right_arithmetic3A_68 {strides = array<i32>} : memref<80xi32, #tpu.memory_space<vmem>>, vector<16xi32>,
    %get3A_71 = arith.constant 64 : index
    %get3A_72 = tpu.vector_load %arg10[%get3A_71] {strides = array<i32>} : memref<80xi32, #tpu.memory_space<vmem>>, vector<16xi32>,
    %and3A_73 = arith.constant 65535 : i32
    %and3A_74 = vector.broadcast %and3A_73 : i32 to vector<16xi32>
    %and3A_75 = arith.andi %get3A_72, %and3A_74 : vector<16xi32>
    %swap3A_76 = arith.constant 64 : index
    %swap3A_77 = tpu.vector_load %arg13[%swap3A_76] {strides = array<i32>} : memref<80xi32, #tpu.memory_space<vmem>>, vector<16xi32>,
    tpu.vector_store %arg13[%swap3A_76], %and3A_75 {strides = array<i32>} : memref<80xi32, #tpu.memory_space<vmem>>, vector<16xi32>,
    %shift_right_arithmetic3A_78 = arith.constant 16 : i32
    %shift_right_arithmetic3A_79 = vector.broadcast %shift_right_arithmetic3A_78 : i32 to vector<16xi32>
    %shift_right_arithmetic3A_80 = arith.shrsi %get3A_72, %shift_right_arithmetic3A_79 : vector<16xi32>
    %swap3A_81 = arith.constant 64 : index
    %swap3A_82 = tpu.vector_load %arg16[%swap3A_81] {strides = array<i32>} : memref<80xi32, #tpu.memory_space<vmem>>, vector<16xi32>,
    tpu.vector_store %arg16[%swap3A_81], %shift_right_arithmetic3A_80 {strides = array<i32>} : memref<80xi32, #tpu.memory_space<vmem>>, vector<16xi32>,
    %dma_start3A_83 = arith.constant 0 : i32
    %dma_start3A_84 = arith.constant 0 : i32
    %dma_start3A_85 = tpu.memref_slice %arg2[%dma_start3A_83, %dma_start3A_84] : memref<10000x128xf32, #tpu.memory_space<hbm>> -> memref<10000x128xf32, #tpu.memory_space<hbm>>
    tpu.enqueue_indirect_dma source(%dma_start3A_85 : memref<10000x128xf32, #tpu.memory_space<hbm>>) target(%arg7 : memref<80x128xf32, #tpu.memory_space<vmem>>) offsets(%arg13 : memref<80xi32, #tpu.memory_space<vmem>>) semaphore(%arg19 : memref<!tpu.dma_semaphore, #tpu.memory_space<semaphore_mem>>)
    %dma_start3A_86 = arith.constant 3 : i32
    %dma_start3A_87 = arith.constant 0 : i32
    %dma_start3A_88 = tpu.memref_slice %arg3[%add3A, %dma_start3A_86, %dma_start3A_87] : memref<32x125x80xi32, #tpu.memory_space<hbm>> -> memref<1x1x80xi32, #tpu.memory_space<hbm>>
    %dma_start3A_89 = tpu.memref_squeeze %dma_start3A_88 : memref<1x1x80xi32, #tpu.memory_space<hbm>> -> memref<80xi32, #tpu.memory_space<hbm>>
    %dma_start3A_90 = arith.constant 0 : i32
    %dma_start3A_91 = tpu.memref_slice %arg3[%add3A, %dma_start3A_86, %dma_start3A_90] : memref<32x125x80xi32, #tpu.memory_space<hbm>> -> memref<1x1x80xi32, #tpu.memory_space<hbm>>
    %dma_start3A_92 = tpu.memref_squeeze %dma_start3A_91 : memref<1x1x80xi32, #tpu.memory_space<hbm>> -> memref<80xi32, #tpu.memory_space<hbm>>
    tpu.enqueue_dma source(%dma_start3A_92 : memref<80xi32, #tpu.memory_space<hbm>>) target(%arg10 : memref<80xi32, #tpu.memory_space<vmem>>) target_semaphore(%arg25 : memref<!tpu.dma_semaphore, #tpu.memory_space<semaphore_mem>>)
    %dma_wait3A_93 = arith.constant 0 : i32
    %dma_wait3A_94 = arith.constant 0 : i32
    %dma_wait3A_95 = tpu.memref_slice %arg3[%add3A, %dma_wait3A_93, %dma_wait3A_94] : memref<32x125x80xi32, #tpu.memory_space<hbm>> -> memref<1x1x80xi32, #tpu.memory_space<hbm>>
    %dma_wait3A_96 = tpu.memref_squeeze %dma_wait3A_95 : memref<1x1x80xi32, #tpu.memory_space<hbm>> -> memref<80xi32, #tpu.memory_space<hbm>>
    %dma_wait3A_97 = arith.constant 0 : i32
    %dma_wait3A_98 = tpu.memref_slice %arg3[%add3A, %dma_wait3A_93, %dma_wait3A_97] : memref<32x125x80xi32, #tpu.memory_space<hbm>> -> memref<1x1x80xi32, #tpu.memory_space<hbm>>
    %dma_wait3A_99 = tpu.memref_squeeze %dma_wait3A_98 : memref<1x1x80xi32, #tpu.memory_space<hbm>> -> memref<80xi32, #tpu.memory_space<hbm>>
    tpu.wait_dma2 semaphore(%arg26 : memref<!tpu.dma_semaphore, #tpu.memory_space<semaphore_mem>>) src(%dma_wait3A_99 : memref<80xi32, #tpu.memory_space<hbm>>) dst(%arg11 : memref<80xi32, #tpu.memory_space<vmem>>)
    %get3A_100 = arith.constant 0 : index
    %get3A_101 = tpu.vector_load %arg11[%get3A_100] {strides = array<i32>} : memref<80xi32, #tpu.memory_space<vmem>>, vector<16xi32>,
    %and3A_102 = arith.constant 65535 : i32
    %and3A_103 = vector.broadcast %and3A_102 : i32 to vector<16xi32>
    %and3A_104 = arith.andi %get3A_101, %and3A_103 : vector<16xi32>
    %swap3A_105 = arith.constant 0 : index
    %swap3A_106 = tpu.vector_load %arg14[%swap3A_105] {strides = array<i32>} : memref<80xi32, #tpu.memory_space<vmem>>, vector<16xi32>,
    tpu.vector_store %arg14[%swap3A_105], %and3A_104 {strides = array<i32>} : memref<80xi32, #tpu.memory_space<vmem>>, vector<16xi32>,
    %shift_right_arithmetic3A_107 = arith.constant 16 : i32
    %shift_right_arithmetic3A_108 = vector.broadcast %shift_right_arithmetic3A_107 : i32 to vector<16xi32>
    %shift_right_arithmetic3A_109 = arith.shrsi %get3A_101, %shift_right_arithmetic3A_108 : vector<16xi32>
    %swap3A_110 = arith.constant 0 : index
    %swap3A_111 = tpu.vector_load %arg17[%swap3A_110] {strides = array<i32>} : memref<80xi32, #tpu.memory_space<vmem>>, vector<16xi32>,
    tpu.vector_store %arg17[%swap3A_110], %shift_right_arithmetic3A_109 {strides = array<i32>} : memref<80xi32, #tpu.memory_space<vmem>>, vector<16xi32>,
    %get3A_112 = arith.constant 16 : index
    %get3A_113 = tpu.vector_load %arg11[%get3A_112] {strides = array<i32>} : memref<80xi32, #tpu.memory_space<vmem>>, vector<16xi32>,
    %and3A_114 = arith.constant 65535 : i32
    %and3A_115 = vector.broadcast %and3A_114 : i32 to vector<16xi32>
    %and3A_116 = arith.andi %get3A_113, %and3A_115 : vector<16xi32>
    %swap3A_117 = arith.constant 16 : index
    %swap3A_118 = tpu.vector_load %arg14[%swap3A_117] {strides = array<i32>} : memref<80xi32, #tpu.memory_space<vmem>>, vector<16xi32>,
    tpu.vector_store %arg14[%swap3A_117], %and3A_116 {strides = array<i32>} : memref<80xi32, #tpu.memory_space<vmem>>, vector<16xi32>,
    %shift_right_arithmetic3A_119 = arith.constant 16 : i32
    %shift_right_arithmetic3A_120 = vector.broadcast %shift_right_arithmetic3A_119 : i32 to vector<16xi32>
    %shift_right_arithmetic3A_121 = arith.shrsi %get3A_113, %shift_right_arithmetic3A_120 : vector<16xi32>
    %swap3A_122 = arith.constant 16 : index
    %swap3A_123 = tpu.vector_load %arg17[%swap3A_122] {strides = array<i32>} : memref<80xi32, #tpu.memory_space<vmem>>, vector<16xi32>,
    tpu.vector_store %arg17[%swap3A_122], %shift_right_arithmetic3A_121 {strides = array<i32>} : memref<80xi32, #tpu.memory_space<vmem>>, vector<16xi32>,
    %get3A_124 = arith.constant 32 : index
    %get3A_125 = tpu.vector_load %arg11[%get3A_124] {strides = array<i32>} : memref<80xi32, #tpu.memory_space<vmem>>, vector<16xi32>,
    %and3A_126 = arith.constant 65535 : i32
    %and3A_127 = vector.broadcast %and3A_126 : i32 to vector<16xi32>
    %and3A_128 = arith.andi %get3A_125, %and3A_127 : vector<16xi32>
    %swap3A_129 = arith.constant 32 : index
    %swap3A_130 = tpu.vector_load %arg14[%swap3A_129] {strides = array<i32>} : memref<80xi32, #tpu.memory_space<vmem>>, vector<16xi32>,
    tpu.vector_store %arg14[%swap3A_129], %and3A_128 {strides = array<i32>} : memref<80xi32, #tpu.memory_space<vmem>>, vector<16xi32>,
    %shift_right_arithmetic3A_131 = arith.constant 16 : i32
    %shift_right_arithmetic3A_132 = vector.broadcast %shift_right_arithmetic3A_131 : i32 to vector<16xi32>
    %shift_right_arithmetic3A_133 = arith.shrsi %get3A_125, %shift_right_arithmetic3A_132 : vector<16xi32>
    %swap3A_134 = arith.constant 32 : index
    %swap3A_135 = tpu.vector_load %arg17[%swap3A_134] {strides = array<i32>} : memref<80xi32, #tpu.memory_space<vmem>>, vector<16xi32>,
    tpu.vector_store %arg17[%swap3A_134], %shift_right_arithmetic3A_133 {strides = array<i32>} : memref<80xi32, #tpu.memory_space<vmem>>, vector<16xi32>,
    %get3A_136 = arith.constant 48 : index
    %get3A_137 = tpu.vector_load %arg11[%get3A_136] {strides = array<i32>} : memref<80xi32, #tpu.memory_space<vmem>>, vector<16xi32>,
    %and3A_138 = arith.constant 65535 : i32
    %and3A_139 = vector.broadcast %and3A_138 : i32 to vector<16xi32>
    %and3A_140 = arith.andi %get3A_137, %and3A_139 : vector<16xi32>
    %swap3A_141 = arith.constant 48 : index
    %swap3A_142 = tpu.vector_load %arg14[%swap3A_141] {strides = array<i32>} : memref<80xi32, #tpu.memory_space<vmem>>, vector<16xi32>,
    tpu.vector_store %arg14[%swap3A_141], %and3A_140 {strides = array<i32>} : memref<80xi32, #tpu.memory_space<vmem>>, vector<16xi32>,
    %shift_right_arithmetic3A_143 = arith.constant 16 : i32
    %shift_right_arithmetic3A_144 = vector.broadcast %shift_right_arithmetic3A_143 : i32 to vector<16xi32>
    %shift_right_arithmetic3A_145 = arith.shrsi %get3A_137, %shift_right_arithmetic3A_144 : vector<16xi32>
    %swap3A_146 = arith.constant 48 : index
    %swap3A_147 = tpu.vector_load %arg17[%swap3A_146] {strides = array<i32>} : memref<80xi32, #tpu.memory_space<vmem>>, vector<16xi32>,
    tpu.vector_store %arg17[%swap3A_146], %shift_right_arithmetic3A_145 {strides = array<i32>} : memref<80xi32, #tpu.memory_space<vmem>>, vector<16xi32>,
    %get3A_148 = arith.constant 64 : index
    %get3A_149 = tpu.vector_load %arg11[%get3A_148] {strides = array<i32>} : memref<80xi32, #tpu.memory_space<vmem>>, vector<16xi32>,
    %and3A_150 = arith.constant 65535 : i32
    %and3A_151 = vector.broadcast %and3A_150 : i32 to vector<16xi32>
    %and3A_152 = arith.andi %get3A_149, %and3A_151 : vector<16xi32>
    %swap3A_153 = arith.constant 64 : index
    %swap3A_154 = tpu.vector_load %arg14[%swap3A_153] {strides = array<i32>} : memref<80xi32, #tpu.memory_space<vmem>>, vector<16xi32>,
    tpu.vector_store %arg14[%swap3A_153], %and3A_152 {strides = array<i32>} : memref<80xi32, #tpu.memory_space<vmem>>, vector<16xi32>,
    %shift_right_arithmetic3A_155 = arith.constant 16 : i32
    %shift_right_arithmetic3A_156 = vector.broadcast %shift_right_arithmetic3A_155 : i32 to vector<16xi32>
    %shift_right_arithmetic3A_157 = arith.shrsi %get3A_149, %shift_right_arithmetic3A_156 : vector<16xi32>
    %swap3A_158 = arith.constant 64 : index
    %swap3A_159 = tpu.vector_load %arg17[%swap3A_158] {strides = array<i32>} : memref<80xi32, #tpu.memory_space<vmem>>, vector<16xi32>,
    tpu.vector_store %arg17[%swap3A_158], %shift_right_arithmetic3A_157 {strides = array<i32>} : memref<80xi32, #tpu.memory_space<vmem>>, vector<16xi32>,
    %dma_start3A_160 = arith.constant 0 : i32
    %dma_start3A_161 = arith.constant 0 : i32
    %dma_start3A_162 = tpu.memref_slice %arg2[%dma_start3A_160, %dma_start3A_161] : memref<10000x128xf32, #tpu.memory_space<hbm>> -> memref<10000x128xf32, #tpu.memory_space<hbm>>
    tpu.enqueue_indirect_dma source(%dma_start3A_162 : memref<10000x128xf32, #tpu.memory_space<hbm>>) target(%arg8 : memref<80x128xf32, #tpu.memory_space<vmem>>) offsets(%arg14 : memref<80xi32, #tpu.memory_space<vmem>>) semaphore(%arg20 : memref<!tpu.dma_semaphore, #tpu.memory_space<semaphore_mem>>)
    %dma_start3A_163 = arith.constant 4 : i32
    %dma_start3A_164 = arith.constant 0 : i32
    %dma_start3A_165 = tpu.memref_slice %arg3[%add3A, %dma_start3A_163, %dma_start3A_164] : memref<32x125x80xi32, #tpu.memory_space<hbm>> -> memref<1x1x80xi32, #tpu.memory_space<hbm>>
    %dma_start3A_166 = tpu.memref_squeeze %dma_start3A_165 : memref<1x1x80xi32, #tpu.memory_space<hbm>> -> memref<80xi32, #tpu.memory_space<hbm>>
    %dma_start3A_167 = arith.constant 0 : i32
    %dma_start3A_168 = tpu.memref_slice %arg3[%add3A, %dma_start3A_163, %dma_start3A_167] : memref<32x125x80xi32, #tpu.memory_space<hbm>> -> memref<1x1x80xi32, #tpu.memory_space<hbm>>
    %dma_start3A_169 = tpu.memref_squeeze %dma_start3A_168 : memref<1x1x80xi32, #tpu.memory_space<hbm>> -> memref<80xi32, #tpu.memory_space<hbm>>
    tpu.enqueue_dma source(%dma_start3A_169 : memref<80xi32, #tpu.memory_space<hbm>>) target(%arg11 : memref<80xi32, #tpu.memory_space<vmem>>) target_semaphore(%arg26 : memref<!tpu.dma_semaphore, #tpu.memory_space<semaphore_mem>>)
    %dma_wait3A_170 = arith.constant 0 : i32
    %dma_wait3A_171 = arith.constant 0 : i32
    %dma_wait3A_172 = tpu.memref_slice %arg3[%add3A, %dma_wait3A_170, %dma_wait3A_171] : memref<32x125x80xi32, #tpu.memory_space<hbm>> -> memref<1x1x80xi32, #tpu.memory_space<hbm>>
    %dma_wait3A_173 = tpu.memref_squeeze %dma_wait3A_172 : memref<1x1x80xi32, #tpu.memory_space<hbm>> -> memref<80xi32, #tpu.memory_space<hbm>>
    %dma_wait3A_174 = arith.constant 0 : i32
    %dma_wait3A_175 = tpu.memref_slice %arg3[%add3A, %dma_wait3A_170, %dma_wait3A_174] : memref<32x125x80xi32, #tpu.memory_space<hbm>> -> memref<1x1x80xi32, #tpu.memory_space<hbm>>
    %dma_wait3A_176 = tpu.memref_squeeze %dma_wait3A_175 : memref<1x1x80xi32, #tpu.memory_space<hbm>> -> memref<80xi32, #tpu.memory_space<hbm>>
    tpu.wait_dma2 semaphore(%arg27 : memref<!tpu.dma_semaphore, #tpu.memory_space<semaphore_mem>>) src(%dma_wait3A_176 : memref<80xi32, #tpu.memory_space<hbm>>) dst(%arg12 : memref<80xi32, #tpu.memory_space<vmem>>)
    %get3A_177 = arith.constant 0 : index
    %get3A_178 = tpu.vector_load %arg12[%get3A_177] {strides = array<i32>} : memref<80xi32, #tpu.memory_space<vmem>>, vector<16xi32>,
    %and3A_179 = arith.constant 65535 : i32
    %and3A_180 = vector.broadcast %and3A_179 : i32 to vector<16xi32>
    %and3A_181 = arith.andi %get3A_178, %and3A_180 : vector<16xi32>
    %swap3A_182 = arith.constant 0 : index
    %swap3A_183 = tpu.vector_load %arg15[%swap3A_182] {strides = array<i32>} : memref<80xi32, #tpu.memory_space<vmem>>, vector<16xi32>,
    tpu.vector_store %arg15[%swap3A_182], %and3A_181 {strides = array<i32>} : memref<80xi32, #tpu.memory_space<vmem>>, vector<16xi32>,
    %shift_right_arithmetic3A_184 = arith.constant 16 : i32
    %shift_right_arithmetic3A_185 = vector.broadcast %shift_right_arithmetic3A_184 : i32 to vector<16xi32>
    %shift_right_arithmetic3A_186 = arith.shrsi %get3A_178, %shift_right_arithmetic3A_185 : vector<16xi32>
    %swap3A_187 = arith.constant 0 : index
    %swap3A_188 = tpu.vector_load %arg18[%swap3A_187] {strides = array<i32>} : memref<80xi32, #tpu.memory_space<vmem>>, vector<16xi32>,
    tpu.vector_store %arg18[%swap3A_187], %shift_right_arithmetic3A_186 {strides = array<i32>} : memref<80xi32, #tpu.memory_space<vmem>>, vector<16xi32>,
    %get3A_189 = arith.constant 16 : index
    %get3A_190 = tpu.vector_load %arg12[%get3A_189] {strides = array<i32>} : memref<80xi32, #tpu.memory_space<vmem>>, vector<16xi32>,
    %and3A_191 = arith.constant 65535 : i32
    %and3A_192 = vector.broadcast %and3A_191 : i32 to vector<16xi32>
    %and3A_193 = arith.andi %get3A_190, %and3A_192 : vector<16xi32>
    %swap3A_194 = arith.constant 16 : index
    %swap3A_195 = tpu.vector_load %arg15[%swap3A_194] {strides = array<i32>} : memref<80xi32, #tpu.memory_space<vmem>>, vector<16xi32>,
    tpu.vector_store %arg15[%swap3A_194], %and3A_193 {strides = array<i32>} : memref<80xi32, #tpu.memory_space<vmem>>, vector<16xi32>,
    %shift_right_arithmetic3A_196 = arith.constant 16 : i32
    %shift_right_arithmetic3A_197 = vector.broadcast %shift_right_arithmetic3A_196 : i32 to vector<16xi32>
    %shift_right_arithmetic3A_198 = arith.shrsi %get3A_190, %shift_right_arithmetic3A_197 : vector<16xi32>
    %swap3A_199 = arith.constant 16 : index
    %swap3A_200 = tpu.vector_load %arg18[%swap3A_199] {strides = array<i32>} : memref<80xi32, #tpu.memory_space<vmem>>, vector<16xi32>,
    tpu.vector_store %arg18[%swap3A_199], %shift_right_arithmetic3A_198 {strides = array<i32>} : memref<80xi32, #tpu.memory_space<vmem>>, vector<16xi32>,
    %get3A_201 = arith.constant 32 : index
    %get3A_202 = tpu.vector_load %arg12[%get3A_201] {strides = array<i32>} : memref<80xi32, #tpu.memory_space<vmem>>, vector<16xi32>,
    %and3A_203 = arith.constant 65535 : i32
    %and3A_204 = vector.broadcast %and3A_203 : i32 to vector<16xi32>
    %and3A_205 = arith.andi %get3A_202, %and3A_204 : vector<16xi32>
    %swap3A_206 = arith.constant 32 : index
    %swap3A_207 = tpu.vector_load %arg15[%swap3A_206] {strides = array<i32>} : memref<80xi32, #tpu.memory_space<vmem>>, vector<16xi32>,
    tpu.vector_store %arg15[%swap3A_206], %and3A_205 {strides = array<i32>} : memref<80xi32, #tpu.memory_space<vmem>>, vector<16xi32>,
    %shift_right_arithmetic3A_208 = arith.constant 16 : i32
    %shift_right_arithmetic3A_209 = vector.broadcast %shift_right_arithmetic3A_208 : i32 to vector<16xi32>
    %shift_right_arithmetic3A_210 = arith.shrsi %get3A_202, %shift_right_arithmetic3A_209 : vector<16xi32>
    %swap3A_211 = arith.constant 32 : index
    %swap3A_212 = tpu.vector_load %arg18[%swap3A_211] {strides = array<i32>} : memref<80xi32, #tpu.memory_space<vmem>>, vector<16xi32>,
    tpu.vector_store %arg18[%swap3A_211], %shift_right_arithmetic3A_210 {strides = array<i32>} : memref<80xi32, #tpu.memory_space<vmem>>, vector<16xi32>,
    %get3A_213 = arith.constant 48 : index
    %get3A_214 = tpu.vector_load %arg12[%get3A_213] {strides = array<i32>} : memref<80xi32, #tpu.memory_space<vmem>>, vector<16xi32>,
    %and3A_215 = arith.constant 65535 : i32
    %and3A_216 = vector.broadcast %and3A_215 : i32 to vector<16xi32>
    %and3A_217 = arith.andi %get3A_214, %and3A_216 : vector<16xi32>
    %swap3A_218 = arith.constant 48 : index
    %swap3A_219 = tpu.vector_load %arg15[%swap3A_218] {strides = array<i32>} : memref<80xi32, #tpu.memory_space<vmem>>, vector<16xi32>,
    tpu.vector_store %arg15[%swap3A_218], %and3A_217 {strides = array<i32>} : memref<80xi32, #tpu.memory_space<vmem>>, vector<16xi32>,
    %shift_right_arithmetic3A_220 = arith.constant 16 : i32
    %shift_right_arithmetic3A_221 = vector.broadcast %shift_right_arithmetic3A_220 : i32 to vector<16xi32>
    %shift_right_arithmetic3A_222 = arith.shrsi %get3A_214, %shift_right_arithmetic3A_221 : vector<16xi32>
    %swap3A_223 = arith.constant 48 : index
    %swap3A_224 = tpu.vector_load %arg18[%swap3A_223] {strides = array<i32>} : memref<80xi32, #tpu.memory_space<vmem>>, vector<16xi32>,
    tpu.vector_store %arg18[%swap3A_223], %shift_right_arithmetic3A_222 {strides = array<i32>} : memref<80xi32, #tpu.memory_space<vmem>>, vector<16xi32>,
    %get3A_225 = arith.constant 64 : index
    %get3A_226 = tpu.vector_load %arg12[%get3A_225] {strides = array<i32>} : memref<80xi32, #tpu.memory_space<vmem>>, vector<16xi32>,
    %and3A_227 = arith.constant 65535 : i32
    %and3A_228 = vector.broadcast %and3A_227 : i32 to vector<16xi32>
    %and3A_229 = arith.andi %get3A_226, %and3A_228 : vector<16xi32>
    %swap3A_230 = arith.constant 64 : index
    %swap3A_231 = tpu.vector_load %arg15[%swap3A_230] {strides = array<i32>} : memref<80xi32, #tpu.memory_space<vmem>>, vector<16xi32>,
    tpu.vector_store %arg15[%swap3A_230], %and3A_229 {strides = array<i32>} : memref<80xi32, #tpu.memory_space<vmem>>, vector<16xi32>,
    %shift_right_arithmetic3A_232 = arith.constant 16 : i32
    %shift_right_arithmetic3A_233 = vector.broadcast %shift_right_arithmetic3A_232 : i32 to vector<16xi32>
    %shift_right_arithmetic3A_234 = arith.shrsi %get3A_226, %shift_right_arithmetic3A_233 : vector<16xi32>
    %swap3A_235 = arith.constant 64 : index
    %swap3A_236 = tpu.vector_load %arg18[%swap3A_235] {strides = array<i32>} : memref<80xi32, #tpu.memory_space<vmem>>, vector<16xi32>,
    tpu.vector_store %arg18[%swap3A_235], %shift_right_arithmetic3A_234 {strides = array<i32>} : memref<80xi32, #tpu.memory_space<vmem>>, vector<16xi32>,
    %dma_start3A_237 = arith.constant 0 : i32
    %dma_start3A_238 = arith.constant 0 : i32
    %dma_start3A_239 = tpu.memref_slice %arg2[%dma_start3A_237, %dma_start3A_238] : memref<10000x128xf32, #tpu.memory_space<hbm>> -> memref<10000x128xf32, #tpu.memory_space<hbm>>
    tpu.enqueue_indirect_dma source(%dma_start3A_239 : memref<10000x128xf32, #tpu.memory_space<hbm>>) target(%arg9 : memref<80x128xf32, #tpu.memory_space<vmem>>) offsets(%arg15 : memref<80xi32, #tpu.memory_space<vmem>>) semaphore(%arg21 : memref<!tpu.dma_semaphore, #tpu.memory_space<semaphore_mem>>)
    %dma_start3A_240 = arith.constant 5 : i32
    %dma_start3A_241 = arith.constant 0 : i32
    %dma_start3A_242 = tpu.memref_slice %arg3[%add3A, %dma_start3A_240, %dma_start3A_241] : memref<32x125x80xi32, #tpu.memory_space<hbm>> -> memref<1x1x80xi32, #tpu.memory_space<hbm>>
    %dma_start3A_243 = tpu.memref_squeeze %dma_start3A_242 : memref<1x1x80xi32, #tpu.memory_space<hbm>> -> memref<80xi32, #tpu.memory_space<hbm>>
    %dma_start3A_244 = arith.constant 0 : i32
    %dma_start3A_245 = tpu.memref_slice %arg3[%add3A, %dma_start3A_240, %dma_start3A_244] : memref<32x125x80xi32, #tpu.memory_space<hbm>> -> memref<1x1x80xi32, #tpu.memory_space<hbm>>
    %dma_start3A_246 = tpu.memref_squeeze %dma_start3A_245 : memref<1x1x80xi32, #tpu.memory_space<hbm>> -> memref<80xi32, #tpu.memory_space<hbm>>
    tpu.enqueue_dma source(%dma_start3A_246 : memref<80xi32, #tpu.memory_space<hbm>>) target(%arg12 : memref<80xi32, #tpu.memory_space<vmem>>) target_semaphore(%arg27 : memref<!tpu.dma_semaphore, #tpu.memory_space<semaphore_mem>>)
    %mul3A_247 = arith.constant 640 : i32
    %mul3A_248 = arith.muli %arg1, %mul3A_247 : i32
    %mul3A_249 = arith.constant 640 : i32
    %mul3A_250 = arith.muli %arg1, %mul3A_249 : i32
    "tpu.region"() ({
      %run_scoped3A = tpu.sem_alloc : memref<!tpu.dma_semaphore, #tpu.memory_space<semaphore_mem>>
      %dma_start3A_282 = arith.constant 0 : i32
      %dma_start3A_283 = tpu.memref_slice %arg6[%mul3A_250, %dma_start3A_282] : memref<10240x128xf32, #tpu.memory_space<vmem_shared>> -> memref<640x128xf32, #tpu.memory_space<vmem_shared>>
      %dma_start3A_284 = arith.constant 0 : i32
      %dma_start3A_285 = tpu.memref_slice %arg4[%mul3A_248, %dma_start3A_284] : memref<10240x128xf32, #tpu.memory_space<hbm>> -> memref<640x128xf32, #tpu.memory_space<hbm>>
      tpu.enqueue_dma source(%dma_start3A_285 : memref<640x128xf32, #tpu.memory_space<hbm>>) target(%dma_start3A_283 : memref<640x128xf32, #tpu.memory_space<vmem_shared>>) target_semaphore(%run_scoped3A : memref<!tpu.dma_semaphore, #tpu.memory_space<semaphore_mem>>)
      %dma_wait3A_286 = arith.constant 0 : i32
      %dma_wait3A_287 = tpu.memref_slice %arg6[%mul3A_250, %dma_wait3A_286] : memref<10240x128xf32, #tpu.memory_space<vmem_shared>> -> memref<640x128xf32, #tpu.memory_space<vmem_shared>>
      %dma_wait3A_288 = arith.constant 0 : i32
      %dma_wait3A_289 = tpu.memref_slice %arg4[%mul3A_248, %dma_wait3A_288] : memref<10240x128xf32, #tpu.memory_space<hbm>> -> memref<640x128xf32, #tpu.memory_space<hbm>>
      tpu.wait_dma2 semaphore(%run_scoped3A : memref<!tpu.dma_semaphore, #tpu.memory_space<semaphore_mem>>) src(%dma_wait3A_289 : memref<640x128xf32, #tpu.memory_space<hbm>>) dst(%dma_wait3A_287 : memref<640x128xf32, #tpu.memory_space<vmem_shared>>)
      tpu.yield
    }) : () -> ()
    %barrier3A = arith.constant 0 : index
    tpu.barrier barrier_id(%barrier3A)
    %scan3A = arith.constant 0 : i32
    %scan3A_251 = arith.constant 0 : i32
    %scan3A_252 = arith.constant 41 : i32
    %scan3A_253 = arith.addi %scan3A_251, %scan3A_252 : i32
    %scan3A_254 = arith.constant 1 : i32
    scf.for %scan3A_282 = %scan3A_251 to %scan3A_253 step %scan3A_254  : i32 {
      %dma_wait3A_283 = arith.constant 0 : i32
      %dma_wait3A_284 = arith.constant 0 : i32
      %dma_wait3A_285 = tpu.memref_slice %arg2[%dma_wait3A_283, %dma_wait3A_284] : memref<10000x128xf32, #tpu.memory_space<hbm>> -> memref<10000x128xf32, #tpu.memory_space<hbm>>
      tpu.wait_indirect_dma semaphore(%arg19 : memref<!tpu.dma_semaphore, #tpu.memory_space<semaphore_mem>>) src(%dma_wait3A_285 : memref<10000x128xf32, #tpu.memory_space<hbm>>) dst(%arg7 : memref<80x128xf32, #tpu.memory_space<vmem>>)
      %dma_start3A_286 = arith.constant 0 : i32
      %dma_start3A_287 = arith.constant 0 : i32
      %dma_start3A_288 = tpu.memref_slice %arg6[%dma_start3A_286, %dma_start3A_287] : memref<10240x128xf32, #tpu.memory_space<vmem_shared>> -> memref<10240x128xf32, #tpu.memory_space<vmem_shared>>
      tpu.enqueue_indirect_dma source(%arg7 : memref<80x128xf32, #tpu.memory_space<vmem>>) target(%dma_start3A_288 : memref<10240x128xf32, #tpu.memory_space<vmem_shared>>) offsets(%arg16 : memref<80xi32, #tpu.memory_space<vmem>>) semaphore(%arg22 : memref<!tpu.dma_semaphore, #tpu.memory_space<semaphore_mem>>) {add = true}
      %dma_wait3A_289 = arith.constant 0 : i32
      %dma_wait3A_290 = arith.constant 0 : i32
      %dma_wait3A_291 = tpu.memref_slice %arg2[%dma_wait3A_289, %dma_wait3A_290] : memref<10000x128xf32, #tpu.memory_space<hbm>> -> memref<10000x128xf32, #tpu.memory_space<hbm>>
      tpu.wait_indirect_dma semaphore(%arg20 : memref<!tpu.dma_semaphore, #tpu.memory_space<semaphore_mem>>) src(%dma_wait3A_291 : memref<10000x128xf32, #tpu.memory_space<hbm>>) dst(%arg8 : memref<80x128xf32, #tpu.memory_space<vmem>>)
      %dma_start3A_292 = arith.constant 0 : i32
      %dma_start3A_293 = arith.constant 0 : i32
      %dma_start3A_294 = tpu.memref_slice %arg6[%dma_start3A_292, %dma_start3A_293] : memref<10240x128xf32, #tpu.memory_space<vmem_shared>> -> memref<10240x128xf32, #tpu.memory_space<vmem_shared>>
      tpu.enqueue_indirect_dma source(%arg8 : memref<80x128xf32, #tpu.memory_space<vmem>>) target(%dma_start3A_294 : memref<10240x128xf32, #tpu.memory_space<vmem_shared>>) offsets(%arg17 : memref<80xi32, #tpu.memory_space<vmem>>) semaphore(%arg23 : memref<!tpu.dma_semaphore, #tpu.memory_space<semaphore_mem>>) {add = true}
      %dma_wait3A_295 = arith.constant 0 : i32
      %dma_wait3A_296 = arith.constant 0 : i32
      %dma_wait3A_297 = tpu.memref_slice %arg2[%dma_wait3A_295, %dma_wait3A_296] : memref<10000x128xf32, #tpu.memory_space<hbm>> -> memref<10000x128xf32, #tpu.memory_space<hbm>>
      tpu.wait_indirect_dma semaphore(%arg21 : memref<!tpu.dma_semaphore, #tpu.memory_space<semaphore_mem>>) src(%dma_wait3A_297 : memref<10000x128xf32, #tpu.memory_space<hbm>>) dst(%arg9 : memref<80x128xf32, #tpu.memory_space<vmem>>)
      %dma_start3A_298 = arith.constant 0 : i32
      %dma_start3A_299 = arith.constant 0 : i32
      %dma_start3A_300 = tpu.memref_slice %arg6[%dma_start3A_298, %dma_start3A_299] : memref<10240x128xf32, #tpu.memory_space<vmem_shared>> -> memref<10240x128xf32, #tpu.memory_space<vmem_shared>>
      tpu.enqueue_indirect_dma source(%arg9 : memref<80x128xf32, #tpu.memory_space<vmem>>) target(%dma_start3A_300 : memref<10240x128xf32, #tpu.memory_space<vmem_shared>>) offsets(%arg18 : memref<80xi32, #tpu.memory_space<vmem>>) semaphore(%arg24 : memref<!tpu.dma_semaphore, #tpu.memory_space<semaphore_mem>>) {add = true}
      %mul3A_301 = arith.constant 3 : i32
      %mul3A_302 = arith.muli %scan3A_282, %mul3A_301 : i32
      %add3A_303 = arith.constant 0 : i32
      %add3A_304 = arith.addi %mul3A_302, %add3A_303 : i32
      %add3A_305 = arith.constant 3 : i32
      %add3A_306 = arith.addi %add3A_304, %add3A_305 : i32
      %lt3A = arith.constant 125 : i32
      %lt3A_307 = arith.cmpi slt, %add3A_306, %lt3A : i32
      %convert_element_type3A = arith.extui %lt3A_307 : i1 to i32
      %cond3A = arith.constant 0 : i32
      %cond3A_308 = arith.cmpi ne, %convert_element_type3A, %cond3A : i32
      scf.if %cond3A_308 {
        %dma_wait3A_331 = arith.constant 0 : i32
        %dma_wait3A_332 = arith.constant 0 : i32
        %dma_wait3A_333 = tpu.memref_slice %arg6[%dma_wait3A_331, %dma_wait3A_332] : memref<10240x128xf32, #tpu.memory_space<vmem_shared>> -> memref<10240x128xf32, #tpu.memory_space<vmem_shared>>
        tpu.wait_indirect_dma semaphore(%arg22 : memref<!tpu.dma_semaphore, #tpu.memory_space<semaphore_mem>>) src(%arg7 : memref<80x128xf32, #tpu.memory_space<vmem>>) dst(%dma_wait3A_333 : memref<10240x128xf32, #tpu.memory_space<vmem_shared>>)
        %dma_wait3A_334 = arith.constant 0 : i32
        %dma_wait3A_335 = arith.constant 0 : i32
        %dma_wait3A_336 = tpu.memref_slice %arg3[%add3A, %dma_wait3A_334, %dma_wait3A_335] : memref<32x125x80xi32, #tpu.memory_space<hbm>> -> memref<1x1x80xi32, #tpu.memory_space<hbm>>
        %dma_wait3A_337 = tpu.memref_squeeze %dma_wait3A_336 : memref<1x1x80xi32, #tpu.memory_space<hbm>> -> memref<80xi32, #tpu.memory_space<hbm>>
        %dma_wait3A_338 = arith.constant 0 : i32
        %dma_wait3A_339 = tpu.memref_slice %arg3[%add3A, %dma_wait3A_334, %dma_wait3A_338] : memref<32x125x80xi32, #tpu.memory_space<hbm>> -> memref<1x1x80xi32, #tpu.memory_space<hbm>>
        %dma_wait3A_340 = tpu.memref_squeeze %dma_wait3A_339 : memref<1x1x80xi32, #tpu.memory_space<hbm>> -> memref<80xi32, #tpu.memory_space<hbm>>
        tpu.wait_dma2 semaphore(%arg25 : memref<!tpu.dma_semaphore, #tpu.memory_space<semaphore_mem>>) src(%dma_wait3A_340 : memref<80xi32, #tpu.memory_space<hbm>>) dst(%arg10 : memref<80xi32, #tpu.memory_space<vmem>>)
        %get3A_341 = arith.constant 0 : index
        %get3A_342 = tpu.vector_load %arg10[%get3A_341] {strides = array<i32>} : memref<80xi32, #tpu.memory_space<vmem>>, vector<16xi32>,
        %and3A_343 = arith.constant 65535 : i32
        %and3A_344 = vector.broadcast %and3A_343 : i32 to vector<16xi32>
        %and3A_345 = arith.andi %get3A_342, %and3A_344 : vector<16xi32>
        %swap3A_346 = arith.constant 0 : index
        %swap3A_347 = tpu.vector_load %arg13[%swap3A_346] {strides = array<i32>} : memref<80xi32, #tpu.memory_space<vmem>>, vector<16xi32>,
        tpu.vector_store %arg13[%swap3A_346], %and3A_345 {strides = array<i32>} : memref<80xi32, #tpu.memory_space<vmem>>, vector<16xi32>,
        %shift_right_arithmetic3A_348 = arith.constant 16 : i32
        %shift_right_arithmetic3A_349 = vector.broadcast %shift_right_arithmetic3A_348 : i32 to vector<16xi32>
        %shift_right_arithmetic3A_350 = arith.shrsi %get3A_342, %shift_right_arithmetic3A_349 : vector<16xi32>
        %swap3A_351 = arith.constant 0 : index
        %swap3A_352 = tpu.vector_load %arg16[%swap3A_351] {strides = array<i32>} : memref<80xi32, #tpu.memory_space<vmem>>, vector<16xi32>,
        tpu.vector_store %arg16[%swap3A_351], %shift_right_arithmetic3A_350 {strides = array<i32>} : memref<80xi32, #tpu.memory_space<vmem>>, vector<16xi32>,
        %get3A_353 = arith.constant 16 : index
        %get3A_354 = tpu.vector_load %arg10[%get3A_353] {strides = array<i32>} : memref<80xi32, #tpu.memory_space<vmem>>, vector<16xi32>,
        %and3A_355 = arith.constant 65535 : i32
        %and3A_356 = vector.broadcast %and3A_355 : i32 to vector<16xi32>
        %and3A_357 = arith.andi %get3A_354, %and3A_356 : vector<16xi32>
        %swap3A_358 = arith.constant 16 : index
        %swap3A_359 = tpu.vector_load %arg13[%swap3A_358] {strides = array<i32>} : memref<80xi32, #tpu.memory_space<vmem>>, vector<16xi32>,
        tpu.vector_store %arg13[%swap3A_358], %and3A_357 {strides = array<i32>} : memref<80xi32, #tpu.memory_space<vmem>>, vector<16xi32>,
        %shift_right_arithmetic3A_360 = arith.constant 16 : i32
        %shift_right_arithmetic3A_361 = vector.broadcast %shift_right_arithmetic3A_360 : i32 to vector<16xi32>
        %shift_right_arithmetic3A_362 = arith.shrsi %get3A_354, %shift_right_arithmetic3A_361 : vector<16xi32>
        %swap3A_363 = arith.constant 16 : index
        %swap3A_364 = tpu.vector_load %arg16[%swap3A_363] {strides = array<i32>} : memref<80xi32, #tpu.memory_space<vmem>>, vector<16xi32>,
        tpu.vector_store %arg16[%swap3A_363], %shift_right_arithmetic3A_362 {strides = array<i32>} : memref<80xi32, #tpu.memory_space<vmem>>, vector<16xi32>,
        %get3A_365 = arith.constant 32 : index
        %get3A_366 = tpu.vector_load %arg10[%get3A_365] {strides = array<i32>} : memref<80xi32, #tpu.memory_space<vmem>>, vector<16xi32>,
        %and3A_367 = arith.constant 65535 : i32
        %and3A_368 = vector.broadcast %and3A_367 : i32 to vector<16xi32>
        %and3A_369 = arith.andi %get3A_366, %and3A_368 : vector<16xi32>
        %swap3A_370 = arith.constant 32 : index
        %swap3A_371 = tpu.vector_load %arg13[%swap3A_370] {strides = array<i32>} : memref<80xi32, #tpu.memory_space<vmem>>, vector<16xi32>,
        tpu.vector_store %arg13[%swap3A_370], %and3A_369 {strides = array<i32>} : memref<80xi32, #tpu.memory_space<vmem>>, vector<16xi32>,
        %shift_right_arithmetic3A_372 = arith.constant 16 : i32
        %shift_right_arithmetic3A_373 = vector.broadcast %shift_right_arithmetic3A_372 : i32 to vector<16xi32>
        %shift_right_arithmetic3A_374 = arith.shrsi %get3A_366, %shift_right_arithmetic3A_373 : vector<16xi32>
        %swap3A_375 = arith.constant 32 : index
        %swap3A_376 = tpu.vector_load %arg16[%swap3A_375] {strides = array<i32>} : memref<80xi32, #tpu.memory_space<vmem>>, vector<16xi32>,
        tpu.vector_store %arg16[%swap3A_375], %shift_right_arithmetic3A_374 {strides = array<i32>} : memref<80xi32, #tpu.memory_space<vmem>>, vector<16xi32>,
        %get3A_377 = arith.constant 48 : index
        %get3A_378 = tpu.vector_load %arg10[%get3A_377] {strides = array<i32>} : memref<80xi32, #tpu.memory_space<vmem>>, vector<16xi32>,
        %and3A_379 = arith.constant 65535 : i32
        %and3A_380 = vector.broadcast %and3A_379 : i32 to vector<16xi32>
        %and3A_381 = arith.andi %get3A_378, %and3A_380 : vector<16xi32>
        %swap3A_382 = arith.constant 48 : index
        %swap3A_383 = tpu.vector_load %arg13[%swap3A_382] {strides = array<i32>} : memref<80xi32, #tpu.memory_space<vmem>>, vector<16xi32>,
        tpu.vector_store %arg13[%swap3A_382], %and3A_381 {strides = array<i32>} : memref<80xi32, #tpu.memory_space<vmem>>, vector<16xi32>,
        %shift_right_arithmetic3A_384 = arith.constant 16 : i32
        %shift_right_arithmetic3A_385 = vector.broadcast %shift_right_arithmetic3A_384 : i32 to vector<16xi32>
        %shift_right_arithmetic3A_386 = arith.shrsi %get3A_378, %shift_right_arithmetic3A_385 : vector<16xi32>
        %swap3A_387 = arith.constant 48 : index
        %swap3A_388 = tpu.vector_load %arg16[%swap3A_387] {strides = array<i32>} : memref<80xi32, #tpu.memory_space<vmem>>, vector<16xi32>,
        tpu.vector_store %arg16[%swap3A_387], %shift_right_arithmetic3A_386 {strides = array<i32>} : memref<80xi32, #tpu.memory_space<vmem>>, vector<16xi32>,
        %get3A_389 = arith.constant 64 : index
        %get3A_390 = tpu.vector_load %arg10[%get3A_389] {strides = array<i32>} : memref<80xi32, #tpu.memory_space<vmem>>, vector<16xi32>,
        %and3A_391 = arith.constant 65535 : i32
        %and3A_392 = vector.broadcast %and3A_391 : i32 to vector<16xi32>
        %and3A_393 = arith.andi %get3A_390, %and3A_392 : vector<16xi32>
        %swap3A_394 = arith.constant 64 : index
        %swap3A_395 = tpu.vector_load %arg13[%swap3A_394] {strides = array<i32>} : memref<80xi32, #tpu.memory_space<vmem>>, vector<16xi32>,
        tpu.vector_store %arg13[%swap3A_394], %and3A_393 {strides = array<i32>} : memref<80xi32, #tpu.memory_space<vmem>>, vector<16xi32>,
        %shift_right_arithmetic3A_396 = arith.constant 16 : i32
        %shift_right_arithmetic3A_397 = vector.broadcast %shift_right_arithmetic3A_396 : i32 to vector<16xi32>
        %shift_right_arithmetic3A_398 = arith.shrsi %get3A_390, %shift_right_arithmetic3A_397 : vector<16xi32>
        %swap3A_399 = arith.constant 64 : index
        %swap3A_400 = tpu.vector_load %arg16[%swap3A_399] {strides = array<i32>} : memref<80xi32, #tpu.memory_space<vmem>>, vector<16xi32>,
        tpu.vector_store %arg16[%swap3A_399], %shift_right_arithmetic3A_398 {strides = array<i32>} : memref<80xi32, #tpu.memory_space<vmem>>, vector<16xi32>,
        %dma_start3A_401 = arith.constant 0 : i32
        %dma_start3A_402 = arith.constant 0 : i32
        %dma_start3A_403 = tpu.memref_slice %arg2[%dma_start3A_401, %dma_start3A_402] : memref<10000x128xf32, #tpu.memory_space<hbm>> -> memref<10000x128xf32, #tpu.memory_space<hbm>>
        tpu.enqueue_indirect_dma source(%dma_start3A_403 : memref<10000x128xf32, #tpu.memory_space<hbm>>) target(%arg7 : memref<80x128xf32, #tpu.memory_space<vmem>>) offsets(%arg13 : memref<80xi32, #tpu.memory_space<vmem>>) semaphore(%arg19 : memref<!tpu.dma_semaphore, #tpu.memory_space<semaphore_mem>>)
        %add3A_404 = arith.constant 3 : i32
        %add3A_405 = arith.addi %add3A_306, %add3A_404 : i32
        %lt3A_406 = arith.constant 125 : i32
        %lt3A_407 = arith.cmpi slt, %add3A_405, %lt3A_406 : i32
        %convert_element_type3A_408 = arith.extui %lt3A_407 : i1 to i32
        %cond3A_409 = arith.constant 0 : i32
        %cond3A_410 = arith.cmpi ne, %convert_element_type3A_408, %cond3A_409 : i32
        scf.if %cond3A_410 {
          %add3A_411 = arith.constant 3 : i32
          %add3A_412 = arith.addi %add3A_306, %add3A_411 : i32
          %dma_start3A_413 = arith.constant 0 : i32
          %dma_start3A_414 = tpu.memref_slice %arg3[%add3A, %add3A_412, %dma_start3A_413] : memref<32x125x80xi32, #tpu.memory_space<hbm>> -> memref<1x1x80xi32, #tpu.memory_space<hbm>>
          %dma_start3A_415 = tpu.memref_squeeze %dma_start3A_414 : memref<1x1x80xi32, #tpu.memory_space<hbm>> -> memref<80xi32, #tpu.memory_space<hbm>>
          %dma_start3A_416 = arith.constant 0 : i32
          %dma_start3A_417 = tpu.memref_slice %arg3[%add3A, %add3A_412, %dma_start3A_416] : memref<32x125x80xi32, #tpu.memory_space<hbm>> -> memref<1x1x80xi32, #tpu.memory_space<hbm>>
          %dma_start3A_418 = tpu.memref_squeeze %dma_start3A_417 : memref<1x1x80xi32, #tpu.memory_space<hbm>> -> memref<80xi32, #tpu.memory_space<hbm>>
          tpu.enqueue_dma source(%dma_start3A_418 : memref<80xi32, #tpu.memory_space<hbm>>) target(%arg10 : memref<80xi32, #tpu.memory_space<vmem>>) target_semaphore(%arg25 : memref<!tpu.dma_semaphore, #tpu.memory_space<semaphore_mem>>)
        } else {
        }
      } else {
      }
      %mul3A_309 = arith.constant 3 : i32
      %mul3A_310 = arith.muli %scan3A_282, %mul3A_309 : i32
      %add3A_311 = arith.constant 1 : i32
      %add3A_312 = arith.addi %mul3A_310, %add3A_311 : i32
      %add3A_313 = arith.constant 3 : i32
      %add3A_314 = arith.addi %add3A_312, %add3A_313 : i32
      %lt3A_315 = arith.constant 125 : i32
      %lt3A_316 = arith.cmpi slt, %add3A_314, %lt3A_315 : i32
      %convert_element_type3A_317 = arith.extui %lt3A_316 : i1 to i32
      %cond3A_318 = arith.constant 0 : i32
      %cond3A_319 = arith.cmpi ne, %convert_element_type3A_317, %cond3A_318 : i32
      scf.if %cond3A_319 {
        %dma_wait3A_331 = arith.constant 0 : i32
        %dma_wait3A_332 = arith.constant 0 : i32
        %dma_wait3A_333 = tpu.memref_slice %arg6[%dma_wait3A_331, %dma_wait3A_332] : memref<10240x128xf32, #tpu.memory_space<vmem_shared>> -> memref<10240x128xf32, #tpu.memory_space<vmem_shared>>
        tpu.wait_indirect_dma semaphore(%arg23 : memref<!tpu.dma_semaphore, #tpu.memory_space<semaphore_mem>>) src(%arg8 : memref<80x128xf32, #tpu.memory_space<vmem>>) dst(%dma_wait3A_333 : memref<10240x128xf32, #tpu.memory_space<vmem_shared>>)
        %dma_wait3A_334 = arith.constant 0 : i32
        %dma_wait3A_335 = arith.constant 0 : i32
        %dma_wait3A_336 = tpu.memref_slice %arg3[%add3A, %dma_wait3A_334, %dma_wait3A_335] : memref<32x125x80xi32, #tpu.memory_space<hbm>> -> memref<1x1x80xi32, #tpu.memory_space<hbm>>
        %dma_wait3A_337 = tpu.memref_squeeze %dma_wait3A_336 : memref<1x1x80xi32, #tpu.memory_space<hbm>> -> memref<80xi32, #tpu.memory_space<hbm>>
        %dma_wait3A_338 = arith.constant 0 : i32
        %dma_wait3A_339 = tpu.memref_slice %arg3[%add3A, %dma_wait3A_334, %dma_wait3A_338] : memref<32x125x80xi32, #tpu.memory_space<hbm>> -> memref<1x1x80xi32, #tpu.memory_space<hbm>>
        %dma_wait3A_340 = tpu.memref_squeeze %dma_wait3A_339 : memref<1x1x80xi32, #tpu.memory_space<hbm>> -> memref<80xi32, #tpu.memory_space<hbm>>
        tpu.wait_dma2 semaphore(%arg26 : memref<!tpu.dma_semaphore, #tpu.memory_space<semaphore_mem>>) src(%dma_wait3A_340 : memref<80xi32, #tpu.memory_space<hbm>>) dst(%arg11 : memref<80xi32, #tpu.memory_space<vmem>>)
        %get3A_341 = arith.constant 0 : index
        %get3A_342 = tpu.vector_load %arg11[%get3A_341] {strides = array<i32>} : memref<80xi32, #tpu.memory_space<vmem>>, vector<16xi32>,
        %and3A_343 = arith.constant 65535 : i32
        %and3A_344 = vector.broadcast %and3A_343 : i32 to vector<16xi32>
        %and3A_345 = arith.andi %get3A_342, %and3A_344 : vector<16xi32>
        %swap3A_346 = arith.constant 0 : index
        %swap3A_347 = tpu.vector_load %arg14[%swap3A_346] {strides = array<i32>} : memref<80xi32, #tpu.memory_space<vmem>>, vector<16xi32>,
        tpu.vector_store %arg14[%swap3A_346], %and3A_345 {strides = array<i32>} : memref<80xi32, #tpu.memory_space<vmem>>, vector<16xi32>,
        %shift_right_arithmetic3A_348 = arith.constant 16 : i32
        %shift_right_arithmetic3A_349 = vector.broadcast %shift_right_arithmetic3A_348 : i32 to vector<16xi32>
        %shift_right_arithmetic3A_350 = arith.shrsi %get3A_342, %shift_right_arithmetic3A_349 : vector<16xi32>
        %swap3A_351 = arith.constant 0 : index
        %swap3A_352 = tpu.vector_load %arg17[%swap3A_351] {strides = array<i32>} : memref<80xi32, #tpu.memory_space<vmem>>, vector<16xi32>,
        tpu.vector_store %arg17[%swap3A_351], %shift_right_arithmetic3A_350 {strides = array<i32>} : memref<80xi32, #tpu.memory_space<vmem>>, vector<16xi32>,
        %get3A_353 = arith.constant 16 : index
        %get3A_354 = tpu.vector_load %arg11[%get3A_353] {strides = array<i32>} : memref<80xi32, #tpu.memory_space<vmem>>, vector<16xi32>,
        %and3A_355 = arith.constant 65535 : i32
        %and3A_356 = vector.broadcast %and3A_355 : i32 to vector<16xi32>
        %and3A_357 = arith.andi %get3A_354, %and3A_356 : vector<16xi32>
        %swap3A_358 = arith.constant 16 : index
        %swap3A_359 = tpu.vector_load %arg14[%swap3A_358] {strides = array<i32>} : memref<80xi32, #tpu.memory_space<vmem>>, vector<16xi32>,
        tpu.vector_store %arg14[%swap3A_358], %and3A_357 {strides = array<i32>} : memref<80xi32, #tpu.memory_space<vmem>>, vector<16xi32>,
        %shift_right_arithmetic3A_360 = arith.constant 16 : i32
        %shift_right_arithmetic3A_361 = vector.broadcast %shift_right_arithmetic3A_360 : i32 to vector<16xi32>
        %shift_right_arithmetic3A_362 = arith.shrsi %get3A_354, %shift_right_arithmetic3A_361 : vector<16xi32>
        %swap3A_363 = arith.constant 16 : index
        %swap3A_364 = tpu.vector_load %arg17[%swap3A_363] {strides = array<i32>} : memref<80xi32, #tpu.memory_space<vmem>>, vector<16xi32>,
        tpu.vector_store %arg17[%swap3A_363], %shift_right_arithmetic3A_362 {strides = array<i32>} : memref<80xi32, #tpu.memory_space<vmem>>, vector<16xi32>,
        %get3A_365 = arith.constant 32 : index
        %get3A_366 = tpu.vector_load %arg11[%get3A_365] {strides = array<i32>} : memref<80xi32, #tpu.memory_space<vmem>>, vector<16xi32>,
        %and3A_367 = arith.constant 65535 : i32
        %and3A_368 = vector.broadcast %and3A_367 : i32 to vector<16xi32>
        %and3A_369 = arith.andi %get3A_366, %and3A_368 : vector<16xi32>
        %swap3A_370 = arith.constant 32 : index
        %swap3A_371 = tpu.vector_load %arg14[%swap3A_370] {strides = array<i32>} : memref<80xi32, #tpu.memory_space<vmem>>, vector<16xi32>,
        tpu.vector_store %arg14[%swap3A_370], %and3A_369 {strides = array<i32>} : memref<80xi32, #tpu.memory_space<vmem>>, vector<16xi32>,
        %shift_right_arithmetic3A_372 = arith.constant 16 : i32
        %shift_right_arithmetic3A_373 = vector.broadcast %shift_right_arithmetic3A_372 : i32 to vector<16xi32>
        %shift_right_arithmetic3A_374 = arith.shrsi %get3A_366, %shift_right_arithmetic3A_373 : vector<16xi32>
        %swap3A_375 = arith.constant 32 : index
        %swap3A_376 = tpu.vector_load %arg17[%swap3A_375] {strides = array<i32>} : memref<80xi32, #tpu.memory_space<vmem>>, vector<16xi32>,
        tpu.vector_store %arg17[%swap3A_375], %shift_right_arithmetic3A_374 {strides = array<i32>} : memref<80xi32, #tpu.memory_space<vmem>>, vector<16xi32>,
        %get3A_377 = arith.constant 48 : index
        %get3A_378 = tpu.vector_load %arg11[%get3A_377] {strides = array<i32>} : memref<80xi32, #tpu.memory_space<vmem>>, vector<16xi32>,
        %and3A_379 = arith.constant 65535 : i32
        %and3A_380 = vector.broadcast %and3A_379 : i32 to vector<16xi32>
        %and3A_381 = arith.andi %get3A_378, %and3A_380 : vector<16xi32>
        %swap3A_382 = arith.constant 48 : index
        %swap3A_383 = tpu.vector_load %arg14[%swap3A_382] {strides = array<i32>} : memref<80xi32, #tpu.memory_space<vmem>>, vector<16xi32>,
        tpu.vector_store %arg14[%swap3A_382], %and3A_381 {strides = array<i32>} : memref<80xi32, #tpu.memory_space<vmem>>, vector<16xi32>,
        %shift_right_arithmetic3A_384 = arith.constant 16 : i32
        %shift_right_arithmetic3A_385 = vector.broadcast %shift_right_arithmetic3A_384 : i32 to vector<16xi32>
        %shift_right_arithmetic3A_386 = arith.shrsi %get3A_378, %shift_right_arithmetic3A_385 : vector<16xi32>
        %swap3A_387 = arith.constant 48 : index
        %swap3A_388 = tpu.vector_load %arg17[%swap3A_387] {strides = array<i32>} : memref<80xi32, #tpu.memory_space<vmem>>, vector<16xi32>,
        tpu.vector_store %arg17[%swap3A_387], %shift_right_arithmetic3A_386 {strides = array<i32>} : memref<80xi32, #tpu.memory_space<vmem>>, vector<16xi32>,
        %get3A_389 = arith.constant 64 : index
        %get3A_390 = tpu.vector_load %arg11[%get3A_389] {strides = array<i32>} : memref<80xi32, #tpu.memory_space<vmem>>, vector<16xi32>,
        %and3A_391 = arith.constant 65535 : i32
        %and3A_392 = vector.broadcast %and3A_391 : i32 to vector<16xi32>
        %and3A_393 = arith.andi %get3A_390, %and3A_392 : vector<16xi32>
        %swap3A_394 = arith.constant 64 : index
        %swap3A_395 = tpu.vector_load %arg14[%swap3A_394] {strides = array<i32>} : memref<80xi32, #tpu.memory_space<vmem>>, vector<16xi32>,
        tpu.vector_store %arg14[%swap3A_394], %and3A_393 {strides = array<i32>} : memref<80xi32, #tpu.memory_space<vmem>>, vector<16xi32>,
        %shift_right_arithmetic3A_396 = arith.constant 16 : i32
        %shift_right_arithmetic3A_397 = vector.broadcast %shift_right_arithmetic3A_396 : i32 to vector<16xi32>
        %shift_right_arithmetic3A_398 = arith.shrsi %get3A_390, %shift_right_arithmetic3A_397 : vector<16xi32>
        %swap3A_399 = arith.constant 64 : index
        %swap3A_400 = tpu.vector_load %arg17[%swap3A_399] {strides = array<i32>} : memref<80xi32, #tpu.memory_space<vmem>>, vector<16xi32>,
        tpu.vector_store %arg17[%swap3A_399], %shift_right_arithmetic3A_398 {strides = array<i32>} : memref<80xi32, #tpu.memory_space<vmem>>, vector<16xi32>,
        %dma_start3A_401 = arith.constant 0 : i32
        %dma_start3A_402 = arith.constant 0 : i32
        %dma_start3A_403 = tpu.memref_slice %arg2[%dma_start3A_401, %dma_start3A_402] : memref<10000x128xf32, #tpu.memory_space<hbm>> -> memref<10000x128xf32, #tpu.memory_space<hbm>>
        tpu.enqueue_indirect_dma source(%dma_start3A_403 : memref<10000x128xf32, #tpu.memory_space<hbm>>) target(%arg8 : memref<80x128xf32, #tpu.memory_space<vmem>>) offsets(%arg14 : memref<80xi32, #tpu.memory_space<vmem>>) semaphore(%arg20 : memref<!tpu.dma_semaphore, #tpu.memory_space<semaphore_mem>>)
        %add3A_404 = arith.constant 3 : i32
        %add3A_405 = arith.addi %add3A_314, %add3A_404 : i32
        %lt3A_406 = arith.constant 125 : i32
        %lt3A_407 = arith.cmpi slt, %add3A_405, %lt3A_406 : i32
        %convert_element_type3A_408 = arith.extui %lt3A_407 : i1 to i32
        %cond3A_409 = arith.constant 0 : i32
        %cond3A_410 = arith.cmpi ne, %convert_element_type3A_408, %cond3A_409 : i32
        scf.if %cond3A_410 {
          %add3A_411 = arith.constant 3 : i32
          %add3A_412 = arith.addi %add3A_314, %add3A_411 : i32
          %dma_start3A_413 = arith.constant 0 : i32
          %dma_start3A_414 = tpu.memref_slice %arg3[%add3A, %add3A_412, %dma_start3A_413] : memref<32x125x80xi32, #tpu.memory_space<hbm>> -> memref<1x1x80xi32, #tpu.memory_space<hbm>>
          %dma_start3A_415 = tpu.memref_squeeze %dma_start3A_414 : memref<1x1x80xi32, #tpu.memory_space<hbm>> -> memref<80xi32, #tpu.memory_space<hbm>>
          %dma_start3A_416 = arith.constant 0 : i32
          %dma_start3A_417 = tpu.memref_slice %arg3[%add3A, %add3A_412, %dma_start3A_416] : memref<32x125x80xi32, #tpu.memory_space<hbm>> -> memref<1x1x80xi32, #tpu.memory_space<hbm>>
          %dma_start3A_418 = tpu.memref_squeeze %dma_start3A_417 : memref<1x1x80xi32, #tpu.memory_space<hbm>> -> memref<80xi32, #tpu.memory_space<hbm>>
          tpu.enqueue_dma source(%dma_start3A_418 : memref<80xi32, #tpu.memory_space<hbm>>) target(%arg11 : memref<80xi32, #tpu.memory_space<vmem>>) target_semaphore(%arg26 : memref<!tpu.dma_semaphore, #tpu.memory_space<semaphore_mem>>)
        } else {
        }
      } else {
      }
      %mul3A_320 = arith.constant 3 : i32
      %mul3A_321 = arith.muli %scan3A_282, %mul3A_320 : i32
      %add3A_322 = arith.constant 2 : i32
      %add3A_323 = arith.addi %mul3A_321, %add3A_322 : i32
      %add3A_324 = arith.constant 3 : i32
      %add3A_325 = arith.addi %add3A_323, %add3A_324 : i32
      %lt3A_326 = arith.constant 125 : i32
      %lt3A_327 = arith.cmpi slt, %add3A_325, %lt3A_326 : i32
      %convert_element_type3A_328 = arith.extui %lt3A_327 : i1 to i32
      %cond3A_329 = arith.constant 0 : i32
      %cond3A_330 = arith.cmpi ne, %convert_element_type3A_328, %cond3A_329 : i32
      scf.if %cond3A_330 {
        %dma_wait3A_331 = arith.constant 0 : i32
        %dma_wait3A_332 = arith.constant 0 : i32
        %dma_wait3A_333 = tpu.memref_slice %arg6[%dma_wait3A_331, %dma_wait3A_332] : memref<10240x128xf32, #tpu.memory_space<vmem_shared>> -> memref<10240x128xf32, #tpu.memory_space<vmem_shared>>
        tpu.wait_indirect_dma semaphore(%arg24 : memref<!tpu.dma_semaphore, #tpu.memory_space<semaphore_mem>>) src(%arg9 : memref<80x128xf32, #tpu.memory_space<vmem>>) dst(%dma_wait3A_333 : memref<10240x128xf32, #tpu.memory_space<vmem_shared>>)
        %dma_wait3A_334 = arith.constant 0 : i32
        %dma_wait3A_335 = arith.constant 0 : i32
        %dma_wait3A_336 = tpu.memref_slice %arg3[%add3A, %dma_wait3A_334, %dma_wait3A_335] : memref<32x125x80xi32, #tpu.memory_space<hbm>> -> memref<1x1x80xi32, #tpu.memory_space<hbm>>
        %dma_wait3A_337 = tpu.memref_squeeze %dma_wait3A_336 : memref<1x1x80xi32, #tpu.memory_space<hbm>> -> memref<80xi32, #tpu.memory_space<hbm>>
        %dma_wait3A_338 = arith.constant 0 : i32
        %dma_wait3A_339 = tpu.memref_slice %arg3[%add3A, %dma_wait3A_334, %dma_wait3A_338] : memref<32x125x80xi32, #tpu.memory_space<hbm>> -> memref<1x1x80xi32, #tpu.memory_space<hbm>>
        %dma_wait3A_340 = tpu.memref_squeeze %dma_wait3A_339 : memref<1x1x80xi32, #tpu.memory_space<hbm>> -> memref<80xi32, #tpu.memory_space<hbm>>
        tpu.wait_dma2 semaphore(%arg27 : memref<!tpu.dma_semaphore, #tpu.memory_space<semaphore_mem>>) src(%dma_wait3A_340 : memref<80xi32, #tpu.memory_space<hbm>>) dst(%arg12 : memref<80xi32, #tpu.memory_space<vmem>>)
        %get3A_341 = arith.constant 0 : index
        %get3A_342 = tpu.vector_load %arg12[%get3A_341] {strides = array<i32>} : memref<80xi32, #tpu.memory_space<vmem>>, vector<16xi32>,
        %and3A_343 = arith.constant 65535 : i32
        %and3A_344 = vector.broadcast %and3A_343 : i32 to vector<16xi32>
        %and3A_345 = arith.andi %get3A_342, %and3A_344 : vector<16xi32>
        %swap3A_346 = arith.constant 0 : index
        %swap3A_347 = tpu.vector_load %arg15[%swap3A_346] {strides = array<i32>} : memref<80xi32, #tpu.memory_space<vmem>>, vector<16xi32>,
        tpu.vector_store %arg15[%swap3A_346], %and3A_345 {strides = array<i32>} : memref<80xi32, #tpu.memory_space<vmem>>, vector<16xi32>,
        %shift_right_arithmetic3A_348 = arith.constant 16 : i32
        %shift_right_arithmetic3A_349 = vector.broadcast %shift_right_arithmetic3A_348 : i32 to vector<16xi32>
        %shift_right_arithmetic3A_350 = arith.shrsi %get3A_342, %shift_right_arithmetic3A_349 : vector<16xi32>
        %swap3A_351 = arith.constant 0 : index
        %swap3A_352 = tpu.vector_load %arg18[%swap3A_351] {strides = array<i32>} : memref<80xi32, #tpu.memory_space<vmem>>, vector<16xi32>,
        tpu.vector_store %arg18[%swap3A_351], %shift_right_arithmetic3A_350 {strides = array<i32>} : memref<80xi32, #tpu.memory_space<vmem>>, vector<16xi32>,
        %get3A_353 = arith.constant 16 : index
        %get3A_354 = tpu.vector_load %arg12[%get3A_353] {strides = array<i32>} : memref<80xi32, #tpu.memory_space<vmem>>, vector<16xi32>,
        %and3A_355 = arith.constant 65535 : i32
        %and3A_356 = vector.broadcast %and3A_355 : i32 to vector<16xi32>
        %and3A_357 = arith.andi %get3A_354, %and3A_356 : vector<16xi32>
        %swap3A_358 = arith.constant 16 : index
        %swap3A_359 = tpu.vector_load %arg15[%swap3A_358] {strides = array<i32>} : memref<80xi32, #tpu.memory_space<vmem>>, vector<16xi32>,
        tpu.vector_store %arg15[%swap3A_358], %and3A_357 {strides = array<i32>} : memref<80xi32, #tpu.memory_space<vmem>>, vector<16xi32>,
        %shift_right_arithmetic3A_360 = arith.constant 16 : i32
        %shift_right_arithmetic3A_361 = vector.broadcast %shift_right_arithmetic3A_360 : i32 to vector<16xi32>
        %shift_right_arithmetic3A_362 = arith.shrsi %get3A_354, %shift_right_arithmetic3A_361 : vector<16xi32>
        %swap3A_363 = arith.constant 16 : index
        %swap3A_364 = tpu.vector_load %arg18[%swap3A_363] {strides = array<i32>} : memref<80xi32, #tpu.memory_space<vmem>>, vector<16xi32>,
        tpu.vector_store %arg18[%swap3A_363], %shift_right_arithmetic3A_362 {strides = array<i32>} : memref<80xi32, #tpu.memory_space<vmem>>, vector<16xi32>,
        %get3A_365 = arith.constant 32 : index
        %get3A_366 = tpu.vector_load %arg12[%get3A_365] {strides = array<i32>} : memref<80xi32, #tpu.memory_space<vmem>>, vector<16xi32>,
        %and3A_367 = arith.constant 65535 : i32
        %and3A_368 = vector.broadcast %and3A_367 : i32 to vector<16xi32>
        %and3A_369 = arith.andi %get3A_366, %and3A_368 : vector<16xi32>
        %swap3A_370 = arith.constant 32 : index
        %swap3A_371 = tpu.vector_load %arg15[%swap3A_370] {strides = array<i32>} : memref<80xi32, #tpu.memory_space<vmem>>, vector<16xi32>,
        tpu.vector_store %arg15[%swap3A_370], %and3A_369 {strides = array<i32>} : memref<80xi32, #tpu.memory_space<vmem>>, vector<16xi32>,
        %shift_right_arithmetic3A_372 = arith.constant 16 : i32
        %shift_right_arithmetic3A_373 = vector.broadcast %shift_right_arithmetic3A_372 : i32 to vector<16xi32>
        %shift_right_arithmetic3A_374 = arith.shrsi %get3A_366, %shift_right_arithmetic3A_373 : vector<16xi32>
        %swap3A_375 = arith.constant 32 : index
        %swap3A_376 = tpu.vector_load %arg18[%swap3A_375] {strides = array<i32>} : memref<80xi32, #tpu.memory_space<vmem>>, vector<16xi32>,
        tpu.vector_store %arg18[%swap3A_375], %shift_right_arithmetic3A_374 {strides = array<i32>} : memref<80xi32, #tpu.memory_space<vmem>>, vector<16xi32>,
        %get3A_377 = arith.constant 48 : index
        %get3A_378 = tpu.vector_load %arg12[%get3A_377] {strides = array<i32>} : memref<80xi32, #tpu.memory_space<vmem>>, vector<16xi32>,
        %and3A_379 = arith.constant 65535 : i32
        %and3A_380 = vector.broadcast %and3A_379 : i32 to vector<16xi32>
        %and3A_381 = arith.andi %get3A_378, %and3A_380 : vector<16xi32>
        %swap3A_382 = arith.constant 48 : index
        %swap3A_383 = tpu.vector_load %arg15[%swap3A_382] {strides = array<i32>} : memref<80xi32, #tpu.memory_space<vmem>>, vector<16xi32>,
        tpu.vector_store %arg15[%swap3A_382], %and3A_381 {strides = array<i32>} : memref<80xi32, #tpu.memory_space<vmem>>, vector<16xi32>,
        %shift_right_arithmetic3A_384 = arith.constant 16 : i32
        %shift_right_arithmetic3A_385 = vector.broadcast %shift_right_arithmetic3A_384 : i32 to vector<16xi32>
        %shift_right_arithmetic3A_386 = arith.shrsi %get3A_378, %shift_right_arithmetic3A_385 : vector<16xi32>
        %swap3A_387 = arith.constant 48 : index
        %swap3A_388 = tpu.vector_load %arg18[%swap3A_387] {strides = array<i32>} : memref<80xi32, #tpu.memory_space<vmem>>, vector<16xi32>,
        tpu.vector_store %arg18[%swap3A_387], %shift_right_arithmetic3A_386 {strides = array<i32>} : memref<80xi32, #tpu.memory_space<vmem>>, vector<16xi32>,
        %get3A_389 = arith.constant 64 : index
        %get3A_390 = tpu.vector_load %arg12[%get3A_389] {strides = array<i32>} : memref<80xi32, #tpu.memory_space<vmem>>, vector<16xi32>,
        %and3A_391 = arith.constant 65535 : i32
        %and3A_392 = vector.broadcast %and3A_391 : i32 to vector<16xi32>
        %and3A_393 = arith.andi %get3A_390, %and3A_392 : vector<16xi32>
        %swap3A_394 = arith.constant 64 : index
        %swap3A_395 = tpu.vector_load %arg15[%swap3A_394] {strides = array<i32>} : memref<80xi32, #tpu.memory_space<vmem>>, vector<16xi32>,
        tpu.vector_store %arg15[%swap3A_394], %and3A_393 {strides = array<i32>} : memref<80xi32, #tpu.memory_space<vmem>>, vector<16xi32>,
        %shift_right_arithmetic3A_396 = arith.constant 16 : i32
        %shift_right_arithmetic3A_397 = vector.broadcast %shift_right_arithmetic3A_396 : i32 to vector<16xi32>
        %shift_right_arithmetic3A_398 = arith.shrsi %get3A_390, %shift_right_arithmetic3A_397 : vector<16xi32>
        %swap3A_399 = arith.constant 64 : index
        %swap3A_400 = tpu.vector_load %arg18[%swap3A_399] {strides = array<i32>} : memref<80xi32, #tpu.memory_space<vmem>>, vector<16xi32>,
        tpu.vector_store %arg18[%swap3A_399], %shift_right_arithmetic3A_398 {strides = array<i32>} : memref<80xi32, #tpu.memory_space<vmem>>, vector<16xi32>,
        %dma_start3A_401 = arith.constant 0 : i32
        %dma_start3A_402 = arith.constant 0 : i32
        %dma_start3A_403 = tpu.memref_slice %arg2[%dma_start3A_401, %dma_start3A_402] : memref<10000x128xf32, #tpu.memory_space<hbm>> -> memref<10000x128xf32, #tpu.memory_space<hbm>>
        tpu.enqueue_indirect_dma source(%dma_start3A_403 : memref<10000x128xf32, #tpu.memory_space<hbm>>) target(%arg9 : memref<80x128xf32, #tpu.memory_space<vmem>>) offsets(%arg15 : memref<80xi32, #tpu.memory_space<vmem>>) semaphore(%arg21 : memref<!tpu.dma_semaphore, #tpu.memory_space<semaphore_mem>>)
        %add3A_404 = arith.constant 3 : i32
        %add3A_405 = arith.addi %add3A_325, %add3A_404 : i32
        %lt3A_406 = arith.constant 125 : i32
        %lt3A_407 = arith.cmpi slt, %add3A_405, %lt3A_406 : i32
        %convert_element_type3A_408 = arith.extui %lt3A_407 : i1 to i32
        %cond3A_409 = arith.constant 0 : i32
        %cond3A_410 = arith.cmpi ne, %convert_element_type3A_408, %cond3A_409 : i32
        scf.if %cond3A_410 {
          %add3A_411 = arith.constant 3 : i32
          %add3A_412 = arith.addi %add3A_325, %add3A_411 : i32
          %dma_start3A_413 = arith.constant 0 : i32
          %dma_start3A_414 = tpu.memref_slice %arg3[%add3A, %add3A_412, %dma_start3A_413] : memref<32x125x80xi32, #tpu.memory_space<hbm>> -> memref<1x1x80xi32, #tpu.memory_space<hbm>>
          %dma_start3A_415 = tpu.memref_squeeze %dma_start3A_414 : memref<1x1x80xi32, #tpu.memory_space<hbm>> -> memref<80xi32, #tpu.memory_space<hbm>>
          %dma_start3A_416 = arith.constant 0 : i32
          %dma_start3A_417 = tpu.memref_slice %arg3[%add3A, %add3A_412, %dma_start3A_416] : memref<32x125x80xi32, #tpu.memory_space<hbm>> -> memref<1x1x80xi32, #tpu.memory_space<hbm>>
          %dma_start3A_418 = tpu.memref_squeeze %dma_start3A_417 : memref<1x1x80xi32, #tpu.memory_space<hbm>> -> memref<80xi32, #tpu.memory_space<hbm>>
          tpu.enqueue_dma source(%dma_start3A_418 : memref<80xi32, #tpu.memory_space<hbm>>) target(%arg12 : memref<80xi32, #tpu.memory_space<vmem>>) target_semaphore(%arg27 : memref<!tpu.dma_semaphore, #tpu.memory_space<semaphore_mem>>)
        } else {
        }
      } else {
      }
    }
    %scan3A_255 = arith.constant 41 : i32
    %dma_wait3A_256 = arith.constant 0 : i32
    %dma_wait3A_257 = arith.constant 0 : i32
    %dma_wait3A_258 = tpu.memref_slice %arg2[%dma_wait3A_256, %dma_wait3A_257] : memref<10000x128xf32, #tpu.memory_space<hbm>> -> memref<10000x128xf32, #tpu.memory_space<hbm>>
    tpu.wait_indirect_dma semaphore(%arg19 : memref<!tpu.dma_semaphore, #tpu.memory_space<semaphore_mem>>) src(%dma_wait3A_258 : memref<10000x128xf32, #tpu.memory_space<hbm>>) dst(%arg7 : memref<80x128xf32, #tpu.memory_space<vmem>>)
    %dma_start3A_259 = arith.constant 0 : i32
    %dma_start3A_260 = arith.constant 0 : i32
    %dma_start3A_261 = tpu.memref_slice %arg6[%dma_start3A_259, %dma_start3A_260] : memref<10240x128xf32, #tpu.memory_space<vmem_shared>> -> memref<10240x128xf32, #tpu.memory_space<vmem_shared>>
    tpu.enqueue_indirect_dma source(%arg7 : memref<80x128xf32, #tpu.memory_space<vmem>>) target(%dma_start3A_261 : memref<10240x128xf32, #tpu.memory_space<vmem_shared>>) offsets(%arg16 : memref<80xi32, #tpu.memory_space<vmem>>) semaphore(%arg22 : memref<!tpu.dma_semaphore, #tpu.memory_space<semaphore_mem>>) {add = true}
    %dma_wait3A_262 = arith.constant 0 : i32
    %dma_wait3A_263 = arith.constant 0 : i32
    %dma_wait3A_264 = tpu.memref_slice %arg2[%dma_wait3A_262, %dma_wait3A_263] : memref<10000x128xf32, #tpu.memory_space<hbm>> -> memref<10000x128xf32, #tpu.memory_space<hbm>>
    tpu.wait_indirect_dma semaphore(%arg20 : memref<!tpu.dma_semaphore, #tpu.memory_space<semaphore_mem>>) src(%dma_wait3A_264 : memref<10000x128xf32, #tpu.memory_space<hbm>>) dst(%arg8 : memref<80x128xf32, #tpu.memory_space<vmem>>)
    %dma_start3A_265 = arith.constant 0 : i32
    %dma_start3A_266 = arith.constant 0 : i32
    %dma_start3A_267 = tpu.memref_slice %arg6[%dma_start3A_265, %dma_start3A_266] : memref<10240x128xf32, #tpu.memory_space<vmem_shared>> -> memref<10240x128xf32, #tpu.memory_space<vmem_shared>>
    tpu.enqueue_indirect_dma source(%arg8 : memref<80x128xf32, #tpu.memory_space<vmem>>) target(%dma_start3A_267 : memref<10240x128xf32, #tpu.memory_space<vmem_shared>>) offsets(%arg17 : memref<80xi32, #tpu.memory_space<vmem>>) semaphore(%arg23 : memref<!tpu.dma_semaphore, #tpu.memory_space<semaphore_mem>>) {add = true}
    %dma_wait3A_268 = arith.constant 0 : i32
    %dma_wait3A_269 = arith.constant 0 : i32
    %dma_wait3A_270 = tpu.memref_slice %arg6[%dma_wait3A_268, %dma_wait3A_269] : memref<10240x128xf32, #tpu.memory_space<vmem_shared>> -> memref<10240x128xf32, #tpu.memory_space<vmem_shared>>
    tpu.wait_indirect_dma semaphore(%arg22 : memref<!tpu.dma_semaphore, #tpu.memory_space<semaphore_mem>>) src(%arg7 : memref<80x128xf32, #tpu.memory_space<vmem>>) dst(%dma_wait3A_270 : memref<10240x128xf32, #tpu.memory_space<vmem_shared>>)
    %dma_wait3A_271 = arith.constant 0 : i32
    %dma_wait3A_272 = arith.constant 0 : i32
    %dma_wait3A_273 = tpu.memref_slice %arg6[%dma_wait3A_271, %dma_wait3A_272] : memref<10240x128xf32, #tpu.memory_space<vmem_shared>> -> memref<10240x128xf32, #tpu.memory_space<vmem_shared>>
    tpu.wait_indirect_dma semaphore(%arg23 : memref<!tpu.dma_semaphore, #tpu.memory_space<semaphore_mem>>) src(%arg8 : memref<80x128xf32, #tpu.memory_space<vmem>>) dst(%dma_wait3A_273 : memref<10240x128xf32, #tpu.memory_space<vmem_shared>>)
    %dma_wait3A_274 = arith.constant 0 : i32
    %dma_wait3A_275 = arith.constant 0 : i32
    %dma_wait3A_276 = tpu.memref_slice %arg6[%dma_wait3A_274, %dma_wait3A_275] : memref<10240x128xf32, #tpu.memory_space<vmem_shared>> -> memref<10240x128xf32, #tpu.memory_space<vmem_shared>>
    tpu.wait_indirect_dma semaphore(%arg24 : memref<!tpu.dma_semaphore, #tpu.memory_space<semaphore_mem>>) src(%arg9 : memref<80x128xf32, #tpu.memory_space<vmem>>) dst(%dma_wait3A_276 : memref<10240x128xf32, #tpu.memory_space<vmem_shared>>)
    %barrier3A_277 = arith.constant 0 : index
    tpu.barrier barrier_id(%barrier3A_277)
    %mul3A_278 = arith.constant 640 : i32
    %mul3A_279 = arith.muli %arg1, %mul3A_278 : i32
    %mul3A_280 = arith.constant 640 : i32
    %mul3A_281 = arith.muli %arg1, %mul3A_280 : i32
    "tpu.region"() ({
      %run_scoped3A = tpu.sem_alloc : memref<!tpu.dma_semaphore, #tpu.memory_space<semaphore_mem>>
      %dma_start3A_282 = arith.constant 0 : i32
      %dma_start3A_283 = tpu.memref_slice %arg5[%arg0, %mul3A_281, %dma_start3A_282] : memref<2x10240x128xf32, #tpu.memory_space<hbm>> -> memref<1x640x128xf32, #tpu.memory_space<hbm>>
      %dma_start3A_284 = tpu.memref_squeeze %dma_start3A_283 : memref<1x640x128xf32, #tpu.memory_space<hbm>> -> memref<640x128xf32, #tpu.memory_space<hbm>>
      %dma_start3A_285 = arith.constant 0 : i32
      %dma_start3A_286 = tpu.memref_slice %arg6[%mul3A_279, %dma_start3A_285] : memref<10240x128xf32, #tpu.memory_space<vmem_shared>> -> memref<640x128xf32, #tpu.memory_space<vmem_shared>>
      tpu.enqueue_dma source(%dma_start3A_286 : memref<640x128xf32, #tpu.memory_space<vmem_shared>>) target(%dma_start3A_284 : memref<640x128xf32, #tpu.memory_space<hbm>>) target_semaphore(%run_scoped3A : memref<!tpu.dma_semaphore, #tpu.memory_space<semaphore_mem>>)
      %dma_wait3A_287 = arith.constant 0 : i32
      %dma_wait3A_288 = tpu.memref_slice %arg5[%arg0, %mul3A_281, %dma_wait3A_287] : memref<2x10240x128xf32, #tpu.memory_space<hbm>> -> memref<1x640x128xf32, #tpu.memory_space<hbm>>
      %dma_wait3A_289 = tpu.memref_squeeze %dma_wait3A_288 : memref<1x640x128xf32, #tpu.memory_space<hbm>> -> memref<640x128xf32, #tpu.memory_space<hbm>>
      %dma_wait3A_290 = arith.constant 0 : i32
      %dma_wait3A_291 = tpu.memref_slice %arg6[%mul3A_279, %dma_wait3A_290] : memref<10240x128xf32, #tpu.memory_space<vmem_shared>> -> memref<640x128xf32, #tpu.memory_space<vmem_shared>>
      tpu.wait_dma2 semaphore(%run_scoped3A : memref<!tpu.dma_semaphore, #tpu.memory_space<semaphore_mem>>) src(%dma_wait3A_291 : memref<640x128xf32, #tpu.memory_space<vmem_shared>>) dst(%dma_wait3A_289 : memref<640x128xf32, #tpu.memory_space<hbm>>)
      tpu.yield
    }) : () -> ()
    return
  }
}

#map = affine_map<(d0, d1) -> (0, 0, 0)>
#map1 = affine_map<(d0, d1) -> (0, 0)>
module attributes {stable_mosaic.version = 14 : i64} {
  func.func @_deg_body(%arg0: i32, %arg1: i32, %arg2: memref<32x125x80xi32, #tpu.memory_space<hbm>>, %arg3: memref<10240x128xf32, #tpu.memory_space<hbm>>, %arg4: memref<2x80x128xf32, #tpu.memory_space<hbm>>, %arg5: memref<125x80xi32, #tpu.memory_space<vmem>>, %arg6: memref<80x128xf32, #tpu.memory_space<vmem>>, %arg7: memref<80xi32, #tpu.memory_space<vmem>>, %arg8: memref<80x128xf32, #tpu.memory_space<vmem_shared>>) attributes {dimension_semantics = [#tpu.dimension_semantics<core_parallel>, #tpu.dimension_semantics<subcore_parallel>], iteration_bounds = array<i64: 2, 16>, scalar_prefetch = 0 : i64, scratch_operands = 4 : i64, tpu.core_type = #tpu.core_type<sc_vector_subcore>, window_params = [{transform_indices = #map}, {transform_indices = #map1}, {transform_indices = #map}]} {
    %mul3A = arith.constant 2 : i32
    %mul3A_0 = arith.muli %arg1, %mul3A : i32
    %add3A = arith.addi %mul3A_0, %arg0 : i32
    "tpu.region"() ({
      %run_scoped3A = tpu.sem_alloc : memref<!tpu.dma_semaphore, #tpu.memory_space<semaphore_mem>>
      %dma_start3A = arith.constant 0 : i32
      %dma_start3A_47 = arith.constant 0 : i32
      %dma_start3A_48 = tpu.memref_slice %arg2[%add3A, %dma_start3A, %dma_start3A_47] : memref<32x125x80xi32, #tpu.memory_space<hbm>> -> memref<1x125x80xi32, #tpu.memory_space<hbm>>
      %dma_start3A_49 = tpu.memref_squeeze %dma_start3A_48 : memref<1x125x80xi32, #tpu.memory_space<hbm>> -> memref<125x80xi32, #tpu.memory_space<hbm>>
      %dma_start3A_50 = arith.constant 0 : i32
      %dma_start3A_51 = arith.constant 0 : i32
      %dma_start3A_52 = tpu.memref_slice %arg2[%add3A, %dma_start3A_50, %dma_start3A_51] : memref<32x125x80xi32, #tpu.memory_space<hbm>> -> memref<1x125x80xi32, #tpu.memory_space<hbm>>
      %dma_start3A_53 = tpu.memref_squeeze %dma_start3A_52 : memref<1x125x80xi32, #tpu.memory_space<hbm>> -> memref<125x80xi32, #tpu.memory_space<hbm>>
      tpu.enqueue_dma source(%dma_start3A_53 : memref<125x80xi32, #tpu.memory_space<hbm>>) target(%arg5 : memref<125x80xi32, #tpu.memory_space<vmem>>) target_semaphore(%run_scoped3A : memref<!tpu.dma_semaphore, #tpu.memory_space<semaphore_mem>>)
      %dma_wait3A = arith.constant 0 : i32
      %dma_wait3A_54 = arith.constant 0 : i32
      %dma_wait3A_55 = tpu.memref_slice %arg2[%add3A, %dma_wait3A, %dma_wait3A_54] : memref<32x125x80xi32, #tpu.memory_space<hbm>> -> memref<1x125x80xi32, #tpu.memory_space<hbm>>
      %dma_wait3A_56 = tpu.memref_squeeze %dma_wait3A_55 : memref<1x125x80xi32, #tpu.memory_space<hbm>> -> memref<125x80xi32, #tpu.memory_space<hbm>>
      %dma_wait3A_57 = arith.constant 0 : i32
      %dma_wait3A_58 = arith.constant 0 : i32
      %dma_wait3A_59 = tpu.memref_slice %arg2[%add3A, %dma_wait3A_57, %dma_wait3A_58] : memref<32x125x80xi32, #tpu.memory_space<hbm>> -> memref<1x125x80xi32, #tpu.memory_space<hbm>>
      %dma_wait3A_60 = tpu.memref_squeeze %dma_wait3A_59 : memref<1x125x80xi32, #tpu.memory_space<hbm>> -> memref<125x80xi32, #tpu.memory_space<hbm>>
      tpu.wait_dma2 semaphore(%run_scoped3A : memref<!tpu.dma_semaphore, #tpu.memory_space<semaphore_mem>>) src(%dma_wait3A_60 : memref<125x80xi32, #tpu.memory_space<hbm>>) dst(%arg5 : memref<125x80xi32, #tpu.memory_space<vmem>>)
      tpu.yield
    }) : () -> ()
    %broadcast_in_dim3A = arith.constant 0.000000e+00 : f32
    %broadcast_in_dim3A_1 = vector.broadcast %broadcast_in_dim3A : f32 to vector<16xf32>
    %scan3A = arith.constant 0 : i32
    %scan3A_2 = arith.constant 0 : i32
    %scan3A_3 = arith.constant 640 : i32
    %scan3A_4 = arith.addi %scan3A_2, %scan3A_3 : i32
    %scan3A_5 = arith.constant 1 : i32
    scf.for %scan3A_47 = %scan3A_2 to %scan3A_4 step %scan3A_5  : i32 {
      %shift_right_arithmetic3A = arith.constant 3 : i32
      %shift_right_arithmetic3A_48 = arith.shrsi %scan3A_47, %shift_right_arithmetic3A : i32
      %and3A = arith.constant 7 : i32
      %and3A_49 = arith.andi %scan3A_47, %and3A : i32
      %mul3A_50 = arith.constant 16 : i32
      %mul3A_51 = arith.muli %and3A_49, %mul3A_50 : i32
      %swap3A_52 = arith.index_cast %shift_right_arithmetic3A_48 : i32 to index
      %swap3A_53 = arith.index_cast %mul3A_51 : i32 to index
      %swap3A_54 = tpu.vector_load %arg6[%swap3A_52, %swap3A_53] {strides = array<i32>} : memref<80x128xf32, #tpu.memory_space<vmem>>, vector<16xf32>,
      tpu.vector_store %arg6[%swap3A_52, %swap3A_53], %broadcast_in_dim3A_1 {strides = array<i32>} : memref<80x128xf32, #tpu.memory_space<vmem>>, vector<16xf32>,
    }
    %scan3A_6 = arith.constant 640 : i32
    %iota3A = tpu.iota {dimensions = array<i32: 0>} : vector<16xi32>
    %add3A_7 = arith.constant 0 : i32
    %add3A_8 = vector.broadcast %add3A_7 : i32 to vector<16xi32>
    %add3A_9 = arith.addi %iota3A, %add3A_8 : vector<16xi32>
    %swap3A = arith.constant 0 : index
    %swap3A_10 = tpu.vector_load %arg7[%swap3A] {strides = array<i32>} : memref<80xi32, #tpu.memory_space<vmem>>, vector<16xi32>,
    tpu.vector_store %arg7[%swap3A], %add3A_9 {strides = array<i32>} : memref<80xi32, #tpu.memory_space<vmem>>, vector<16xi32>,
    %add3A_11 = arith.constant 16 : i32
    %add3A_12 = vector.broadcast %add3A_11 : i32 to vector<16xi32>
    %add3A_13 = arith.addi %iota3A, %add3A_12 : vector<16xi32>
    %swap3A_14 = arith.constant 16 : index
    %swap3A_15 = tpu.vector_load %arg7[%swap3A_14] {strides = array<i32>} : memref<80xi32, #tpu.memory_space<vmem>>, vector<16xi32>,
    tpu.vector_store %arg7[%swap3A_14], %add3A_13 {strides = array<i32>} : memref<80xi32, #tpu.memory_space<vmem>>, vector<16xi32>,
    %add3A_16 = arith.constant 32 : i32
    %add3A_17 = vector.broadcast %add3A_16 : i32 to vector<16xi32>
    %add3A_18 = arith.addi %iota3A, %add3A_17 : vector<16xi32>
    %swap3A_19 = arith.constant 32 : index
    %swap3A_20 = tpu.vector_load %arg7[%swap3A_19] {strides = array<i32>} : memref<80xi32, #tpu.memory_space<vmem>>, vector<16xi32>,
    tpu.vector_store %arg7[%swap3A_19], %add3A_18 {strides = array<i32>} : memref<80xi32, #tpu.memory_space<vmem>>, vector<16xi32>,
    %add3A_21 = arith.constant 48 : i32
    %add3A_22 = vector.broadcast %add3A_21 : i32 to vector<16xi32>
    %add3A_23 = arith.addi %iota3A, %add3A_22 : vector<16xi32>
    %swap3A_24 = arith.constant 48 : index
    %swap3A_25 = tpu.vector_load %arg7[%swap3A_24] {strides = array<i32>} : memref<80xi32, #tpu.memory_space<vmem>>, vector<16xi32>,
    tpu.vector_store %arg7[%swap3A_24], %add3A_23 {strides = array<i32>} : memref<80xi32, #tpu.memory_space<vmem>>, vector<16xi32>,
    %add3A_26 = arith.constant 64 : i32
    %add3A_27 = vector.broadcast %add3A_26 : i32 to vector<16xi32>
    %add3A_28 = arith.addi %iota3A, %add3A_27 : vector<16xi32>
    %swap3A_29 = arith.constant 64 : index
    %swap3A_30 = tpu.vector_load %arg7[%swap3A_29] {strides = array<i32>} : memref<80xi32, #tpu.memory_space<vmem>>, vector<16xi32>,
    tpu.vector_store %arg7[%swap3A_29], %add3A_28 {strides = array<i32>} : memref<80xi32, #tpu.memory_space<vmem>>, vector<16xi32>,
    %broadcast_in_dim3A_31 = arith.constant 1.000000e+00 : f32
    %broadcast_in_dim3A_32 = vector.broadcast %broadcast_in_dim3A_31 : f32 to vector<16xf32>
    %scan3A_33 = arith.constant 0 : i32
    %scan3A_34 = arith.constant 0 : i32
    %scan3A_35 = arith.constant 625 : i32
    %scan3A_36 = arith.addi %scan3A_34, %scan3A_35 : i32
    %scan3A_37 = arith.constant 1 : i32
    scf.for %scan3A_47 = %scan3A_34 to %scan3A_36 step %scan3A_37  : i32 {
      %jit3A = arith.constant 5 : i32
      %div3A = arith.divsi %scan3A_47, %jit3A : i32
      %sign3A = arith.constant 0 : i32
      %sign3A_48 = arith.cmpi sgt, %scan3A_47, %sign3A : i32
      %sign3A_49 = arith.extui %sign3A_48 : i1 to i32
      %sign3A_50 = arith.constant 0 : i32
      %sign3A_51 = arith.cmpi slt, %scan3A_47, %sign3A_50 : i32
      %sign3A_52 = arith.extui %sign3A_51 : i1 to i32
      %sign3A_53 = arith.subi %sign3A_49, %sign3A_52 : i32
      %sign3A_54 = arith.constant 0 : i32
      %sign3A_55 = arith.cmpi sgt, %jit3A, %sign3A_54 : i32
      %sign3A_56 = arith.extui %sign3A_55 : i1 to i32
      %sign3A_57 = arith.constant 0 : i32
      %sign3A_58 = arith.cmpi slt, %jit3A, %sign3A_57 : i32
      %sign3A_59 = arith.extui %sign3A_58 : i1 to i32
      %sign3A_60 = arith.subi %sign3A_56, %sign3A_59 : i32
      %ne3A = arith.cmpi ne, %sign3A_53, %sign3A_60 : i32
      %rem3A = arith.remsi %scan3A_47, %jit3A : i32
      %ne3A_61 = arith.constant 0 : i32
      %ne3A_62 = arith.cmpi ne, %rem3A, %ne3A_61 : i32
      %and3A = arith.andi %ne3A, %ne3A_62 : i1
      %sub3A = arith.constant 1 : i32
      %sub3A_63 = arith.subi %div3A, %sub3A : i32
      %select_n3A = arith.select %and3A, %sub3A_63, %div3A : i32
      %jit3A_64 = arith.constant 5 : i32
      %eq3A = arith.constant 0 : i32
      %eq3A_65 = arith.cmpi eq, %jit3A_64, %eq3A : i32
      %jit3A_66 = arith.constant 1 : i32
      %select_n3A_67 = arith.select %eq3A_65, %jit3A_66, %jit3A_64 : i32
      %rem3A_68 = arith.remsi %scan3A_47, %select_n3A_67 : i32
      %ne3A_69 = arith.constant 0 : i32
      %ne3A_70 = arith.cmpi ne, %rem3A_68, %ne3A_69 : i32
      %lt3A_71 = arith.constant 0 : i32
      %lt3A_72 = arith.cmpi slt, %rem3A_68, %lt3A_71 : i32
      %lt3A_73 = arith.constant 0 : i32
      %lt3A_74 = arith.cmpi slt, %select_n3A_67, %lt3A_73 : i32
      %ne3A_75 = arith.xori %lt3A_72, %lt3A_74 : i1
      %and3A_76 = arith.andi %ne3A_75, %ne3A_70 : i1
      %add3A_77 = arith.addi %rem3A_68, %select_n3A_67 : i32
      %select_n3A_78 = arith.select %and3A_76, %add3A_77, %rem3A_68 : i32
      %mul3A_79 = arith.constant 16 : i32
      %mul3A_80 = arith.muli %select_n3A_78, %mul3A_79 : i32
      %get3A = arith.index_cast %select_n3A : i32 to index
      %get3A_81 = arith.index_cast %mul3A_80 : i32 to index
      %get3A_82 = tpu.vector_load %arg5[%get3A, %get3A_81] {strides = array<i32>} : memref<125x80xi32, #tpu.memory_space<vmem>>, vector<16xi32>,
      %shift_right_arithmetic3A = arith.constant 16 : i32
      %shift_right_arithmetic3A_83 = vector.broadcast %shift_right_arithmetic3A : i32 to vector<16xi32>
      %shift_right_arithmetic3A_84 = arith.shrsi %get3A_82, %shift_right_arithmetic3A_83 : vector<16xi32>
      %shift_right_arithmetic3A_85 = arith.constant 7 : i32
      %shift_right_arithmetic3A_86 = vector.broadcast %shift_right_arithmetic3A_85 : i32 to vector<16xi32>
      %shift_right_arithmetic3A_87 = arith.shrsi %shift_right_arithmetic3A_84, %shift_right_arithmetic3A_86 : vector<16xi32>
      %and3A_88 = arith.constant 127 : i32
      %and3A_89 = vector.broadcast %and3A_88 : i32 to vector<16xi32>
      %and3A_90 = arith.andi %shift_right_arithmetic3A_84, %and3A_89 : vector<16xi32>
      tpu.vector_store_idx %arg6[%shift_right_arithmetic3A_87, %and3A_90], %broadcast_in_dim3A_32 {add = true} : memref<80x128xf32, #tpu.memory_space<vmem>>[vector<16xi32>, vector<16xi32>], vector<16xf32>,
    }
    %scan3A_38 = arith.constant 625 : i32
    %lt3A = arith.constant 10 : i32
    %lt3A_39 = arith.cmpi slt, %arg1, %lt3A : i32
    %convert_element_type3A = arith.extui %lt3A_39 : i1 to i32
    %cond3A = arith.constant 0 : i32
    %cond3A_40 = arith.cmpi ne, %convert_element_type3A, %cond3A : i32
    scf.if %cond3A_40 {
      %mul3A_47 = arith.constant 8 : i32
      %mul3A_48 = arith.muli %mul3A_47, %arg1 : i32
      %mul3A_49 = arith.constant 8 : i32
      %mul3A_50 = arith.muli %mul3A_49, %arg1 : i32
      "tpu.region"() ({
        %run_scoped3A = tpu.sem_alloc : memref<!tpu.dma_semaphore, #tpu.memory_space<semaphore_mem>>
        %dma_start3A = arith.constant 0 : i32
        %dma_start3A_51 = tpu.memref_slice %arg8[%mul3A_50, %dma_start3A] : memref<80x128xf32, #tpu.memory_space<vmem_shared>> -> memref<8x128xf32, #tpu.memory_space<vmem_shared>>
        %dma_start3A_52 = arith.constant 0 : i32
        %dma_start3A_53 = tpu.memref_slice %arg3[%mul3A_48, %dma_start3A_52] : memref<10240x128xf32, #tpu.memory_space<hbm>> -> memref<8x128xf32, #tpu.memory_space<hbm>>
        tpu.enqueue_dma source(%dma_start3A_53 : memref<8x128xf32, #tpu.memory_space<hbm>>) target(%dma_start3A_51 : memref<8x128xf32, #tpu.memory_space<vmem_shared>>) target_semaphore(%run_scoped3A : memref<!tpu.dma_semaphore, #tpu.memory_space<semaphore_mem>>)
        %dma_wait3A = arith.constant 0 : i32
        %dma_wait3A_54 = tpu.memref_slice %arg8[%mul3A_50, %dma_wait3A] : memref<80x128xf32, #tpu.memory_space<vmem_shared>> -> memref<8x128xf32, #tpu.memory_space<vmem_shared>>
        %dma_wait3A_55 = arith.constant 0 : i32
        %dma_wait3A_56 = tpu.memref_slice %arg3[%mul3A_48, %dma_wait3A_55] : memref<10240x128xf32, #tpu.memory_space<hbm>> -> memref<8x128xf32, #tpu.memory_space<hbm>>
        tpu.wait_dma2 semaphore(%run_scoped3A : memref<!tpu.dma_semaphore, #tpu.memory_space<semaphore_mem>>) src(%dma_wait3A_56 : memref<8x128xf32, #tpu.memory_space<hbm>>) dst(%dma_wait3A_54 : memref<8x128xf32, #tpu.memory_space<vmem_shared>>)
        tpu.yield
      }) : () -> ()
    } else {
    }
    %barrier3A = arith.constant 0 : index
    tpu.barrier barrier_id(%barrier3A)
    "tpu.region"() ({
      %run_scoped3A = tpu.sem_alloc : memref<!tpu.dma_semaphore, #tpu.memory_space<semaphore_mem>>
      %dma_start3A = arith.constant 0 : i32
      %dma_start3A_47 = arith.constant 0 : i32
      %dma_start3A_48 = tpu.memref_slice %arg8[%dma_start3A, %dma_start3A_47] : memref<80x128xf32, #tpu.memory_space<vmem_shared>> -> memref<80x128xf32, #tpu.memory_space<vmem_shared>>
      tpu.enqueue_indirect_dma source(%arg6 : memref<80x128xf32, #tpu.memory_space<vmem>>) target(%dma_start3A_48 : memref<80x128xf32, #tpu.memory_space<vmem_shared>>) offsets(%arg7 : memref<80xi32, #tpu.memory_space<vmem>>) semaphore(%run_scoped3A : memref<!tpu.dma_semaphore, #tpu.memory_space<semaphore_mem>>) {add = true}
      %dma_wait3A = arith.constant 0 : i32
      %dma_wait3A_49 = arith.constant 0 : i32
      %dma_wait3A_50 = tpu.memref_slice %arg8[%dma_wait3A, %dma_wait3A_49] : memref<80x128xf32, #tpu.memory_space<vmem_shared>> -> memref<80x128xf32, #tpu.memory_space<vmem_shared>>
      tpu.wait_indirect_dma semaphore(%run_scoped3A : memref<!tpu.dma_semaphore, #tpu.memory_space<semaphore_mem>>) src(%arg6 : memref<80x128xf32, #tpu.memory_space<vmem>>) dst(%dma_wait3A_50 : memref<80x128xf32, #tpu.memory_space<vmem_shared>>)
      tpu.yield
    }) : () -> ()
    %barrier3A_41 = arith.constant 0 : index
    tpu.barrier barrier_id(%barrier3A_41)
    %lt3A_42 = arith.constant 10 : i32
    %lt3A_43 = arith.cmpi slt, %arg1, %lt3A_42 : i32
    %convert_element_type3A_44 = arith.extui %lt3A_43 : i1 to i32
    %cond3A_45 = arith.constant 0 : i32
    %cond3A_46 = arith.cmpi ne, %convert_element_type3A_44, %cond3A_45 : i32
    scf.if %cond3A_46 {
      %mul3A_47 = arith.constant 8 : i32
      %mul3A_48 = arith.muli %mul3A_47, %arg1 : i32
      %mul3A_49 = arith.constant 8 : i32
      %mul3A_50 = arith.muli %mul3A_49, %arg1 : i32
      "tpu.region"() ({
        %run_scoped3A = tpu.sem_alloc : memref<!tpu.dma_semaphore, #tpu.memory_space<semaphore_mem>>
        %dma_start3A = arith.constant 0 : i32
        %dma_start3A_51 = tpu.memref_slice %arg4[%arg0, %mul3A_50, %dma_start3A] : memref<2x80x128xf32, #tpu.memory_space<hbm>> -> memref<1x8x128xf32, #tpu.memory_space<hbm>>
        %dma_start3A_52 = tpu.memref_squeeze %dma_start3A_51 : memref<1x8x128xf32, #tpu.memory_space<hbm>> -> memref<8x128xf32, #tpu.memory_space<hbm>>
        %dma_start3A_53 = arith.constant 0 : i32
        %dma_start3A_54 = tpu.memref_slice %arg8[%mul3A_48, %dma_start3A_53] : memref<80x128xf32, #tpu.memory_space<vmem_shared>> -> memref<8x128xf32, #tpu.memory_space<vmem_shared>>
        tpu.enqueue_dma source(%dma_start3A_54 : memref<8x128xf32, #tpu.memory_space<vmem_shared>>) target(%dma_start3A_52 : memref<8x128xf32, #tpu.memory_space<hbm>>) target_semaphore(%run_scoped3A : memref<!tpu.dma_semaphore, #tpu.memory_space<semaphore_mem>>)
        %dma_wait3A = arith.constant 0 : i32
        %dma_wait3A_55 = tpu.memref_slice %arg4[%arg0, %mul3A_50, %dma_wait3A] : memref<2x80x128xf32, #tpu.memory_space<hbm>> -> memref<1x8x128xf32, #tpu.memory_space<hbm>>
        %dma_wait3A_56 = tpu.memref_squeeze %dma_wait3A_55 : memref<1x8x128xf32, #tpu.memory_space<hbm>> -> memref<8x128xf32, #tpu.memory_space<hbm>>
        %dma_wait3A_57 = arith.constant 0 : i32
        %dma_wait3A_58 = tpu.memref_slice %arg8[%mul3A_48, %dma_wait3A_57] : memref<80x128xf32, #tpu.memory_space<vmem_shared>> -> memref<8x128xf32, #tpu.memory_space<vmem_shared>>
        tpu.wait_dma2 semaphore(%run_scoped3A : memref<!tpu.dma_semaphore, #tpu.memory_space<semaphore_mem>>) src(%dma_wait3A_58 : memref<8x128xf32, #tpu.memory_space<vmem_shared>>) dst(%dma_wait3A_56 : memref<8x128xf32, #tpu.memory_space<hbm>>)
        tpu.yield
      }) : () -> ()
    } else {
    }
    return
  }
}

#map = affine_map<(d0, d1) -> (0, 0)>
#map1 = affine_map<(d0, d1) -> (0, 0, 0)>
module attributes {stable_mosaic.version = 14 : i64} {
  func.func @_mp_body(%arg0: i32, %arg1: i32, %arg2: memref<10000x128xf32, #tpu.memory_space<hbm>>, %arg3: memref<32x125x80xi32, #tpu.memory_space<hbm>>, %arg4: memref<10240x128xf32, #tpu.memory_space<hbm>>, %arg5: memref<2x10240x128xf32, #tpu.memory_space<hbm>>, %arg6: memref<10240x128xf32, #tpu.memory_space<vmem_shared>>, %arg7: memref<80x128xf32, #tpu.memory_space<vmem>>, %arg8: memref<80x128xf32, #tpu.memory_space<vmem>>, %arg9: memref<80x128xf32, #tpu.memory_space<vmem>>, %arg10: memref<80xi32, #tpu.memory_space<vmem>>, %arg11: memref<80xi32, #tpu.memory_space<vmem>>, %arg12: memref<80xi32, #tpu.memory_space<vmem>>, %arg13: memref<80xi32, #tpu.memory_space<vmem>>, %arg14: memref<80xi32, #tpu.memory_space<vmem>>, %arg15: memref<80xi32, #tpu.memory_space<vmem>>, %arg16: memref<80xi32, #tpu.memory_space<vmem>>, %arg17: memref<80xi32, #tpu.memory_space<vmem>>, %arg18: memref<80xi32, #tpu.memory_space<vmem>>, %arg19: memref<!tpu.dma_semaphore, #tpu.memory_space<semaphore_mem>>, %arg20: memref<!tpu.dma_semaphore, #tpu.memory_space<semaphore_mem>>, %arg21: memref<!tpu.dma_semaphore, #tpu.memory_space<semaphore_mem>>, %arg22: memref<!tpu.dma_semaphore, #tpu.memory_space<semaphore_mem>>, %arg23: memref<!tpu.dma_semaphore, #tpu.memory_space<semaphore_mem>>, %arg24: memref<!tpu.dma_semaphore, #tpu.memory_space<semaphore_mem>>, %arg25: memref<!tpu.dma_semaphore, #tpu.memory_space<semaphore_mem>>, %arg26: memref<!tpu.dma_semaphore, #tpu.memory_space<semaphore_mem>>, %arg27: memref<!tpu.dma_semaphore, #tpu.memory_space<semaphore_mem>>) attributes {dimension_semantics = [#tpu.dimension_semantics<core_parallel>, #tpu.dimension_semantics<subcore_parallel>], iteration_bounds = array<i64: 2, 16>, scalar_prefetch = 0 : i64, scratch_operands = 22 : i64, tpu.core_type = #tpu.core_type<sc_vector_subcore>, window_params = [{transform_indices = #map}, {transform_indices = #map1}, {transform_indices = #map}, {transform_indices = #map1}]} {
    %mul3A = arith.constant 2 : i32
    %mul3A_0 = arith.muli %arg1, %mul3A : i32
    %add3A = arith.addi %mul3A_0, %arg0 : i32
    %dma_start3A = arith.constant 0 : i32
    %dma_start3A_1 = arith.constant 0 : i32
    %dma_start3A_2 = tpu.memref_slice %arg3[%add3A, %dma_start3A, %dma_start3A_1] : memref<32x125x80xi32, #tpu.memory_space<hbm>> -> memref<1x1x80xi32, #tpu.memory_space<hbm>>
    %dma_start3A_3 = tpu.memref_squeeze %dma_start3A_2 : memref<1x1x80xi32, #tpu.memory_space<hbm>> -> memref<80xi32, #tpu.memory_space<hbm>>
    %dma_start3A_4 = arith.constant 0 : i32
    %dma_start3A_5 = tpu.memref_slice %arg3[%add3A, %dma_start3A, %dma_start3A_4] : memref<32x125x80xi32, #tpu.memory_space<hbm>> -> memref<1x1x80xi32, #tpu.memory_space<hbm>>
    %dma_start3A_6 = tpu.memref_squeeze %dma_start3A_5 : memref<1x1x80xi32, #tpu.memory_space<hbm>> -> memref<80xi32, #tpu.memory_space<hbm>>
    tpu.enqueue_dma source(%dma_start3A_6 : memref<80xi32, #tpu.memory_space<hbm>>) target(%arg10 : memref<80xi32, #tpu.memory_space<vmem>>) target_semaphore(%arg25 : memref<!tpu.dma_semaphore, #tpu.memory_space<semaphore_mem>>)
    %dma_start3A_7 = arith.constant 1 : i32
    %dma_start3A_8 = arith.constant 0 : i32
    %dma_start3A_9 = tpu.memref_slice %arg3[%add3A, %dma_start3A_7, %dma_start3A_8] : memref<32x125x80xi32, #tpu.memory_space<hbm>> -> memref<1x1x80xi32, #tpu.memory_space<hbm>>
    %dma_start3A_10 = tpu.memref_squeeze %dma_start3A_9 : memref<1x1x80xi32, #tpu.memory_space<hbm>> -> memref<80xi32, #tpu.memory_space<hbm>>
    %dma_start3A_11 = arith.constant 0 : i32
    %dma_start3A_12 = tpu.memref_slice %arg3[%add3A, %dma_start3A_7, %dma_start3A_11] : memref<32x125x80xi32, #tpu.memory_space<hbm>> -> memref<1x1x80xi32, #tpu.memory_space<hbm>>
    %dma_start3A_13 = tpu.memref_squeeze %dma_start3A_12 : memref<1x1x80xi32, #tpu.memory_space<hbm>> -> memref<80xi32, #tpu.memory_space<hbm>>
    tpu.enqueue_dma source(%dma_start3A_13 : memref<80xi32, #tpu.memory_space<hbm>>) target(%arg11 : memref<80xi32, #tpu.memory_space<vmem>>) target_semaphore(%arg26 : memref<!tpu.dma_semaphore, #tpu.memory_space<semaphore_mem>>)
    %dma_start3A_14 = arith.constant 2 : i32
    %dma_start3A_15 = arith.constant 0 : i32
    %dma_start3A_16 = tpu.memref_slice %arg3[%add3A, %dma_start3A_14, %dma_start3A_15] : memref<32x125x80xi32, #tpu.memory_space<hbm>> -> memref<1x1x80xi32, #tpu.memory_space<hbm>>
    %dma_start3A_17 = tpu.memref_squeeze %dma_start3A_16 : memref<1x1x80xi32, #tpu.memory_space<hbm>> -> memref<80xi32, #tpu.memory_space<hbm>>
    %dma_start3A_18 = arith.constant 0 : i32
    %dma_start3A_19 = tpu.memref_slice %arg3[%add3A, %dma_start3A_14, %dma_start3A_18] : memref<32x125x80xi32, #tpu.memory_space<hbm>> -> memref<1x1x80xi32, #tpu.memory_space<hbm>>
    %dma_start3A_20 = tpu.memref_squeeze %dma_start3A_19 : memref<1x1x80xi32, #tpu.memory_space<hbm>> -> memref<80xi32, #tpu.memory_space<hbm>>
    tpu.enqueue_dma source(%dma_start3A_20 : memref<80xi32, #tpu.memory_space<hbm>>) target(%arg12 : memref<80xi32, #tpu.memory_space<vmem>>) target_semaphore(%arg27 : memref<!tpu.dma_semaphore, #tpu.memory_space<semaphore_mem>>)
    %dma_wait3A = arith.constant 0 : i32
    %dma_wait3A_21 = arith.constant 0 : i32
    %dma_wait3A_22 = tpu.memref_slice %arg3[%add3A, %dma_wait3A, %dma_wait3A_21] : memref<32x125x80xi32, #tpu.memory_space<hbm>> -> memref<1x1x80xi32, #tpu.memory_space<hbm>>
    %dma_wait3A_23 = tpu.memref_squeeze %dma_wait3A_22 : memref<1x1x80xi32, #tpu.memory_space<hbm>> -> memref<80xi32, #tpu.memory_space<hbm>>
    %dma_wait3A_24 = arith.constant 0 : i32
    %dma_wait3A_25 = tpu.memref_slice %arg3[%add3A, %dma_wait3A, %dma_wait3A_24] : memref<32x125x80xi32, #tpu.memory_space<hbm>> -> memref<1x1x80xi32, #tpu.memory_space<hbm>>
    %dma_wait3A_26 = tpu.memref_squeeze %dma_wait3A_25 : memref<1x1x80xi32, #tpu.memory_space<hbm>> -> memref<80xi32, #tpu.memory_space<hbm>>
    tpu.wait_dma2 semaphore(%arg25 : memref<!tpu.dma_semaphore, #tpu.memory_space<semaphore_mem>>) src(%dma_wait3A_26 : memref<80xi32, #tpu.memory_space<hbm>>) dst(%arg10 : memref<80xi32, #tpu.memory_space<vmem>>)
    %get3A = arith.constant 0 : index
    %get3A_27 = tpu.vector_load %arg10[%get3A] {strides = array<i32>} : memref<80xi32, #tpu.memory_space<vmem>>, vector<16xi32>,
    %and3A = arith.constant 65535 : i32
    %and3A_28 = vector.broadcast %and3A : i32 to vector<16xi32>
    %and3A_29 = arith.andi %get3A_27, %and3A_28 : vector<16xi32>
    %swap3A = arith.constant 0 : index
    %swap3A_30 = tpu.vector_load %arg13[%swap3A] {strides = array<i32>} : memref<80xi32, #tpu.memory_space<vmem>>, vector<16xi32>,
    tpu.vector_store %arg13[%swap3A], %and3A_29 {strides = array<i32>} : memref<80xi32, #tpu.memory_space<vmem>>, vector<16xi32>,
    %shift_right_arithmetic3A = arith.constant 16 : i32
    %shift_right_arithmetic3A_31 = vector.broadcast %shift_right_arithmetic3A : i32 to vector<16xi32>
    %shift_right_arithmetic3A_32 = arith.shrsi %get3A_27, %shift_right_arithmetic3A_31 : vector<16xi32>
    %swap3A_33 = arith.constant 0 : index
    %swap3A_34 = tpu.vector_load %arg16[%swap3A_33] {strides = array<i32>} : memref<80xi32, #tpu.memory_space<vmem>>, vector<16xi32>,
    tpu.vector_store %arg16[%swap3A_33], %shift_right_arithmetic3A_32 {strides = array<i32>} : memref<80xi32, #tpu.memory_space<vmem>>, vector<16xi32>,
    %get3A_35 = arith.constant 16 : index
    %get3A_36 = tpu.vector_load %arg10[%get3A_35] {strides = array<i32>} : memref<80xi32, #tpu.memory_space<vmem>>, vector<16xi32>,
    %and3A_37 = arith.constant 65535 : i32
    %and3A_38 = vector.broadcast %and3A_37 : i32 to vector<16xi32>
    %and3A_39 = arith.andi %get3A_36, %and3A_38 : vector<16xi32>
    %swap3A_40 = arith.constant 16 : index
    %swap3A_41 = tpu.vector_load %arg13[%swap3A_40] {strides = array<i32>} : memref<80xi32, #tpu.memory_space<vmem>>, vector<16xi32>,
    tpu.vector_store %arg13[%swap3A_40], %and3A_39 {strides = array<i32>} : memref<80xi32, #tpu.memory_space<vmem>>, vector<16xi32>,
    %shift_right_arithmetic3A_42 = arith.constant 16 : i32
    %shift_right_arithmetic3A_43 = vector.broadcast %shift_right_arithmetic3A_42 : i32 to vector<16xi32>
    %shift_right_arithmetic3A_44 = arith.shrsi %get3A_36, %shift_right_arithmetic3A_43 : vector<16xi32>
    %swap3A_45 = arith.constant 16 : index
    %swap3A_46 = tpu.vector_load %arg16[%swap3A_45] {strides = array<i32>} : memref<80xi32, #tpu.memory_space<vmem>>, vector<16xi32>,
    tpu.vector_store %arg16[%swap3A_45], %shift_right_arithmetic3A_44 {strides = array<i32>} : memref<80xi32, #tpu.memory_space<vmem>>, vector<16xi32>,
    %get3A_47 = arith.constant 32 : index
    %get3A_48 = tpu.vector_load %arg10[%get3A_47] {strides = array<i32>} : memref<80xi32, #tpu.memory_space<vmem>>, vector<16xi32>,
    %and3A_49 = arith.constant 65535 : i32
    %and3A_50 = vector.broadcast %and3A_49 : i32 to vector<16xi32>
    %and3A_51 = arith.andi %get3A_48, %and3A_50 : vector<16xi32>
    %swap3A_52 = arith.constant 32 : index
    %swap3A_53 = tpu.vector_load %arg13[%swap3A_52] {strides = array<i32>} : memref<80xi32, #tpu.memory_space<vmem>>, vector<16xi32>,
    tpu.vector_store %arg13[%swap3A_52], %and3A_51 {strides = array<i32>} : memref<80xi32, #tpu.memory_space<vmem>>, vector<16xi32>,
    %shift_right_arithmetic3A_54 = arith.constant 16 : i32
    %shift_right_arithmetic3A_55 = vector.broadcast %shift_right_arithmetic3A_54 : i32 to vector<16xi32>
    %shift_right_arithmetic3A_56 = arith.shrsi %get3A_48, %shift_right_arithmetic3A_55 : vector<16xi32>
    %swap3A_57 = arith.constant 32 : index
    %swap3A_58 = tpu.vector_load %arg16[%swap3A_57] {strides = array<i32>} : memref<80xi32, #tpu.memory_space<vmem>>, vector<16xi32>,
    tpu.vector_store %arg16[%swap3A_57], %shift_right_arithmetic3A_56 {strides = array<i32>} : memref<80xi32, #tpu.memory_space<vmem>>, vector<16xi32>,
    %get3A_59 = arith.constant 48 : index
    %get3A_60 = tpu.vector_load %arg10[%get3A_59] {strides = array<i32>} : memref<80xi32, #tpu.memory_space<vmem>>, vector<16xi32>,
    %and3A_61 = arith.constant 65535 : i32
    %and3A_62 = vector.broadcast %and3A_61 : i32 to vector<16xi32>
    %and3A_63 = arith.andi %get3A_60, %and3A_62 : vector<16xi32>
    %swap3A_64 = arith.constant 48 : index
    %swap3A_65 = tpu.vector_load %arg13[%swap3A_64] {strides = array<i32>} : memref<80xi32, #tpu.memory_space<vmem>>, vector<16xi32>,
    tpu.vector_store %arg13[%swap3A_64], %and3A_63 {strides = array<i32>} : memref<80xi32, #tpu.memory_space<vmem>>, vector<16xi32>,
    %shift_right_arithmetic3A_66 = arith.constant 16 : i32
    %shift_right_arithmetic3A_67 = vector.broadcast %shift_right_arithmetic3A_66 : i32 to vector<16xi32>
    %shift_right_arithmetic3A_68 = arith.shrsi %get3A_60, %shift_right_arithmetic3A_67 : vector<16xi32>
    %swap3A_69 = arith.constant 48 : index
    %swap3A_70 = tpu.vector_load %arg16[%swap3A_69] {strides = array<i32>} : memref<80xi32, #tpu.memory_space<vmem>>, vector<16xi32>,
    tpu.vector_store %arg16[%swap3A_69], %shift_right_arithmetic3A_68 {strides = array<i32>} : memref<80xi32, #tpu.memory_space<vmem>>, vector<16xi32>,
    %get3A_71 = arith.constant 64 : index
    %get3A_72 = tpu.vector_load %arg10[%get3A_71] {strides = array<i32>} : memref<80xi32, #tpu.memory_space<vmem>>, vector<16xi32>,
    %and3A_73 = arith.constant 65535 : i32
    %and3A_74 = vector.broadcast %and3A_73 : i32 to vector<16xi32>
    %and3A_75 = arith.andi %get3A_72, %and3A_74 : vector<16xi32>
    %swap3A_76 = arith.constant 64 : index
    %swap3A_77 = tpu.vector_load %arg13[%swap3A_76] {strides = array<i32>} : memref<80xi32, #tpu.memory_space<vmem>>, vector<16xi32>,
    tpu.vector_store %arg13[%swap3A_76], %and3A_75 {strides = array<i32>} : memref<80xi32, #tpu.memory_space<vmem>>, vector<16xi32>,
    %shift_right_arithmetic3A_78 = arith.constant 16 : i32
    %shift_right_arithmetic3A_79 = vector.broadcast %shift_right_arithmetic3A_78 : i32 to vector<16xi32>
    %shift_right_arithmetic3A_80 = arith.shrsi %get3A_72, %shift_right_arithmetic3A_79 : vector<16xi32>
    %swap3A_81 = arith.constant 64 : index
    %swap3A_82 = tpu.vector_load %arg16[%swap3A_81] {strides = array<i32>} : memref<80xi32, #tpu.memory_space<vmem>>, vector<16xi32>,
    tpu.vector_store %arg16[%swap3A_81], %shift_right_arithmetic3A_80 {strides = array<i32>} : memref<80xi32, #tpu.memory_space<vmem>>, vector<16xi32>,
    %dma_start3A_83 = arith.constant 0 : i32
    %dma_start3A_84 = arith.constant 0 : i32
    %dma_start3A_85 = tpu.memref_slice %arg2[%dma_start3A_83, %dma_start3A_84] : memref<10000x128xf32, #tpu.memory_space<hbm>> -> memref<10000x128xf32, #tpu.memory_space<hbm>>
    tpu.enqueue_indirect_dma source(%dma_start3A_85 : memref<10000x128xf32, #tpu.memory_space<hbm>>) target(%arg7 : memref<80x128xf32, #tpu.memory_space<vmem>>) offsets(%arg13 : memref<80xi32, #tpu.memory_space<vmem>>) semaphore(%arg19 : memref<!tpu.dma_semaphore, #tpu.memory_space<semaphore_mem>>)
    %dma_start3A_86 = arith.constant 3 : i32
    %dma_start3A_87 = arith.constant 0 : i32
    %dma_start3A_88 = tpu.memref_slice %arg3[%add3A, %dma_start3A_86, %dma_start3A_87] : memref<32x125x80xi32, #tpu.memory_space<hbm>> -> memref<1x1x80xi32, #tpu.memory_space<hbm>>
    %dma_start3A_89 = tpu.memref_squeeze %dma_start3A_88 : memref<1x1x80xi32, #tpu.memory_space<hbm>> -> memref<80xi32, #tpu.memory_space<hbm>>
    %dma_start3A_90 = arith.constant 0 : i32
    %dma_start3A_91 = tpu.memref_slice %arg3[%add3A, %dma_start3A_86, %dma_start3A_90] : memref<32x125x80xi32, #tpu.memory_space<hbm>> -> memref<1x1x80xi32, #tpu.memory_space<hbm>>
    %dma_start3A_92 = tpu.memref_squeeze %dma_start3A_91 : memref<1x1x80xi32, #tpu.memory_space<hbm>> -> memref<80xi32, #tpu.memory_space<hbm>>
    tpu.enqueue_dma source(%dma_start3A_92 : memref<80xi32, #tpu.memory_space<hbm>>) target(%arg10 : memref<80xi32, #tpu.memory_space<vmem>>) target_semaphore(%arg25 : memref<!tpu.dma_semaphore, #tpu.memory_space<semaphore_mem>>)
    %dma_wait3A_93 = arith.constant 0 : i32
    %dma_wait3A_94 = arith.constant 0 : i32
    %dma_wait3A_95 = tpu.memref_slice %arg3[%add3A, %dma_wait3A_93, %dma_wait3A_94] : memref<32x125x80xi32, #tpu.memory_space<hbm>> -> memref<1x1x80xi32, #tpu.memory_space<hbm>>
    %dma_wait3A_96 = tpu.memref_squeeze %dma_wait3A_95 : memref<1x1x80xi32, #tpu.memory_space<hbm>> -> memref<80xi32, #tpu.memory_space<hbm>>
    %dma_wait3A_97 = arith.constant 0 : i32
    %dma_wait3A_98 = tpu.memref_slice %arg3[%add3A, %dma_wait3A_93, %dma_wait3A_97] : memref<32x125x80xi32, #tpu.memory_space<hbm>> -> memref<1x1x80xi32, #tpu.memory_space<hbm>>
    %dma_wait3A_99 = tpu.memref_squeeze %dma_wait3A_98 : memref<1x1x80xi32, #tpu.memory_space<hbm>> -> memref<80xi32, #tpu.memory_space<hbm>>
    tpu.wait_dma2 semaphore(%arg26 : memref<!tpu.dma_semaphore, #tpu.memory_space<semaphore_mem>>) src(%dma_wait3A_99 : memref<80xi32, #tpu.memory_space<hbm>>) dst(%arg11 : memref<80xi32, #tpu.memory_space<vmem>>)
    %get3A_100 = arith.constant 0 : index
    %get3A_101 = tpu.vector_load %arg11[%get3A_100] {strides = array<i32>} : memref<80xi32, #tpu.memory_space<vmem>>, vector<16xi32>,
    %and3A_102 = arith.constant 65535 : i32
    %and3A_103 = vector.broadcast %and3A_102 : i32 to vector<16xi32>
    %and3A_104 = arith.andi %get3A_101, %and3A_103 : vector<16xi32>
    %swap3A_105 = arith.constant 0 : index
    %swap3A_106 = tpu.vector_load %arg14[%swap3A_105] {strides = array<i32>} : memref<80xi32, #tpu.memory_space<vmem>>, vector<16xi32>,
    tpu.vector_store %arg14[%swap3A_105], %and3A_104 {strides = array<i32>} : memref<80xi32, #tpu.memory_space<vmem>>, vector<16xi32>,
    %shift_right_arithmetic3A_107 = arith.constant 16 : i32
    %shift_right_arithmetic3A_108 = vector.broadcast %shift_right_arithmetic3A_107 : i32 to vector<16xi32>
    %shift_right_arithmetic3A_109 = arith.shrsi %get3A_101, %shift_right_arithmetic3A_108 : vector<16xi32>
    %swap3A_110 = arith.constant 0 : index
    %swap3A_111 = tpu.vector_load %arg17[%swap3A_110] {strides = array<i32>} : memref<80xi32, #tpu.memory_space<vmem>>, vector<16xi32>,
    tpu.vector_store %arg17[%swap3A_110], %shift_right_arithmetic3A_109 {strides = array<i32>} : memref<80xi32, #tpu.memory_space<vmem>>, vector<16xi32>,
    %get3A_112 = arith.constant 16 : index
    %get3A_113 = tpu.vector_load %arg11[%get3A_112] {strides = array<i32>} : memref<80xi32, #tpu.memory_space<vmem>>, vector<16xi32>,
    %and3A_114 = arith.constant 65535 : i32
    %and3A_115 = vector.broadcast %and3A_114 : i32 to vector<16xi32>
    %and3A_116 = arith.andi %get3A_113, %and3A_115 : vector<16xi32>
    %swap3A_117 = arith.constant 16 : index
    %swap3A_118 = tpu.vector_load %arg14[%swap3A_117] {strides = array<i32>} : memref<80xi32, #tpu.memory_space<vmem>>, vector<16xi32>,
    tpu.vector_store %arg14[%swap3A_117], %and3A_116 {strides = array<i32>} : memref<80xi32, #tpu.memory_space<vmem>>, vector<16xi32>,
    %shift_right_arithmetic3A_119 = arith.constant 16 : i32
    %shift_right_arithmetic3A_120 = vector.broadcast %shift_right_arithmetic3A_119 : i32 to vector<16xi32>
    %shift_right_arithmetic3A_121 = arith.shrsi %get3A_113, %shift_right_arithmetic3A_120 : vector<16xi32>
    %swap3A_122 = arith.constant 16 : index
    %swap3A_123 = tpu.vector_load %arg17[%swap3A_122] {strides = array<i32>} : memref<80xi32, #tpu.memory_space<vmem>>, vector<16xi32>,
    tpu.vector_store %arg17[%swap3A_122], %shift_right_arithmetic3A_121 {strides = array<i32>} : memref<80xi32, #tpu.memory_space<vmem>>, vector<16xi32>,
    %get3A_124 = arith.constant 32 : index
    %get3A_125 = tpu.vector_load %arg11[%get3A_124] {strides = array<i32>} : memref<80xi32, #tpu.memory_space<vmem>>, vector<16xi32>,
    %and3A_126 = arith.constant 65535 : i32
    %and3A_127 = vector.broadcast %and3A_126 : i32 to vector<16xi32>
    %and3A_128 = arith.andi %get3A_125, %and3A_127 : vector<16xi32>
    %swap3A_129 = arith.constant 32 : index
    %swap3A_130 = tpu.vector_load %arg14[%swap3A_129] {strides = array<i32>} : memref<80xi32, #tpu.memory_space<vmem>>, vector<16xi32>,
    tpu.vector_store %arg14[%swap3A_129], %and3A_128 {strides = array<i32>} : memref<80xi32, #tpu.memory_space<vmem>>, vector<16xi32>,
    %shift_right_arithmetic3A_131 = arith.constant 16 : i32
    %shift_right_arithmetic3A_132 = vector.broadcast %shift_right_arithmetic3A_131 : i32 to vector<16xi32>
    %shift_right_arithmetic3A_133 = arith.shrsi %get3A_125, %shift_right_arithmetic3A_132 : vector<16xi32>
    %swap3A_134 = arith.constant 32 : index
    %swap3A_135 = tpu.vector_load %arg17[%swap3A_134] {strides = array<i32>} : memref<80xi32, #tpu.memory_space<vmem>>, vector<16xi32>,
    tpu.vector_store %arg17[%swap3A_134], %shift_right_arithmetic3A_133 {strides = array<i32>} : memref<80xi32, #tpu.memory_space<vmem>>, vector<16xi32>,
    %get3A_136 = arith.constant 48 : index
    %get3A_137 = tpu.vector_load %arg11[%get3A_136] {strides = array<i32>} : memref<80xi32, #tpu.memory_space<vmem>>, vector<16xi32>,
    %and3A_138 = arith.constant 65535 : i32
    %and3A_139 = vector.broadcast %and3A_138 : i32 to vector<16xi32>
    %and3A_140 = arith.andi %get3A_137, %and3A_139 : vector<16xi32>
    %swap3A_141 = arith.constant 48 : index
    %swap3A_142 = tpu.vector_load %arg14[%swap3A_141] {strides = array<i32>} : memref<80xi32, #tpu.memory_space<vmem>>, vector<16xi32>,
    tpu.vector_store %arg14[%swap3A_141], %and3A_140 {strides = array<i32>} : memref<80xi32, #tpu.memory_space<vmem>>, vector<16xi32>,
    %shift_right_arithmetic3A_143 = arith.constant 16 : i32
    %shift_right_arithmetic3A_144 = vector.broadcast %shift_right_arithmetic3A_143 : i32 to vector<16xi32>
    %shift_right_arithmetic3A_145 = arith.shrsi %get3A_137, %shift_right_arithmetic3A_144 : vector<16xi32>
    %swap3A_146 = arith.constant 48 : index
    %swap3A_147 = tpu.vector_load %arg17[%swap3A_146] {strides = array<i32>} : memref<80xi32, #tpu.memory_space<vmem>>, vector<16xi32>,
    tpu.vector_store %arg17[%swap3A_146], %shift_right_arithmetic3A_145 {strides = array<i32>} : memref<80xi32, #tpu.memory_space<vmem>>, vector<16xi32>,
    %get3A_148 = arith.constant 64 : index
    %get3A_149 = tpu.vector_load %arg11[%get3A_148] {strides = array<i32>} : memref<80xi32, #tpu.memory_space<vmem>>, vector<16xi32>,
    %and3A_150 = arith.constant 65535 : i32
    %and3A_151 = vector.broadcast %and3A_150 : i32 to vector<16xi32>
    %and3A_152 = arith.andi %get3A_149, %and3A_151 : vector<16xi32>
    %swap3A_153 = arith.constant 64 : index
    %swap3A_154 = tpu.vector_load %arg14[%swap3A_153] {strides = array<i32>} : memref<80xi32, #tpu.memory_space<vmem>>, vector<16xi32>,
    tpu.vector_store %arg14[%swap3A_153], %and3A_152 {strides = array<i32>} : memref<80xi32, #tpu.memory_space<vmem>>, vector<16xi32>,
    %shift_right_arithmetic3A_155 = arith.constant 16 : i32
    %shift_right_arithmetic3A_156 = vector.broadcast %shift_right_arithmetic3A_155 : i32 to vector<16xi32>
    %shift_right_arithmetic3A_157 = arith.shrsi %get3A_149, %shift_right_arithmetic3A_156 : vector<16xi32>
    %swap3A_158 = arith.constant 64 : index
    %swap3A_159 = tpu.vector_load %arg17[%swap3A_158] {strides = array<i32>} : memref<80xi32, #tpu.memory_space<vmem>>, vector<16xi32>,
    tpu.vector_store %arg17[%swap3A_158], %shift_right_arithmetic3A_157 {strides = array<i32>} : memref<80xi32, #tpu.memory_space<vmem>>, vector<16xi32>,
    %dma_start3A_160 = arith.constant 0 : i32
    %dma_start3A_161 = arith.constant 0 : i32
    %dma_start3A_162 = tpu.memref_slice %arg2[%dma_start3A_160, %dma_start3A_161] : memref<10000x128xf32, #tpu.memory_space<hbm>> -> memref<10000x128xf32, #tpu.memory_space<hbm>>
    tpu.enqueue_indirect_dma source(%dma_start3A_162 : memref<10000x128xf32, #tpu.memory_space<hbm>>) target(%arg8 : memref<80x128xf32, #tpu.memory_space<vmem>>) offsets(%arg14 : memref<80xi32, #tpu.memory_space<vmem>>) semaphore(%arg20 : memref<!tpu.dma_semaphore, #tpu.memory_space<semaphore_mem>>)
    %dma_start3A_163 = arith.constant 4 : i32
    %dma_start3A_164 = arith.constant 0 : i32
    %dma_start3A_165 = tpu.memref_slice %arg3[%add3A, %dma_start3A_163, %dma_start3A_164] : memref<32x125x80xi32, #tpu.memory_space<hbm>> -> memref<1x1x80xi32, #tpu.memory_space<hbm>>
    %dma_start3A_166 = tpu.memref_squeeze %dma_start3A_165 : memref<1x1x80xi32, #tpu.memory_space<hbm>> -> memref<80xi32, #tpu.memory_space<hbm>>
    %dma_start3A_167 = arith.constant 0 : i32
    %dma_start3A_168 = tpu.memref_slice %arg3[%add3A, %dma_start3A_163, %dma_start3A_167] : memref<32x125x80xi32, #tpu.memory_space<hbm>> -> memref<1x1x80xi32, #tpu.memory_space<hbm>>
    %dma_start3A_169 = tpu.memref_squeeze %dma_start3A_168 : memref<1x1x80xi32, #tpu.memory_space<hbm>> -> memref<80xi32, #tpu.memory_space<hbm>>
    tpu.enqueue_dma source(%dma_start3A_169 : memref<80xi32, #tpu.memory_space<hbm>>) target(%arg11 : memref<80xi32, #tpu.memory_space<vmem>>) target_semaphore(%arg26 : memref<!tpu.dma_semaphore, #tpu.memory_space<semaphore_mem>>)
    %dma_wait3A_170 = arith.constant 0 : i32
    %dma_wait3A_171 = arith.constant 0 : i32
    %dma_wait3A_172 = tpu.memref_slice %arg3[%add3A, %dma_wait3A_170, %dma_wait3A_171] : memref<32x125x80xi32, #tpu.memory_space<hbm>> -> memref<1x1x80xi32, #tpu.memory_space<hbm>>
    %dma_wait3A_173 = tpu.memref_squeeze %dma_wait3A_172 : memref<1x1x80xi32, #tpu.memory_space<hbm>> -> memref<80xi32, #tpu.memory_space<hbm>>
    %dma_wait3A_174 = arith.constant 0 : i32
    %dma_wait3A_175 = tpu.memref_slice %arg3[%add3A, %dma_wait3A_170, %dma_wait3A_174] : memref<32x125x80xi32, #tpu.memory_space<hbm>> -> memref<1x1x80xi32, #tpu.memory_space<hbm>>
    %dma_wait3A_176 = tpu.memref_squeeze %dma_wait3A_175 : memref<1x1x80xi32, #tpu.memory_space<hbm>> -> memref<80xi32, #tpu.memory_space<hbm>>
    tpu.wait_dma2 semaphore(%arg27 : memref<!tpu.dma_semaphore, #tpu.memory_space<semaphore_mem>>) src(%dma_wait3A_176 : memref<80xi32, #tpu.memory_space<hbm>>) dst(%arg12 : memref<80xi32, #tpu.memory_space<vmem>>)
    %get3A_177 = arith.constant 0 : index
    %get3A_178 = tpu.vector_load %arg12[%get3A_177] {strides = array<i32>} : memref<80xi32, #tpu.memory_space<vmem>>, vector<16xi32>,
    %and3A_179 = arith.constant 65535 : i32
    %and3A_180 = vector.broadcast %and3A_179 : i32 to vector<16xi32>
    %and3A_181 = arith.andi %get3A_178, %and3A_180 : vector<16xi32>
    %swap3A_182 = arith.constant 0 : index
    %swap3A_183 = tpu.vector_load %arg15[%swap3A_182] {strides = array<i32>} : memref<80xi32, #tpu.memory_space<vmem>>, vector<16xi32>,
    tpu.vector_store %arg15[%swap3A_182], %and3A_181 {strides = array<i32>} : memref<80xi32, #tpu.memory_space<vmem>>, vector<16xi32>,
    %shift_right_arithmetic3A_184 = arith.constant 16 : i32
    %shift_right_arithmetic3A_185 = vector.broadcast %shift_right_arithmetic3A_184 : i32 to vector<16xi32>
    %shift_right_arithmetic3A_186 = arith.shrsi %get3A_178, %shift_right_arithmetic3A_185 : vector<16xi32>
    %swap3A_187 = arith.constant 0 : index
    %swap3A_188 = tpu.vector_load %arg18[%swap3A_187] {strides = array<i32>} : memref<80xi32, #tpu.memory_space<vmem>>, vector<16xi32>,
    tpu.vector_store %arg18[%swap3A_187], %shift_right_arithmetic3A_186 {strides = array<i32>} : memref<80xi32, #tpu.memory_space<vmem>>, vector<16xi32>,
    %get3A_189 = arith.constant 16 : index
    %get3A_190 = tpu.vector_load %arg12[%get3A_189] {strides = array<i32>} : memref<80xi32, #tpu.memory_space<vmem>>, vector<16xi32>,
    %and3A_191 = arith.constant 65535 : i32
    %and3A_192 = vector.broadcast %and3A_191 : i32 to vector<16xi32>
    %and3A_193 = arith.andi %get3A_190, %and3A_192 : vector<16xi32>
    %swap3A_194 = arith.constant 16 : index
    %swap3A_195 = tpu.vector_load %arg15[%swap3A_194] {strides = array<i32>} : memref<80xi32, #tpu.memory_space<vmem>>, vector<16xi32>,
    tpu.vector_store %arg15[%swap3A_194], %and3A_193 {strides = array<i32>} : memref<80xi32, #tpu.memory_space<vmem>>, vector<16xi32>,
    %shift_right_arithmetic3A_196 = arith.constant 16 : i32
    %shift_right_arithmetic3A_197 = vector.broadcast %shift_right_arithmetic3A_196 : i32 to vector<16xi32>
    %shift_right_arithmetic3A_198 = arith.shrsi %get3A_190, %shift_right_arithmetic3A_197 : vector<16xi32>
    %swap3A_199 = arith.constant 16 : index
    %swap3A_200 = tpu.vector_load %arg18[%swap3A_199] {strides = array<i32>} : memref<80xi32, #tpu.memory_space<vmem>>, vector<16xi32>,
    tpu.vector_store %arg18[%swap3A_199], %shift_right_arithmetic3A_198 {strides = array<i32>} : memref<80xi32, #tpu.memory_space<vmem>>, vector<16xi32>,
    %get3A_201 = arith.constant 32 : index
    %get3A_202 = tpu.vector_load %arg12[%get3A_201] {strides = array<i32>} : memref<80xi32, #tpu.memory_space<vmem>>, vector<16xi32>,
    %and3A_203 = arith.constant 65535 : i32
    %and3A_204 = vector.broadcast %and3A_203 : i32 to vector<16xi32>
    %and3A_205 = arith.andi %get3A_202, %and3A_204 : vector<16xi32>
    %swap3A_206 = arith.constant 32 : index
    %swap3A_207 = tpu.vector_load %arg15[%swap3A_206] {strides = array<i32>} : memref<80xi32, #tpu.memory_space<vmem>>, vector<16xi32>,
    tpu.vector_store %arg15[%swap3A_206], %and3A_205 {strides = array<i32>} : memref<80xi32, #tpu.memory_space<vmem>>, vector<16xi32>,
    %shift_right_arithmetic3A_208 = arith.constant 16 : i32
    %shift_right_arithmetic3A_209 = vector.broadcast %shift_right_arithmetic3A_208 : i32 to vector<16xi32>
    %shift_right_arithmetic3A_210 = arith.shrsi %get3A_202, %shift_right_arithmetic3A_209 : vector<16xi32>
    %swap3A_211 = arith.constant 32 : index
    %swap3A_212 = tpu.vector_load %arg18[%swap3A_211] {strides = array<i32>} : memref<80xi32, #tpu.memory_space<vmem>>, vector<16xi32>,
    tpu.vector_store %arg18[%swap3A_211], %shift_right_arithmetic3A_210 {strides = array<i32>} : memref<80xi32, #tpu.memory_space<vmem>>, vector<16xi32>,
    %get3A_213 = arith.constant 48 : index
    %get3A_214 = tpu.vector_load %arg12[%get3A_213] {strides = array<i32>} : memref<80xi32, #tpu.memory_space<vmem>>, vector<16xi32>,
    %and3A_215 = arith.constant 65535 : i32
    %and3A_216 = vector.broadcast %and3A_215 : i32 to vector<16xi32>
    %and3A_217 = arith.andi %get3A_214, %and3A_216 : vector<16xi32>
    %swap3A_218 = arith.constant 48 : index
    %swap3A_219 = tpu.vector_load %arg15[%swap3A_218] {strides = array<i32>} : memref<80xi32, #tpu.memory_space<vmem>>, vector<16xi32>,
    tpu.vector_store %arg15[%swap3A_218], %and3A_217 {strides = array<i32>} : memref<80xi32, #tpu.memory_space<vmem>>, vector<16xi32>,
    %shift_right_arithmetic3A_220 = arith.constant 16 : i32
    %shift_right_arithmetic3A_221 = vector.broadcast %shift_right_arithmetic3A_220 : i32 to vector<16xi32>
    %shift_right_arithmetic3A_222 = arith.shrsi %get3A_214, %shift_right_arithmetic3A_221 : vector<16xi32>
    %swap3A_223 = arith.constant 48 : index
    %swap3A_224 = tpu.vector_load %arg18[%swap3A_223] {strides = array<i32>} : memref<80xi32, #tpu.memory_space<vmem>>, vector<16xi32>,
    tpu.vector_store %arg18[%swap3A_223], %shift_right_arithmetic3A_222 {strides = array<i32>} : memref<80xi32, #tpu.memory_space<vmem>>, vector<16xi32>,
    %get3A_225 = arith.constant 64 : index
    %get3A_226 = tpu.vector_load %arg12[%get3A_225] {strides = array<i32>} : memref<80xi32, #tpu.memory_space<vmem>>, vector<16xi32>,
    %and3A_227 = arith.constant 65535 : i32
    %and3A_228 = vector.broadcast %and3A_227 : i32 to vector<16xi32>
    %and3A_229 = arith.andi %get3A_226, %and3A_228 : vector<16xi32>
    %swap3A_230 = arith.constant 64 : index
    %swap3A_231 = tpu.vector_load %arg15[%swap3A_230] {strides = array<i32>} : memref<80xi32, #tpu.memory_space<vmem>>, vector<16xi32>,
    tpu.vector_store %arg15[%swap3A_230], %and3A_229 {strides = array<i32>} : memref<80xi32, #tpu.memory_space<vmem>>, vector<16xi32>,
    %shift_right_arithmetic3A_232 = arith.constant 16 : i32
    %shift_right_arithmetic3A_233 = vector.broadcast %shift_right_arithmetic3A_232 : i32 to vector<16xi32>
    %shift_right_arithmetic3A_234 = arith.shrsi %get3A_226, %shift_right_arithmetic3A_233 : vector<16xi32>
    %swap3A_235 = arith.constant 64 : index
    %swap3A_236 = tpu.vector_load %arg18[%swap3A_235] {strides = array<i32>} : memref<80xi32, #tpu.memory_space<vmem>>, vector<16xi32>,
    tpu.vector_store %arg18[%swap3A_235], %shift_right_arithmetic3A_234 {strides = array<i32>} : memref<80xi32, #tpu.memory_space<vmem>>, vector<16xi32>,
    %dma_start3A_237 = arith.constant 0 : i32
    %dma_start3A_238 = arith.constant 0 : i32
    %dma_start3A_239 = tpu.memref_slice %arg2[%dma_start3A_237, %dma_start3A_238] : memref<10000x128xf32, #tpu.memory_space<hbm>> -> memref<10000x128xf32, #tpu.memory_space<hbm>>
    tpu.enqueue_indirect_dma source(%dma_start3A_239 : memref<10000x128xf32, #tpu.memory_space<hbm>>) target(%arg9 : memref<80x128xf32, #tpu.memory_space<vmem>>) offsets(%arg15 : memref<80xi32, #tpu.memory_space<vmem>>) semaphore(%arg21 : memref<!tpu.dma_semaphore, #tpu.memory_space<semaphore_mem>>)
    %dma_start3A_240 = arith.constant 5 : i32
    %dma_start3A_241 = arith.constant 0 : i32
    %dma_start3A_242 = tpu.memref_slice %arg3[%add3A, %dma_start3A_240, %dma_start3A_241] : memref<32x125x80xi32, #tpu.memory_space<hbm>> -> memref<1x1x80xi32, #tpu.memory_space<hbm>>
    %dma_start3A_243 = tpu.memref_squeeze %dma_start3A_242 : memref<1x1x80xi32, #tpu.memory_space<hbm>> -> memref<80xi32, #tpu.memory_space<hbm>>
    %dma_start3A_244 = arith.constant 0 : i32
    %dma_start3A_245 = tpu.memref_slice %arg3[%add3A, %dma_start3A_240, %dma_start3A_244] : memref<32x125x80xi32, #tpu.memory_space<hbm>> -> memref<1x1x80xi32, #tpu.memory_space<hbm>>
    %dma_start3A_246 = tpu.memref_squeeze %dma_start3A_245 : memref<1x1x80xi32, #tpu.memory_space<hbm>> -> memref<80xi32, #tpu.memory_space<hbm>>
    tpu.enqueue_dma source(%dma_start3A_246 : memref<80xi32, #tpu.memory_space<hbm>>) target(%arg12 : memref<80xi32, #tpu.memory_space<vmem>>) target_semaphore(%arg27 : memref<!tpu.dma_semaphore, #tpu.memory_space<semaphore_mem>>)
    %mul3A_247 = arith.constant 640 : i32
    %mul3A_248 = arith.muli %arg1, %mul3A_247 : i32
    %mul3A_249 = arith.constant 640 : i32
    %mul3A_250 = arith.muli %arg1, %mul3A_249 : i32
    "tpu.region"() ({
      %run_scoped3A = tpu.sem_alloc : memref<!tpu.dma_semaphore, #tpu.memory_space<semaphore_mem>>
      %dma_start3A_282 = arith.constant 0 : i32
      %dma_start3A_283 = tpu.memref_slice %arg6[%mul3A_250, %dma_start3A_282] : memref<10240x128xf32, #tpu.memory_space<vmem_shared>> -> memref<640x128xf32, #tpu.memory_space<vmem_shared>>
      %dma_start3A_284 = arith.constant 0 : i32
      %dma_start3A_285 = tpu.memref_slice %arg4[%mul3A_248, %dma_start3A_284] : memref<10240x128xf32, #tpu.memory_space<hbm>> -> memref<640x128xf32, #tpu.memory_space<hbm>>
      tpu.enqueue_dma source(%dma_start3A_285 : memref<640x128xf32, #tpu.memory_space<hbm>>) target(%dma_start3A_283 : memref<640x128xf32, #tpu.memory_space<vmem_shared>>) target_semaphore(%run_scoped3A : memref<!tpu.dma_semaphore, #tpu.memory_space<semaphore_mem>>)
      %dma_wait3A_286 = arith.constant 0 : i32
      %dma_wait3A_287 = tpu.memref_slice %arg6[%mul3A_250, %dma_wait3A_286] : memref<10240x128xf32, #tpu.memory_space<vmem_shared>> -> memref<640x128xf32, #tpu.memory_space<vmem_shared>>
      %dma_wait3A_288 = arith.constant 0 : i32
      %dma_wait3A_289 = tpu.memref_slice %arg4[%mul3A_248, %dma_wait3A_288] : memref<10240x128xf32, #tpu.memory_space<hbm>> -> memref<640x128xf32, #tpu.memory_space<hbm>>
      tpu.wait_dma2 semaphore(%run_scoped3A : memref<!tpu.dma_semaphore, #tpu.memory_space<semaphore_mem>>) src(%dma_wait3A_289 : memref<640x128xf32, #tpu.memory_space<hbm>>) dst(%dma_wait3A_287 : memref<640x128xf32, #tpu.memory_space<vmem_shared>>)
      tpu.yield
    }) : () -> ()
    %barrier3A = arith.constant 0 : index
    tpu.barrier barrier_id(%barrier3A)
    %scan3A = arith.constant 0 : i32
    %scan3A_251 = arith.constant 0 : i32
    %scan3A_252 = arith.constant 41 : i32
    %scan3A_253 = arith.addi %scan3A_251, %scan3A_252 : i32
    %scan3A_254 = arith.constant 1 : i32
    scf.for %scan3A_282 = %scan3A_251 to %scan3A_253 step %scan3A_254  : i32 {
      %dma_wait3A_283 = arith.constant 0 : i32
      %dma_wait3A_284 = arith.constant 0 : i32
      %dma_wait3A_285 = tpu.memref_slice %arg2[%dma_wait3A_283, %dma_wait3A_284] : memref<10000x128xf32, #tpu.memory_space<hbm>> -> memref<10000x128xf32, #tpu.memory_space<hbm>>
      tpu.wait_indirect_dma semaphore(%arg19 : memref<!tpu.dma_semaphore, #tpu.memory_space<semaphore_mem>>) src(%dma_wait3A_285 : memref<10000x128xf32, #tpu.memory_space<hbm>>) dst(%arg7 : memref<80x128xf32, #tpu.memory_space<vmem>>)
      %dma_start3A_286 = arith.constant 0 : i32
      %dma_start3A_287 = arith.constant 0 : i32
      %dma_start3A_288 = tpu.memref_slice %arg6[%dma_start3A_286, %dma_start3A_287] : memref<10240x128xf32, #tpu.memory_space<vmem_shared>> -> memref<10240x128xf32, #tpu.memory_space<vmem_shared>>
      tpu.enqueue_indirect_dma source(%arg7 : memref<80x128xf32, #tpu.memory_space<vmem>>) target(%dma_start3A_288 : memref<10240x128xf32, #tpu.memory_space<vmem_shared>>) offsets(%arg16 : memref<80xi32, #tpu.memory_space<vmem>>) semaphore(%arg22 : memref<!tpu.dma_semaphore, #tpu.memory_space<semaphore_mem>>) {add = true}
      %dma_wait3A_289 = arith.constant 0 : i32
      %dma_wait3A_290 = arith.constant 0 : i32
      %dma_wait3A_291 = tpu.memref_slice %arg2[%dma_wait3A_289, %dma_wait3A_290] : memref<10000x128xf32, #tpu.memory_space<hbm>> -> memref<10000x128xf32, #tpu.memory_space<hbm>>
      tpu.wait_indirect_dma semaphore(%arg20 : memref<!tpu.dma_semaphore, #tpu.memory_space<semaphore_mem>>) src(%dma_wait3A_291 : memref<10000x128xf32, #tpu.memory_space<hbm>>) dst(%arg8 : memref<80x128xf32, #tpu.memory_space<vmem>>)
      %dma_start3A_292 = arith.constant 0 : i32
      %dma_start3A_293 = arith.constant 0 : i32
      %dma_start3A_294 = tpu.memref_slice %arg6[%dma_start3A_292, %dma_start3A_293] : memref<10240x128xf32, #tpu.memory_space<vmem_shared>> -> memref<10240x128xf32, #tpu.memory_space<vmem_shared>>
      tpu.enqueue_indirect_dma source(%arg8 : memref<80x128xf32, #tpu.memory_space<vmem>>) target(%dma_start3A_294 : memref<10240x128xf32, #tpu.memory_space<vmem_shared>>) offsets(%arg17 : memref<80xi32, #tpu.memory_space<vmem>>) semaphore(%arg23 : memref<!tpu.dma_semaphore, #tpu.memory_space<semaphore_mem>>) {add = true}
      %dma_wait3A_295 = arith.constant 0 : i32
      %dma_wait3A_296 = arith.constant 0 : i32
      %dma_wait3A_297 = tpu.memref_slice %arg2[%dma_wait3A_295, %dma_wait3A_296] : memref<10000x128xf32, #tpu.memory_space<hbm>> -> memref<10000x128xf32, #tpu.memory_space<hbm>>
      tpu.wait_indirect_dma semaphore(%arg21 : memref<!tpu.dma_semaphore, #tpu.memory_space<semaphore_mem>>) src(%dma_wait3A_297 : memref<10000x128xf32, #tpu.memory_space<hbm>>) dst(%arg9 : memref<80x128xf32, #tpu.memory_space<vmem>>)
      %dma_start3A_298 = arith.constant 0 : i32
      %dma_start3A_299 = arith.constant 0 : i32
      %dma_start3A_300 = tpu.memref_slice %arg6[%dma_start3A_298, %dma_start3A_299] : memref<10240x128xf32, #tpu.memory_space<vmem_shared>> -> memref<10240x128xf32, #tpu.memory_space<vmem_shared>>
      tpu.enqueue_indirect_dma source(%arg9 : memref<80x128xf32, #tpu.memory_space<vmem>>) target(%dma_start3A_300 : memref<10240x128xf32, #tpu.memory_space<vmem_shared>>) offsets(%arg18 : memref<80xi32, #tpu.memory_space<vmem>>) semaphore(%arg24 : memref<!tpu.dma_semaphore, #tpu.memory_space<semaphore_mem>>) {add = true}
      %mul3A_301 = arith.constant 3 : i32
      %mul3A_302 = arith.muli %scan3A_282, %mul3A_301 : i32
      %add3A_303 = arith.constant 0 : i32
      %add3A_304 = arith.addi %mul3A_302, %add3A_303 : i32
      %add3A_305 = arith.constant 3 : i32
      %add3A_306 = arith.addi %add3A_304, %add3A_305 : i32
      %lt3A = arith.constant 125 : i32
      %lt3A_307 = arith.cmpi slt, %add3A_306, %lt3A : i32
      %convert_element_type3A = arith.extui %lt3A_307 : i1 to i32
      %cond3A = arith.constant 0 : i32
      %cond3A_308 = arith.cmpi ne, %convert_element_type3A, %cond3A : i32
      scf.if %cond3A_308 {
        %dma_wait3A_331 = arith.constant 0 : i32
        %dma_wait3A_332 = arith.constant 0 : i32
        %dma_wait3A_333 = tpu.memref_slice %arg6[%dma_wait3A_331, %dma_wait3A_332] : memref<10240x128xf32, #tpu.memory_space<vmem_shared>> -> memref<10240x128xf32, #tpu.memory_space<vmem_shared>>
        tpu.wait_indirect_dma semaphore(%arg22 : memref<!tpu.dma_semaphore, #tpu.memory_space<semaphore_mem>>) src(%arg7 : memref<80x128xf32, #tpu.memory_space<vmem>>) dst(%dma_wait3A_333 : memref<10240x128xf32, #tpu.memory_space<vmem_shared>>)
        %dma_wait3A_334 = arith.constant 0 : i32
        %dma_wait3A_335 = arith.constant 0 : i32
        %dma_wait3A_336 = tpu.memref_slice %arg3[%add3A, %dma_wait3A_334, %dma_wait3A_335] : memref<32x125x80xi32, #tpu.memory_space<hbm>> -> memref<1x1x80xi32, #tpu.memory_space<hbm>>
        %dma_wait3A_337 = tpu.memref_squeeze %dma_wait3A_336 : memref<1x1x80xi32, #tpu.memory_space<hbm>> -> memref<80xi32, #tpu.memory_space<hbm>>
        %dma_wait3A_338 = arith.constant 0 : i32
        %dma_wait3A_339 = tpu.memref_slice %arg3[%add3A, %dma_wait3A_334, %dma_wait3A_338] : memref<32x125x80xi32, #tpu.memory_space<hbm>> -> memref<1x1x80xi32, #tpu.memory_space<hbm>>
        %dma_wait3A_340 = tpu.memref_squeeze %dma_wait3A_339 : memref<1x1x80xi32, #tpu.memory_space<hbm>> -> memref<80xi32, #tpu.memory_space<hbm>>
        tpu.wait_dma2 semaphore(%arg25 : memref<!tpu.dma_semaphore, #tpu.memory_space<semaphore_mem>>) src(%dma_wait3A_340 : memref<80xi32, #tpu.memory_space<hbm>>) dst(%arg10 : memref<80xi32, #tpu.memory_space<vmem>>)
        %get3A_341 = arith.constant 0 : index
        %get3A_342 = tpu.vector_load %arg10[%get3A_341] {strides = array<i32>} : memref<80xi32, #tpu.memory_space<vmem>>, vector<16xi32>,
        %and3A_343 = arith.constant 65535 : i32
        %and3A_344 = vector.broadcast %and3A_343 : i32 to vector<16xi32>
        %and3A_345 = arith.andi %get3A_342, %and3A_344 : vector<16xi32>
        %swap3A_346 = arith.constant 0 : index
        %swap3A_347 = tpu.vector_load %arg13[%swap3A_346] {strides = array<i32>} : memref<80xi32, #tpu.memory_space<vmem>>, vector<16xi32>,
        tpu.vector_store %arg13[%swap3A_346], %and3A_345 {strides = array<i32>} : memref<80xi32, #tpu.memory_space<vmem>>, vector<16xi32>,
        %shift_right_arithmetic3A_348 = arith.constant 16 : i32
        %shift_right_arithmetic3A_349 = vector.broadcast %shift_right_arithmetic3A_348 : i32 to vector<16xi32>
        %shift_right_arithmetic3A_350 = arith.shrsi %get3A_342, %shift_right_arithmetic3A_349 : vector<16xi32>
        %swap3A_351 = arith.constant 0 : index
        %swap3A_352 = tpu.vector_load %arg16[%swap3A_351] {strides = array<i32>} : memref<80xi32, #tpu.memory_space<vmem>>, vector<16xi32>,
        tpu.vector_store %arg16[%swap3A_351], %shift_right_arithmetic3A_350 {strides = array<i32>} : memref<80xi32, #tpu.memory_space<vmem>>, vector<16xi32>,
        %get3A_353 = arith.constant 16 : index
        %get3A_354 = tpu.vector_load %arg10[%get3A_353] {strides = array<i32>} : memref<80xi32, #tpu.memory_space<vmem>>, vector<16xi32>,
        %and3A_355 = arith.constant 65535 : i32
        %and3A_356 = vector.broadcast %and3A_355 : i32 to vector<16xi32>
        %and3A_357 = arith.andi %get3A_354, %and3A_356 : vector<16xi32>
        %swap3A_358 = arith.constant 16 : index
        %swap3A_359 = tpu.vector_load %arg13[%swap3A_358] {strides = array<i32>} : memref<80xi32, #tpu.memory_space<vmem>>, vector<16xi32>,
        tpu.vector_store %arg13[%swap3A_358], %and3A_357 {strides = array<i32>} : memref<80xi32, #tpu.memory_space<vmem>>, vector<16xi32>,
        %shift_right_arithmetic3A_360 = arith.constant 16 : i32
        %shift_right_arithmetic3A_361 = vector.broadcast %shift_right_arithmetic3A_360 : i32 to vector<16xi32>
        %shift_right_arithmetic3A_362 = arith.shrsi %get3A_354, %shift_right_arithmetic3A_361 : vector<16xi32>
        %swap3A_363 = arith.constant 16 : index
        %swap3A_364 = tpu.vector_load %arg16[%swap3A_363] {strides = array<i32>} : memref<80xi32, #tpu.memory_space<vmem>>, vector<16xi32>,
        tpu.vector_store %arg16[%swap3A_363], %shift_right_arithmetic3A_362 {strides = array<i32>} : memref<80xi32, #tpu.memory_space<vmem>>, vector<16xi32>,
        %get3A_365 = arith.constant 32 : index
        %get3A_366 = tpu.vector_load %arg10[%get3A_365] {strides = array<i32>} : memref<80xi32, #tpu.memory_space<vmem>>, vector<16xi32>,
        %and3A_367 = arith.constant 65535 : i32
        %and3A_368 = vector.broadcast %and3A_367 : i32 to vector<16xi32>
        %and3A_369 = arith.andi %get3A_366, %and3A_368 : vector<16xi32>
        %swap3A_370 = arith.constant 32 : index
        %swap3A_371 = tpu.vector_load %arg13[%swap3A_370] {strides = array<i32>} : memref<80xi32, #tpu.memory_space<vmem>>, vector<16xi32>,
        tpu.vector_store %arg13[%swap3A_370], %and3A_369 {strides = array<i32>} : memref<80xi32, #tpu.memory_space<vmem>>, vector<16xi32>,
        %shift_right_arithmetic3A_372 = arith.constant 16 : i32
        %shift_right_arithmetic3A_373 = vector.broadcast %shift_right_arithmetic3A_372 : i32 to vector<16xi32>
        %shift_right_arithmetic3A_374 = arith.shrsi %get3A_366, %shift_right_arithmetic3A_373 : vector<16xi32>
        %swap3A_375 = arith.constant 32 : index
        %swap3A_376 = tpu.vector_load %arg16[%swap3A_375] {strides = array<i32>} : memref<80xi32, #tpu.memory_space<vmem>>, vector<16xi32>,
        tpu.vector_store %arg16[%swap3A_375], %shift_right_arithmetic3A_374 {strides = array<i32>} : memref<80xi32, #tpu.memory_space<vmem>>, vector<16xi32>,
        %get3A_377 = arith.constant 48 : index
        %get3A_378 = tpu.vector_load %arg10[%get3A_377] {strides = array<i32>} : memref<80xi32, #tpu.memory_space<vmem>>, vector<16xi32>,
        %and3A_379 = arith.constant 65535 : i32
        %and3A_380 = vector.broadcast %and3A_379 : i32 to vector<16xi32>
        %and3A_381 = arith.andi %get3A_378, %and3A_380 : vector<16xi32>
        %swap3A_382 = arith.constant 48 : index
        %swap3A_383 = tpu.vector_load %arg13[%swap3A_382] {strides = array<i32>} : memref<80xi32, #tpu.memory_space<vmem>>, vector<16xi32>,
        tpu.vector_store %arg13[%swap3A_382], %and3A_381 {strides = array<i32>} : memref<80xi32, #tpu.memory_space<vmem>>, vector<16xi32>,
        %shift_right_arithmetic3A_384 = arith.constant 16 : i32
        %shift_right_arithmetic3A_385 = vector.broadcast %shift_right_arithmetic3A_384 : i32 to vector<16xi32>
        %shift_right_arithmetic3A_386 = arith.shrsi %get3A_378, %shift_right_arithmetic3A_385 : vector<16xi32>
        %swap3A_387 = arith.constant 48 : index
        %swap3A_388 = tpu.vector_load %arg16[%swap3A_387] {strides = array<i32>} : memref<80xi32, #tpu.memory_space<vmem>>, vector<16xi32>,
        tpu.vector_store %arg16[%swap3A_387], %shift_right_arithmetic3A_386 {strides = array<i32>} : memref<80xi32, #tpu.memory_space<vmem>>, vector<16xi32>,
        %get3A_389 = arith.constant 64 : index
        %get3A_390 = tpu.vector_load %arg10[%get3A_389] {strides = array<i32>} : memref<80xi32, #tpu.memory_space<vmem>>, vector<16xi32>,
        %and3A_391 = arith.constant 65535 : i32
        %and3A_392 = vector.broadcast %and3A_391 : i32 to vector<16xi32>
        %and3A_393 = arith.andi %get3A_390, %and3A_392 : vector<16xi32>
        %swap3A_394 = arith.constant 64 : index
        %swap3A_395 = tpu.vector_load %arg13[%swap3A_394] {strides = array<i32>} : memref<80xi32, #tpu.memory_space<vmem>>, vector<16xi32>,
        tpu.vector_store %arg13[%swap3A_394], %and3A_393 {strides = array<i32>} : memref<80xi32, #tpu.memory_space<vmem>>, vector<16xi32>,
        %shift_right_arithmetic3A_396 = arith.constant 16 : i32
        %shift_right_arithmetic3A_397 = vector.broadcast %shift_right_arithmetic3A_396 : i32 to vector<16xi32>
        %shift_right_arithmetic3A_398 = arith.shrsi %get3A_390, %shift_right_arithmetic3A_397 : vector<16xi32>
        %swap3A_399 = arith.constant 64 : index
        %swap3A_400 = tpu.vector_load %arg16[%swap3A_399] {strides = array<i32>} : memref<80xi32, #tpu.memory_space<vmem>>, vector<16xi32>,
        tpu.vector_store %arg16[%swap3A_399], %shift_right_arithmetic3A_398 {strides = array<i32>} : memref<80xi32, #tpu.memory_space<vmem>>, vector<16xi32>,
        %dma_start3A_401 = arith.constant 0 : i32
        %dma_start3A_402 = arith.constant 0 : i32
        %dma_start3A_403 = tpu.memref_slice %arg2[%dma_start3A_401, %dma_start3A_402] : memref<10000x128xf32, #tpu.memory_space<hbm>> -> memref<10000x128xf32, #tpu.memory_space<hbm>>
        tpu.enqueue_indirect_dma source(%dma_start3A_403 : memref<10000x128xf32, #tpu.memory_space<hbm>>) target(%arg7 : memref<80x128xf32, #tpu.memory_space<vmem>>) offsets(%arg13 : memref<80xi32, #tpu.memory_space<vmem>>) semaphore(%arg19 : memref<!tpu.dma_semaphore, #tpu.memory_space<semaphore_mem>>)
        %add3A_404 = arith.constant 3 : i32
        %add3A_405 = arith.addi %add3A_306, %add3A_404 : i32
        %lt3A_406 = arith.constant 125 : i32
        %lt3A_407 = arith.cmpi slt, %add3A_405, %lt3A_406 : i32
        %convert_element_type3A_408 = arith.extui %lt3A_407 : i1 to i32
        %cond3A_409 = arith.constant 0 : i32
        %cond3A_410 = arith.cmpi ne, %convert_element_type3A_408, %cond3A_409 : i32
        scf.if %cond3A_410 {
          %add3A_411 = arith.constant 3 : i32
          %add3A_412 = arith.addi %add3A_306, %add3A_411 : i32
          %dma_start3A_413 = arith.constant 0 : i32
          %dma_start3A_414 = tpu.memref_slice %arg3[%add3A, %add3A_412, %dma_start3A_413] : memref<32x125x80xi32, #tpu.memory_space<hbm>> -> memref<1x1x80xi32, #tpu.memory_space<hbm>>
          %dma_start3A_415 = tpu.memref_squeeze %dma_start3A_414 : memref<1x1x80xi32, #tpu.memory_space<hbm>> -> memref<80xi32, #tpu.memory_space<hbm>>
          %dma_start3A_416 = arith.constant 0 : i32
          %dma_start3A_417 = tpu.memref_slice %arg3[%add3A, %add3A_412, %dma_start3A_416] : memref<32x125x80xi32, #tpu.memory_space<hbm>> -> memref<1x1x80xi32, #tpu.memory_space<hbm>>
          %dma_start3A_418 = tpu.memref_squeeze %dma_start3A_417 : memref<1x1x80xi32, #tpu.memory_space<hbm>> -> memref<80xi32, #tpu.memory_space<hbm>>
          tpu.enqueue_dma source(%dma_start3A_418 : memref<80xi32, #tpu.memory_space<hbm>>) target(%arg10 : memref<80xi32, #tpu.memory_space<vmem>>) target_semaphore(%arg25 : memref<!tpu.dma_semaphore, #tpu.memory_space<semaphore_mem>>)
        } else {
        }
      } else {
      }
      %mul3A_309 = arith.constant 3 : i32
      %mul3A_310 = arith.muli %scan3A_282, %mul3A_309 : i32
      %add3A_311 = arith.constant 1 : i32
      %add3A_312 = arith.addi %mul3A_310, %add3A_311 : i32
      %add3A_313 = arith.constant 3 : i32
      %add3A_314 = arith.addi %add3A_312, %add3A_313 : i32
      %lt3A_315 = arith.constant 125 : i32
      %lt3A_316 = arith.cmpi slt, %add3A_314, %lt3A_315 : i32
      %convert_element_type3A_317 = arith.extui %lt3A_316 : i1 to i32
      %cond3A_318 = arith.constant 0 : i32
      %cond3A_319 = arith.cmpi ne, %convert_element_type3A_317, %cond3A_318 : i32
      scf.if %cond3A_319 {
        %dma_wait3A_331 = arith.constant 0 : i32
        %dma_wait3A_332 = arith.constant 0 : i32
        %dma_wait3A_333 = tpu.memref_slice %arg6[%dma_wait3A_331, %dma_wait3A_332] : memref<10240x128xf32, #tpu.memory_space<vmem_shared>> -> memref<10240x128xf32, #tpu.memory_space<vmem_shared>>
        tpu.wait_indirect_dma semaphore(%arg23 : memref<!tpu.dma_semaphore, #tpu.memory_space<semaphore_mem>>) src(%arg8 : memref<80x128xf32, #tpu.memory_space<vmem>>) dst(%dma_wait3A_333 : memref<10240x128xf32, #tpu.memory_space<vmem_shared>>)
        %dma_wait3A_334 = arith.constant 0 : i32
        %dma_wait3A_335 = arith.constant 0 : i32
        %dma_wait3A_336 = tpu.memref_slice %arg3[%add3A, %dma_wait3A_334, %dma_wait3A_335] : memref<32x125x80xi32, #tpu.memory_space<hbm>> -> memref<1x1x80xi32, #tpu.memory_space<hbm>>
        %dma_wait3A_337 = tpu.memref_squeeze %dma_wait3A_336 : memref<1x1x80xi32, #tpu.memory_space<hbm>> -> memref<80xi32, #tpu.memory_space<hbm>>
        %dma_wait3A_338 = arith.constant 0 : i32
        %dma_wait3A_339 = tpu.memref_slice %arg3[%add3A, %dma_wait3A_334, %dma_wait3A_338] : memref<32x125x80xi32, #tpu.memory_space<hbm>> -> memref<1x1x80xi32, #tpu.memory_space<hbm>>
        %dma_wait3A_340 = tpu.memref_squeeze %dma_wait3A_339 : memref<1x1x80xi32, #tpu.memory_space<hbm>> -> memref<80xi32, #tpu.memory_space<hbm>>
        tpu.wait_dma2 semaphore(%arg26 : memref<!tpu.dma_semaphore, #tpu.memory_space<semaphore_mem>>) src(%dma_wait3A_340 : memref<80xi32, #tpu.memory_space<hbm>>) dst(%arg11 : memref<80xi32, #tpu.memory_space<vmem>>)
        %get3A_341 = arith.constant 0 : index
        %get3A_342 = tpu.vector_load %arg11[%get3A_341] {strides = array<i32>} : memref<80xi32, #tpu.memory_space<vmem>>, vector<16xi32>,
        %and3A_343 = arith.constant 65535 : i32
        %and3A_344 = vector.broadcast %and3A_343 : i32 to vector<16xi32>
        %and3A_345 = arith.andi %get3A_342, %and3A_344 : vector<16xi32>
        %swap3A_346 = arith.constant 0 : index
        %swap3A_347 = tpu.vector_load %arg14[%swap3A_346] {strides = array<i32>} : memref<80xi32, #tpu.memory_space<vmem>>, vector<16xi32>,
        tpu.vector_store %arg14[%swap3A_346], %and3A_345 {strides = array<i32>} : memref<80xi32, #tpu.memory_space<vmem>>, vector<16xi32>,
        %shift_right_arithmetic3A_348 = arith.constant 16 : i32
        %shift_right_arithmetic3A_349 = vector.broadcast %shift_right_arithmetic3A_348 : i32 to vector<16xi32>
        %shift_right_arithmetic3A_350 = arith.shrsi %get3A_342, %shift_right_arithmetic3A_349 : vector<16xi32>
        %swap3A_351 = arith.constant 0 : index
        %swap3A_352 = tpu.vector_load %arg17[%swap3A_351] {strides = array<i32>} : memref<80xi32, #tpu.memory_space<vmem>>, vector<16xi32>,
        tpu.vector_store %arg17[%swap3A_351], %shift_right_arithmetic3A_350 {strides = array<i32>} : memref<80xi32, #tpu.memory_space<vmem>>, vector<16xi32>,
        %get3A_353 = arith.constant 16 : index
        %get3A_354 = tpu.vector_load %arg11[%get3A_353] {strides = array<i32>} : memref<80xi32, #tpu.memory_space<vmem>>, vector<16xi32>,
        %and3A_355 = arith.constant 65535 : i32
        %and3A_356 = vector.broadcast %and3A_355 : i32 to vector<16xi32>
        %and3A_357 = arith.andi %get3A_354, %and3A_356 : vector<16xi32>
        %swap3A_358 = arith.constant 16 : index
        %swap3A_359 = tpu.vector_load %arg14[%swap3A_358] {strides = array<i32>} : memref<80xi32, #tpu.memory_space<vmem>>, vector<16xi32>,
        tpu.vector_store %arg14[%swap3A_358], %and3A_357 {strides = array<i32>} : memref<80xi32, #tpu.memory_space<vmem>>, vector<16xi32>,
        %shift_right_arithmetic3A_360 = arith.constant 16 : i32
        %shift_right_arithmetic3A_361 = vector.broadcast %shift_right_arithmetic3A_360 : i32 to vector<16xi32>
        %shift_right_arithmetic3A_362 = arith.shrsi %get3A_354, %shift_right_arithmetic3A_361 : vector<16xi32>
        %swap3A_363 = arith.constant 16 : index
        %swap3A_364 = tpu.vector_load %arg17[%swap3A_363] {strides = array<i32>} : memref<80xi32, #tpu.memory_space<vmem>>, vector<16xi32>,
        tpu.vector_store %arg17[%swap3A_363], %shift_right_arithmetic3A_362 {strides = array<i32>} : memref<80xi32, #tpu.memory_space<vmem>>, vector<16xi32>,
        %get3A_365 = arith.constant 32 : index
        %get3A_366 = tpu.vector_load %arg11[%get3A_365] {strides = array<i32>} : memref<80xi32, #tpu.memory_space<vmem>>, vector<16xi32>,
        %and3A_367 = arith.constant 65535 : i32
        %and3A_368 = vector.broadcast %and3A_367 : i32 to vector<16xi32>
        %and3A_369 = arith.andi %get3A_366, %and3A_368 : vector<16xi32>
        %swap3A_370 = arith.constant 32 : index
        %swap3A_371 = tpu.vector_load %arg14[%swap3A_370] {strides = array<i32>} : memref<80xi32, #tpu.memory_space<vmem>>, vector<16xi32>,
        tpu.vector_store %arg14[%swap3A_370], %and3A_369 {strides = array<i32>} : memref<80xi32, #tpu.memory_space<vmem>>, vector<16xi32>,
        %shift_right_arithmetic3A_372 = arith.constant 16 : i32
        %shift_right_arithmetic3A_373 = vector.broadcast %shift_right_arithmetic3A_372 : i32 to vector<16xi32>
        %shift_right_arithmetic3A_374 = arith.shrsi %get3A_366, %shift_right_arithmetic3A_373 : vector<16xi32>
        %swap3A_375 = arith.constant 32 : index
        %swap3A_376 = tpu.vector_load %arg17[%swap3A_375] {strides = array<i32>} : memref<80xi32, #tpu.memory_space<vmem>>, vector<16xi32>,
        tpu.vector_store %arg17[%swap3A_375], %shift_right_arithmetic3A_374 {strides = array<i32>} : memref<80xi32, #tpu.memory_space<vmem>>, vector<16xi32>,
        %get3A_377 = arith.constant 48 : index
        %get3A_378 = tpu.vector_load %arg11[%get3A_377] {strides = array<i32>} : memref<80xi32, #tpu.memory_space<vmem>>, vector<16xi32>,
        %and3A_379 = arith.constant 65535 : i32
        %and3A_380 = vector.broadcast %and3A_379 : i32 to vector<16xi32>
        %and3A_381 = arith.andi %get3A_378, %and3A_380 : vector<16xi32>
        %swap3A_382 = arith.constant 48 : index
        %swap3A_383 = tpu.vector_load %arg14[%swap3A_382] {strides = array<i32>} : memref<80xi32, #tpu.memory_space<vmem>>, vector<16xi32>,
        tpu.vector_store %arg14[%swap3A_382], %and3A_381 {strides = array<i32>} : memref<80xi32, #tpu.memory_space<vmem>>, vector<16xi32>,
        %shift_right_arithmetic3A_384 = arith.constant 16 : i32
        %shift_right_arithmetic3A_385 = vector.broadcast %shift_right_arithmetic3A_384 : i32 to vector<16xi32>
        %shift_right_arithmetic3A_386 = arith.shrsi %get3A_378, %shift_right_arithmetic3A_385 : vector<16xi32>
        %swap3A_387 = arith.constant 48 : index
        %swap3A_388 = tpu.vector_load %arg17[%swap3A_387] {strides = array<i32>} : memref<80xi32, #tpu.memory_space<vmem>>, vector<16xi32>,
        tpu.vector_store %arg17[%swap3A_387], %shift_right_arithmetic3A_386 {strides = array<i32>} : memref<80xi32, #tpu.memory_space<vmem>>, vector<16xi32>,
        %get3A_389 = arith.constant 64 : index
        %get3A_390 = tpu.vector_load %arg11[%get3A_389] {strides = array<i32>} : memref<80xi32, #tpu.memory_space<vmem>>, vector<16xi32>,
        %and3A_391 = arith.constant 65535 : i32
        %and3A_392 = vector.broadcast %and3A_391 : i32 to vector<16xi32>
        %and3A_393 = arith.andi %get3A_390, %and3A_392 : vector<16xi32>
        %swap3A_394 = arith.constant 64 : index
        %swap3A_395 = tpu.vector_load %arg14[%swap3A_394] {strides = array<i32>} : memref<80xi32, #tpu.memory_space<vmem>>, vector<16xi32>,
        tpu.vector_store %arg14[%swap3A_394], %and3A_393 {strides = array<i32>} : memref<80xi32, #tpu.memory_space<vmem>>, vector<16xi32>,
        %shift_right_arithmetic3A_396 = arith.constant 16 : i32
        %shift_right_arithmetic3A_397 = vector.broadcast %shift_right_arithmetic3A_396 : i32 to vector<16xi32>
        %shift_right_arithmetic3A_398 = arith.shrsi %get3A_390, %shift_right_arithmetic3A_397 : vector<16xi32>
        %swap3A_399 = arith.constant 64 : index
        %swap3A_400 = tpu.vector_load %arg17[%swap3A_399] {strides = array<i32>} : memref<80xi32, #tpu.memory_space<vmem>>, vector<16xi32>,
        tpu.vector_store %arg17[%swap3A_399], %shift_right_arithmetic3A_398 {strides = array<i32>} : memref<80xi32, #tpu.memory_space<vmem>>, vector<16xi32>,
        %dma_start3A_401 = arith.constant 0 : i32
        %dma_start3A_402 = arith.constant 0 : i32
        %dma_start3A_403 = tpu.memref_slice %arg2[%dma_start3A_401, %dma_start3A_402] : memref<10000x128xf32, #tpu.memory_space<hbm>> -> memref<10000x128xf32, #tpu.memory_space<hbm>>
        tpu.enqueue_indirect_dma source(%dma_start3A_403 : memref<10000x128xf32, #tpu.memory_space<hbm>>) target(%arg8 : memref<80x128xf32, #tpu.memory_space<vmem>>) offsets(%arg14 : memref<80xi32, #tpu.memory_space<vmem>>) semaphore(%arg20 : memref<!tpu.dma_semaphore, #tpu.memory_space<semaphore_mem>>)
        %add3A_404 = arith.constant 3 : i32
        %add3A_405 = arith.addi %add3A_314, %add3A_404 : i32
        %lt3A_406 = arith.constant 125 : i32
        %lt3A_407 = arith.cmpi slt, %add3A_405, %lt3A_406 : i32
        %convert_element_type3A_408 = arith.extui %lt3A_407 : i1 to i32
        %cond3A_409 = arith.constant 0 : i32
        %cond3A_410 = arith.cmpi ne, %convert_element_type3A_408, %cond3A_409 : i32
        scf.if %cond3A_410 {
          %add3A_411 = arith.constant 3 : i32
          %add3A_412 = arith.addi %add3A_314, %add3A_411 : i32
          %dma_start3A_413 = arith.constant 0 : i32
          %dma_start3A_414 = tpu.memref_slice %arg3[%add3A, %add3A_412, %dma_start3A_413] : memref<32x125x80xi32, #tpu.memory_space<hbm>> -> memref<1x1x80xi32, #tpu.memory_space<hbm>>
          %dma_start3A_415 = tpu.memref_squeeze %dma_start3A_414 : memref<1x1x80xi32, #tpu.memory_space<hbm>> -> memref<80xi32, #tpu.memory_space<hbm>>
          %dma_start3A_416 = arith.constant 0 : i32
          %dma_start3A_417 = tpu.memref_slice %arg3[%add3A, %add3A_412, %dma_start3A_416] : memref<32x125x80xi32, #tpu.memory_space<hbm>> -> memref<1x1x80xi32, #tpu.memory_space<hbm>>
          %dma_start3A_418 = tpu.memref_squeeze %dma_start3A_417 : memref<1x1x80xi32, #tpu.memory_space<hbm>> -> memref<80xi32, #tpu.memory_space<hbm>>
          tpu.enqueue_dma source(%dma_start3A_418 : memref<80xi32, #tpu.memory_space<hbm>>) target(%arg11 : memref<80xi32, #tpu.memory_space<vmem>>) target_semaphore(%arg26 : memref<!tpu.dma_semaphore, #tpu.memory_space<semaphore_mem>>)
        } else {
        }
      } else {
      }
      %mul3A_320 = arith.constant 3 : i32
      %mul3A_321 = arith.muli %scan3A_282, %mul3A_320 : i32
      %add3A_322 = arith.constant 2 : i32
      %add3A_323 = arith.addi %mul3A_321, %add3A_322 : i32
      %add3A_324 = arith.constant 3 : i32
      %add3A_325 = arith.addi %add3A_323, %add3A_324 : i32
      %lt3A_326 = arith.constant 125 : i32
      %lt3A_327 = arith.cmpi slt, %add3A_325, %lt3A_326 : i32
      %convert_element_type3A_328 = arith.extui %lt3A_327 : i1 to i32
      %cond3A_329 = arith.constant 0 : i32
      %cond3A_330 = arith.cmpi ne, %convert_element_type3A_328, %cond3A_329 : i32
      scf.if %cond3A_330 {
        %dma_wait3A_331 = arith.constant 0 : i32
        %dma_wait3A_332 = arith.constant 0 : i32
        %dma_wait3A_333 = tpu.memref_slice %arg6[%dma_wait3A_331, %dma_wait3A_332] : memref<10240x128xf32, #tpu.memory_space<vmem_shared>> -> memref<10240x128xf32, #tpu.memory_space<vmem_shared>>
        tpu.wait_indirect_dma semaphore(%arg24 : memref<!tpu.dma_semaphore, #tpu.memory_space<semaphore_mem>>) src(%arg9 : memref<80x128xf32, #tpu.memory_space<vmem>>) dst(%dma_wait3A_333 : memref<10240x128xf32, #tpu.memory_space<vmem_shared>>)
        %dma_wait3A_334 = arith.constant 0 : i32
        %dma_wait3A_335 = arith.constant 0 : i32
        %dma_wait3A_336 = tpu.memref_slice %arg3[%add3A, %dma_wait3A_334, %dma_wait3A_335] : memref<32x125x80xi32, #tpu.memory_space<hbm>> -> memref<1x1x80xi32, #tpu.memory_space<hbm>>
        %dma_wait3A_337 = tpu.memref_squeeze %dma_wait3A_336 : memref<1x1x80xi32, #tpu.memory_space<hbm>> -> memref<80xi32, #tpu.memory_space<hbm>>
        %dma_wait3A_338 = arith.constant 0 : i32
        %dma_wait3A_339 = tpu.memref_slice %arg3[%add3A, %dma_wait3A_334, %dma_wait3A_338] : memref<32x125x80xi32, #tpu.memory_space<hbm>> -> memref<1x1x80xi32, #tpu.memory_space<hbm>>
        %dma_wait3A_340 = tpu.memref_squeeze %dma_wait3A_339 : memref<1x1x80xi32, #tpu.memory_space<hbm>> -> memref<80xi32, #tpu.memory_space<hbm>>
        tpu.wait_dma2 semaphore(%arg27 : memref<!tpu.dma_semaphore, #tpu.memory_space<semaphore_mem>>) src(%dma_wait3A_340 : memref<80xi32, #tpu.memory_space<hbm>>) dst(%arg12 : memref<80xi32, #tpu.memory_space<vmem>>)
        %get3A_341 = arith.constant 0 : index
        %get3A_342 = tpu.vector_load %arg12[%get3A_341] {strides = array<i32>} : memref<80xi32, #tpu.memory_space<vmem>>, vector<16xi32>,
        %and3A_343 = arith.constant 65535 : i32
        %and3A_344 = vector.broadcast %and3A_343 : i32 to vector<16xi32>
        %and3A_345 = arith.andi %get3A_342, %and3A_344 : vector<16xi32>
        %swap3A_346 = arith.constant 0 : index
        %swap3A_347 = tpu.vector_load %arg15[%swap3A_346] {strides = array<i32>} : memref<80xi32, #tpu.memory_space<vmem>>, vector<16xi32>,
        tpu.vector_store %arg15[%swap3A_346], %and3A_345 {strides = array<i32>} : memref<80xi32, #tpu.memory_space<vmem>>, vector<16xi32>,
        %shift_right_arithmetic3A_348 = arith.constant 16 : i32
        %shift_right_arithmetic3A_349 = vector.broadcast %shift_right_arithmetic3A_348 : i32 to vector<16xi32>
        %shift_right_arithmetic3A_350 = arith.shrsi %get3A_342, %shift_right_arithmetic3A_349 : vector<16xi32>
        %swap3A_351 = arith.constant 0 : index
        %swap3A_352 = tpu.vector_load %arg18[%swap3A_351] {strides = array<i32>} : memref<80xi32, #tpu.memory_space<vmem>>, vector<16xi32>,
        tpu.vector_store %arg18[%swap3A_351], %shift_right_arithmetic3A_350 {strides = array<i32>} : memref<80xi32, #tpu.memory_space<vmem>>, vector<16xi32>,
        %get3A_353 = arith.constant 16 : index
        %get3A_354 = tpu.vector_load %arg12[%get3A_353] {strides = array<i32>} : memref<80xi32, #tpu.memory_space<vmem>>, vector<16xi32>,
        %and3A_355 = arith.constant 65535 : i32
        %and3A_356 = vector.broadcast %and3A_355 : i32 to vector<16xi32>
        %and3A_357 = arith.andi %get3A_354, %and3A_356 : vector<16xi32>
        %swap3A_358 = arith.constant 16 : index
        %swap3A_359 = tpu.vector_load %arg15[%swap3A_358] {strides = array<i32>} : memref<80xi32, #tpu.memory_space<vmem>>, vector<16xi32>,
        tpu.vector_store %arg15[%swap3A_358], %and3A_357 {strides = array<i32>} : memref<80xi32, #tpu.memory_space<vmem>>, vector<16xi32>,
        %shift_right_arithmetic3A_360 = arith.constant 16 : i32
        %shift_right_arithmetic3A_361 = vector.broadcast %shift_right_arithmetic3A_360 : i32 to vector<16xi32>
        %shift_right_arithmetic3A_362 = arith.shrsi %get3A_354, %shift_right_arithmetic3A_361 : vector<16xi32>
        %swap3A_363 = arith.constant 16 : index
        %swap3A_364 = tpu.vector_load %arg18[%swap3A_363] {strides = array<i32>} : memref<80xi32, #tpu.memory_space<vmem>>, vector<16xi32>,
        tpu.vector_store %arg18[%swap3A_363], %shift_right_arithmetic3A_362 {strides = array<i32>} : memref<80xi32, #tpu.memory_space<vmem>>, vector<16xi32>,
        %get3A_365 = arith.constant 32 : index
        %get3A_366 = tpu.vector_load %arg12[%get3A_365] {strides = array<i32>} : memref<80xi32, #tpu.memory_space<vmem>>, vector<16xi32>,
        %and3A_367 = arith.constant 65535 : i32
        %and3A_368 = vector.broadcast %and3A_367 : i32 to vector<16xi32>
        %and3A_369 = arith.andi %get3A_366, %and3A_368 : vector<16xi32>
        %swap3A_370 = arith.constant 32 : index
        %swap3A_371 = tpu.vector_load %arg15[%swap3A_370] {strides = array<i32>} : memref<80xi32, #tpu.memory_space<vmem>>, vector<16xi32>,
        tpu.vector_store %arg15[%swap3A_370], %and3A_369 {strides = array<i32>} : memref<80xi32, #tpu.memory_space<vmem>>, vector<16xi32>,
        %shift_right_arithmetic3A_372 = arith.constant 16 : i32
        %shift_right_arithmetic3A_373 = vector.broadcast %shift_right_arithmetic3A_372 : i32 to vector<16xi32>
        %shift_right_arithmetic3A_374 = arith.shrsi %get3A_366, %shift_right_arithmetic3A_373 : vector<16xi32>
        %swap3A_375 = arith.constant 32 : index
        %swap3A_376 = tpu.vector_load %arg18[%swap3A_375] {strides = array<i32>} : memref<80xi32, #tpu.memory_space<vmem>>, vector<16xi32>,
        tpu.vector_store %arg18[%swap3A_375], %shift_right_arithmetic3A_374 {strides = array<i32>} : memref<80xi32, #tpu.memory_space<vmem>>, vector<16xi32>,
        %get3A_377 = arith.constant 48 : index
        %get3A_378 = tpu.vector_load %arg12[%get3A_377] {strides = array<i32>} : memref<80xi32, #tpu.memory_space<vmem>>, vector<16xi32>,
        %and3A_379 = arith.constant 65535 : i32
        %and3A_380 = vector.broadcast %and3A_379 : i32 to vector<16xi32>
        %and3A_381 = arith.andi %get3A_378, %and3A_380 : vector<16xi32>
        %swap3A_382 = arith.constant 48 : index
        %swap3A_383 = tpu.vector_load %arg15[%swap3A_382] {strides = array<i32>} : memref<80xi32, #tpu.memory_space<vmem>>, vector<16xi32>,
        tpu.vector_store %arg15[%swap3A_382], %and3A_381 {strides = array<i32>} : memref<80xi32, #tpu.memory_space<vmem>>, vector<16xi32>,
        %shift_right_arithmetic3A_384 = arith.constant 16 : i32
        %shift_right_arithmetic3A_385 = vector.broadcast %shift_right_arithmetic3A_384 : i32 to vector<16xi32>
        %shift_right_arithmetic3A_386 = arith.shrsi %get3A_378, %shift_right_arithmetic3A_385 : vector<16xi32>
        %swap3A_387 = arith.constant 48 : index
        %swap3A_388 = tpu.vector_load %arg18[%swap3A_387] {strides = array<i32>} : memref<80xi32, #tpu.memory_space<vmem>>, vector<16xi32>,
        tpu.vector_store %arg18[%swap3A_387], %shift_right_arithmetic3A_386 {strides = array<i32>} : memref<80xi32, #tpu.memory_space<vmem>>, vector<16xi32>,
        %get3A_389 = arith.constant 64 : index
        %get3A_390 = tpu.vector_load %arg12[%get3A_389] {strides = array<i32>} : memref<80xi32, #tpu.memory_space<vmem>>, vector<16xi32>,
        %and3A_391 = arith.constant 65535 : i32
        %and3A_392 = vector.broadcast %and3A_391 : i32 to vector<16xi32>
        %and3A_393 = arith.andi %get3A_390, %and3A_392 : vector<16xi32>
        %swap3A_394 = arith.constant 64 : index
        %swap3A_395 = tpu.vector_load %arg15[%swap3A_394] {strides = array<i32>} : memref<80xi32, #tpu.memory_space<vmem>>, vector<16xi32>,
        tpu.vector_store %arg15[%swap3A_394], %and3A_393 {strides = array<i32>} : memref<80xi32, #tpu.memory_space<vmem>>, vector<16xi32>,
        %shift_right_arithmetic3A_396 = arith.constant 16 : i32
        %shift_right_arithmetic3A_397 = vector.broadcast %shift_right_arithmetic3A_396 : i32 to vector<16xi32>
        %shift_right_arithmetic3A_398 = arith.shrsi %get3A_390, %shift_right_arithmetic3A_397 : vector<16xi32>
        %swap3A_399 = arith.constant 64 : index
        %swap3A_400 = tpu.vector_load %arg18[%swap3A_399] {strides = array<i32>} : memref<80xi32, #tpu.memory_space<vmem>>, vector<16xi32>,
        tpu.vector_store %arg18[%swap3A_399], %shift_right_arithmetic3A_398 {strides = array<i32>} : memref<80xi32, #tpu.memory_space<vmem>>, vector<16xi32>,
        %dma_start3A_401 = arith.constant 0 : i32
        %dma_start3A_402 = arith.constant 0 : i32
        %dma_start3A_403 = tpu.memref_slice %arg2[%dma_start3A_401, %dma_start3A_402] : memref<10000x128xf32, #tpu.memory_space<hbm>> -> memref<10000x128xf32, #tpu.memory_space<hbm>>
        tpu.enqueue_indirect_dma source(%dma_start3A_403 : memref<10000x128xf32, #tpu.memory_space<hbm>>) target(%arg9 : memref<80x128xf32, #tpu.memory_space<vmem>>) offsets(%arg15 : memref<80xi32, #tpu.memory_space<vmem>>) semaphore(%arg21 : memref<!tpu.dma_semaphore, #tpu.memory_space<semaphore_mem>>)
        %add3A_404 = arith.constant 3 : i32
        %add3A_405 = arith.addi %add3A_325, %add3A_404 : i32
        %lt3A_406 = arith.constant 125 : i32
        %lt3A_407 = arith.cmpi slt, %add3A_405, %lt3A_406 : i32
        %convert_element_type3A_408 = arith.extui %lt3A_407 : i1 to i32
        %cond3A_409 = arith.constant 0 : i32
        %cond3A_410 = arith.cmpi ne, %convert_element_type3A_408, %cond3A_409 : i32
        scf.if %cond3A_410 {
          %add3A_411 = arith.constant 3 : i32
          %add3A_412 = arith.addi %add3A_325, %add3A_411 : i32
          %dma_start3A_413 = arith.constant 0 : i32
          %dma_start3A_414 = tpu.memref_slice %arg3[%add3A, %add3A_412, %dma_start3A_413] : memref<32x125x80xi32, #tpu.memory_space<hbm>> -> memref<1x1x80xi32, #tpu.memory_space<hbm>>
          %dma_start3A_415 = tpu.memref_squeeze %dma_start3A_414 : memref<1x1x80xi32, #tpu.memory_space<hbm>> -> memref<80xi32, #tpu.memory_space<hbm>>
          %dma_start3A_416 = arith.constant 0 : i32
          %dma_start3A_417 = tpu.memref_slice %arg3[%add3A, %add3A_412, %dma_start3A_416] : memref<32x125x80xi32, #tpu.memory_space<hbm>> -> memref<1x1x80xi32, #tpu.memory_space<hbm>>
          %dma_start3A_418 = tpu.memref_squeeze %dma_start3A_417 : memref<1x1x80xi32, #tpu.memory_space<hbm>> -> memref<80xi32, #tpu.memory_space<hbm>>
          tpu.enqueue_dma source(%dma_start3A_418 : memref<80xi32, #tpu.memory_space<hbm>>) target(%arg12 : memref<80xi32, #tpu.memory_space<vmem>>) target_semaphore(%arg27 : memref<!tpu.dma_semaphore, #tpu.memory_space<semaphore_mem>>)
        } else {
        }
      } else {
      }
    }
    %scan3A_255 = arith.constant 41 : i32
    %dma_wait3A_256 = arith.constant 0 : i32
    %dma_wait3A_257 = arith.constant 0 : i32
    %dma_wait3A_258 = tpu.memref_slice %arg2[%dma_wait3A_256, %dma_wait3A_257] : memref<10000x128xf32, #tpu.memory_space<hbm>> -> memref<10000x128xf32, #tpu.memory_space<hbm>>
    tpu.wait_indirect_dma semaphore(%arg19 : memref<!tpu.dma_semaphore, #tpu.memory_space<semaphore_mem>>) src(%dma_wait3A_258 : memref<10000x128xf32, #tpu.memory_space<hbm>>) dst(%arg7 : memref<80x128xf32, #tpu.memory_space<vmem>>)
    %dma_start3A_259 = arith.constant 0 : i32
    %dma_start3A_260 = arith.constant 0 : i32
    %dma_start3A_261 = tpu.memref_slice %arg6[%dma_start3A_259, %dma_start3A_260] : memref<10240x128xf32, #tpu.memory_space<vmem_shared>> -> memref<10240x128xf32, #tpu.memory_space<vmem_shared>>
    tpu.enqueue_indirect_dma source(%arg7 : memref<80x128xf32, #tpu.memory_space<vmem>>) target(%dma_start3A_261 : memref<10240x128xf32, #tpu.memory_space<vmem_shared>>) offsets(%arg16 : memref<80xi32, #tpu.memory_space<vmem>>) semaphore(%arg22 : memref<!tpu.dma_semaphore, #tpu.memory_space<semaphore_mem>>) {add = true}
    %dma_wait3A_262 = arith.constant 0 : i32
    %dma_wait3A_263 = arith.constant 0 : i32
    %dma_wait3A_264 = tpu.memref_slice %arg2[%dma_wait3A_262, %dma_wait3A_263] : memref<10000x128xf32, #tpu.memory_space<hbm>> -> memref<10000x128xf32, #tpu.memory_space<hbm>>
    tpu.wait_indirect_dma semaphore(%arg20 : memref<!tpu.dma_semaphore, #tpu.memory_space<semaphore_mem>>) src(%dma_wait3A_264 : memref<10000x128xf32, #tpu.memory_space<hbm>>) dst(%arg8 : memref<80x128xf32, #tpu.memory_space<vmem>>)
    %dma_start3A_265 = arith.constant 0 : i32
    %dma_start3A_266 = arith.constant 0 : i32
    %dma_start3A_267 = tpu.memref_slice %arg6[%dma_start3A_265, %dma_start3A_266] : memref<10240x128xf32, #tpu.memory_space<vmem_shared>> -> memref<10240x128xf32, #tpu.memory_space<vmem_shared>>
    tpu.enqueue_indirect_dma source(%arg8 : memref<80x128xf32, #tpu.memory_space<vmem>>) target(%dma_start3A_267 : memref<10240x128xf32, #tpu.memory_space<vmem_shared>>) offsets(%arg17 : memref<80xi32, #tpu.memory_space<vmem>>) semaphore(%arg23 : memref<!tpu.dma_semaphore, #tpu.memory_space<semaphore_mem>>) {add = true}
    %dma_wait3A_268 = arith.constant 0 : i32
    %dma_wait3A_269 = arith.constant 0 : i32
    %dma_wait3A_270 = tpu.memref_slice %arg6[%dma_wait3A_268, %dma_wait3A_269] : memref<10240x128xf32, #tpu.memory_space<vmem_shared>> -> memref<10240x128xf32, #tpu.memory_space<vmem_shared>>
    tpu.wait_indirect_dma semaphore(%arg22 : memref<!tpu.dma_semaphore, #tpu.memory_space<semaphore_mem>>) src(%arg7 : memref<80x128xf32, #tpu.memory_space<vmem>>) dst(%dma_wait3A_270 : memref<10240x128xf32, #tpu.memory_space<vmem_shared>>)
    %dma_wait3A_271 = arith.constant 0 : i32
    %dma_wait3A_272 = arith.constant 0 : i32
    %dma_wait3A_273 = tpu.memref_slice %arg6[%dma_wait3A_271, %dma_wait3A_272] : memref<10240x128xf32, #tpu.memory_space<vmem_shared>> -> memref<10240x128xf32, #tpu.memory_space<vmem_shared>>
    tpu.wait_indirect_dma semaphore(%arg23 : memref<!tpu.dma_semaphore, #tpu.memory_space<semaphore_mem>>) src(%arg8 : memref<80x128xf32, #tpu.memory_space<vmem>>) dst(%dma_wait3A_273 : memref<10240x128xf32, #tpu.memory_space<vmem_shared>>)
    %dma_wait3A_274 = arith.constant 0 : i32
    %dma_wait3A_275 = arith.constant 0 : i32
    %dma_wait3A_276 = tpu.memref_slice %arg6[%dma_wait3A_274, %dma_wait3A_275] : memref<10240x128xf32, #tpu.memory_space<vmem_shared>> -> memref<10240x128xf32, #tpu.memory_space<vmem_shared>>
    tpu.wait_indirect_dma semaphore(%arg24 : memref<!tpu.dma_semaphore, #tpu.memory_space<semaphore_mem>>) src(%arg9 : memref<80x128xf32, #tpu.memory_space<vmem>>) dst(%dma_wait3A_276 : memref<10240x128xf32, #tpu.memory_space<vmem_shared>>)
    %barrier3A_277 = arith.constant 0 : index
    tpu.barrier barrier_id(%barrier3A_277)
    %mul3A_278 = arith.constant 640 : i32
    %mul3A_279 = arith.muli %arg1, %mul3A_278 : i32
    %mul3A_280 = arith.constant 640 : i32
    %mul3A_281 = arith.muli %arg1, %mul3A_280 : i32
    "tpu.region"() ({
      %run_scoped3A = tpu.sem_alloc : memref<!tpu.dma_semaphore, #tpu.memory_space<semaphore_mem>>
      %dma_start3A_282 = arith.constant 0 : i32
      %dma_start3A_283 = tpu.memref_slice %arg5[%arg0, %mul3A_281, %dma_start3A_282] : memref<2x10240x128xf32, #tpu.memory_space<hbm>> -> memref<1x640x128xf32, #tpu.memory_space<hbm>>
      %dma_start3A_284 = tpu.memref_squeeze %dma_start3A_283 : memref<1x640x128xf32, #tpu.memory_space<hbm>> -> memref<640x128xf32, #tpu.memory_space<hbm>>
      %dma_start3A_285 = arith.constant 0 : i32
      %dma_start3A_286 = tpu.memref_slice %arg6[%mul3A_279, %dma_start3A_285] : memref<10240x128xf32, #tpu.memory_space<vmem_shared>> -> memref<640x128xf32, #tpu.memory_space<vmem_shared>>
      tpu.enqueue_dma source(%dma_start3A_286 : memref<640x128xf32, #tpu.memory_space<vmem_shared>>) target(%dma_start3A_284 : memref<640x128xf32, #tpu.memory_space<hbm>>) target_semaphore(%run_scoped3A : memref<!tpu.dma_semaphore, #tpu.memory_space<semaphore_mem>>)
      %dma_wait3A_287 = arith.constant 0 : i32
      %dma_wait3A_288 = tpu.memref_slice %arg5[%arg0, %mul3A_281, %dma_wait3A_287] : memref<2x10240x128xf32, #tpu.memory_space<hbm>> -> memref<1x640x128xf32, #tpu.memory_space<hbm>>
      %dma_wait3A_289 = tpu.memref_squeeze %dma_wait3A_288 : memref<1x640x128xf32, #tpu.memory_space<hbm>> -> memref<640x128xf32, #tpu.memory_space<hbm>>
      %dma_wait3A_290 = arith.constant 0 : i32
      %dma_wait3A_291 = tpu.memref_slice %arg6[%mul3A_279, %dma_wait3A_290] : memref<10240x128xf32, #tpu.memory_space<vmem_shared>> -> memref<640x128xf32, #tpu.memory_space<vmem_shared>>
      tpu.wait_dma2 semaphore(%run_scoped3A : memref<!tpu.dma_semaphore, #tpu.memory_space<semaphore_mem>>) src(%dma_wait3A_291 : memref<640x128xf32, #tpu.memory_space<vmem_shared>>) dst(%dma_wait3A_289 : memref<640x128xf32, #tpu.memory_space<hbm>>)
      tpu.yield
    }) : () -> ()
    return
  }
}

#map = affine_map<(d0, d1) -> (0, 0)>
#map1 = affine_map<(d0, d1) -> (0, 0, 0)>
module attributes {stable_mosaic.version = 14 : i64} {
  func.func @_mp_body(%arg0: i32, %arg1: i32, %arg2: memref<10000x128xf32, #tpu.memory_space<hbm>>, %arg3: memref<32x125x80xi32, #tpu.memory_space<hbm>>, %arg4: memref<10240x128xf32, #tpu.memory_space<hbm>>, %arg5: memref<2x10240x128xf32, #tpu.memory_space<hbm>>, %arg6: memref<10240x128xf32, #tpu.memory_space<vmem_shared>>, %arg7: memref<80x128xf32, #tpu.memory_space<vmem>>, %arg8: memref<80x128xf32, #tpu.memory_space<vmem>>, %arg9: memref<80x128xf32, #tpu.memory_space<vmem>>, %arg10: memref<80xi32, #tpu.memory_space<vmem>>, %arg11: memref<80xi32, #tpu.memory_space<vmem>>, %arg12: memref<80xi32, #tpu.memory_space<vmem>>, %arg13: memref<80xi32, #tpu.memory_space<vmem>>, %arg14: memref<80xi32, #tpu.memory_space<vmem>>, %arg15: memref<80xi32, #tpu.memory_space<vmem>>, %arg16: memref<80xi32, #tpu.memory_space<vmem>>, %arg17: memref<80xi32, #tpu.memory_space<vmem>>, %arg18: memref<80xi32, #tpu.memory_space<vmem>>, %arg19: memref<!tpu.dma_semaphore, #tpu.memory_space<semaphore_mem>>, %arg20: memref<!tpu.dma_semaphore, #tpu.memory_space<semaphore_mem>>, %arg21: memref<!tpu.dma_semaphore, #tpu.memory_space<semaphore_mem>>, %arg22: memref<!tpu.dma_semaphore, #tpu.memory_space<semaphore_mem>>, %arg23: memref<!tpu.dma_semaphore, #tpu.memory_space<semaphore_mem>>, %arg24: memref<!tpu.dma_semaphore, #tpu.memory_space<semaphore_mem>>, %arg25: memref<!tpu.dma_semaphore, #tpu.memory_space<semaphore_mem>>, %arg26: memref<!tpu.dma_semaphore, #tpu.memory_space<semaphore_mem>>, %arg27: memref<!tpu.dma_semaphore, #tpu.memory_space<semaphore_mem>>) attributes {dimension_semantics = [#tpu.dimension_semantics<core_parallel>, #tpu.dimension_semantics<subcore_parallel>], iteration_bounds = array<i64: 2, 16>, scalar_prefetch = 0 : i64, scratch_operands = 22 : i64, tpu.core_type = #tpu.core_type<sc_vector_subcore>, window_params = [{transform_indices = #map}, {transform_indices = #map1}, {transform_indices = #map}, {transform_indices = #map1}]} {
    %mul3A = arith.constant 2 : i32
    %mul3A_0 = arith.muli %arg1, %mul3A : i32
    %add3A = arith.addi %mul3A_0, %arg0 : i32
    %dma_start3A = arith.constant 0 : i32
    %dma_start3A_1 = arith.constant 0 : i32
    %dma_start3A_2 = tpu.memref_slice %arg3[%add3A, %dma_start3A, %dma_start3A_1] : memref<32x125x80xi32, #tpu.memory_space<hbm>> -> memref<1x1x80xi32, #tpu.memory_space<hbm>>
    %dma_start3A_3 = tpu.memref_squeeze %dma_start3A_2 : memref<1x1x80xi32, #tpu.memory_space<hbm>> -> memref<80xi32, #tpu.memory_space<hbm>>
    %dma_start3A_4 = arith.constant 0 : i32
    %dma_start3A_5 = tpu.memref_slice %arg3[%add3A, %dma_start3A, %dma_start3A_4] : memref<32x125x80xi32, #tpu.memory_space<hbm>> -> memref<1x1x80xi32, #tpu.memory_space<hbm>>
    %dma_start3A_6 = tpu.memref_squeeze %dma_start3A_5 : memref<1x1x80xi32, #tpu.memory_space<hbm>> -> memref<80xi32, #tpu.memory_space<hbm>>
    tpu.enqueue_dma source(%dma_start3A_6 : memref<80xi32, #tpu.memory_space<hbm>>) target(%arg10 : memref<80xi32, #tpu.memory_space<vmem>>) target_semaphore(%arg25 : memref<!tpu.dma_semaphore, #tpu.memory_space<semaphore_mem>>)
    %dma_start3A_7 = arith.constant 1 : i32
    %dma_start3A_8 = arith.constant 0 : i32
    %dma_start3A_9 = tpu.memref_slice %arg3[%add3A, %dma_start3A_7, %dma_start3A_8] : memref<32x125x80xi32, #tpu.memory_space<hbm>> -> memref<1x1x80xi32, #tpu.memory_space<hbm>>
    %dma_start3A_10 = tpu.memref_squeeze %dma_start3A_9 : memref<1x1x80xi32, #tpu.memory_space<hbm>> -> memref<80xi32, #tpu.memory_space<hbm>>
    %dma_start3A_11 = arith.constant 0 : i32
    %dma_start3A_12 = tpu.memref_slice %arg3[%add3A, %dma_start3A_7, %dma_start3A_11] : memref<32x125x80xi32, #tpu.memory_space<hbm>> -> memref<1x1x80xi32, #tpu.memory_space<hbm>>
    %dma_start3A_13 = tpu.memref_squeeze %dma_start3A_12 : memref<1x1x80xi32, #tpu.memory_space<hbm>> -> memref<80xi32, #tpu.memory_space<hbm>>
    tpu.enqueue_dma source(%dma_start3A_13 : memref<80xi32, #tpu.memory_space<hbm>>) target(%arg11 : memref<80xi32, #tpu.memory_space<vmem>>) target_semaphore(%arg26 : memref<!tpu.dma_semaphore, #tpu.memory_space<semaphore_mem>>)
    %dma_start3A_14 = arith.constant 2 : i32
    %dma_start3A_15 = arith.constant 0 : i32
    %dma_start3A_16 = tpu.memref_slice %arg3[%add3A, %dma_start3A_14, %dma_start3A_15] : memref<32x125x80xi32, #tpu.memory_space<hbm>> -> memref<1x1x80xi32, #tpu.memory_space<hbm>>
    %dma_start3A_17 = tpu.memref_squeeze %dma_start3A_16 : memref<1x1x80xi32, #tpu.memory_space<hbm>> -> memref<80xi32, #tpu.memory_space<hbm>>
    %dma_start3A_18 = arith.constant 0 : i32
    %dma_start3A_19 = tpu.memref_slice %arg3[%add3A, %dma_start3A_14, %dma_start3A_18] : memref<32x125x80xi32, #tpu.memory_space<hbm>> -> memref<1x1x80xi32, #tpu.memory_space<hbm>>
    %dma_start3A_20 = tpu.memref_squeeze %dma_start3A_19 : memref<1x1x80xi32, #tpu.memory_space<hbm>> -> memref<80xi32, #tpu.memory_space<hbm>>
    tpu.enqueue_dma source(%dma_start3A_20 : memref<80xi32, #tpu.memory_space<hbm>>) target(%arg12 : memref<80xi32, #tpu.memory_space<vmem>>) target_semaphore(%arg27 : memref<!tpu.dma_semaphore, #tpu.memory_space<semaphore_mem>>)
    %dma_wait3A = arith.constant 0 : i32
    %dma_wait3A_21 = arith.constant 0 : i32
    %dma_wait3A_22 = tpu.memref_slice %arg3[%add3A, %dma_wait3A, %dma_wait3A_21] : memref<32x125x80xi32, #tpu.memory_space<hbm>> -> memref<1x1x80xi32, #tpu.memory_space<hbm>>
    %dma_wait3A_23 = tpu.memref_squeeze %dma_wait3A_22 : memref<1x1x80xi32, #tpu.memory_space<hbm>> -> memref<80xi32, #tpu.memory_space<hbm>>
    %dma_wait3A_24 = arith.constant 0 : i32
    %dma_wait3A_25 = tpu.memref_slice %arg3[%add3A, %dma_wait3A, %dma_wait3A_24] : memref<32x125x80xi32, #tpu.memory_space<hbm>> -> memref<1x1x80xi32, #tpu.memory_space<hbm>>
    %dma_wait3A_26 = tpu.memref_squeeze %dma_wait3A_25 : memref<1x1x80xi32, #tpu.memory_space<hbm>> -> memref<80xi32, #tpu.memory_space<hbm>>
    tpu.wait_dma2 semaphore(%arg25 : memref<!tpu.dma_semaphore, #tpu.memory_space<semaphore_mem>>) src(%dma_wait3A_26 : memref<80xi32, #tpu.memory_space<hbm>>) dst(%arg10 : memref<80xi32, #tpu.memory_space<vmem>>)
    %get3A = arith.constant 0 : index
    %get3A_27 = tpu.vector_load %arg10[%get3A] {strides = array<i32>} : memref<80xi32, #tpu.memory_space<vmem>>, vector<16xi32>,
    %and3A = arith.constant 65535 : i32
    %and3A_28 = vector.broadcast %and3A : i32 to vector<16xi32>
    %and3A_29 = arith.andi %get3A_27, %and3A_28 : vector<16xi32>
    %swap3A = arith.constant 0 : index
    %swap3A_30 = tpu.vector_load %arg13[%swap3A] {strides = array<i32>} : memref<80xi32, #tpu.memory_space<vmem>>, vector<16xi32>,
    tpu.vector_store %arg13[%swap3A], %and3A_29 {strides = array<i32>} : memref<80xi32, #tpu.memory_space<vmem>>, vector<16xi32>,
    %shift_right_arithmetic3A = arith.constant 16 : i32
    %shift_right_arithmetic3A_31 = vector.broadcast %shift_right_arithmetic3A : i32 to vector<16xi32>
    %shift_right_arithmetic3A_32 = arith.shrsi %get3A_27, %shift_right_arithmetic3A_31 : vector<16xi32>
    %swap3A_33 = arith.constant 0 : index
    %swap3A_34 = tpu.vector_load %arg16[%swap3A_33] {strides = array<i32>} : memref<80xi32, #tpu.memory_space<vmem>>, vector<16xi32>,
    tpu.vector_store %arg16[%swap3A_33], %shift_right_arithmetic3A_32 {strides = array<i32>} : memref<80xi32, #tpu.memory_space<vmem>>, vector<16xi32>,
    %get3A_35 = arith.constant 16 : index
    %get3A_36 = tpu.vector_load %arg10[%get3A_35] {strides = array<i32>} : memref<80xi32, #tpu.memory_space<vmem>>, vector<16xi32>,
    %and3A_37 = arith.constant 65535 : i32
    %and3A_38 = vector.broadcast %and3A_37 : i32 to vector<16xi32>
    %and3A_39 = arith.andi %get3A_36, %and3A_38 : vector<16xi32>
    %swap3A_40 = arith.constant 16 : index
    %swap3A_41 = tpu.vector_load %arg13[%swap3A_40] {strides = array<i32>} : memref<80xi32, #tpu.memory_space<vmem>>, vector<16xi32>,
    tpu.vector_store %arg13[%swap3A_40], %and3A_39 {strides = array<i32>} : memref<80xi32, #tpu.memory_space<vmem>>, vector<16xi32>,
    %shift_right_arithmetic3A_42 = arith.constant 16 : i32
    %shift_right_arithmetic3A_43 = vector.broadcast %shift_right_arithmetic3A_42 : i32 to vector<16xi32>
    %shift_right_arithmetic3A_44 = arith.shrsi %get3A_36, %shift_right_arithmetic3A_43 : vector<16xi32>
    %swap3A_45 = arith.constant 16 : index
    %swap3A_46 = tpu.vector_load %arg16[%swap3A_45] {strides = array<i32>} : memref<80xi32, #tpu.memory_space<vmem>>, vector<16xi32>,
    tpu.vector_store %arg16[%swap3A_45], %shift_right_arithmetic3A_44 {strides = array<i32>} : memref<80xi32, #tpu.memory_space<vmem>>, vector<16xi32>,
    %get3A_47 = arith.constant 32 : index
    %get3A_48 = tpu.vector_load %arg10[%get3A_47] {strides = array<i32>} : memref<80xi32, #tpu.memory_space<vmem>>, vector<16xi32>,
    %and3A_49 = arith.constant 65535 : i32
    %and3A_50 = vector.broadcast %and3A_49 : i32 to vector<16xi32>
    %and3A_51 = arith.andi %get3A_48, %and3A_50 : vector<16xi32>
    %swap3A_52 = arith.constant 32 : index
    %swap3A_53 = tpu.vector_load %arg13[%swap3A_52] {strides = array<i32>} : memref<80xi32, #tpu.memory_space<vmem>>, vector<16xi32>,
    tpu.vector_store %arg13[%swap3A_52], %and3A_51 {strides = array<i32>} : memref<80xi32, #tpu.memory_space<vmem>>, vector<16xi32>,
    %shift_right_arithmetic3A_54 = arith.constant 16 : i32
    %shift_right_arithmetic3A_55 = vector.broadcast %shift_right_arithmetic3A_54 : i32 to vector<16xi32>
    %shift_right_arithmetic3A_56 = arith.shrsi %get3A_48, %shift_right_arithmetic3A_55 : vector<16xi32>
    %swap3A_57 = arith.constant 32 : index
    %swap3A_58 = tpu.vector_load %arg16[%swap3A_57] {strides = array<i32>} : memref<80xi32, #tpu.memory_space<vmem>>, vector<16xi32>,
    tpu.vector_store %arg16[%swap3A_57], %shift_right_arithmetic3A_56 {strides = array<i32>} : memref<80xi32, #tpu.memory_space<vmem>>, vector<16xi32>,
    %get3A_59 = arith.constant 48 : index
    %get3A_60 = tpu.vector_load %arg10[%get3A_59] {strides = array<i32>} : memref<80xi32, #tpu.memory_space<vmem>>, vector<16xi32>,
    %and3A_61 = arith.constant 65535 : i32
    %and3A_62 = vector.broadcast %and3A_61 : i32 to vector<16xi32>
    %and3A_63 = arith.andi %get3A_60, %and3A_62 : vector<16xi32>
    %swap3A_64 = arith.constant 48 : index
    %swap3A_65 = tpu.vector_load %arg13[%swap3A_64] {strides = array<i32>} : memref<80xi32, #tpu.memory_space<vmem>>, vector<16xi32>,
    tpu.vector_store %arg13[%swap3A_64], %and3A_63 {strides = array<i32>} : memref<80xi32, #tpu.memory_space<vmem>>, vector<16xi32>,
    %shift_right_arithmetic3A_66 = arith.constant 16 : i32
    %shift_right_arithmetic3A_67 = vector.broadcast %shift_right_arithmetic3A_66 : i32 to vector<16xi32>
    %shift_right_arithmetic3A_68 = arith.shrsi %get3A_60, %shift_right_arithmetic3A_67 : vector<16xi32>
    %swap3A_69 = arith.constant 48 : index
    %swap3A_70 = tpu.vector_load %arg16[%swap3A_69] {strides = array<i32>} : memref<80xi32, #tpu.memory_space<vmem>>, vector<16xi32>,
    tpu.vector_store %arg16[%swap3A_69], %shift_right_arithmetic3A_68 {strides = array<i32>} : memref<80xi32, #tpu.memory_space<vmem>>, vector<16xi32>,
    %get3A_71 = arith.constant 64 : index
    %get3A_72 = tpu.vector_load %arg10[%get3A_71] {strides = array<i32>} : memref<80xi32, #tpu.memory_space<vmem>>, vector<16xi32>,
    %and3A_73 = arith.constant 65535 : i32
    %and3A_74 = vector.broadcast %and3A_73 : i32 to vector<16xi32>
    %and3A_75 = arith.andi %get3A_72, %and3A_74 : vector<16xi32>
    %swap3A_76 = arith.constant 64 : index
    %swap3A_77 = tpu.vector_load %arg13[%swap3A_76] {strides = array<i32>} : memref<80xi32, #tpu.memory_space<vmem>>, vector<16xi32>,
    tpu.vector_store %arg13[%swap3A_76], %and3A_75 {strides = array<i32>} : memref<80xi32, #tpu.memory_space<vmem>>, vector<16xi32>,
    %shift_right_arithmetic3A_78 = arith.constant 16 : i32
    %shift_right_arithmetic3A_79 = vector.broadcast %shift_right_arithmetic3A_78 : i32 to vector<16xi32>
    %shift_right_arithmetic3A_80 = arith.shrsi %get3A_72, %shift_right_arithmetic3A_79 : vector<16xi32>
    %swap3A_81 = arith.constant 64 : index
    %swap3A_82 = tpu.vector_load %arg16[%swap3A_81] {strides = array<i32>} : memref<80xi32, #tpu.memory_space<vmem>>, vector<16xi32>,
    tpu.vector_store %arg16[%swap3A_81], %shift_right_arithmetic3A_80 {strides = array<i32>} : memref<80xi32, #tpu.memory_space<vmem>>, vector<16xi32>,
    %dma_start3A_83 = arith.constant 0 : i32
    %dma_start3A_84 = arith.constant 0 : i32
    %dma_start3A_85 = tpu.memref_slice %arg2[%dma_start3A_83, %dma_start3A_84] : memref<10000x128xf32, #tpu.memory_space<hbm>> -> memref<10000x128xf32, #tpu.memory_space<hbm>>
    tpu.enqueue_indirect_dma source(%dma_start3A_85 : memref<10000x128xf32, #tpu.memory_space<hbm>>) target(%arg7 : memref<80x128xf32, #tpu.memory_space<vmem>>) offsets(%arg13 : memref<80xi32, #tpu.memory_space<vmem>>) semaphore(%arg19 : memref<!tpu.dma_semaphore, #tpu.memory_space<semaphore_mem>>)
    %dma_start3A_86 = arith.constant 3 : i32
    %dma_start3A_87 = arith.constant 0 : i32
    %dma_start3A_88 = tpu.memref_slice %arg3[%add3A, %dma_start3A_86, %dma_start3A_87] : memref<32x125x80xi32, #tpu.memory_space<hbm>> -> memref<1x1x80xi32, #tpu.memory_space<hbm>>
    %dma_start3A_89 = tpu.memref_squeeze %dma_start3A_88 : memref<1x1x80xi32, #tpu.memory_space<hbm>> -> memref<80xi32, #tpu.memory_space<hbm>>
    %dma_start3A_90 = arith.constant 0 : i32
    %dma_start3A_91 = tpu.memref_slice %arg3[%add3A, %dma_start3A_86, %dma_start3A_90] : memref<32x125x80xi32, #tpu.memory_space<hbm>> -> memref<1x1x80xi32, #tpu.memory_space<hbm>>
    %dma_start3A_92 = tpu.memref_squeeze %dma_start3A_91 : memref<1x1x80xi32, #tpu.memory_space<hbm>> -> memref<80xi32, #tpu.memory_space<hbm>>
    tpu.enqueue_dma source(%dma_start3A_92 : memref<80xi32, #tpu.memory_space<hbm>>) target(%arg10 : memref<80xi32, #tpu.memory_space<vmem>>) target_semaphore(%arg25 : memref<!tpu.dma_semaphore, #tpu.memory_space<semaphore_mem>>)
    %dma_wait3A_93 = arith.constant 0 : i32
    %dma_wait3A_94 = arith.constant 0 : i32
    %dma_wait3A_95 = tpu.memref_slice %arg3[%add3A, %dma_wait3A_93, %dma_wait3A_94] : memref<32x125x80xi32, #tpu.memory_space<hbm>> -> memref<1x1x80xi32, #tpu.memory_space<hbm>>
    %dma_wait3A_96 = tpu.memref_squeeze %dma_wait3A_95 : memref<1x1x80xi32, #tpu.memory_space<hbm>> -> memref<80xi32, #tpu.memory_space<hbm>>
    %dma_wait3A_97 = arith.constant 0 : i32
    %dma_wait3A_98 = tpu.memref_slice %arg3[%add3A, %dma_wait3A_93, %dma_wait3A_97] : memref<32x125x80xi32, #tpu.memory_space<hbm>> -> memref<1x1x80xi32, #tpu.memory_space<hbm>>
    %dma_wait3A_99 = tpu.memref_squeeze %dma_wait3A_98 : memref<1x1x80xi32, #tpu.memory_space<hbm>> -> memref<80xi32, #tpu.memory_space<hbm>>
    tpu.wait_dma2 semaphore(%arg26 : memref<!tpu.dma_semaphore, #tpu.memory_space<semaphore_mem>>) src(%dma_wait3A_99 : memref<80xi32, #tpu.memory_space<hbm>>) dst(%arg11 : memref<80xi32, #tpu.memory_space<vmem>>)
    %get3A_100 = arith.constant 0 : index
    %get3A_101 = tpu.vector_load %arg11[%get3A_100] {strides = array<i32>} : memref<80xi32, #tpu.memory_space<vmem>>, vector<16xi32>,
    %and3A_102 = arith.constant 65535 : i32
    %and3A_103 = vector.broadcast %and3A_102 : i32 to vector<16xi32>
    %and3A_104 = arith.andi %get3A_101, %and3A_103 : vector<16xi32>
    %swap3A_105 = arith.constant 0 : index
    %swap3A_106 = tpu.vector_load %arg14[%swap3A_105] {strides = array<i32>} : memref<80xi32, #tpu.memory_space<vmem>>, vector<16xi32>,
    tpu.vector_store %arg14[%swap3A_105], %and3A_104 {strides = array<i32>} : memref<80xi32, #tpu.memory_space<vmem>>, vector<16xi32>,
    %shift_right_arithmetic3A_107 = arith.constant 16 : i32
    %shift_right_arithmetic3A_108 = vector.broadcast %shift_right_arithmetic3A_107 : i32 to vector<16xi32>
    %shift_right_arithmetic3A_109 = arith.shrsi %get3A_101, %shift_right_arithmetic3A_108 : vector<16xi32>
    %swap3A_110 = arith.constant 0 : index
    %swap3A_111 = tpu.vector_load %arg17[%swap3A_110] {strides = array<i32>} : memref<80xi32, #tpu.memory_space<vmem>>, vector<16xi32>,
    tpu.vector_store %arg17[%swap3A_110], %shift_right_arithmetic3A_109 {strides = array<i32>} : memref<80xi32, #tpu.memory_space<vmem>>, vector<16xi32>,
    %get3A_112 = arith.constant 16 : index
    %get3A_113 = tpu.vector_load %arg11[%get3A_112] {strides = array<i32>} : memref<80xi32, #tpu.memory_space<vmem>>, vector<16xi32>,
    %and3A_114 = arith.constant 65535 : i32
    %and3A_115 = vector.broadcast %and3A_114 : i32 to vector<16xi32>
    %and3A_116 = arith.andi %get3A_113, %and3A_115 : vector<16xi32>
    %swap3A_117 = arith.constant 16 : index
    %swap3A_118 = tpu.vector_load %arg14[%swap3A_117] {strides = array<i32>} : memref<80xi32, #tpu.memory_space<vmem>>, vector<16xi32>,
    tpu.vector_store %arg14[%swap3A_117], %and3A_116 {strides = array<i32>} : memref<80xi32, #tpu.memory_space<vmem>>, vector<16xi32>,
    %shift_right_arithmetic3A_119 = arith.constant 16 : i32
    %shift_right_arithmetic3A_120 = vector.broadcast %shift_right_arithmetic3A_119 : i32 to vector<16xi32>
    %shift_right_arithmetic3A_121 = arith.shrsi %get3A_113, %shift_right_arithmetic3A_120 : vector<16xi32>
    %swap3A_122 = arith.constant 16 : index
    %swap3A_123 = tpu.vector_load %arg17[%swap3A_122] {strides = array<i32>} : memref<80xi32, #tpu.memory_space<vmem>>, vector<16xi32>,
    tpu.vector_store %arg17[%swap3A_122], %shift_right_arithmetic3A_121 {strides = array<i32>} : memref<80xi32, #tpu.memory_space<vmem>>, vector<16xi32>,
    %get3A_124 = arith.constant 32 : index
    %get3A_125 = tpu.vector_load %arg11[%get3A_124] {strides = array<i32>} : memref<80xi32, #tpu.memory_space<vmem>>, vector<16xi32>,
    %and3A_126 = arith.constant 65535 : i32
    %and3A_127 = vector.broadcast %and3A_126 : i32 to vector<16xi32>
    %and3A_128 = arith.andi %get3A_125, %and3A_127 : vector<16xi32>
    %swap3A_129 = arith.constant 32 : index
    %swap3A_130 = tpu.vector_load %arg14[%swap3A_129] {strides = array<i32>} : memref<80xi32, #tpu.memory_space<vmem>>, vector<16xi32>,
    tpu.vector_store %arg14[%swap3A_129], %and3A_128 {strides = array<i32>} : memref<80xi32, #tpu.memory_space<vmem>>, vector<16xi32>,
    %shift_right_arithmetic3A_131 = arith.constant 16 : i32
    %shift_right_arithmetic3A_132 = vector.broadcast %shift_right_arithmetic3A_131 : i32 to vector<16xi32>
    %shift_right_arithmetic3A_133 = arith.shrsi %get3A_125, %shift_right_arithmetic3A_132 : vector<16xi32>
    %swap3A_134 = arith.constant 32 : index
    %swap3A_135 = tpu.vector_load %arg17[%swap3A_134] {strides = array<i32>} : memref<80xi32, #tpu.memory_space<vmem>>, vector<16xi32>,
    tpu.vector_store %arg17[%swap3A_134], %shift_right_arithmetic3A_133 {strides = array<i32>} : memref<80xi32, #tpu.memory_space<vmem>>, vector<16xi32>,
    %get3A_136 = arith.constant 48 : index
    %get3A_137 = tpu.vector_load %arg11[%get3A_136] {strides = array<i32>} : memref<80xi32, #tpu.memory_space<vmem>>, vector<16xi32>,
    %and3A_138 = arith.constant 65535 : i32
    %and3A_139 = vector.broadcast %and3A_138 : i32 to vector<16xi32>
    %and3A_140 = arith.andi %get3A_137, %and3A_139 : vector<16xi32>
    %swap3A_141 = arith.constant 48 : index
    %swap3A_142 = tpu.vector_load %arg14[%swap3A_141] {strides = array<i32>} : memref<80xi32, #tpu.memory_space<vmem>>, vector<16xi32>,
    tpu.vector_store %arg14[%swap3A_141], %and3A_140 {strides = array<i32>} : memref<80xi32, #tpu.memory_space<vmem>>, vector<16xi32>,
    %shift_right_arithmetic3A_143 = arith.constant 16 : i32
    %shift_right_arithmetic3A_144 = vector.broadcast %shift_right_arithmetic3A_143 : i32 to vector<16xi32>
    %shift_right_arithmetic3A_145 = arith.shrsi %get3A_137, %shift_right_arithmetic3A_144 : vector<16xi32>
    %swap3A_146 = arith.constant 48 : index
    %swap3A_147 = tpu.vector_load %arg17[%swap3A_146] {strides = array<i32>} : memref<80xi32, #tpu.memory_space<vmem>>, vector<16xi32>,
    tpu.vector_store %arg17[%swap3A_146], %shift_right_arithmetic3A_145 {strides = array<i32>} : memref<80xi32, #tpu.memory_space<vmem>>, vector<16xi32>,
    %get3A_148 = arith.constant 64 : index
    %get3A_149 = tpu.vector_load %arg11[%get3A_148] {strides = array<i32>} : memref<80xi32, #tpu.memory_space<vmem>>, vector<16xi32>,
    %and3A_150 = arith.constant 65535 : i32
    %and3A_151 = vector.broadcast %and3A_150 : i32 to vector<16xi32>
    %and3A_152 = arith.andi %get3A_149, %and3A_151 : vector<16xi32>
    %swap3A_153 = arith.constant 64 : index
    %swap3A_154 = tpu.vector_load %arg14[%swap3A_153] {strides = array<i32>} : memref<80xi32, #tpu.memory_space<vmem>>, vector<16xi32>,
    tpu.vector_store %arg14[%swap3A_153], %and3A_152 {strides = array<i32>} : memref<80xi32, #tpu.memory_space<vmem>>, vector<16xi32>,
    %shift_right_arithmetic3A_155 = arith.constant 16 : i32
    %shift_right_arithmetic3A_156 = vector.broadcast %shift_right_arithmetic3A_155 : i32 to vector<16xi32>
    %shift_right_arithmetic3A_157 = arith.shrsi %get3A_149, %shift_right_arithmetic3A_156 : vector<16xi32>
    %swap3A_158 = arith.constant 64 : index
    %swap3A_159 = tpu.vector_load %arg17[%swap3A_158] {strides = array<i32>} : memref<80xi32, #tpu.memory_space<vmem>>, vector<16xi32>,
    tpu.vector_store %arg17[%swap3A_158], %shift_right_arithmetic3A_157 {strides = array<i32>} : memref<80xi32, #tpu.memory_space<vmem>>, vector<16xi32>,
    %dma_start3A_160 = arith.constant 0 : i32
    %dma_start3A_161 = arith.constant 0 : i32
    %dma_start3A_162 = tpu.memref_slice %arg2[%dma_start3A_160, %dma_start3A_161] : memref<10000x128xf32, #tpu.memory_space<hbm>> -> memref<10000x128xf32, #tpu.memory_space<hbm>>
    tpu.enqueue_indirect_dma source(%dma_start3A_162 : memref<10000x128xf32, #tpu.memory_space<hbm>>) target(%arg8 : memref<80x128xf32, #tpu.memory_space<vmem>>) offsets(%arg14 : memref<80xi32, #tpu.memory_space<vmem>>) semaphore(%arg20 : memref<!tpu.dma_semaphore, #tpu.memory_space<semaphore_mem>>)
    %dma_start3A_163 = arith.constant 4 : i32
    %dma_start3A_164 = arith.constant 0 : i32
    %dma_start3A_165 = tpu.memref_slice %arg3[%add3A, %dma_start3A_163, %dma_start3A_164] : memref<32x125x80xi32, #tpu.memory_space<hbm>> -> memref<1x1x80xi32, #tpu.memory_space<hbm>>
    %dma_start3A_166 = tpu.memref_squeeze %dma_start3A_165 : memref<1x1x80xi32, #tpu.memory_space<hbm>> -> memref<80xi32, #tpu.memory_space<hbm>>
    %dma_start3A_167 = arith.constant 0 : i32
    %dma_start3A_168 = tpu.memref_slice %arg3[%add3A, %dma_start3A_163, %dma_start3A_167] : memref<32x125x80xi32, #tpu.memory_space<hbm>> -> memref<1x1x80xi32, #tpu.memory_space<hbm>>
    %dma_start3A_169 = tpu.memref_squeeze %dma_start3A_168 : memref<1x1x80xi32, #tpu.memory_space<hbm>> -> memref<80xi32, #tpu.memory_space<hbm>>
    tpu.enqueue_dma source(%dma_start3A_169 : memref<80xi32, #tpu.memory_space<hbm>>) target(%arg11 : memref<80xi32, #tpu.memory_space<vmem>>) target_semaphore(%arg26 : memref<!tpu.dma_semaphore, #tpu.memory_space<semaphore_mem>>)
    %dma_wait3A_170 = arith.constant 0 : i32
    %dma_wait3A_171 = arith.constant 0 : i32
    %dma_wait3A_172 = tpu.memref_slice %arg3[%add3A, %dma_wait3A_170, %dma_wait3A_171] : memref<32x125x80xi32, #tpu.memory_space<hbm>> -> memref<1x1x80xi32, #tpu.memory_space<hbm>>
    %dma_wait3A_173 = tpu.memref_squeeze %dma_wait3A_172 : memref<1x1x80xi32, #tpu.memory_space<hbm>> -> memref<80xi32, #tpu.memory_space<hbm>>
    %dma_wait3A_174 = arith.constant 0 : i32
    %dma_wait3A_175 = tpu.memref_slice %arg3[%add3A, %dma_wait3A_170, %dma_wait3A_174] : memref<32x125x80xi32, #tpu.memory_space<hbm>> -> memref<1x1x80xi32, #tpu.memory_space<hbm>>
    %dma_wait3A_176 = tpu.memref_squeeze %dma_wait3A_175 : memref<1x1x80xi32, #tpu.memory_space<hbm>> -> memref<80xi32, #tpu.memory_space<hbm>>
    tpu.wait_dma2 semaphore(%arg27 : memref<!tpu.dma_semaphore, #tpu.memory_space<semaphore_mem>>) src(%dma_wait3A_176 : memref<80xi32, #tpu.memory_space<hbm>>) dst(%arg12 : memref<80xi32, #tpu.memory_space<vmem>>)
    %get3A_177 = arith.constant 0 : index
    %get3A_178 = tpu.vector_load %arg12[%get3A_177] {strides = array<i32>} : memref<80xi32, #tpu.memory_space<vmem>>, vector<16xi32>,
    %and3A_179 = arith.constant 65535 : i32
    %and3A_180 = vector.broadcast %and3A_179 : i32 to vector<16xi32>
    %and3A_181 = arith.andi %get3A_178, %and3A_180 : vector<16xi32>
    %swap3A_182 = arith.constant 0 : index
    %swap3A_183 = tpu.vector_load %arg15[%swap3A_182] {strides = array<i32>} : memref<80xi32, #tpu.memory_space<vmem>>, vector<16xi32>,
    tpu.vector_store %arg15[%swap3A_182], %and3A_181 {strides = array<i32>} : memref<80xi32, #tpu.memory_space<vmem>>, vector<16xi32>,
    %shift_right_arithmetic3A_184 = arith.constant 16 : i32
    %shift_right_arithmetic3A_185 = vector.broadcast %shift_right_arithmetic3A_184 : i32 to vector<16xi32>
    %shift_right_arithmetic3A_186 = arith.shrsi %get3A_178, %shift_right_arithmetic3A_185 : vector<16xi32>
    %swap3A_187 = arith.constant 0 : index
    %swap3A_188 = tpu.vector_load %arg18[%swap3A_187] {strides = array<i32>} : memref<80xi32, #tpu.memory_space<vmem>>, vector<16xi32>,
    tpu.vector_store %arg18[%swap3A_187], %shift_right_arithmetic3A_186 {strides = array<i32>} : memref<80xi32, #tpu.memory_space<vmem>>, vector<16xi32>,
    %get3A_189 = arith.constant 16 : index
    %get3A_190 = tpu.vector_load %arg12[%get3A_189] {strides = array<i32>} : memref<80xi32, #tpu.memory_space<vmem>>, vector<16xi32>,
    %and3A_191 = arith.constant 65535 : i32
    %and3A_192 = vector.broadcast %and3A_191 : i32 to vector<16xi32>
    %and3A_193 = arith.andi %get3A_190, %and3A_192 : vector<16xi32>
    %swap3A_194 = arith.constant 16 : index
    %swap3A_195 = tpu.vector_load %arg15[%swap3A_194] {strides = array<i32>} : memref<80xi32, #tpu.memory_space<vmem>>, vector<16xi32>,
    tpu.vector_store %arg15[%swap3A_194], %and3A_193 {strides = array<i32>} : memref<80xi32, #tpu.memory_space<vmem>>, vector<16xi32>,
    %shift_right_arithmetic3A_196 = arith.constant 16 : i32
    %shift_right_arithmetic3A_197 = vector.broadcast %shift_right_arithmetic3A_196 : i32 to vector<16xi32>
    %shift_right_arithmetic3A_198 = arith.shrsi %get3A_190, %shift_right_arithmetic3A_197 : vector<16xi32>
    %swap3A_199 = arith.constant 16 : index
    %swap3A_200 = tpu.vector_load %arg18[%swap3A_199] {strides = array<i32>} : memref<80xi32, #tpu.memory_space<vmem>>, vector<16xi32>,
    tpu.vector_store %arg18[%swap3A_199], %shift_right_arithmetic3A_198 {strides = array<i32>} : memref<80xi32, #tpu.memory_space<vmem>>, vector<16xi32>,
    %get3A_201 = arith.constant 32 : index
    %get3A_202 = tpu.vector_load %arg12[%get3A_201] {strides = array<i32>} : memref<80xi32, #tpu.memory_space<vmem>>, vector<16xi32>,
    %and3A_203 = arith.constant 65535 : i32
    %and3A_204 = vector.broadcast %and3A_203 : i32 to vector<16xi32>
    %and3A_205 = arith.andi %get3A_202, %and3A_204 : vector<16xi32>
    %swap3A_206 = arith.constant 32 : index
    %swap3A_207 = tpu.vector_load %arg15[%swap3A_206] {strides = array<i32>} : memref<80xi32, #tpu.memory_space<vmem>>, vector<16xi32>,
    tpu.vector_store %arg15[%swap3A_206], %and3A_205 {strides = array<i32>} : memref<80xi32, #tpu.memory_space<vmem>>, vector<16xi32>,
    %shift_right_arithmetic3A_208 = arith.constant 16 : i32
    %shift_right_arithmetic3A_209 = vector.broadcast %shift_right_arithmetic3A_208 : i32 to vector<16xi32>
    %shift_right_arithmetic3A_210 = arith.shrsi %get3A_202, %shift_right_arithmetic3A_209 : vector<16xi32>
    %swap3A_211 = arith.constant 32 : index
    %swap3A_212 = tpu.vector_load %arg18[%swap3A_211] {strides = array<i32>} : memref<80xi32, #tpu.memory_space<vmem>>, vector<16xi32>,
    tpu.vector_store %arg18[%swap3A_211], %shift_right_arithmetic3A_210 {strides = array<i32>} : memref<80xi32, #tpu.memory_space<vmem>>, vector<16xi32>,
    %get3A_213 = arith.constant 48 : index
    %get3A_214 = tpu.vector_load %arg12[%get3A_213] {strides = array<i32>} : memref<80xi32, #tpu.memory_space<vmem>>, vector<16xi32>,
    %and3A_215 = arith.constant 65535 : i32
    %and3A_216 = vector.broadcast %and3A_215 : i32 to vector<16xi32>
    %and3A_217 = arith.andi %get3A_214, %and3A_216 : vector<16xi32>
    %swap3A_218 = arith.constant 48 : index
    %swap3A_219 = tpu.vector_load %arg15[%swap3A_218] {strides = array<i32>} : memref<80xi32, #tpu.memory_space<vmem>>, vector<16xi32>,
    tpu.vector_store %arg15[%swap3A_218], %and3A_217 {strides = array<i32>} : memref<80xi32, #tpu.memory_space<vmem>>, vector<16xi32>,
    %shift_right_arithmetic3A_220 = arith.constant 16 : i32
    %shift_right_arithmetic3A_221 = vector.broadcast %shift_right_arithmetic3A_220 : i32 to vector<16xi32>
    %shift_right_arithmetic3A_222 = arith.shrsi %get3A_214, %shift_right_arithmetic3A_221 : vector<16xi32>
    %swap3A_223 = arith.constant 48 : index
    %swap3A_224 = tpu.vector_load %arg18[%swap3A_223] {strides = array<i32>} : memref<80xi32, #tpu.memory_space<vmem>>, vector<16xi32>,
    tpu.vector_store %arg18[%swap3A_223], %shift_right_arithmetic3A_222 {strides = array<i32>} : memref<80xi32, #tpu.memory_space<vmem>>, vector<16xi32>,
    %get3A_225 = arith.constant 64 : index
    %get3A_226 = tpu.vector_load %arg12[%get3A_225] {strides = array<i32>} : memref<80xi32, #tpu.memory_space<vmem>>, vector<16xi32>,
    %and3A_227 = arith.constant 65535 : i32
    %and3A_228 = vector.broadcast %and3A_227 : i32 to vector<16xi32>
    %and3A_229 = arith.andi %get3A_226, %and3A_228 : vector<16xi32>
    %swap3A_230 = arith.constant 64 : index
    %swap3A_231 = tpu.vector_load %arg15[%swap3A_230] {strides = array<i32>} : memref<80xi32, #tpu.memory_space<vmem>>, vector<16xi32>,
    tpu.vector_store %arg15[%swap3A_230], %and3A_229 {strides = array<i32>} : memref<80xi32, #tpu.memory_space<vmem>>, vector<16xi32>,
    %shift_right_arithmetic3A_232 = arith.constant 16 : i32
    %shift_right_arithmetic3A_233 = vector.broadcast %shift_right_arithmetic3A_232 : i32 to vector<16xi32>
    %shift_right_arithmetic3A_234 = arith.shrsi %get3A_226, %shift_right_arithmetic3A_233 : vector<16xi32>
    %swap3A_235 = arith.constant 64 : index
    %swap3A_236 = tpu.vector_load %arg18[%swap3A_235] {strides = array<i32>} : memref<80xi32, #tpu.memory_space<vmem>>, vector<16xi32>,
    tpu.vector_store %arg18[%swap3A_235], %shift_right_arithmetic3A_234 {strides = array<i32>} : memref<80xi32, #tpu.memory_space<vmem>>, vector<16xi32>,
    %dma_start3A_237 = arith.constant 0 : i32
    %dma_start3A_238 = arith.constant 0 : i32
    %dma_start3A_239 = tpu.memref_slice %arg2[%dma_start3A_237, %dma_start3A_238] : memref<10000x128xf32, #tpu.memory_space<hbm>> -> memref<10000x128xf32, #tpu.memory_space<hbm>>
    tpu.enqueue_indirect_dma source(%dma_start3A_239 : memref<10000x128xf32, #tpu.memory_space<hbm>>) target(%arg9 : memref<80x128xf32, #tpu.memory_space<vmem>>) offsets(%arg15 : memref<80xi32, #tpu.memory_space<vmem>>) semaphore(%arg21 : memref<!tpu.dma_semaphore, #tpu.memory_space<semaphore_mem>>)
    %dma_start3A_240 = arith.constant 5 : i32
    %dma_start3A_241 = arith.constant 0 : i32
    %dma_start3A_242 = tpu.memref_slice %arg3[%add3A, %dma_start3A_240, %dma_start3A_241] : memref<32x125x80xi32, #tpu.memory_space<hbm>> -> memref<1x1x80xi32, #tpu.memory_space<hbm>>
    %dma_start3A_243 = tpu.memref_squeeze %dma_start3A_242 : memref<1x1x80xi32, #tpu.memory_space<hbm>> -> memref<80xi32, #tpu.memory_space<hbm>>
    %dma_start3A_244 = arith.constant 0 : i32
    %dma_start3A_245 = tpu.memref_slice %arg3[%add3A, %dma_start3A_240, %dma_start3A_244] : memref<32x125x80xi32, #tpu.memory_space<hbm>> -> memref<1x1x80xi32, #tpu.memory_space<hbm>>
    %dma_start3A_246 = tpu.memref_squeeze %dma_start3A_245 : memref<1x1x80xi32, #tpu.memory_space<hbm>> -> memref<80xi32, #tpu.memory_space<hbm>>
    tpu.enqueue_dma source(%dma_start3A_246 : memref<80xi32, #tpu.memory_space<hbm>>) target(%arg12 : memref<80xi32, #tpu.memory_space<vmem>>) target_semaphore(%arg27 : memref<!tpu.dma_semaphore, #tpu.memory_space<semaphore_mem>>)
    %mul3A_247 = arith.constant 640 : i32
    %mul3A_248 = arith.muli %arg1, %mul3A_247 : i32
    %mul3A_249 = arith.constant 640 : i32
    %mul3A_250 = arith.muli %arg1, %mul3A_249 : i32
    "tpu.region"() ({
      %run_scoped3A = tpu.sem_alloc : memref<!tpu.dma_semaphore, #tpu.memory_space<semaphore_mem>>
      %dma_start3A_282 = arith.constant 0 : i32
      %dma_start3A_283 = tpu.memref_slice %arg6[%mul3A_250, %dma_start3A_282] : memref<10240x128xf32, #tpu.memory_space<vmem_shared>> -> memref<640x128xf32, #tpu.memory_space<vmem_shared>>
      %dma_start3A_284 = arith.constant 0 : i32
      %dma_start3A_285 = tpu.memref_slice %arg4[%mul3A_248, %dma_start3A_284] : memref<10240x128xf32, #tpu.memory_space<hbm>> -> memref<640x128xf32, #tpu.memory_space<hbm>>
      tpu.enqueue_dma source(%dma_start3A_285 : memref<640x128xf32, #tpu.memory_space<hbm>>) target(%dma_start3A_283 : memref<640x128xf32, #tpu.memory_space<vmem_shared>>) target_semaphore(%run_scoped3A : memref<!tpu.dma_semaphore, #tpu.memory_space<semaphore_mem>>)
      %dma_wait3A_286 = arith.constant 0 : i32
      %dma_wait3A_287 = tpu.memref_slice %arg6[%mul3A_250, %dma_wait3A_286] : memref<10240x128xf32, #tpu.memory_space<vmem_shared>> -> memref<640x128xf32, #tpu.memory_space<vmem_shared>>
      %dma_wait3A_288 = arith.constant 0 : i32
      %dma_wait3A_289 = tpu.memref_slice %arg4[%mul3A_248, %dma_wait3A_288] : memref<10240x128xf32, #tpu.memory_space<hbm>> -> memref<640x128xf32, #tpu.memory_space<hbm>>
      tpu.wait_dma2 semaphore(%run_scoped3A : memref<!tpu.dma_semaphore, #tpu.memory_space<semaphore_mem>>) src(%dma_wait3A_289 : memref<640x128xf32, #tpu.memory_space<hbm>>) dst(%dma_wait3A_287 : memref<640x128xf32, #tpu.memory_space<vmem_shared>>)
      tpu.yield
    }) : () -> ()
    %barrier3A = arith.constant 0 : index
    tpu.barrier barrier_id(%barrier3A)
    %scan3A = arith.constant 0 : i32
    %scan3A_251 = arith.constant 0 : i32
    %scan3A_252 = arith.constant 41 : i32
    %scan3A_253 = arith.addi %scan3A_251, %scan3A_252 : i32
    %scan3A_254 = arith.constant 1 : i32
    scf.for %scan3A_282 = %scan3A_251 to %scan3A_253 step %scan3A_254  : i32 {
      %dma_wait3A_283 = arith.constant 0 : i32
      %dma_wait3A_284 = arith.constant 0 : i32
      %dma_wait3A_285 = tpu.memref_slice %arg2[%dma_wait3A_283, %dma_wait3A_284] : memref<10000x128xf32, #tpu.memory_space<hbm>> -> memref<10000x128xf32, #tpu.memory_space<hbm>>
      tpu.wait_indirect_dma semaphore(%arg19 : memref<!tpu.dma_semaphore, #tpu.memory_space<semaphore_mem>>) src(%dma_wait3A_285 : memref<10000x128xf32, #tpu.memory_space<hbm>>) dst(%arg7 : memref<80x128xf32, #tpu.memory_space<vmem>>)
      %dma_start3A_286 = arith.constant 0 : i32
      %dma_start3A_287 = arith.constant 0 : i32
      %dma_start3A_288 = tpu.memref_slice %arg6[%dma_start3A_286, %dma_start3A_287] : memref<10240x128xf32, #tpu.memory_space<vmem_shared>> -> memref<10240x128xf32, #tpu.memory_space<vmem_shared>>
      tpu.enqueue_indirect_dma source(%arg7 : memref<80x128xf32, #tpu.memory_space<vmem>>) target(%dma_start3A_288 : memref<10240x128xf32, #tpu.memory_space<vmem_shared>>) offsets(%arg16 : memref<80xi32, #tpu.memory_space<vmem>>) semaphore(%arg22 : memref<!tpu.dma_semaphore, #tpu.memory_space<semaphore_mem>>) {add = true}
      %dma_wait3A_289 = arith.constant 0 : i32
      %dma_wait3A_290 = arith.constant 0 : i32
      %dma_wait3A_291 = tpu.memref_slice %arg2[%dma_wait3A_289, %dma_wait3A_290] : memref<10000x128xf32, #tpu.memory_space<hbm>> -> memref<10000x128xf32, #tpu.memory_space<hbm>>
      tpu.wait_indirect_dma semaphore(%arg20 : memref<!tpu.dma_semaphore, #tpu.memory_space<semaphore_mem>>) src(%dma_wait3A_291 : memref<10000x128xf32, #tpu.memory_space<hbm>>) dst(%arg8 : memref<80x128xf32, #tpu.memory_space<vmem>>)
      %dma_start3A_292 = arith.constant 0 : i32
      %dma_start3A_293 = arith.constant 0 : i32
      %dma_start3A_294 = tpu.memref_slice %arg6[%dma_start3A_292, %dma_start3A_293] : memref<10240x128xf32, #tpu.memory_space<vmem_shared>> -> memref<10240x128xf32, #tpu.memory_space<vmem_shared>>
      tpu.enqueue_indirect_dma source(%arg8 : memref<80x128xf32, #tpu.memory_space<vmem>>) target(%dma_start3A_294 : memref<10240x128xf32, #tpu.memory_space<vmem_shared>>) offsets(%arg17 : memref<80xi32, #tpu.memory_space<vmem>>) semaphore(%arg23 : memref<!tpu.dma_semaphore, #tpu.memory_space<semaphore_mem>>) {add = true}
      %dma_wait3A_295 = arith.constant 0 : i32
      %dma_wait3A_296 = arith.constant 0 : i32
      %dma_wait3A_297 = tpu.memref_slice %arg2[%dma_wait3A_295, %dma_wait3A_296] : memref<10000x128xf32, #tpu.memory_space<hbm>> -> memref<10000x128xf32, #tpu.memory_space<hbm>>
      tpu.wait_indirect_dma semaphore(%arg21 : memref<!tpu.dma_semaphore, #tpu.memory_space<semaphore_mem>>) src(%dma_wait3A_297 : memref<10000x128xf32, #tpu.memory_space<hbm>>) dst(%arg9 : memref<80x128xf32, #tpu.memory_space<vmem>>)
      %dma_start3A_298 = arith.constant 0 : i32
      %dma_start3A_299 = arith.constant 0 : i32
      %dma_start3A_300 = tpu.memref_slice %arg6[%dma_start3A_298, %dma_start3A_299] : memref<10240x128xf32, #tpu.memory_space<vmem_shared>> -> memref<10240x128xf32, #tpu.memory_space<vmem_shared>>
      tpu.enqueue_indirect_dma source(%arg9 : memref<80x128xf32, #tpu.memory_space<vmem>>) target(%dma_start3A_300 : memref<10240x128xf32, #tpu.memory_space<vmem_shared>>) offsets(%arg18 : memref<80xi32, #tpu.memory_space<vmem>>) semaphore(%arg24 : memref<!tpu.dma_semaphore, #tpu.memory_space<semaphore_mem>>) {add = true}
      %mul3A_301 = arith.constant 3 : i32
      %mul3A_302 = arith.muli %scan3A_282, %mul3A_301 : i32
      %add3A_303 = arith.constant 0 : i32
      %add3A_304 = arith.addi %mul3A_302, %add3A_303 : i32
      %add3A_305 = arith.constant 3 : i32
      %add3A_306 = arith.addi %add3A_304, %add3A_305 : i32
      %lt3A = arith.constant 125 : i32
      %lt3A_307 = arith.cmpi slt, %add3A_306, %lt3A : i32
      %convert_element_type3A = arith.extui %lt3A_307 : i1 to i32
      %cond3A = arith.constant 0 : i32
      %cond3A_308 = arith.cmpi ne, %convert_element_type3A, %cond3A : i32
      scf.if %cond3A_308 {
        %dma_wait3A_331 = arith.constant 0 : i32
        %dma_wait3A_332 = arith.constant 0 : i32
        %dma_wait3A_333 = tpu.memref_slice %arg6[%dma_wait3A_331, %dma_wait3A_332] : memref<10240x128xf32, #tpu.memory_space<vmem_shared>> -> memref<10240x128xf32, #tpu.memory_space<vmem_shared>>
        tpu.wait_indirect_dma semaphore(%arg22 : memref<!tpu.dma_semaphore, #tpu.memory_space<semaphore_mem>>) src(%arg7 : memref<80x128xf32, #tpu.memory_space<vmem>>) dst(%dma_wait3A_333 : memref<10240x128xf32, #tpu.memory_space<vmem_shared>>)
        %dma_wait3A_334 = arith.constant 0 : i32
        %dma_wait3A_335 = arith.constant 0 : i32
        %dma_wait3A_336 = tpu.memref_slice %arg3[%add3A, %dma_wait3A_334, %dma_wait3A_335] : memref<32x125x80xi32, #tpu.memory_space<hbm>> -> memref<1x1x80xi32, #tpu.memory_space<hbm>>
        %dma_wait3A_337 = tpu.memref_squeeze %dma_wait3A_336 : memref<1x1x80xi32, #tpu.memory_space<hbm>> -> memref<80xi32, #tpu.memory_space<hbm>>
        %dma_wait3A_338 = arith.constant 0 : i32
        %dma_wait3A_339 = tpu.memref_slice %arg3[%add3A, %dma_wait3A_334, %dma_wait3A_338] : memref<32x125x80xi32, #tpu.memory_space<hbm>> -> memref<1x1x80xi32, #tpu.memory_space<hbm>>
        %dma_wait3A_340 = tpu.memref_squeeze %dma_wait3A_339 : memref<1x1x80xi32, #tpu.memory_space<hbm>> -> memref<80xi32, #tpu.memory_space<hbm>>
        tpu.wait_dma2 semaphore(%arg25 : memref<!tpu.dma_semaphore, #tpu.memory_space<semaphore_mem>>) src(%dma_wait3A_340 : memref<80xi32, #tpu.memory_space<hbm>>) dst(%arg10 : memref<80xi32, #tpu.memory_space<vmem>>)
        %get3A_341 = arith.constant 0 : index
        %get3A_342 = tpu.vector_load %arg10[%get3A_341] {strides = array<i32>} : memref<80xi32, #tpu.memory_space<vmem>>, vector<16xi32>,
        %and3A_343 = arith.constant 65535 : i32
        %and3A_344 = vector.broadcast %and3A_343 : i32 to vector<16xi32>
        %and3A_345 = arith.andi %get3A_342, %and3A_344 : vector<16xi32>
        %swap3A_346 = arith.constant 0 : index
        %swap3A_347 = tpu.vector_load %arg13[%swap3A_346] {strides = array<i32>} : memref<80xi32, #tpu.memory_space<vmem>>, vector<16xi32>,
        tpu.vector_store %arg13[%swap3A_346], %and3A_345 {strides = array<i32>} : memref<80xi32, #tpu.memory_space<vmem>>, vector<16xi32>,
        %shift_right_arithmetic3A_348 = arith.constant 16 : i32
        %shift_right_arithmetic3A_349 = vector.broadcast %shift_right_arithmetic3A_348 : i32 to vector<16xi32>
        %shift_right_arithmetic3A_350 = arith.shrsi %get3A_342, %shift_right_arithmetic3A_349 : vector<16xi32>
        %swap3A_351 = arith.constant 0 : index
        %swap3A_352 = tpu.vector_load %arg16[%swap3A_351] {strides = array<i32>} : memref<80xi32, #tpu.memory_space<vmem>>, vector<16xi32>,
        tpu.vector_store %arg16[%swap3A_351], %shift_right_arithmetic3A_350 {strides = array<i32>} : memref<80xi32, #tpu.memory_space<vmem>>, vector<16xi32>,
        %get3A_353 = arith.constant 16 : index
        %get3A_354 = tpu.vector_load %arg10[%get3A_353] {strides = array<i32>} : memref<80xi32, #tpu.memory_space<vmem>>, vector<16xi32>,
        %and3A_355 = arith.constant 65535 : i32
        %and3A_356 = vector.broadcast %and3A_355 : i32 to vector<16xi32>
        %and3A_357 = arith.andi %get3A_354, %and3A_356 : vector<16xi32>
        %swap3A_358 = arith.constant 16 : index
        %swap3A_359 = tpu.vector_load %arg13[%swap3A_358] {strides = array<i32>} : memref<80xi32, #tpu.memory_space<vmem>>, vector<16xi32>,
        tpu.vector_store %arg13[%swap3A_358], %and3A_357 {strides = array<i32>} : memref<80xi32, #tpu.memory_space<vmem>>, vector<16xi32>,
        %shift_right_arithmetic3A_360 = arith.constant 16 : i32
        %shift_right_arithmetic3A_361 = vector.broadcast %shift_right_arithmetic3A_360 : i32 to vector<16xi32>
        %shift_right_arithmetic3A_362 = arith.shrsi %get3A_354, %shift_right_arithmetic3A_361 : vector<16xi32>
        %swap3A_363 = arith.constant 16 : index
        %swap3A_364 = tpu.vector_load %arg16[%swap3A_363] {strides = array<i32>} : memref<80xi32, #tpu.memory_space<vmem>>, vector<16xi32>,
        tpu.vector_store %arg16[%swap3A_363], %shift_right_arithmetic3A_362 {strides = array<i32>} : memref<80xi32, #tpu.memory_space<vmem>>, vector<16xi32>,
        %get3A_365 = arith.constant 32 : index
        %get3A_366 = tpu.vector_load %arg10[%get3A_365] {strides = array<i32>} : memref<80xi32, #tpu.memory_space<vmem>>, vector<16xi32>,
        %and3A_367 = arith.constant 65535 : i32
        %and3A_368 = vector.broadcast %and3A_367 : i32 to vector<16xi32>
        %and3A_369 = arith.andi %get3A_366, %and3A_368 : vector<16xi32>
        %swap3A_370 = arith.constant 32 : index
        %swap3A_371 = tpu.vector_load %arg13[%swap3A_370] {strides = array<i32>} : memref<80xi32, #tpu.memory_space<vmem>>, vector<16xi32>,
        tpu.vector_store %arg13[%swap3A_370], %and3A_369 {strides = array<i32>} : memref<80xi32, #tpu.memory_space<vmem>>, vector<16xi32>,
        %shift_right_arithmetic3A_372 = arith.constant 16 : i32
        %shift_right_arithmetic3A_373 = vector.broadcast %shift_right_arithmetic3A_372 : i32 to vector<16xi32>
        %shift_right_arithmetic3A_374 = arith.shrsi %get3A_366, %shift_right_arithmetic3A_373 : vector<16xi32>
        %swap3A_375 = arith.constant 32 : index
        %swap3A_376 = tpu.vector_load %arg16[%swap3A_375] {strides = array<i32>} : memref<80xi32, #tpu.memory_space<vmem>>, vector<16xi32>,
        tpu.vector_store %arg16[%swap3A_375], %shift_right_arithmetic3A_374 {strides = array<i32>} : memref<80xi32, #tpu.memory_space<vmem>>, vector<16xi32>,
        %get3A_377 = arith.constant 48 : index
        %get3A_378 = tpu.vector_load %arg10[%get3A_377] {strides = array<i32>} : memref<80xi32, #tpu.memory_space<vmem>>, vector<16xi32>,
        %and3A_379 = arith.constant 65535 : i32
        %and3A_380 = vector.broadcast %and3A_379 : i32 to vector<16xi32>
        %and3A_381 = arith.andi %get3A_378, %and3A_380 : vector<16xi32>
        %swap3A_382 = arith.constant 48 : index
        %swap3A_383 = tpu.vector_load %arg13[%swap3A_382] {strides = array<i32>} : memref<80xi32, #tpu.memory_space<vmem>>, vector<16xi32>,
        tpu.vector_store %arg13[%swap3A_382], %and3A_381 {strides = array<i32>} : memref<80xi32, #tpu.memory_space<vmem>>, vector<16xi32>,
        %shift_right_arithmetic3A_384 = arith.constant 16 : i32
        %shift_right_arithmetic3A_385 = vector.broadcast %shift_right_arithmetic3A_384 : i32 to vector<16xi32>
        %shift_right_arithmetic3A_386 = arith.shrsi %get3A_378, %shift_right_arithmetic3A_385 : vector<16xi32>
        %swap3A_387 = arith.constant 48 : index
        %swap3A_388 = tpu.vector_load %arg16[%swap3A_387] {strides = array<i32>} : memref<80xi32, #tpu.memory_space<vmem>>, vector<16xi32>,
        tpu.vector_store %arg16[%swap3A_387], %shift_right_arithmetic3A_386 {strides = array<i32>} : memref<80xi32, #tpu.memory_space<vmem>>, vector<16xi32>,
        %get3A_389 = arith.constant 64 : index
        %get3A_390 = tpu.vector_load %arg10[%get3A_389] {strides = array<i32>} : memref<80xi32, #tpu.memory_space<vmem>>, vector<16xi32>,
        %and3A_391 = arith.constant 65535 : i32
        %and3A_392 = vector.broadcast %and3A_391 : i32 to vector<16xi32>
        %and3A_393 = arith.andi %get3A_390, %and3A_392 : vector<16xi32>
        %swap3A_394 = arith.constant 64 : index
        %swap3A_395 = tpu.vector_load %arg13[%swap3A_394] {strides = array<i32>} : memref<80xi32, #tpu.memory_space<vmem>>, vector<16xi32>,
        tpu.vector_store %arg13[%swap3A_394], %and3A_393 {strides = array<i32>} : memref<80xi32, #tpu.memory_space<vmem>>, vector<16xi32>,
        %shift_right_arithmetic3A_396 = arith.constant 16 : i32
        %shift_right_arithmetic3A_397 = vector.broadcast %shift_right_arithmetic3A_396 : i32 to vector<16xi32>
        %shift_right_arithmetic3A_398 = arith.shrsi %get3A_390, %shift_right_arithmetic3A_397 : vector<16xi32>
        %swap3A_399 = arith.constant 64 : index
        %swap3A_400 = tpu.vector_load %arg16[%swap3A_399] {strides = array<i32>} : memref<80xi32, #tpu.memory_space<vmem>>, vector<16xi32>,
        tpu.vector_store %arg16[%swap3A_399], %shift_right_arithmetic3A_398 {strides = array<i32>} : memref<80xi32, #tpu.memory_space<vmem>>, vector<16xi32>,
        %dma_start3A_401 = arith.constant 0 : i32
        %dma_start3A_402 = arith.constant 0 : i32
        %dma_start3A_403 = tpu.memref_slice %arg2[%dma_start3A_401, %dma_start3A_402] : memref<10000x128xf32, #tpu.memory_space<hbm>> -> memref<10000x128xf32, #tpu.memory_space<hbm>>
        tpu.enqueue_indirect_dma source(%dma_start3A_403 : memref<10000x128xf32, #tpu.memory_space<hbm>>) target(%arg7 : memref<80x128xf32, #tpu.memory_space<vmem>>) offsets(%arg13 : memref<80xi32, #tpu.memory_space<vmem>>) semaphore(%arg19 : memref<!tpu.dma_semaphore, #tpu.memory_space<semaphore_mem>>)
        %add3A_404 = arith.constant 3 : i32
        %add3A_405 = arith.addi %add3A_306, %add3A_404 : i32
        %lt3A_406 = arith.constant 125 : i32
        %lt3A_407 = arith.cmpi slt, %add3A_405, %lt3A_406 : i32
        %convert_element_type3A_408 = arith.extui %lt3A_407 : i1 to i32
        %cond3A_409 = arith.constant 0 : i32
        %cond3A_410 = arith.cmpi ne, %convert_element_type3A_408, %cond3A_409 : i32
        scf.if %cond3A_410 {
          %add3A_411 = arith.constant 3 : i32
          %add3A_412 = arith.addi %add3A_306, %add3A_411 : i32
          %dma_start3A_413 = arith.constant 0 : i32
          %dma_start3A_414 = tpu.memref_slice %arg3[%add3A, %add3A_412, %dma_start3A_413] : memref<32x125x80xi32, #tpu.memory_space<hbm>> -> memref<1x1x80xi32, #tpu.memory_space<hbm>>
          %dma_start3A_415 = tpu.memref_squeeze %dma_start3A_414 : memref<1x1x80xi32, #tpu.memory_space<hbm>> -> memref<80xi32, #tpu.memory_space<hbm>>
          %dma_start3A_416 = arith.constant 0 : i32
          %dma_start3A_417 = tpu.memref_slice %arg3[%add3A, %add3A_412, %dma_start3A_416] : memref<32x125x80xi32, #tpu.memory_space<hbm>> -> memref<1x1x80xi32, #tpu.memory_space<hbm>>
          %dma_start3A_418 = tpu.memref_squeeze %dma_start3A_417 : memref<1x1x80xi32, #tpu.memory_space<hbm>> -> memref<80xi32, #tpu.memory_space<hbm>>
          tpu.enqueue_dma source(%dma_start3A_418 : memref<80xi32, #tpu.memory_space<hbm>>) target(%arg10 : memref<80xi32, #tpu.memory_space<vmem>>) target_semaphore(%arg25 : memref<!tpu.dma_semaphore, #tpu.memory_space<semaphore_mem>>)
        } else {
        }
      } else {
      }
      %mul3A_309 = arith.constant 3 : i32
      %mul3A_310 = arith.muli %scan3A_282, %mul3A_309 : i32
      %add3A_311 = arith.constant 1 : i32
      %add3A_312 = arith.addi %mul3A_310, %add3A_311 : i32
      %add3A_313 = arith.constant 3 : i32
      %add3A_314 = arith.addi %add3A_312, %add3A_313 : i32
      %lt3A_315 = arith.constant 125 : i32
      %lt3A_316 = arith.cmpi slt, %add3A_314, %lt3A_315 : i32
      %convert_element_type3A_317 = arith.extui %lt3A_316 : i1 to i32
      %cond3A_318 = arith.constant 0 : i32
      %cond3A_319 = arith.cmpi ne, %convert_element_type3A_317, %cond3A_318 : i32
      scf.if %cond3A_319 {
        %dma_wait3A_331 = arith.constant 0 : i32
        %dma_wait3A_332 = arith.constant 0 : i32
        %dma_wait3A_333 = tpu.memref_slice %arg6[%dma_wait3A_331, %dma_wait3A_332] : memref<10240x128xf32, #tpu.memory_space<vmem_shared>> -> memref<10240x128xf32, #tpu.memory_space<vmem_shared>>
        tpu.wait_indirect_dma semaphore(%arg23 : memref<!tpu.dma_semaphore, #tpu.memory_space<semaphore_mem>>) src(%arg8 : memref<80x128xf32, #tpu.memory_space<vmem>>) dst(%dma_wait3A_333 : memref<10240x128xf32, #tpu.memory_space<vmem_shared>>)
        %dma_wait3A_334 = arith.constant 0 : i32
        %dma_wait3A_335 = arith.constant 0 : i32
        %dma_wait3A_336 = tpu.memref_slice %arg3[%add3A, %dma_wait3A_334, %dma_wait3A_335] : memref<32x125x80xi32, #tpu.memory_space<hbm>> -> memref<1x1x80xi32, #tpu.memory_space<hbm>>
        %dma_wait3A_337 = tpu.memref_squeeze %dma_wait3A_336 : memref<1x1x80xi32, #tpu.memory_space<hbm>> -> memref<80xi32, #tpu.memory_space<hbm>>
        %dma_wait3A_338 = arith.constant 0 : i32
        %dma_wait3A_339 = tpu.memref_slice %arg3[%add3A, %dma_wait3A_334, %dma_wait3A_338] : memref<32x125x80xi32, #tpu.memory_space<hbm>> -> memref<1x1x80xi32, #tpu.memory_space<hbm>>
        %dma_wait3A_340 = tpu.memref_squeeze %dma_wait3A_339 : memref<1x1x80xi32, #tpu.memory_space<hbm>> -> memref<80xi32, #tpu.memory_space<hbm>>
        tpu.wait_dma2 semaphore(%arg26 : memref<!tpu.dma_semaphore, #tpu.memory_space<semaphore_mem>>) src(%dma_wait3A_340 : memref<80xi32, #tpu.memory_space<hbm>>) dst(%arg11 : memref<80xi32, #tpu.memory_space<vmem>>)
        %get3A_341 = arith.constant 0 : index
        %get3A_342 = tpu.vector_load %arg11[%get3A_341] {strides = array<i32>} : memref<80xi32, #tpu.memory_space<vmem>>, vector<16xi32>,
        %and3A_343 = arith.constant 65535 : i32
        %and3A_344 = vector.broadcast %and3A_343 : i32 to vector<16xi32>
        %and3A_345 = arith.andi %get3A_342, %and3A_344 : vector<16xi32>
        %swap3A_346 = arith.constant 0 : index
        %swap3A_347 = tpu.vector_load %arg14[%swap3A_346] {strides = array<i32>} : memref<80xi32, #tpu.memory_space<vmem>>, vector<16xi32>,
        tpu.vector_store %arg14[%swap3A_346], %and3A_345 {strides = array<i32>} : memref<80xi32, #tpu.memory_space<vmem>>, vector<16xi32>,
        %shift_right_arithmetic3A_348 = arith.constant 16 : i32
        %shift_right_arithmetic3A_349 = vector.broadcast %shift_right_arithmetic3A_348 : i32 to vector<16xi32>
        %shift_right_arithmetic3A_350 = arith.shrsi %get3A_342, %shift_right_arithmetic3A_349 : vector<16xi32>
        %swap3A_351 = arith.constant 0 : index
        %swap3A_352 = tpu.vector_load %arg17[%swap3A_351] {strides = array<i32>} : memref<80xi32, #tpu.memory_space<vmem>>, vector<16xi32>,
        tpu.vector_store %arg17[%swap3A_351], %shift_right_arithmetic3A_350 {strides = array<i32>} : memref<80xi32, #tpu.memory_space<vmem>>, vector<16xi32>,
        %get3A_353 = arith.constant 16 : index
        %get3A_354 = tpu.vector_load %arg11[%get3A_353] {strides = array<i32>} : memref<80xi32, #tpu.memory_space<vmem>>, vector<16xi32>,
        %and3A_355 = arith.constant 65535 : i32
        %and3A_356 = vector.broadcast %and3A_355 : i32 to vector<16xi32>
        %and3A_357 = arith.andi %get3A_354, %and3A_356 : vector<16xi32>
        %swap3A_358 = arith.constant 16 : index
        %swap3A_359 = tpu.vector_load %arg14[%swap3A_358] {strides = array<i32>} : memref<80xi32, #tpu.memory_space<vmem>>, vector<16xi32>,
        tpu.vector_store %arg14[%swap3A_358], %and3A_357 {strides = array<i32>} : memref<80xi32, #tpu.memory_space<vmem>>, vector<16xi32>,
        %shift_right_arithmetic3A_360 = arith.constant 16 : i32
        %shift_right_arithmetic3A_361 = vector.broadcast %shift_right_arithmetic3A_360 : i32 to vector<16xi32>
        %shift_right_arithmetic3A_362 = arith.shrsi %get3A_354, %shift_right_arithmetic3A_361 : vector<16xi32>
        %swap3A_363 = arith.constant 16 : index
        %swap3A_364 = tpu.vector_load %arg17[%swap3A_363] {strides = array<i32>} : memref<80xi32, #tpu.memory_space<vmem>>, vector<16xi32>,
        tpu.vector_store %arg17[%swap3A_363], %shift_right_arithmetic3A_362 {strides = array<i32>} : memref<80xi32, #tpu.memory_space<vmem>>, vector<16xi32>,
        %get3A_365 = arith.constant 32 : index
        %get3A_366 = tpu.vector_load %arg11[%get3A_365] {strides = array<i32>} : memref<80xi32, #tpu.memory_space<vmem>>, vector<16xi32>,
        %and3A_367 = arith.constant 65535 : i32
        %and3A_368 = vector.broadcast %and3A_367 : i32 to vector<16xi32>
        %and3A_369 = arith.andi %get3A_366, %and3A_368 : vector<16xi32>
        %swap3A_370 = arith.constant 32 : index
        %swap3A_371 = tpu.vector_load %arg14[%swap3A_370] {strides = array<i32>} : memref<80xi32, #tpu.memory_space<vmem>>, vector<16xi32>,
        tpu.vector_store %arg14[%swap3A_370], %and3A_369 {strides = array<i32>} : memref<80xi32, #tpu.memory_space<vmem>>, vector<16xi32>,
        %shift_right_arithmetic3A_372 = arith.constant 16 : i32
        %shift_right_arithmetic3A_373 = vector.broadcast %shift_right_arithmetic3A_372 : i32 to vector<16xi32>
        %shift_right_arithmetic3A_374 = arith.shrsi %get3A_366, %shift_right_arithmetic3A_373 : vector<16xi32>
        %swap3A_375 = arith.constant 32 : index
        %swap3A_376 = tpu.vector_load %arg17[%swap3A_375] {strides = array<i32>} : memref<80xi32, #tpu.memory_space<vmem>>, vector<16xi32>,
        tpu.vector_store %arg17[%swap3A_375], %shift_right_arithmetic3A_374 {strides = array<i32>} : memref<80xi32, #tpu.memory_space<vmem>>, vector<16xi32>,
        %get3A_377 = arith.constant 48 : index
        %get3A_378 = tpu.vector_load %arg11[%get3A_377] {strides = array<i32>} : memref<80xi32, #tpu.memory_space<vmem>>, vector<16xi32>,
        %and3A_379 = arith.constant 65535 : i32
        %and3A_380 = vector.broadcast %and3A_379 : i32 to vector<16xi32>
        %and3A_381 = arith.andi %get3A_378, %and3A_380 : vector<16xi32>
        %swap3A_382 = arith.constant 48 : index
        %swap3A_383 = tpu.vector_load %arg14[%swap3A_382] {strides = array<i32>} : memref<80xi32, #tpu.memory_space<vmem>>, vector<16xi32>,
        tpu.vector_store %arg14[%swap3A_382], %and3A_381 {strides = array<i32>} : memref<80xi32, #tpu.memory_space<vmem>>, vector<16xi32>,
        %shift_right_arithmetic3A_384 = arith.constant 16 : i32
        %shift_right_arithmetic3A_385 = vector.broadcast %shift_right_arithmetic3A_384 : i32 to vector<16xi32>
        %shift_right_arithmetic3A_386 = arith.shrsi %get3A_378, %shift_right_arithmetic3A_385 : vector<16xi32>
        %swap3A_387 = arith.constant 48 : index
        %swap3A_388 = tpu.vector_load %arg17[%swap3A_387] {strides = array<i32>} : memref<80xi32, #tpu.memory_space<vmem>>, vector<16xi32>,
        tpu.vector_store %arg17[%swap3A_387], %shift_right_arithmetic3A_386 {strides = array<i32>} : memref<80xi32, #tpu.memory_space<vmem>>, vector<16xi32>,
        %get3A_389 = arith.constant 64 : index
        %get3A_390 = tpu.vector_load %arg11[%get3A_389] {strides = array<i32>} : memref<80xi32, #tpu.memory_space<vmem>>, vector<16xi32>,
        %and3A_391 = arith.constant 65535 : i32
        %and3A_392 = vector.broadcast %and3A_391 : i32 to vector<16xi32>
        %and3A_393 = arith.andi %get3A_390, %and3A_392 : vector<16xi32>
        %swap3A_394 = arith.constant 64 : index
        %swap3A_395 = tpu.vector_load %arg14[%swap3A_394] {strides = array<i32>} : memref<80xi32, #tpu.memory_space<vmem>>, vector<16xi32>,
        tpu.vector_store %arg14[%swap3A_394], %and3A_393 {strides = array<i32>} : memref<80xi32, #tpu.memory_space<vmem>>, vector<16xi32>,
        %shift_right_arithmetic3A_396 = arith.constant 16 : i32
        %shift_right_arithmetic3A_397 = vector.broadcast %shift_right_arithmetic3A_396 : i32 to vector<16xi32>
        %shift_right_arithmetic3A_398 = arith.shrsi %get3A_390, %shift_right_arithmetic3A_397 : vector<16xi32>
        %swap3A_399 = arith.constant 64 : index
        %swap3A_400 = tpu.vector_load %arg17[%swap3A_399] {strides = array<i32>} : memref<80xi32, #tpu.memory_space<vmem>>, vector<16xi32>,
        tpu.vector_store %arg17[%swap3A_399], %shift_right_arithmetic3A_398 {strides = array<i32>} : memref<80xi32, #tpu.memory_space<vmem>>, vector<16xi32>,
        %dma_start3A_401 = arith.constant 0 : i32
        %dma_start3A_402 = arith.constant 0 : i32
        %dma_start3A_403 = tpu.memref_slice %arg2[%dma_start3A_401, %dma_start3A_402] : memref<10000x128xf32, #tpu.memory_space<hbm>> -> memref<10000x128xf32, #tpu.memory_space<hbm>>
        tpu.enqueue_indirect_dma source(%dma_start3A_403 : memref<10000x128xf32, #tpu.memory_space<hbm>>) target(%arg8 : memref<80x128xf32, #tpu.memory_space<vmem>>) offsets(%arg14 : memref<80xi32, #tpu.memory_space<vmem>>) semaphore(%arg20 : memref<!tpu.dma_semaphore, #tpu.memory_space<semaphore_mem>>)
        %add3A_404 = arith.constant 3 : i32
        %add3A_405 = arith.addi %add3A_314, %add3A_404 : i32
        %lt3A_406 = arith.constant 125 : i32
        %lt3A_407 = arith.cmpi slt, %add3A_405, %lt3A_406 : i32
        %convert_element_type3A_408 = arith.extui %lt3A_407 : i1 to i32
        %cond3A_409 = arith.constant 0 : i32
        %cond3A_410 = arith.cmpi ne, %convert_element_type3A_408, %cond3A_409 : i32
        scf.if %cond3A_410 {
          %add3A_411 = arith.constant 3 : i32
          %add3A_412 = arith.addi %add3A_314, %add3A_411 : i32
          %dma_start3A_413 = arith.constant 0 : i32
          %dma_start3A_414 = tpu.memref_slice %arg3[%add3A, %add3A_412, %dma_start3A_413] : memref<32x125x80xi32, #tpu.memory_space<hbm>> -> memref<1x1x80xi32, #tpu.memory_space<hbm>>
          %dma_start3A_415 = tpu.memref_squeeze %dma_start3A_414 : memref<1x1x80xi32, #tpu.memory_space<hbm>> -> memref<80xi32, #tpu.memory_space<hbm>>
          %dma_start3A_416 = arith.constant 0 : i32
          %dma_start3A_417 = tpu.memref_slice %arg3[%add3A, %add3A_412, %dma_start3A_416] : memref<32x125x80xi32, #tpu.memory_space<hbm>> -> memref<1x1x80xi32, #tpu.memory_space<hbm>>
          %dma_start3A_418 = tpu.memref_squeeze %dma_start3A_417 : memref<1x1x80xi32, #tpu.memory_space<hbm>> -> memref<80xi32, #tpu.memory_space<hbm>>
          tpu.enqueue_dma source(%dma_start3A_418 : memref<80xi32, #tpu.memory_space<hbm>>) target(%arg11 : memref<80xi32, #tpu.memory_space<vmem>>) target_semaphore(%arg26 : memref<!tpu.dma_semaphore, #tpu.memory_space<semaphore_mem>>)
        } else {
        }
      } else {
      }
      %mul3A_320 = arith.constant 3 : i32
      %mul3A_321 = arith.muli %scan3A_282, %mul3A_320 : i32
      %add3A_322 = arith.constant 2 : i32
      %add3A_323 = arith.addi %mul3A_321, %add3A_322 : i32
      %add3A_324 = arith.constant 3 : i32
      %add3A_325 = arith.addi %add3A_323, %add3A_324 : i32
      %lt3A_326 = arith.constant 125 : i32
      %lt3A_327 = arith.cmpi slt, %add3A_325, %lt3A_326 : i32
      %convert_element_type3A_328 = arith.extui %lt3A_327 : i1 to i32
      %cond3A_329 = arith.constant 0 : i32
      %cond3A_330 = arith.cmpi ne, %convert_element_type3A_328, %cond3A_329 : i32
      scf.if %cond3A_330 {
        %dma_wait3A_331 = arith.constant 0 : i32
        %dma_wait3A_332 = arith.constant 0 : i32
        %dma_wait3A_333 = tpu.memref_slice %arg6[%dma_wait3A_331, %dma_wait3A_332] : memref<10240x128xf32, #tpu.memory_space<vmem_shared>> -> memref<10240x128xf32, #tpu.memory_space<vmem_shared>>
        tpu.wait_indirect_dma semaphore(%arg24 : memref<!tpu.dma_semaphore, #tpu.memory_space<semaphore_mem>>) src(%arg9 : memref<80x128xf32, #tpu.memory_space<vmem>>) dst(%dma_wait3A_333 : memref<10240x128xf32, #tpu.memory_space<vmem_shared>>)
        %dma_wait3A_334 = arith.constant 0 : i32
        %dma_wait3A_335 = arith.constant 0 : i32
        %dma_wait3A_336 = tpu.memref_slice %arg3[%add3A, %dma_wait3A_334, %dma_wait3A_335] : memref<32x125x80xi32, #tpu.memory_space<hbm>> -> memref<1x1x80xi32, #tpu.memory_space<hbm>>
        %dma_wait3A_337 = tpu.memref_squeeze %dma_wait3A_336 : memref<1x1x80xi32, #tpu.memory_space<hbm>> -> memref<80xi32, #tpu.memory_space<hbm>>
        %dma_wait3A_338 = arith.constant 0 : i32
        %dma_wait3A_339 = tpu.memref_slice %arg3[%add3A, %dma_wait3A_334, %dma_wait3A_338] : memref<32x125x80xi32, #tpu.memory_space<hbm>> -> memref<1x1x80xi32, #tpu.memory_space<hbm>>
        %dma_wait3A_340 = tpu.memref_squeeze %dma_wait3A_339 : memref<1x1x80xi32, #tpu.memory_space<hbm>> -> memref<80xi32, #tpu.memory_space<hbm>>
        tpu.wait_dma2 semaphore(%arg27 : memref<!tpu.dma_semaphore, #tpu.memory_space<semaphore_mem>>) src(%dma_wait3A_340 : memref<80xi32, #tpu.memory_space<hbm>>) dst(%arg12 : memref<80xi32, #tpu.memory_space<vmem>>)
        %get3A_341 = arith.constant 0 : index
        %get3A_342 = tpu.vector_load %arg12[%get3A_341] {strides = array<i32>} : memref<80xi32, #tpu.memory_space<vmem>>, vector<16xi32>,
        %and3A_343 = arith.constant 65535 : i32
        %and3A_344 = vector.broadcast %and3A_343 : i32 to vector<16xi32>
        %and3A_345 = arith.andi %get3A_342, %and3A_344 : vector<16xi32>
        %swap3A_346 = arith.constant 0 : index
        %swap3A_347 = tpu.vector_load %arg15[%swap3A_346] {strides = array<i32>} : memref<80xi32, #tpu.memory_space<vmem>>, vector<16xi32>,
        tpu.vector_store %arg15[%swap3A_346], %and3A_345 {strides = array<i32>} : memref<80xi32, #tpu.memory_space<vmem>>, vector<16xi32>,
        %shift_right_arithmetic3A_348 = arith.constant 16 : i32
        %shift_right_arithmetic3A_349 = vector.broadcast %shift_right_arithmetic3A_348 : i32 to vector<16xi32>
        %shift_right_arithmetic3A_350 = arith.shrsi %get3A_342, %shift_right_arithmetic3A_349 : vector<16xi32>
        %swap3A_351 = arith.constant 0 : index
        %swap3A_352 = tpu.vector_load %arg18[%swap3A_351] {strides = array<i32>} : memref<80xi32, #tpu.memory_space<vmem>>, vector<16xi32>,
        tpu.vector_store %arg18[%swap3A_351], %shift_right_arithmetic3A_350 {strides = array<i32>} : memref<80xi32, #tpu.memory_space<vmem>>, vector<16xi32>,
        %get3A_353 = arith.constant 16 : index
        %get3A_354 = tpu.vector_load %arg12[%get3A_353] {strides = array<i32>} : memref<80xi32, #tpu.memory_space<vmem>>, vector<16xi32>,
        %and3A_355 = arith.constant 65535 : i32
        %and3A_356 = vector.broadcast %and3A_355 : i32 to vector<16xi32>
        %and3A_357 = arith.andi %get3A_354, %and3A_356 : vector<16xi32>
        %swap3A_358 = arith.constant 16 : index
        %swap3A_359 = tpu.vector_load %arg15[%swap3A_358] {strides = array<i32>} : memref<80xi32, #tpu.memory_space<vmem>>, vector<16xi32>,
        tpu.vector_store %arg15[%swap3A_358], %and3A_357 {strides = array<i32>} : memref<80xi32, #tpu.memory_space<vmem>>, vector<16xi32>,
        %shift_right_arithmetic3A_360 = arith.constant 16 : i32
        %shift_right_arithmetic3A_361 = vector.broadcast %shift_right_arithmetic3A_360 : i32 to vector<16xi32>
        %shift_right_arithmetic3A_362 = arith.shrsi %get3A_354, %shift_right_arithmetic3A_361 : vector<16xi32>
        %swap3A_363 = arith.constant 16 : index
        %swap3A_364 = tpu.vector_load %arg18[%swap3A_363] {strides = array<i32>} : memref<80xi32, #tpu.memory_space<vmem>>, vector<16xi32>,
        tpu.vector_store %arg18[%swap3A_363], %shift_right_arithmetic3A_362 {strides = array<i32>} : memref<80xi32, #tpu.memory_space<vmem>>, vector<16xi32>,
        %get3A_365 = arith.constant 32 : index
        %get3A_366 = tpu.vector_load %arg12[%get3A_365] {strides = array<i32>} : memref<80xi32, #tpu.memory_space<vmem>>, vector<16xi32>,
        %and3A_367 = arith.constant 65535 : i32
        %and3A_368 = vector.broadcast %and3A_367 : i32 to vector<16xi32>
        %and3A_369 = arith.andi %get3A_366, %and3A_368 : vector<16xi32>
        %swap3A_370 = arith.constant 32 : index
        %swap3A_371 = tpu.vector_load %arg15[%swap3A_370] {strides = array<i32>} : memref<80xi32, #tpu.memory_space<vmem>>, vector<16xi32>,
        tpu.vector_store %arg15[%swap3A_370], %and3A_369 {strides = array<i32>} : memref<80xi32, #tpu.memory_space<vmem>>, vector<16xi32>,
        %shift_right_arithmetic3A_372 = arith.constant 16 : i32
        %shift_right_arithmetic3A_373 = vector.broadcast %shift_right_arithmetic3A_372 : i32 to vector<16xi32>
        %shift_right_arithmetic3A_374 = arith.shrsi %get3A_366, %shift_right_arithmetic3A_373 : vector<16xi32>
        %swap3A_375 = arith.constant 32 : index
        %swap3A_376 = tpu.vector_load %arg18[%swap3A_375] {strides = array<i32>} : memref<80xi32, #tpu.memory_space<vmem>>, vector<16xi32>,
        tpu.vector_store %arg18[%swap3A_375], %shift_right_arithmetic3A_374 {strides = array<i32>} : memref<80xi32, #tpu.memory_space<vmem>>, vector<16xi32>,
        %get3A_377 = arith.constant 48 : index
        %get3A_378 = tpu.vector_load %arg12[%get3A_377] {strides = array<i32>} : memref<80xi32, #tpu.memory_space<vmem>>, vector<16xi32>,
        %and3A_379 = arith.constant 65535 : i32
        %and3A_380 = vector.broadcast %and3A_379 : i32 to vector<16xi32>
        %and3A_381 = arith.andi %get3A_378, %and3A_380 : vector<16xi32>
        %swap3A_382 = arith.constant 48 : index
        %swap3A_383 = tpu.vector_load %arg15[%swap3A_382] {strides = array<i32>} : memref<80xi32, #tpu.memory_space<vmem>>, vector<16xi32>,
        tpu.vector_store %arg15[%swap3A_382], %and3A_381 {strides = array<i32>} : memref<80xi32, #tpu.memory_space<vmem>>, vector<16xi32>,
        %shift_right_arithmetic3A_384 = arith.constant 16 : i32
        %shift_right_arithmetic3A_385 = vector.broadcast %shift_right_arithmetic3A_384 : i32 to vector<16xi32>
        %shift_right_arithmetic3A_386 = arith.shrsi %get3A_378, %shift_right_arithmetic3A_385 : vector<16xi32>
        %swap3A_387 = arith.constant 48 : index
        %swap3A_388 = tpu.vector_load %arg18[%swap3A_387] {strides = array<i32>} : memref<80xi32, #tpu.memory_space<vmem>>, vector<16xi32>,
        tpu.vector_store %arg18[%swap3A_387], %shift_right_arithmetic3A_386 {strides = array<i32>} : memref<80xi32, #tpu.memory_space<vmem>>, vector<16xi32>,
        %get3A_389 = arith.constant 64 : index
        %get3A_390 = tpu.vector_load %arg12[%get3A_389] {strides = array<i32>} : memref<80xi32, #tpu.memory_space<vmem>>, vector<16xi32>,
        %and3A_391 = arith.constant 65535 : i32
        %and3A_392 = vector.broadcast %and3A_391 : i32 to vector<16xi32>
        %and3A_393 = arith.andi %get3A_390, %and3A_392 : vector<16xi32>
        %swap3A_394 = arith.constant 64 : index
        %swap3A_395 = tpu.vector_load %arg15[%swap3A_394] {strides = array<i32>} : memref<80xi32, #tpu.memory_space<vmem>>, vector<16xi32>,
        tpu.vector_store %arg15[%swap3A_394], %and3A_393 {strides = array<i32>} : memref<80xi32, #tpu.memory_space<vmem>>, vector<16xi32>,
        %shift_right_arithmetic3A_396 = arith.constant 16 : i32
        %shift_right_arithmetic3A_397 = vector.broadcast %shift_right_arithmetic3A_396 : i32 to vector<16xi32>
        %shift_right_arithmetic3A_398 = arith.shrsi %get3A_390, %shift_right_arithmetic3A_397 : vector<16xi32>
        %swap3A_399 = arith.constant 64 : index
        %swap3A_400 = tpu.vector_load %arg18[%swap3A_399] {strides = array<i32>} : memref<80xi32, #tpu.memory_space<vmem>>, vector<16xi32>,
        tpu.vector_store %arg18[%swap3A_399], %shift_right_arithmetic3A_398 {strides = array<i32>} : memref<80xi32, #tpu.memory_space<vmem>>, vector<16xi32>,
        %dma_start3A_401 = arith.constant 0 : i32
        %dma_start3A_402 = arith.constant 0 : i32
        %dma_start3A_403 = tpu.memref_slice %arg2[%dma_start3A_401, %dma_start3A_402] : memref<10000x128xf32, #tpu.memory_space<hbm>> -> memref<10000x128xf32, #tpu.memory_space<hbm>>
        tpu.enqueue_indirect_dma source(%dma_start3A_403 : memref<10000x128xf32, #tpu.memory_space<hbm>>) target(%arg9 : memref<80x128xf32, #tpu.memory_space<vmem>>) offsets(%arg15 : memref<80xi32, #tpu.memory_space<vmem>>) semaphore(%arg21 : memref<!tpu.dma_semaphore, #tpu.memory_space<semaphore_mem>>)
        %add3A_404 = arith.constant 3 : i32
        %add3A_405 = arith.addi %add3A_325, %add3A_404 : i32
        %lt3A_406 = arith.constant 125 : i32
        %lt3A_407 = arith.cmpi slt, %add3A_405, %lt3A_406 : i32
        %convert_element_type3A_408 = arith.extui %lt3A_407 : i1 to i32
        %cond3A_409 = arith.constant 0 : i32
        %cond3A_410 = arith.cmpi ne, %convert_element_type3A_408, %cond3A_409 : i32
        scf.if %cond3A_410 {
          %add3A_411 = arith.constant 3 : i32
          %add3A_412 = arith.addi %add3A_325, %add3A_411 : i32
          %dma_start3A_413 = arith.constant 0 : i32
          %dma_start3A_414 = tpu.memref_slice %arg3[%add3A, %add3A_412, %dma_start3A_413] : memref<32x125x80xi32, #tpu.memory_space<hbm>> -> memref<1x1x80xi32, #tpu.memory_space<hbm>>
          %dma_start3A_415 = tpu.memref_squeeze %dma_start3A_414 : memref<1x1x80xi32, #tpu.memory_space<hbm>> -> memref<80xi32, #tpu.memory_space<hbm>>
          %dma_start3A_416 = arith.constant 0 : i32
          %dma_start3A_417 = tpu.memref_slice %arg3[%add3A, %add3A_412, %dma_start3A_416] : memref<32x125x80xi32, #tpu.memory_space<hbm>> -> memref<1x1x80xi32, #tpu.memory_space<hbm>>
          %dma_start3A_418 = tpu.memref_squeeze %dma_start3A_417 : memref<1x1x80xi32, #tpu.memory_space<hbm>> -> memref<80xi32, #tpu.memory_space<hbm>>
          tpu.enqueue_dma source(%dma_start3A_418 : memref<80xi32, #tpu.memory_space<hbm>>) target(%arg12 : memref<80xi32, #tpu.memory_space<vmem>>) target_semaphore(%arg27 : memref<!tpu.dma_semaphore, #tpu.memory_space<semaphore_mem>>)
        } else {
        }
      } else {
      }
    }
    %scan3A_255 = arith.constant 41 : i32
    %dma_wait3A_256 = arith.constant 0 : i32
    %dma_wait3A_257 = arith.constant 0 : i32
    %dma_wait3A_258 = tpu.memref_slice %arg2[%dma_wait3A_256, %dma_wait3A_257] : memref<10000x128xf32, #tpu.memory_space<hbm>> -> memref<10000x128xf32, #tpu.memory_space<hbm>>
    tpu.wait_indirect_dma semaphore(%arg19 : memref<!tpu.dma_semaphore, #tpu.memory_space<semaphore_mem>>) src(%dma_wait3A_258 : memref<10000x128xf32, #tpu.memory_space<hbm>>) dst(%arg7 : memref<80x128xf32, #tpu.memory_space<vmem>>)
    %dma_start3A_259 = arith.constant 0 : i32
    %dma_start3A_260 = arith.constant 0 : i32
    %dma_start3A_261 = tpu.memref_slice %arg6[%dma_start3A_259, %dma_start3A_260] : memref<10240x128xf32, #tpu.memory_space<vmem_shared>> -> memref<10240x128xf32, #tpu.memory_space<vmem_shared>>
    tpu.enqueue_indirect_dma source(%arg7 : memref<80x128xf32, #tpu.memory_space<vmem>>) target(%dma_start3A_261 : memref<10240x128xf32, #tpu.memory_space<vmem_shared>>) offsets(%arg16 : memref<80xi32, #tpu.memory_space<vmem>>) semaphore(%arg22 : memref<!tpu.dma_semaphore, #tpu.memory_space<semaphore_mem>>) {add = true}
    %dma_wait3A_262 = arith.constant 0 : i32
    %dma_wait3A_263 = arith.constant 0 : i32
    %dma_wait3A_264 = tpu.memref_slice %arg2[%dma_wait3A_262, %dma_wait3A_263] : memref<10000x128xf32, #tpu.memory_space<hbm>> -> memref<10000x128xf32, #tpu.memory_space<hbm>>
    tpu.wait_indirect_dma semaphore(%arg20 : memref<!tpu.dma_semaphore, #tpu.memory_space<semaphore_mem>>) src(%dma_wait3A_264 : memref<10000x128xf32, #tpu.memory_space<hbm>>) dst(%arg8 : memref<80x128xf32, #tpu.memory_space<vmem>>)
    %dma_start3A_265 = arith.constant 0 : i32
    %dma_start3A_266 = arith.constant 0 : i32
    %dma_start3A_267 = tpu.memref_slice %arg6[%dma_start3A_265, %dma_start3A_266] : memref<10240x128xf32, #tpu.memory_space<vmem_shared>> -> memref<10240x128xf32, #tpu.memory_space<vmem_shared>>
    tpu.enqueue_indirect_dma source(%arg8 : memref<80x128xf32, #tpu.memory_space<vmem>>) target(%dma_start3A_267 : memref<10240x128xf32, #tpu.memory_space<vmem_shared>>) offsets(%arg17 : memref<80xi32, #tpu.memory_space<vmem>>) semaphore(%arg23 : memref<!tpu.dma_semaphore, #tpu.memory_space<semaphore_mem>>) {add = true}
    %dma_wait3A_268 = arith.constant 0 : i32
    %dma_wait3A_269 = arith.constant 0 : i32
    %dma_wait3A_270 = tpu.memref_slice %arg6[%dma_wait3A_268, %dma_wait3A_269] : memref<10240x128xf32, #tpu.memory_space<vmem_shared>> -> memref<10240x128xf32, #tpu.memory_space<vmem_shared>>
    tpu.wait_indirect_dma semaphore(%arg22 : memref<!tpu.dma_semaphore, #tpu.memory_space<semaphore_mem>>) src(%arg7 : memref<80x128xf32, #tpu.memory_space<vmem>>) dst(%dma_wait3A_270 : memref<10240x128xf32, #tpu.memory_space<vmem_shared>>)
    %dma_wait3A_271 = arith.constant 0 : i32
    %dma_wait3A_272 = arith.constant 0 : i32
    %dma_wait3A_273 = tpu.memref_slice %arg6[%dma_wait3A_271, %dma_wait3A_272] : memref<10240x128xf32, #tpu.memory_space<vmem_shared>> -> memref<10240x128xf32, #tpu.memory_space<vmem_shared>>
    tpu.wait_indirect_dma semaphore(%arg23 : memref<!tpu.dma_semaphore, #tpu.memory_space<semaphore_mem>>) src(%arg8 : memref<80x128xf32, #tpu.memory_space<vmem>>) dst(%dma_wait3A_273 : memref<10240x128xf32, #tpu.memory_space<vmem_shared>>)
    %dma_wait3A_274 = arith.constant 0 : i32
    %dma_wait3A_275 = arith.constant 0 : i32
    %dma_wait3A_276 = tpu.memref_slice %arg6[%dma_wait3A_274, %dma_wait3A_275] : memref<10240x128xf32, #tpu.memory_space<vmem_shared>> -> memref<10240x128xf32, #tpu.memory_space<vmem_shared>>
    tpu.wait_indirect_dma semaphore(%arg24 : memref<!tpu.dma_semaphore, #tpu.memory_space<semaphore_mem>>) src(%arg9 : memref<80x128xf32, #tpu.memory_space<vmem>>) dst(%dma_wait3A_276 : memref<10240x128xf32, #tpu.memory_space<vmem_shared>>)
    %barrier3A_277 = arith.constant 0 : index
    tpu.barrier barrier_id(%barrier3A_277)
    %mul3A_278 = arith.constant 640 : i32
    %mul3A_279 = arith.muli %arg1, %mul3A_278 : i32
    %mul3A_280 = arith.constant 640 : i32
    %mul3A_281 = arith.muli %arg1, %mul3A_280 : i32
    "tpu.region"() ({
      %run_scoped3A = tpu.sem_alloc : memref<!tpu.dma_semaphore, #tpu.memory_space<semaphore_mem>>
      %dma_start3A_282 = arith.constant 0 : i32
      %dma_start3A_283 = tpu.memref_slice %arg5[%arg0, %mul3A_281, %dma_start3A_282] : memref<2x10240x128xf32, #tpu.memory_space<hbm>> -> memref<1x640x128xf32, #tpu.memory_space<hbm>>
      %dma_start3A_284 = tpu.memref_squeeze %dma_start3A_283 : memref<1x640x128xf32, #tpu.memory_space<hbm>> -> memref<640x128xf32, #tpu.memory_space<hbm>>
      %dma_start3A_285 = arith.constant 0 : i32
      %dma_start3A_286 = tpu.memref_slice %arg6[%mul3A_279, %dma_start3A_285] : memref<10240x128xf32, #tpu.memory_space<vmem_shared>> -> memref<640x128xf32, #tpu.memory_space<vmem_shared>>
      tpu.enqueue_dma source(%dma_start3A_286 : memref<640x128xf32, #tpu.memory_space<vmem_shared>>) target(%dma_start3A_284 : memref<640x128xf32, #tpu.memory_space<hbm>>) target_semaphore(%run_scoped3A : memref<!tpu.dma_semaphore, #tpu.memory_space<semaphore_mem>>)
      %dma_wait3A_287 = arith.constant 0 : i32
      %dma_wait3A_288 = tpu.memref_slice %arg5[%arg0, %mul3A_281, %dma_wait3A_287] : memref<2x10240x128xf32, #tpu.memory_space<hbm>> -> memref<1x640x128xf32, #tpu.memory_space<hbm>>
      %dma_wait3A_289 = tpu.memref_squeeze %dma_wait3A_288 : memref<1x640x128xf32, #tpu.memory_space<hbm>> -> memref<640x128xf32, #tpu.memory_space<hbm>>
      %dma_wait3A_290 = arith.constant 0 : i32
      %dma_wait3A_291 = tpu.memref_slice %arg6[%mul3A_279, %dma_wait3A_290] : memref<10240x128xf32, #tpu.memory_space<vmem_shared>> -> memref<640x128xf32, #tpu.memory_space<vmem_shared>>
      tpu.wait_dma2 semaphore(%run_scoped3A : memref<!tpu.dma_semaphore, #tpu.memory_space<semaphore_mem>>) src(%dma_wait3A_291 : memref<640x128xf32, #tpu.memory_space<vmem_shared>>) dst(%dma_wait3A_289 : memref<640x128xf32, #tpu.memory_space<hbm>>)
      tpu.yield
    }) : () -> ()
    return
  }
}

module attributes {stable_mosaic.version = 14 : i64} {
  func.func @_tc0_body(%arg0: i32, %arg1: memref<1000x128xf32, #tpu.memory_space<vmem>>, %arg2: memref<128x128xf32, #tpu.memory_space<vmem>>, %arg3: memref<1000x1xf32, #tpu.memory_space<vmem>>, %arg4: memref<1000x1xf32, #tpu.memory_space<vmem>>, %arg5: memref<64x256xf32, #tpu.memory_space<vmem>>, %arg6: memref<256x64xf32, #tpu.memory_space<vmem>>, %arg7: memref<1x64xf32, #tpu.memory_space<vmem>>, %arg8: memref<1000x128xf32, #tpu.memory_space<vmem>>, %arg9: memref<1000x1xf32, #tpu.memory_space<vmem>>, %arg10: memref<64x64xf32, #tpu.memory_space<vmem>>) attributes {dimension_semantics = [#tpu.dimension_semantics<arbitrary>], iteration_bounds = array<i64: 10>, scalar_prefetch = 0 : i64, scratch_operands = 0 : i64, tpu.core_type = #tpu.core_type<tc>, window_params = [{transform_indices = @transform_0, window_bounds = array<i64: 1000, 128>}, {pipeline_mode = #tpu.pipeline_mode<synchronous>, transform_indices = @transform_1, window_bounds = array<i64: 128, 128>}, {transform_indices = @transform_2, window_bounds = array<i64: 1000, 1>}, {transform_indices = @transform_3, window_bounds = array<i64: 1000, 1>}, {pipeline_mode = #tpu.pipeline_mode<synchronous>, transform_indices = @transform_4, window_bounds = array<i64: 64, 256>}, {pipeline_mode = #tpu.pipeline_mode<synchronous>, transform_indices = @transform_5, window_bounds = array<i64: 256, 64>}, {pipeline_mode = #tpu.pipeline_mode<synchronous>, transform_indices = @transform_6, window_bounds = array<i64: 1, 64>}, {transform_indices = @transform_7, window_bounds = array<i64: 1000, 128>}, {transform_indices = @transform_8, window_bounds = array<i64: 1000, 1>}, {pipeline_mode = #tpu.pipeline_mode<synchronous>, transform_indices = @transform_9, window_bounds = array<i64: 64, 64>}]} {
    %get3A = arith.constant 0 : index
    %get3A_0 = arith.constant 0 : index
    %get3A_1 = vector.load %arg3[%get3A, %get3A_0] : memref<1000x1xf32, #tpu.memory_space<vmem>>, vector<1000x1xf32>
    %get3A_2 = arith.constant 0 : index
    %get3A_3 = arith.constant 0 : index
    %get3A_4 = vector.load %arg4[%get3A_2, %get3A_3] : memref<1000x1xf32, #tpu.memory_space<vmem>>, vector<1000x1xf32>
    %add3A = arith.addf %get3A_1, %get3A_4 : vector<1000x1xf32>
    %add3A_5 = arith.constant 1.000000e+00 : f32
    %add3A_6 = vector.broadcast %add3A_5 : f32 to vector<1000x1xf32>
    %add3A_7 = arith.addf %add3A, %add3A_6 : vector<1000x1xf32>
    %rsqrt3A = math.rsqrt %add3A_7 : vector<1000x1xf32>
    %swap3A = arith.constant 0 : index
    %swap3A_8 = arith.constant 0 : index
    %swap3A_9 = vector.load %arg9[%swap3A, %swap3A_8] : memref<1000x1xf32, #tpu.memory_space<vmem>>, vector<1000x1xf32>
    tpu.vector_store %arg9[%swap3A, %swap3A_8], %rsqrt3A {strides = array<i32>} : memref<1000x1xf32, #tpu.memory_space<vmem>>, vector<1000x1xf32>,
    %get3A_10 = arith.constant 0 : index
    %get3A_11 = arith.constant 0 : index
    %get3A_12 = vector.load %arg1[%get3A_10, %get3A_11] : memref<1000x128xf32, #tpu.memory_space<vmem>>, vector<1000x128xf32>
    %get3A_13 = arith.constant 0 : index
    %get3A_14 = arith.constant 0 : index
    %get3A_15 = vector.load %arg2[%get3A_13, %get3A_14] : memref<128x128xf32, #tpu.memory_space<vmem>>, vector<128x128xf32>
    %dot_general3A = arith.constant dense<0.000000e+00> : vector<1000x128xf32>
    %dot_general3A_16 = tpu.matmul %get3A_12, %get3A_15, %dot_general3A {dimension_numbers = #tpu.dot_dimension_numbers<[1], [0], [0], [1], [0, 0, 1, 1], [], []>, transpose_lhs_hint = false} : vector<1000x128xf32>, vector<128x128xf32>, vector<1000x128xf32> -> vector<1000x128xf32>
    %mul3A = vector.broadcast %rsqrt3A : vector<1000x1xf32> to vector<1000x128xf32>
    %mul3A_17 = arith.mulf %mul3A, %dot_general3A_16 : vector<1000x128xf32>
    %swap3A_18 = arith.constant 0 : index
    %swap3A_19 = arith.constant 0 : index
    %swap3A_20 = vector.load %arg8[%swap3A_18, %swap3A_19] : memref<1000x128xf32, #tpu.memory_space<vmem>>, vector<1000x128xf32>
    tpu.vector_store %arg8[%swap3A_18, %swap3A_19], %mul3A_17 {strides = array<i32>} : memref<1000x128xf32, #tpu.memory_space<vmem>>, vector<1000x128xf32>,
    %eq3A = arith.constant 0 : i32
    %eq3A_21 = arith.cmpi eq, %arg0, %eq3A : i32
    %convert_element_type3A = arith.extui %eq3A_21 : i1 to i32
    %cond3A = arith.constant 0 : i32
    %cond3A_22 = arith.cmpi ne, %convert_element_type3A, %cond3A : i32
    scf.if %cond3A_22 {
      %get3A_23 = arith.constant 0 : index
      %get3A_24 = arith.constant 0 : index
      %get3A_25 = vector.load %arg5[%get3A_23, %get3A_24] : memref<64x256xf32, #tpu.memory_space<vmem>>, vector<64x256xf32>
      %get3A_26 = arith.constant 0 : index
      %get3A_27 = arith.constant 0 : index
      %get3A_28 = vector.load %arg6[%get3A_26, %get3A_27] : memref<256x64xf32, #tpu.memory_space<vmem>>, vector<256x64xf32>
      %dot_general3A_29 = arith.constant dense<0.000000e+00> : vector<64x64xf32>
      %dot_general3A_30 = tpu.matmul %get3A_25, %get3A_28, %dot_general3A_29 {dimension_numbers = #tpu.dot_dimension_numbers<[1], [0], [0], [1], [0, 0, 1, 1], [], []>, transpose_lhs_hint = false} : vector<64x256xf32>, vector<256x64xf32>, vector<64x64xf32> -> vector<64x64xf32>
      %get3A_31 = arith.constant 0 : index
      %get3A_32 = arith.constant 0 : index
      %get3A_33 = vector.load %arg7[%get3A_31, %get3A_32] : memref<1x64xf32, #tpu.memory_space<vmem>>, vector<1x64xf32>
      %add3A_34 = vector.broadcast %get3A_33 : vector<1x64xf32> to vector<64x64xf32>
      %add3A_35 = arith.addf %dot_general3A_30, %add3A_34 : vector<64x64xf32>
      %gt3A = arith.constant 0.000000e+00 : f32
      %gt3A_36 = vector.broadcast %gt3A : f32 to vector<64x64xf32>
      %gt3A_37 = arith.cmpf ogt, %add3A_35, %gt3A_36 : vector<64x64xf32>
      %gt3A_38 = arith.constant 0.000000e+00 : f32
      %gt3A_39 = vector.broadcast %gt3A_38 : f32 to vector<64x64xf32>
      %gt3A_40 = arith.cmpf ogt, %add3A_35, %gt3A_39 : vector<64x64xf32>
      %jit3A = arith.constant 0.000000e+00 : f32
      %broadcast_in_dim3A = vector.broadcast %jit3A : f32 to vector<64x64xf32>
      %select_n3A = arith.select %gt3A_40, %broadcast_in_dim3A, %add3A_35 : vector<64x64xi1>, vector<64x64xf32>
      %exp3A = math.exp %select_n3A : vector<64x64xf32>
      %sub3A = arith.constant 1.000000e+00 : f32
      %sub3A_41 = vector.broadcast %sub3A : f32 to vector<64x64xf32>
      %sub3A_42 = arith.subf %exp3A, %sub3A_41 : vector<64x64xf32>
      %select_n3A_43 = arith.select %gt3A_37, %add3A_35, %sub3A_42 : vector<64x64xi1>, vector<64x64xf32>
      %swap3A_44 = arith.constant 0 : index
      %swap3A_45 = arith.constant 0 : index
      %swap3A_46 = vector.load %arg10[%swap3A_44, %swap3A_45] : memref<64x64xf32, #tpu.memory_space<vmem>>, vector<64x64xf32>
      tpu.vector_store %arg10[%swap3A_44, %swap3A_45], %select_n3A_43 {strides = array<i32>} : memref<64x64xf32, #tpu.memory_space<vmem>>, vector<64x64xf32>,
    } else {
    }
    return
  }
  func.func @transform_0(%arg0: i32) -> (i32, i32) {
    %c0_i32 = arith.constant 0 : i32
    %c0_i32_0 = arith.constant 0 : i32
    return %arg0, %c0_i32 : i32, i32
  }
  func.func @transform_1(%arg0: i32) -> (i32, i32) {
    %c0_i32 = arith.constant 0 : i32
    %c0_i32_0 = arith.constant 0 : i32
    %c0_i32_1 = arith.constant 0 : i32
    return %c0_i32, %c0_i32_0 : i32, i32
  }
  func.func @transform_2(%arg0: i32) -> (i32, i32) {
    %c0_i32 = arith.constant 0 : i32
    %c0_i32_0 = arith.constant 0 : i32
    return %arg0, %c0_i32 : i32, i32
  }
  func.func @transform_3(%arg0: i32) -> (i32, i32) {
    %c0_i32 = arith.constant 0 : i32
    %c0_i32_0 = arith.constant 0 : i32
    return %arg0, %c0_i32 : i32, i32
  }
  func.func @transform_4(%arg0: i32) -> (i32, i32) {
    %c0_i32 = arith.constant 0 : i32
    %c0_i32_0 = arith.constant 0 : i32
    %c0_i32_1 = arith.constant 0 : i32
    return %c0_i32, %c0_i32_0 : i32, i32
  }
  func.func @transform_5(%arg0: i32) -> (i32, i32) {
    %c0_i32 = arith.constant 0 : i32
    %c0_i32_0 = arith.constant 0 : i32
    %c0_i32_1 = arith.constant 0 : i32
    return %c0_i32, %c0_i32_0 : i32, i32
  }
  func.func @transform_6(%arg0: i32) -> (i32, i32) {
    %c0_i32 = arith.constant 0 : i32
    %c0_i32_0 = arith.constant 0 : i32
    %c0_i32_1 = arith.constant 0 : i32
    return %c0_i32, %c0_i32_0 : i32, i32
  }
  func.func @transform_7(%arg0: i32) -> (i32, i32) {
    %c0_i32 = arith.constant 0 : i32
    %c0_i32_0 = arith.constant 0 : i32
    return %arg0, %c0_i32 : i32, i32
  }
  func.func @transform_8(%arg0: i32) -> (i32, i32) {
    %c0_i32 = arith.constant 0 : i32
    %c0_i32_0 = arith.constant 0 : i32
    return %arg0, %c0_i32 : i32, i32
  }
  func.func @transform_9(%arg0: i32) -> (i32, i32) {
    %c0_i32 = arith.constant 0 : i32
    %c0_i32_0 = arith.constant 0 : i32
    %c0_i32_1 = arith.constant 0 : i32
    return %c0_i32, %c0_i32_0 : i32, i32
  }
}

module attributes {stable_mosaic.version = 14 : i64} {
  func.func @_tc_mid_body(%arg0: i32, %arg1: memref<2x1000x128xf32, #tpu.memory_space<vmem>>, %arg2: memref<1000x128xf32, #tpu.memory_space<vmem>>, %arg3: memref<1000x1xf32, #tpu.memory_space<vmem>>, %arg4: memref<1x128xf32, #tpu.memory_space<vmem>>, %arg5: memref<128x128xf32, #tpu.memory_space<vmem>>, %arg6: memref<1000x128xf32, #tpu.memory_space<vmem>>) attributes {dimension_semantics = [#tpu.dimension_semantics<arbitrary>], iteration_bounds = array<i64: 10>, scalar_prefetch = 0 : i64, scratch_operands = 0 : i64, tpu.core_type = #tpu.core_type<tc>, window_params = [{transform_indices = @transform_0, window_bounds = array<i64: 2, 1000, 128>}, {transform_indices = @transform_1, window_bounds = array<i64: 1000, 128>}, {transform_indices = @transform_2, window_bounds = array<i64: 1000, 1>}, {pipeline_mode = #tpu.pipeline_mode<synchronous>, transform_indices = @transform_3, window_bounds = array<i64: 1, 128>}, {pipeline_mode = #tpu.pipeline_mode<synchronous>, transform_indices = @transform_4, window_bounds = array<i64: 128, 128>}, {transform_indices = @transform_5, window_bounds = array<i64: 1000, 128>}]} {
    %get3A = arith.constant 0 : index
    %get3A_0 = arith.constant 0 : index
    %get3A_1 = vector.load %arg3[%get3A, %get3A_0] : memref<1000x1xf32, #tpu.memory_space<vmem>>, vector<1000x1xf32>
    %get3A_2 = arith.constant 0 : index
    %get3A_3 = arith.constant 0 : index
    %get3A_4 = arith.constant 0 : index
    %get3A_5 = vector.load %arg1[%get3A_2, %get3A_3, %get3A_4] : memref<2x1000x128xf32, #tpu.memory_space<vmem>>, vector<1x1000x128xf32>
    %get3A_6 = vector.shape_cast %get3A_5 : vector<1x1000x128xf32> to vector<1000x128xf32>
    %get3A_7 = arith.constant 1 : index
    %get3A_8 = arith.constant 0 : index
    %get3A_9 = arith.constant 0 : index
    %get3A_10 = vector.load %arg1[%get3A_7, %get3A_8, %get3A_9] : memref<2x1000x128xf32, #tpu.memory_space<vmem>>, vector<1x1000x128xf32>
    %get3A_11 = vector.shape_cast %get3A_10 : vector<1x1000x128xf32> to vector<1000x128xf32>
    %add3A = arith.addf %get3A_6, %get3A_11 : vector<1000x128xf32>
    %get3A_12 = arith.constant 0 : index
    %get3A_13 = arith.constant 0 : index
    %get3A_14 = vector.load %arg2[%get3A_12, %get3A_13] : memref<1000x128xf32, #tpu.memory_space<vmem>>, vector<1000x128xf32>
    %add3A_15 = arith.addf %add3A, %get3A_14 : vector<1000x128xf32>
    %mul3A = vector.broadcast %get3A_1 : vector<1000x1xf32> to vector<1000x128xf32>
    %mul3A_16 = arith.mulf %mul3A, %add3A_15 : vector<1000x128xf32>
    %get3A_17 = arith.constant 0 : index
    %get3A_18 = arith.constant 0 : index
    %get3A_19 = vector.load %arg4[%get3A_17, %get3A_18] : memref<1x128xf32, #tpu.memory_space<vmem>>, vector<1x128xf32>
    %add3A_20 = vector.broadcast %get3A_19 : vector<1x128xf32> to vector<1000x128xf32>
    %add3A_21 = arith.addf %mul3A_16, %add3A_20 : vector<1000x128xf32>
    %gt3A = arith.constant 0.000000e+00 : f32
    %gt3A_22 = vector.broadcast %gt3A : f32 to vector<1000x128xf32>
    %gt3A_23 = arith.cmpf ogt, %add3A_21, %gt3A_22 : vector<1000x128xf32>
    %gt3A_24 = arith.constant 0.000000e+00 : f32
    %gt3A_25 = vector.broadcast %gt3A_24 : f32 to vector<1000x128xf32>
    %gt3A_26 = arith.cmpf ogt, %add3A_21, %gt3A_25 : vector<1000x128xf32>
    %jit3A = arith.constant 0.000000e+00 : f32
    %broadcast_in_dim3A = vector.broadcast %jit3A : f32 to vector<1000x128xf32>
    %select_n3A = arith.select %gt3A_26, %broadcast_in_dim3A, %add3A_21 : vector<1000x128xi1>, vector<1000x128xf32>
    %exp3A = math.exp %select_n3A : vector<1000x128xf32>
    %sub3A = arith.constant 1.000000e+00 : f32
    %sub3A_27 = vector.broadcast %sub3A : f32 to vector<1000x128xf32>
    %sub3A_28 = arith.subf %exp3A, %sub3A_27 : vector<1000x128xf32>
    %select_n3A_29 = arith.select %gt3A_23, %add3A_21, %sub3A_28 : vector<1000x128xi1>, vector<1000x128xf32>
    %get3A_30 = arith.constant 0 : index
    %get3A_31 = arith.constant 0 : index
    %get3A_32 = vector.load %arg5[%get3A_30, %get3A_31] : memref<128x128xf32, #tpu.memory_space<vmem>>, vector<128x128xf32>
    %dot_general3A = arith.constant dense<0.000000e+00> : vector<1000x128xf32>
    %dot_general3A_33 = tpu.matmul %select_n3A_29, %get3A_32, %dot_general3A {dimension_numbers = #tpu.dot_dimension_numbers<[1], [0], [0], [1], [0, 0, 1, 1], [], []>, transpose_lhs_hint = false} : vector<1000x128xf32>, vector<128x128xf32>, vector<1000x128xf32> -> vector<1000x128xf32>
    %mul3A_34 = vector.broadcast %get3A_1 : vector<1000x1xf32> to vector<1000x128xf32>
    %mul3A_35 = arith.mulf %mul3A_34, %dot_general3A_33 : vector<1000x128xf32>
    %swap3A = arith.constant 0 : index
    %swap3A_36 = arith.constant 0 : index
    %swap3A_37 = vector.load %arg6[%swap3A, %swap3A_36] : memref<1000x128xf32, #tpu.memory_space<vmem>>, vector<1000x128xf32>
    tpu.vector_store %arg6[%swap3A, %swap3A_36], %mul3A_35 {strides = array<i32>} : memref<1000x128xf32, #tpu.memory_space<vmem>>, vector<1000x128xf32>,
    return
  }
  func.func @transform_0(%arg0: i32) -> (i32, i32, i32) {
    %c0_i32 = arith.constant 0 : i32
    %c0_i32_0 = arith.constant 0 : i32
    %c0_i32_1 = arith.constant 0 : i32
    return %c0_i32, %arg0, %c0_i32_0 : i32, i32, i32
  }
  func.func @transform_1(%arg0: i32) -> (i32, i32) {
    %c0_i32 = arith.constant 0 : i32
    %c0_i32_0 = arith.constant 0 : i32
    return %arg0, %c0_i32 : i32, i32
  }
  func.func @transform_2(%arg0: i32) -> (i32, i32) {
    %c0_i32 = arith.constant 0 : i32
    %c0_i32_0 = arith.constant 0 : i32
    return %arg0, %c0_i32 : i32, i32
  }
  func.func @transform_3(%arg0: i32) -> (i32, i32) {
    %c0_i32 = arith.constant 0 : i32
    %c0_i32_0 = arith.constant 0 : i32
    %c0_i32_1 = arith.constant 0 : i32
    return %c0_i32, %c0_i32_0 : i32, i32
  }
  func.func @transform_4(%arg0: i32) -> (i32, i32) {
    %c0_i32 = arith.constant 0 : i32
    %c0_i32_0 = arith.constant 0 : i32
    %c0_i32_1 = arith.constant 0 : i32
    return %c0_i32, %c0_i32_0 : i32, i32
  }
  func.func @transform_5(%arg0: i32) -> (i32, i32) {
    %c0_i32 = arith.constant 0 : i32
    %c0_i32_0 = arith.constant 0 : i32
    return %arg0, %c0_i32 : i32, i32
  }
}

module attributes {stable_mosaic.version = 14 : i64} {
  func.func @_tc_mid_body(%arg0: i32, %arg1: memref<2x1000x128xf32, #tpu.memory_space<vmem>>, %arg2: memref<1000x128xf32, #tpu.memory_space<vmem>>, %arg3: memref<1000x1xf32, #tpu.memory_space<vmem>>, %arg4: memref<1x128xf32, #tpu.memory_space<vmem>>, %arg5: memref<128x128xf32, #tpu.memory_space<vmem>>, %arg6: memref<1000x128xf32, #tpu.memory_space<vmem>>, %arg7: memref<1000x128xf32, #tpu.memory_space<vmem>>) attributes {dimension_semantics = [#tpu.dimension_semantics<arbitrary>], iteration_bounds = array<i64: 10>, scalar_prefetch = 0 : i64, scratch_operands = 0 : i64, tpu.core_type = #tpu.core_type<tc>, window_params = [{transform_indices = @transform_0, window_bounds = array<i64: 2, 1000, 128>}, {transform_indices = @transform_1, window_bounds = array<i64: 1000, 128>}, {transform_indices = @transform_2, window_bounds = array<i64: 1000, 1>}, {pipeline_mode = #tpu.pipeline_mode<synchronous>, transform_indices = @transform_3, window_bounds = array<i64: 1, 128>}, {pipeline_mode = #tpu.pipeline_mode<synchronous>, transform_indices = @transform_4, window_bounds = array<i64: 128, 128>}, {transform_indices = @transform_5, window_bounds = array<i64: 1000, 128>}, {transform_indices = @transform_6, window_bounds = array<i64: 1000, 128>}]} {
    %get3A = arith.constant 0 : index
    %get3A_0 = arith.constant 0 : index
    %get3A_1 = vector.load %arg3[%get3A, %get3A_0] : memref<1000x1xf32, #tpu.memory_space<vmem>>, vector<1000x1xf32>
    %get3A_2 = arith.constant 0 : index
    %get3A_3 = arith.constant 0 : index
    %get3A_4 = arith.constant 0 : index
    %get3A_5 = vector.load %arg1[%get3A_2, %get3A_3, %get3A_4] : memref<2x1000x128xf32, #tpu.memory_space<vmem>>, vector<1x1000x128xf32>
    %get3A_6 = vector.shape_cast %get3A_5 : vector<1x1000x128xf32> to vector<1000x128xf32>
    %get3A_7 = arith.constant 1 : index
    %get3A_8 = arith.constant 0 : index
    %get3A_9 = arith.constant 0 : index
    %get3A_10 = vector.load %arg1[%get3A_7, %get3A_8, %get3A_9] : memref<2x1000x128xf32, #tpu.memory_space<vmem>>, vector<1x1000x128xf32>
    %get3A_11 = vector.shape_cast %get3A_10 : vector<1x1000x128xf32> to vector<1000x128xf32>
    %add3A = arith.addf %get3A_6, %get3A_11 : vector<1000x128xf32>
    %get3A_12 = arith.constant 0 : index
    %get3A_13 = arith.constant 0 : index
    %get3A_14 = vector.load %arg2[%get3A_12, %get3A_13] : memref<1000x128xf32, #tpu.memory_space<vmem>>, vector<1000x128xf32>
    %add3A_15 = arith.addf %add3A, %get3A_14 : vector<1000x128xf32>
    %mul3A = vector.broadcast %get3A_1 : vector<1000x1xf32> to vector<1000x128xf32>
    %mul3A_16 = arith.mulf %mul3A, %add3A_15 : vector<1000x128xf32>
    %get3A_17 = arith.constant 0 : index
    %get3A_18 = arith.constant 0 : index
    %get3A_19 = vector.load %arg4[%get3A_17, %get3A_18] : memref<1x128xf32, #tpu.memory_space<vmem>>, vector<1x128xf32>
    %add3A_20 = vector.broadcast %get3A_19 : vector<1x128xf32> to vector<1000x128xf32>
    %add3A_21 = arith.addf %mul3A_16, %add3A_20 : vector<1000x128xf32>
    %gt3A = arith.constant 0.000000e+00 : f32
    %gt3A_22 = vector.broadcast %gt3A : f32 to vector<1000x128xf32>
    %gt3A_23 = arith.cmpf ogt, %add3A_21, %gt3A_22 : vector<1000x128xf32>
    %gt3A_24 = arith.constant 0.000000e+00 : f32
    %gt3A_25 = vector.broadcast %gt3A_24 : f32 to vector<1000x128xf32>
    %gt3A_26 = arith.cmpf ogt, %add3A_21, %gt3A_25 : vector<1000x128xf32>
    %jit3A = arith.constant 0.000000e+00 : f32
    %broadcast_in_dim3A = vector.broadcast %jit3A : f32 to vector<1000x128xf32>
    %select_n3A = arith.select %gt3A_26, %broadcast_in_dim3A, %add3A_21 : vector<1000x128xi1>, vector<1000x128xf32>
    %exp3A = math.exp %select_n3A : vector<1000x128xf32>
    %sub3A = arith.constant 1.000000e+00 : f32
    %sub3A_27 = vector.broadcast %sub3A : f32 to vector<1000x128xf32>
    %sub3A_28 = arith.subf %exp3A, %sub3A_27 : vector<1000x128xf32>
    %select_n3A_29 = arith.select %gt3A_23, %add3A_21, %sub3A_28 : vector<1000x128xi1>, vector<1000x128xf32>
    %swap3A = arith.constant 0 : index
    %swap3A_30 = arith.constant 0 : index
    %swap3A_31 = vector.load %arg7[%swap3A, %swap3A_30] : memref<1000x128xf32, #tpu.memory_space<vmem>>, vector<1000x128xf32>
    tpu.vector_store %arg7[%swap3A, %swap3A_30], %select_n3A_29 {strides = array<i32>} : memref<1000x128xf32, #tpu.memory_space<vmem>>, vector<1000x128xf32>,
    %get3A_32 = arith.constant 0 : index
    %get3A_33 = arith.constant 0 : index
    %get3A_34 = vector.load %arg5[%get3A_32, %get3A_33] : memref<128x128xf32, #tpu.memory_space<vmem>>, vector<128x128xf32>
    %dot_general3A = arith.constant dense<0.000000e+00> : vector<1000x128xf32>
    %dot_general3A_35 = tpu.matmul %select_n3A_29, %get3A_34, %dot_general3A {dimension_numbers = #tpu.dot_dimension_numbers<[1], [0], [0], [1], [0, 0, 1, 1], [], []>, transpose_lhs_hint = false} : vector<1000x128xf32>, vector<128x128xf32>, vector<1000x128xf32> -> vector<1000x128xf32>
    %mul3A_36 = vector.broadcast %get3A_1 : vector<1000x1xf32> to vector<1000x128xf32>
    %mul3A_37 = arith.mulf %mul3A_36, %dot_general3A_35 : vector<1000x128xf32>
    %swap3A_38 = arith.constant 0 : index
    %swap3A_39 = arith.constant 0 : index
    %swap3A_40 = vector.load %arg6[%swap3A_38, %swap3A_39] : memref<1000x128xf32, #tpu.memory_space<vmem>>, vector<1000x128xf32>
    tpu.vector_store %arg6[%swap3A_38, %swap3A_39], %mul3A_37 {strides = array<i32>} : memref<1000x128xf32, #tpu.memory_space<vmem>>, vector<1000x128xf32>,
    return
  }
  func.func @transform_0(%arg0: i32) -> (i32, i32, i32) {
    %c0_i32 = arith.constant 0 : i32
    %c0_i32_0 = arith.constant 0 : i32
    %c0_i32_1 = arith.constant 0 : i32
    return %c0_i32, %arg0, %c0_i32_0 : i32, i32, i32
  }
  func.func @transform_1(%arg0: i32) -> (i32, i32) {
    %c0_i32 = arith.constant 0 : i32
    %c0_i32_0 = arith.constant 0 : i32
    return %arg0, %c0_i32 : i32, i32
  }
  func.func @transform_2(%arg0: i32) -> (i32, i32) {
    %c0_i32 = arith.constant 0 : i32
    %c0_i32_0 = arith.constant 0 : i32
    return %arg0, %c0_i32 : i32, i32
  }
  func.func @transform_3(%arg0: i32) -> (i32, i32) {
    %c0_i32 = arith.constant 0 : i32
    %c0_i32_0 = arith.constant 0 : i32
    %c0_i32_1 = arith.constant 0 : i32
    return %c0_i32, %c0_i32_0 : i32, i32
  }
  func.func @transform_4(%arg0: i32) -> (i32, i32) {
    %c0_i32 = arith.constant 0 : i32
    %c0_i32_0 = arith.constant 0 : i32
    %c0_i32_1 = arith.constant 0 : i32
    return %c0_i32, %c0_i32_0 : i32, i32
  }
  func.func @transform_5(%arg0: i32) -> (i32, i32) {
    %c0_i32 = arith.constant 0 : i32
    %c0_i32_0 = arith.constant 0 : i32
    return %arg0, %c0_i32 : i32, i32
  }
  func.func @transform_6(%arg0: i32) -> (i32, i32) {
    %c0_i32 = arith.constant 0 : i32
    %c0_i32_0 = arith.constant 0 : i32
    return %arg0, %c0_i32 : i32, i32
  }
}

module attributes {stable_mosaic.version = 14 : i64} {
  func.func @_tc_final_body(%arg0: i32, %arg1: memref<2x1000x128xf32, #tpu.memory_space<vmem>>, %arg2: memref<1000x128xf32, #tpu.memory_space<vmem>>, %arg3: memref<1000x1xf32, #tpu.memory_space<vmem>>, %arg4: memref<1x128xf32, #tpu.memory_space<vmem>>, %arg5: memref<1000x128xf32, #tpu.memory_space<vmem>>, %arg6: memref<64x64xf32, #tpu.memory_space<vmem>>, %arg7: memref<1000x1xi32, #tpu.memory_space<vmem>>, %arg8: memref<128x128xf32, #tpu.memory_space<vmem>>, %arg9: memref<64x128xf32, #tpu.memory_space<vmem>>, %arg10: memref<1x128xf32, #tpu.memory_space<vmem>>, %arg11: memref<128x128xf32, #tpu.memory_space<vmem>>, %arg12: memref<1x128xf32, #tpu.memory_space<vmem>>, %arg13: memref<1000x128xf32, #tpu.memory_space<vmem>>) attributes {dimension_semantics = [#tpu.dimension_semantics<arbitrary>], iteration_bounds = array<i64: 10>, scalar_prefetch = 0 : i64, scratch_operands = 0 : i64, tpu.core_type = #tpu.core_type<tc>, window_params = [{transform_indices = @transform_0, window_bounds = array<i64: 2, 1000, 128>}, {transform_indices = @transform_1, window_bounds = array<i64: 1000, 128>}, {transform_indices = @transform_2, window_bounds = array<i64: 1000, 1>}, {pipeline_mode = #tpu.pipeline_mode<synchronous>, transform_indices = @transform_3, window_bounds = array<i64: 1, 128>}, {transform_indices = @transform_4, window_bounds = array<i64: 1000, 128>}, {pipeline_mode = #tpu.pipeline_mode<synchronous>, transform_indices = @transform_5, window_bounds = array<i64: 64, 64>}, {transform_indices = @transform_6, window_bounds = array<i64: 1000, 1>}, {pipeline_mode = #tpu.pipeline_mode<synchronous>, transform_indices = @transform_7, window_bounds = array<i64: 128, 128>}, {pipeline_mode = #tpu.pipeline_mode<synchronous>, transform_indices = @transform_8, window_bounds = array<i64: 64, 128>}, {pipeline_mode = #tpu.pipeline_mode<synchronous>, transform_indices = @transform_9, window_bounds = array<i64: 1, 128>}, {pipeline_mode = #tpu.pipeline_mode<synchronous>, transform_indices = @transform_10, window_bounds = array<i64: 128, 128>}, {pipeline_mode = #tpu.pipeline_mode<synchronous>, transform_indices = @transform_11, window_bounds = array<i64: 1, 128>}, {transform_indices = @transform_12, window_bounds = array<i64: 1000, 128>}]} {
    %get3A = arith.constant 0 : index
    %get3A_0 = arith.constant 0 : index
    %get3A_1 = vector.load %arg3[%get3A, %get3A_0] : memref<1000x1xf32, #tpu.memory_space<vmem>>, vector<1000x1xf32>
    %get3A_2 = arith.constant 0 : index
    %get3A_3 = arith.constant 0 : index
    %get3A_4 = arith.constant 0 : index
    %get3A_5 = vector.load %arg1[%get3A_2, %get3A_3, %get3A_4] : memref<2x1000x128xf32, #tpu.memory_space<vmem>>, vector<1x1000x128xf32>
    %get3A_6 = vector.shape_cast %get3A_5 : vector<1x1000x128xf32> to vector<1000x128xf32>
    %get3A_7 = arith.constant 1 : index
    %get3A_8 = arith.constant 0 : index
    %get3A_9 = arith.constant 0 : index
    %get3A_10 = vector.load %arg1[%get3A_7, %get3A_8, %get3A_9] : memref<2x1000x128xf32, #tpu.memory_space<vmem>>, vector<1x1000x128xf32>
    %get3A_11 = vector.shape_cast %get3A_10 : vector<1x1000x128xf32> to vector<1000x128xf32>
    %add3A = arith.addf %get3A_6, %get3A_11 : vector<1000x128xf32>
    %get3A_12 = arith.constant 0 : index
    %get3A_13 = arith.constant 0 : index
    %get3A_14 = vector.load %arg2[%get3A_12, %get3A_13] : memref<1000x128xf32, #tpu.memory_space<vmem>>, vector<1000x128xf32>
    %add3A_15 = arith.addf %add3A, %get3A_14 : vector<1000x128xf32>
    %mul3A = vector.broadcast %get3A_1 : vector<1000x1xf32> to vector<1000x128xf32>
    %mul3A_16 = arith.mulf %mul3A, %add3A_15 : vector<1000x128xf32>
    %get3A_17 = arith.constant 0 : index
    %get3A_18 = arith.constant 0 : index
    %get3A_19 = vector.load %arg4[%get3A_17, %get3A_18] : memref<1x128xf32, #tpu.memory_space<vmem>>, vector<1x128xf32>
    %add3A_20 = vector.broadcast %get3A_19 : vector<1x128xf32> to vector<1000x128xf32>
    %add3A_21 = arith.addf %mul3A_16, %add3A_20 : vector<1000x128xf32>
    %gt3A = arith.constant 0.000000e+00 : f32
    %gt3A_22 = vector.broadcast %gt3A : f32 to vector<1000x128xf32>
    %gt3A_23 = arith.cmpf ogt, %add3A_21, %gt3A_22 : vector<1000x128xf32>
    %gt3A_24 = arith.constant 0.000000e+00 : f32
    %gt3A_25 = vector.broadcast %gt3A_24 : f32 to vector<1000x128xf32>
    %gt3A_26 = arith.cmpf ogt, %add3A_21, %gt3A_25 : vector<1000x128xf32>
    %jit3A = arith.constant 0.000000e+00 : f32
    %broadcast_in_dim3A = vector.broadcast %jit3A : f32 to vector<1000x128xf32>
    %select_n3A = arith.select %gt3A_26, %broadcast_in_dim3A, %add3A_21 : vector<1000x128xi1>, vector<1000x128xf32>
    %exp3A = math.exp %select_n3A : vector<1000x128xf32>
    %sub3A = arith.constant 1.000000e+00 : f32
    %sub3A_27 = vector.broadcast %sub3A : f32 to vector<1000x128xf32>
    %sub3A_28 = arith.subf %exp3A, %sub3A_27 : vector<1000x128xf32>
    %select_n3A_29 = arith.select %gt3A_23, %add3A_21, %sub3A_28 : vector<1000x128xi1>, vector<1000x128xf32>
    %get3A_30 = arith.constant 0 : index
    %get3A_31 = arith.constant 0 : index
    %get3A_32 = vector.load %arg5[%get3A_30, %get3A_31] : memref<1000x128xf32, #tpu.memory_space<vmem>>, vector<1000x128xf32>
    %add3A_33 = arith.addf %select_n3A_29, %get3A_32 : vector<1000x128xf32>
    %get3A_34 = arith.constant 0 : index
    %get3A_35 = arith.constant 0 : index
    %get3A_36 = vector.load %arg7[%get3A_34, %get3A_35] : memref<1000x1xi32, #tpu.memory_space<vmem>>, vector<1000x1xi32>
    %iota3A = tpu.iota {dimensions = array<i32: 1>} : vector<1000x64xi32>
    %eq3A = vector.broadcast %get3A_36 : vector<1000x1xi32> to vector<1000x64xi32>
    %eq3A_37 = arith.cmpi eq, %eq3A, %iota3A : vector<1000x64xi32>
    %convert_element_type3A = arith.extui %eq3A_37 : vector<1000x64xi1> to vector<1000x64xi32>
    %convert_element_type3A_38 = arith.sitofp %convert_element_type3A : vector<1000x64xi32> to vector<1000x64xf32>
    %get3A_39 = arith.constant 0 : index
    %get3A_40 = arith.constant 0 : index
    %get3A_41 = vector.load %arg6[%get3A_39, %get3A_40] : memref<64x64xf32, #tpu.memory_space<vmem>>, vector<64x64xf32>
    %dot_general3A = arith.constant dense<0.000000e+00> : vector<1000x64xf32>
    %dot_general3A_42 = tpu.matmul %convert_element_type3A_38, %get3A_41, %dot_general3A {dimension_numbers = #tpu.dot_dimension_numbers<[1], [0], [0], [1], [0, 0, 1, 1], [], []>, transpose_lhs_hint = false} : vector<1000x64xf32>, vector<64x64xf32>, vector<1000x64xf32> -> vector<1000x64xf32>
    %get3A_43 = arith.constant 0 : index
    %get3A_44 = arith.constant 0 : index
    %get3A_45 = vector.load %arg8[%get3A_43, %get3A_44] : memref<128x128xf32, #tpu.memory_space<vmem>>, vector<128x128xf32>
    %dot_general3A_46 = arith.constant dense<0.000000e+00> : vector<1000x128xf32>
    %dot_general3A_47 = tpu.matmul %add3A_33, %get3A_45, %dot_general3A_46 {dimension_numbers = #tpu.dot_dimension_numbers<[1], [0], [0], [1], [0, 0, 1, 1], [], []>, transpose_lhs_hint = false} : vector<1000x128xf32>, vector<128x128xf32>, vector<1000x128xf32> -> vector<1000x128xf32>
    %get3A_48 = arith.constant 0 : index
    %get3A_49 = arith.constant 0 : index
    %get3A_50 = vector.load %arg9[%get3A_48, %get3A_49] : memref<64x128xf32, #tpu.memory_space<vmem>>, vector<64x128xf32>
    %dot_general3A_51 = arith.constant dense<0.000000e+00> : vector<1000x128xf32>
    %dot_general3A_52 = tpu.matmul %dot_general3A_42, %get3A_50, %dot_general3A_51 {dimension_numbers = #tpu.dot_dimension_numbers<[1], [0], [0], [1], [0, 0, 1, 1], [], []>, transpose_lhs_hint = false} : vector<1000x64xf32>, vector<64x128xf32>, vector<1000x128xf32> -> vector<1000x128xf32>
    %add3A_53 = arith.addf %dot_general3A_47, %dot_general3A_52 : vector<1000x128xf32>
    %get3A_54 = arith.constant 0 : index
    %get3A_55 = arith.constant 0 : index
    %get3A_56 = vector.load %arg10[%get3A_54, %get3A_55] : memref<1x128xf32, #tpu.memory_space<vmem>>, vector<1x128xf32>
    %add3A_57 = vector.broadcast %get3A_56 : vector<1x128xf32> to vector<1000x128xf32>
    %add3A_58 = arith.addf %add3A_53, %add3A_57 : vector<1000x128xf32>
    %gt3A_59 = arith.constant 0.000000e+00 : f32
    %gt3A_60 = vector.broadcast %gt3A_59 : f32 to vector<1000x128xf32>
    %gt3A_61 = arith.cmpf ogt, %add3A_58, %gt3A_60 : vector<1000x128xf32>
    %gt3A_62 = arith.constant 0.000000e+00 : f32
    %gt3A_63 = vector.broadcast %gt3A_62 : f32 to vector<1000x128xf32>
    %gt3A_64 = arith.cmpf ogt, %add3A_58, %gt3A_63 : vector<1000x128xf32>
    %jit3A_65 = arith.constant 0.000000e+00 : f32
    %broadcast_in_dim3A_66 = vector.broadcast %jit3A_65 : f32 to vector<1000x128xf32>
    %select_n3A_67 = arith.select %gt3A_64, %broadcast_in_dim3A_66, %add3A_58 : vector<1000x128xi1>, vector<1000x128xf32>
    %exp3A_68 = math.exp %select_n3A_67 : vector<1000x128xf32>
    %sub3A_69 = arith.constant 1.000000e+00 : f32
    %sub3A_70 = vector.broadcast %sub3A_69 : f32 to vector<1000x128xf32>
    %sub3A_71 = arith.subf %exp3A_68, %sub3A_70 : vector<1000x128xf32>
    %select_n3A_72 = arith.select %gt3A_61, %add3A_58, %sub3A_71 : vector<1000x128xi1>, vector<1000x128xf32>
    %get3A_73 = arith.constant 0 : index
    %get3A_74 = arith.constant 0 : index
    %get3A_75 = vector.load %arg11[%get3A_73, %get3A_74] : memref<128x128xf32, #tpu.memory_space<vmem>>, vector<128x128xf32>
    %dot_general3A_76 = arith.constant dense<0.000000e+00> : vector<1000x128xf32>
    %dot_general3A_77 = tpu.matmul %select_n3A_72, %get3A_75, %dot_general3A_76 {dimension_numbers = #tpu.dot_dimension_numbers<[1], [0], [0], [1], [0, 0, 1, 1], [], []>, transpose_lhs_hint = false} : vector<1000x128xf32>, vector<128x128xf32>, vector<1000x128xf32> -> vector<1000x128xf32>
    %get3A_78 = arith.constant 0 : index
    %get3A_79 = arith.constant 0 : index
    %get3A_80 = vector.load %arg12[%get3A_78, %get3A_79] : memref<1x128xf32, #tpu.memory_space<vmem>>, vector<1x128xf32>
    %add3A_81 = vector.broadcast %get3A_80 : vector<1x128xf32> to vector<1000x128xf32>
    %add3A_82 = arith.addf %dot_general3A_77, %add3A_81 : vector<1000x128xf32>
    %swap3A = arith.constant 0 : index
    %swap3A_83 = arith.constant 0 : index
    %swap3A_84 = vector.load %arg13[%swap3A, %swap3A_83] : memref<1000x128xf32, #tpu.memory_space<vmem>>, vector<1000x128xf32>
    tpu.vector_store %arg13[%swap3A, %swap3A_83], %add3A_82 {strides = array<i32>} : memref<1000x128xf32, #tpu.memory_space<vmem>>, vector<1000x128xf32>,
    return
  }
  func.func @transform_0(%arg0: i32) -> (i32, i32, i32) {
    %c0_i32 = arith.constant 0 : i32
    %c0_i32_0 = arith.constant 0 : i32
    %c0_i32_1 = arith.constant 0 : i32
    return %c0_i32, %arg0, %c0_i32_0 : i32, i32, i32
  }
  func.func @transform_1(%arg0: i32) -> (i32, i32) {
    %c0_i32 = arith.constant 0 : i32
    %c0_i32_0 = arith.constant 0 : i32
    return %arg0, %c0_i32 : i32, i32
  }
  func.func @transform_2(%arg0: i32) -> (i32, i32) {
    %c0_i32 = arith.constant 0 : i32
    %c0_i32_0 = arith.constant 0 : i32
    return %arg0, %c0_i32 : i32, i32
  }
  func.func @transform_3(%arg0: i32) -> (i32, i32) {
    %c0_i32 = arith.constant 0 : i32
    %c0_i32_0 = arith.constant 0 : i32
    %c0_i32_1 = arith.constant 0 : i32
    return %c0_i32, %c0_i32_0 : i32, i32
  }
  func.func @transform_4(%arg0: i32) -> (i32, i32) {
    %c0_i32 = arith.constant 0 : i32
    %c0_i32_0 = arith.constant 0 : i32
    return %arg0, %c0_i32 : i32, i32
  }
  func.func @transform_5(%arg0: i32) -> (i32, i32) {
    %c0_i32 = arith.constant 0 : i32
    %c0_i32_0 = arith.constant 0 : i32
    %c0_i32_1 = arith.constant 0 : i32
    return %c0_i32, %c0_i32_0 : i32, i32
  }
  func.func @transform_6(%arg0: i32) -> (i32, i32) {
    %c0_i32 = arith.constant 0 : i32
    %c0_i32_0 = arith.constant 0 : i32
    return %arg0, %c0_i32 : i32, i32
  }
  func.func @transform_7(%arg0: i32) -> (i32, i32) {
    %c0_i32 = arith.constant 0 : i32
    %c0_i32_0 = arith.constant 0 : i32
    %c0_i32_1 = arith.constant 0 : i32
    return %c0_i32, %c0_i32_0 : i32, i32
  }
  func.func @transform_8(%arg0: i32) -> (i32, i32) {
    %c0_i32 = arith.constant 0 : i32
    %c0_i32_0 = arith.constant 0 : i32
    %c0_i32_1 = arith.constant 0 : i32
    return %c0_i32, %c0_i32_0 : i32, i32
  }
  func.func @transform_9(%arg0: i32) -> (i32, i32) {
    %c0_i32 = arith.constant 0 : i32
    %c0_i32_0 = arith.constant 0 : i32
    %c0_i32_1 = arith.constant 0 : i32
    return %c0_i32, %c0_i32_0 : i32, i32
  }
  func.func @transform_10(%arg0: i32) -> (i32, i32) {
    %c0_i32 = arith.constant 0 : i32
    %c0_i32_0 = arith.constant 0 : i32
    %c0_i32_1 = arith.constant 0 : i32
    return %c0_i32, %c0_i32_0 : i32, i32
  }
  func.func @transform_11(%arg0: i32) -> (i32, i32) {
    %c0_i32 = arith.constant 0 : i32
    %c0_i32_0 = arith.constant 0 : i32
    %c0_i32_1 = arith.constant 0 : i32
    return %c0_i32, %c0_i32_0 : i32, i32
  }
  func.func @transform_12(%arg0: i32) -> (i32, i32) {
    %c0_i32 = arith.constant 0 : i32
    %c0_i32_0 = arith.constant 0 : i32
    return %arg0, %c0_i32 : i32, i32
  }
}

</mosaic_0001>

<sc_bundles>
// kernel: kernel.12.cloned.1.call-start
scs
__scs_entry_jumppad:
0x0: {  	(pc) =	sbr.rel $0x88, $3  }
0x1: {  	(tag) =	ssettag $0x0;
	lr =	simm.s32 $0x1  }
0x2: {  	[smem:$0x3F8F] =	sst lr;
	_ =	strace $0xD0000000  }
0x3: {  	_ = 	snop  }
0x4: {  	_ = 	snop  }
0x5: {  	_ = 	snop  }
0x6: {  	_ = 	snop  }
0x7: {  	_ = 	snop  }
__scs_overlays_trampoline_lowered:
0x8: {  	[smem:$0x3F9E] =	sst s0  }
0x9: {  	[smem:$0x3F9F] =	sst s1  }
0xa: {  	[smem:$0x3FA0] =	sst s2  }
0xb: {  	[smem:$0x3FA1] =	sst s3  }
0xc: {  	[smem:$0x3FA2] =	sst s4  }
0xd: {  	[smem:$0x3FA3] =	sst s5  }
0xe: {  	[smem:$0x3FA4] =	sst s6  }
0xf: {  	[smem:$0x3FA5] =	sst s7  }
0x10: {  	[smem:$0x3FA6] =	sst s8  }
0x11: {  	[smem:$0x3FA7] =	sst s9;
	s0 =	simm.s32 @!p0 $0x0  }
0x12: {  	s1 =	sld [smem:$0x3F8D];
	s0 =	simm.s32 @p0 $0x1  }
0x13: {  	[smem:$0x3FA8] =	sst s0;
	s0 =	simm.s32 @!p1 $0x0  }
0x14: {  	s2 =	sld [smem:$0x3F8C];
	s0 =	simm.s32 @p1 $0x1  }
0x15: {  	[smem:$0x3FA9] =	sst s0;
	s0 =	simm.s32 @!p2 $0x0  }
0x16: {  	s3 =	sld [smem:$0x3FDB];
	s0 =	simm.s32 @p2 $0x1  }
0x17: {  	s4 =	simm.s32 $0x1BF5;
	[smem:$0x3FAB] =	sst s0  }
0x18: {  	s0 =	sld [smem:$0x3F8E];
	_ =	swait.ge [sflag:s4], $0x0  }
0x19: {  	s7 =	sld [smem:$0x3F8F]  }
0x1a: {  	s8 =	sadd.s32 $0xFFFFE003, lr  }
0x1b: {  	s9 =	sadd.s32 $0xFFFFFEF7, lr;
	s5 =	simm.s32 $0xFFFFFFFF;
	p2 =	slt.u32 s8, $0xFFFFF086  }
0x1c: {  	p1 =	slt.u32 s9, $0xF7A;
	s5 =	simm.s32 @!p2 $0x0  }
0x1d: {  	s5 =	simm.s32 @p1 $0x1;
	p0 =	seq.s32 s7, s2  }
0x1e: {  	s7 =	smul.u32 @!p0 $0xF7A, s2;
	p2 =	seq.s32 @!p0 s5, $0x0  }
0x1f: {  	s9 =	smul.u32 $0xF7A, s1;
	s8 =	simm.s32 @!p0 $0x1BF5;
	p2 =	por !p2, p0  }
0x20: {  	[sflag:s8] =	ssyncset.s32 @!p0 $0xFFFFF086;
	s6 =	sadd.s32 @!p0 s3, s7;
	s7 =	simm.s32 @!p0 $0x108  }
0x21: {  	s3 =	sadd.s32 s3, s9;
	s6 =	sadd.s32 @!p0 $0x88, s6;
	s7 =	simm.s32 @p2 $0x1082  }
0x22: {  	[simem:s7], [sflag:s8] =	dma.local @!p0 [hbm:s6], $0xF7A  }
0x23: {  	s9 =	sor.u32 $0xD0000000, s2;
	s6 =	simm.s32 $0x108;
	_ =	swait.ge @!p0 [sflag:s8], $0x0  }
0x24: {  	s3 =	sadd.s32 $0x88, s3;
	s6 =	simm.s32 @!p1 $0x1082;
	[sflag:s4] =	ssyncset.s32 $0xFFFFF086  }
0x25: {  	[simem:s6], [sflag:s4] =	dma.local [hbm:s3], $0xF7A  }
0x26: {  	[smem:$0x3F8F] =	sst s1;
	(tag) =	ssettag s2;
	_ =	strace s9  }
0x27: {  	s1 =	sld [smem:$0x3F9F]  }
0x28: {  	s2 =	sld [smem:$0x3FA0]  }
0x29: {  	s4 =	sld [smem:$0x3FA2]  }
0x2a: {  	p0 =	seq.s32 s5, $0x0;
	s5 =	sld [smem:$0x3FA3]  }
0x2b: {  	s6 =	sld [smem:$0x3FA4]  }
0x2c: {  	s7 =	sld [smem:$0x3FA5]  }
0x2d: {  	s3 =	simm.s32 $0x108;
	s8 =	sld [smem:$0x3FA6]  }
0x2e: {  	s3 =	simm.s32 @!p0 $0x1082;
	s9 =	sld [smem:$0x3FA7]  }
0x2f: {  	lr =	sadd.s32 s0, s3;
	s0 =	sld [smem:$0x3F9E]  }
0x30: {  	s3 =	sld [smem:$0x3FA1]  }
0x31: {  	[smem:$0x3FAA] =	sst s10  }
0x32: {  	s10 =	sld [smem:$0x3FA8];
	_ =	sdelay $0x3  }
0x33: {  	p0 =	seq.s32 s10, $0x1;
	s10 =	sld [smem:$0x3FAA];
	_ =	sdelay $0x3  }
0x34: {  	[smem:$0x3FAA] =	sst s10  }
0x35: {  	s10 =	sld [smem:$0x3FA9];
	_ =	sdelay $0x3  }
0x36: {  	p1 =	seq.s32 s10, $0x1;
	s10 =	sld [smem:$0x3FAA];
	_ =	sdelay $0x3  }
0x37: {  	[smem:$0x3FAA] =	sst s10  }
0x38: {  	s10 =	sld [smem:$0x3FAB]  }
0x39: {  	_ = 	snop;
	(pc) =	sbr.ind lr, $3  }
0x3a: {  	_ = 	snop  }
0x3b: {  	_ = 	snop  }
0x3c: {  	p2 =	seq.s32 s10, $0x1;
	s10 =	sld [smem:$0x3FAA]  }
0x3d: {  	_ =	shalt  }
0x3e: {  	_ =	shalt  }
0x3f: {  	_ =	shalt  }
0x40: {  	_ =	shalt  }
0x41: {  	_ =	shalt  }
0x42: {  	_ =	shalt  }
0x43: {  	_ =	shalt  }
0x44: {  	_ =	shalt  }
0x45: {  	_ =	shalt  }
0x46: {  	_ =	shalt  }
0x47: {  	_ =	shalt  }
0x48: {  	_ =	shalt  }
0x49: {  	_ =	shalt  }
0x4a: {  	_ =	shalt  }
0x4b: {  	_ =	shalt  }
0x4c: {  	_ =	shalt  }
0x4d: {  	_ =	shalt  }
0x4e: {  	_ =	shalt  }
0x4f: {  	_ =	shalt  }
0x50: {  	_ =	shalt  }
0x51: {  	_ =	shalt  }
0x52: {  	_ =	shalt  }
0x53: {  	_ =	shalt  }
0x54: {  	_ =	shalt  }
0x55: {  	_ =	shalt  }
0x56: {  	_ =	shalt  }
0x57: {  	_ =	shalt  }
0x58: {  	_ =	shalt  }
0x59: {  	_ =	shalt  }
0x5a: {  	_ =	shalt  }
0x5b: {  	_ =	shalt  }
0x5c: {  	_ =	shalt  }
0x5d: {  	_ =	shalt  }
0x5e: {  	_ =	shalt  }
0x5f: {  	_ =	shalt  }
0x60: {  	_ =	shalt  }
0x61: {  	_ =	shalt  }
0x62: {  	_ =	shalt  }
0x63: {  	_ =	shalt  }
0x64: {  	_ =	shalt  }
0x65: {  	_ =	shalt  }
0x66: {  	_ =	shalt  }
0x67: {  	_ =	shalt  }
0x68: {  	_ =	shalt  }
0x69: {  	_ =	shalt  }
0x6a: {  	_ =	shalt  }
0x6b: {  	_ =	shalt  }
0x6c: {  	_ =	shalt  }
0x6d: {  	_ =	shalt  }
0x6e: {  	_ =	shalt  }
0x6f: {  	_ =	shalt  }
0x70: {  	_ =	shalt  }
0x71: {  	_ =	shalt  }
0x72: {  	_ =	shalt  }
0x73: {  	_ =	shalt  }
0x74: {  	_ =	shalt  }
0x75: {  	_ =	shalt  }
0x76: {  	_ =	shalt  }
0x77: {  	_ =	shalt  }
0x78: {  	_ =	shalt  }
0x79: {  	_ =	shalt  }
0x7a: {  	_ =	shalt  }
0x7b: {  	_ =	shalt  }
0x7c: {  	_ =	shalt  }
0x7d: {  	_ =	shalt  }
0x7e: {  	_ =	shalt  }
0x7f: {  	_ =	shalt  }
0x80: {  	_ =	shalt  }
0x81: {  	_ =	shalt  }
0x82: {  	_ =	shalt  }
0x83: {  	_ =	shalt  }
0x84: {  	_ =	shalt  }
0x85: {  	_ =	shalt  }
0x86: {  	_ =	shalt  }
0x87: {  	_ =	shalt  }
.Lfunc_end0:
.L_simem_size_0:
called_computation_lowered:
.L_overlay_start_0:
0x88: {  	s2 =	sld [smem:$0x3FD9]  }
0x89: {  	s3 =	sld [smem:$0x3FFE];
	_ =	sdelay $0x1  }
0x8a: {  	s1 =	srdreg.scid  }
0x8b: {  	s0 =	sand.u32 $0x1, s1  }
0x8c: {  	s17 =	sshll.u32 s0, $0xA;
	s2 =	sadd.s32 s3, s2  }
0x8d: {  	s2 =	sadd.s32 s2, s17  }
0x8e: {  	[smem:$0x3FB6] =	sst s2  }
0x8f: {  	_ = 	snop  }
0x90: {  	s2 =	sld [smem:$0x3FD0];
	(tm) =	ssettm $0x1  }
0x91: {  	s18 =	sld [smem:$0x3FFB];
	_ =	sdelay $0x3  }
0x92: {  	_ =	strace s18  }
0x93: {  	s3 =	sld [smem:$0x3FFC];
	_ =	sdelay $0x3  }
0x94: {  	_ =	strace s3  }
0x95: {  	s3 =	sld [smem:$0x3FFD];
	_ =	sdelay $0x3  }
0x96: {  	_ =	strace s3  }
0x97: {  	_ =	strace $0x8FFFFFFF  }
0x98: {  	s19 =	sld [smem:$0x3FDB];
	_ =	sdelay $0x1  }
0x99: {  	s4 =	simm.s32 $_scs_section_size  }
0x9a: {  	s5 =	simm.s32 $_size__tile_overlayer_lowered;
	s6 =	simm.s32 $_tile_overlayer_lowered  }
0x9b: {  	s22 =	simm.s32 $0x1BFF;
	s21 =	sshll.u32 s6, $0x1;
	s3 =	sadd.s32 s4, s19  }
0x9c: {  	s7 =	simm.s32 $0x0;
	s20 =	sshll.u32 s5, $0x1;
	s5 =	sadd.s32 s21, s3  }
0x9d: {  	[timem:s7], [sflag:s22] =	dma.local [hbm:s5], s20  }
0x9e: {  	_ =	swait.ge [sflag:s22], s20  }
0x9f: {  	s4 =	ssub.s32 $0x0, s20;
	[sflag:s22] =	ssyncset.done $0x0  }
0xa0: {  	[sflag:s22] =	ssyncadd.s32 s4;
	_ =	sdelay $0x1  }
0xa1: {  	s23 =	simm.s32 $0x1B8B  }
0xa2: {  	_ =	swait.ge [sflag:s23], $0x1  }
0xa3: {  	[sflag:s23] =	ssyncset.done $0x0  }
0xa4: {  	s25 =	simm.s32 $0x1B8E;
	s24 =	sld [smem:$0x3FFE];
	[sflag:s23] =	ssyncadd.s32 $0xFFFFFFFF  }
0xa5: {  	s26 =	simm.s32 $execute0_lowered;
	[smem:$0x3FD2] =	sst s25  }
0xa6: {  	s5 =	sshll.u32 s26, $0x1;
	_ =	strace $0x80000046;
	[dreg:$0x1] =	wrdreg $0xFFFFFFFF  }
0xa7: {  	s28 =	simm.s32 $_size_execute0_lowered;
	s3 =	sadd.s32 s3, s5;
	[dreg:$0x0] =	wrdreg $0x0  }
0xa8: {  	s5 =	sshll.u32 s28, $0x1;
	[dreg:$0x2] =	wrdreg s3  }
0xa9: {  	[dreg:$0x3] =	wrdreg s5  }
0xaa: {  	[dreg:$0x4] =	wrdreg $0xC0  }
0xab: {  	_ =	task [dreg:s7], $0x5FFFF  }
0xac: {  	[dreg:$0x1] =	wrdreg $0xFFFFFFFF  }
0xad: {  	[dreg:$0x0] =	wrdreg $0x60  }
0xae: {  	[dreg:$0x2] =	wrdreg s24  }
0xaf: {  	[dreg:$0x3] =	wrdreg s2  }
0xb0: {  	[dreg:$0x4] =	wrdreg $0x68800  }
0xb1: {  	[dreg:$0x5] =	wrdreg $0x9  }
0xb2: {  	_ =	task.clear_ibuf [dreg:s7], $0x6FFFF;
	_ =	strace $0x90000046  }
0xb3: {  	s29 =	simm.s32 $0x9;
	_ =	strace $0x80000048  }
0xb4: {  	_ =	swait.ge [sflag:s29], $0x1  }
0xb5: {  	[sflag:s29] =	ssyncadd.s32 $0xFFFFFFFF  }
0xb6: {  	_ =	strace $0x90000048  }
0xb7: {  	_ =	sfence  }
0xb8: {  	s30 =	sld [smem:$0x0];
	_ =	sdelay $0x2  }
0xb9: {  	s31 =	sshll.u32 s1, $0xD;
	s1 =	sshrl.u32 s1, $0x2  }
0xba: {  	s3 =	sand.u32 $0x4000, s31;
	s1 =	sadd.s32 s1, s30  }
0xbb: {  	s0 =	sor.u32 s3, s0;
	s1 =	sshll.u32 s1, $0x11  }
0xbc: {  	s0 =	sor.u32 s1, s0  }
0xbd: {  	s0 =	sadd.s32 $0x8F2B, s0  }
0xbe: {  	[sflag:s0] =	ssyncadd.remote.s32 $0x1  }
0xbf: {  	_ =	sfence.sel $0xFFFF  }
0xc0: {  	[dreg:$0x0] =	wrdreg $0xFFFFFFFF;
	(pc) =	sbr.abs _section_cstart, $3  }
0xc1: {  	[dreg:$0x1] =	wrdreg $0xFFFFFFFF  }
0xc2: {  	_ =	task.clear_ibuf [dreg:s7], $0x2FFFF;
	_ =	strace $0x9FFFFFFF  }
0xc3: {  	(tm) =	ssettm $0x7FFFFFFF  }
tec
execute0_lowered:
.L_overlay_start_1:
0x0: {  	(tag) =	ssettag $0x1  }
0x1: {  	s4 =	rddreg [dreg:$0x0]  }
0x2: {  	s6 =	rddreg [dreg:$0x1]  }
0x3: {  	s1 =	rddreg [dreg:$0x2]  }
0x4: {  	s0 =	rddreg [dreg:$0x3];
	s3 =	simm.s32 $0x0;
	s2 =	srdreg.scid  }
0x5: {  	s12 =	simm.s32 $0x0;
	[smem:$0x7FF] =	sst s3;
	s5 =	sand.u32 $0x1, s2  }
0x6: {  	s2 =	stileid.u32;
	_ =	strace $0x80000047;
	s7 =	sshll.u32 s5, $0xB  }
0x7: {  	s8 =	sshll.u32 s2, $0x7;
	s29 =	ssub.s32 $0x2, s5;
	s10 =	sshll.u32 s2, $0xC  }
0x8: {  	s5 =	smul.u32 $0x2800, s5;
	s31 =	sshll.u32 s2, $0xA;
	p0 =	sgt.u32 s2, $0x9  }
0x9: {  	s7 =	sadd.s32 s7, s4;
	s8 =	sadd.s32 s8, s4;
	s9 =	sshrl.u32 s29, $0x1  }
0xa: {  	s9 =	ssub.s32 s29, s9;
	s30 =	sadd.s32 s10, s7;
	s10 =	sshrl.u32 s10, $0x2  }
0xb: {  	s7 =	sadd.s32 s31, s5;
	s5 =	sadd.s32 $0x14E00, s8;
	s8 =	simm.s32 $0x1  }
0xc: {  	v0 =	vlaneseq.u32;
	s4 =	sadd.s32 $0x4E00, s30;
	s11 =	sadd.s32 s10, s1;
	s7 =	sshrl.u32 s7, $0x3  }
0xd: {  	v1 =	vimm.f32 $0.0e+00;
	v6 =	vimm.f32 $1.000000000e+00;
	v2 =	vor.u32 $0x10, v0;
	s10 =	sshll.u32 @!p0 s2, $0x6;
	s6 =	sadd.s32 s6, s7;
	s7 =	smax.u32 s9, $0x1  }
0xe: {  	v3 =	vor.u32 $0x20, v0;
	v4 =	vor.u32 $0x30, v0;
	v5 =	vor.u32 $0x40, v0;
	s9 =	simm.s32 $0x4000;
	s10 =	sor.u32 @!p0 $0x1C01, s10;
	s11 =	sshrl.u32 @!p0 s11, $0x3  }
.LBB2_1:
0xf: {  	[tilespmem:s3], [sflag:$0x1] =	stream.linear.gather [hbm4b:s4+s3], $0x3E80, $0x38;
	[tilespmem:$0x6B00] =	vst v63  }
0x10: {  	_ =	swait.ge [sflag:s8], $0x3E80  }
0x11: {  	[sflag:s8] =	ssyncset.done $0x0  }
0x12: {  	s13 =	simm.s32 $0x10;
	s14 =	sand.u32 $0x3FF0, s3;
	[sflag:s8] =	ssyncadd.s32 $0xFFFFC180  }
.LBB2_2:
0x13: {  	p1 =	sne.s32 s13, $0x27F0;
	[tilespmem:s14+$0x4000] =	vst v1;
	s14 =	smov.u32 s13;
	s13 =	sadd.s32 $0x10, s13  }
.Ltmp0:
0x14: {  	(pc) =	sbr.rel @p1 .LBB2_2-.Ltmp0, $2  }
0x15: {  	_ =	sdelay $0x2  }
0x16: {  	s14 =	sand.u32 $0x3FF0, s14  }
0x17: {  	s13 =	simm.s32 $0x0  }
0x18: {  	s13 =	smul.u32 $0xCCCD, s13;
	_ =	sdelay $0x1  }
0x19: {  	s13 =	sshrl.u32 s13, $0x12  }
0x1a: {  	[tilespmem:s14+$0x4000] =	vst v1;
	s31 =	smul.u32 $0x5, s13  }
0x1b: {  	[tilespmem:$0x6800] =	vst v0  }
0x1c: {  	[tilespmem:$0x6810] =	vst v2;
	s14 =	ssub.s32 $0x0, s31  }
0x1d: {  	[tilespmem:$0x6820] =	vst v3;
	s14 =	sand.u32 $0xFFFF, s14  }
0x1e: {  	[tilespmem:$0x6830] =	vst v4;
	s15 =	sshll.u32 s13, $0x7;
	s14 =	sshll.u32 s14, $0x4  }
0x1f: {  	[tilespmem:$0x6840] =	vst v5;
	s14 =	sor.u32 s14, s15  }
0x20: {  	v7 =	vld [tilespmem:s14+$0x0];
	_ =	sdelay $0x2  }
0x21: {  	s13 =	simm.s32 $0x1  }
0x22: {  	s15 =	smul.u32 $0xCCCD, s13;
	s14 =	simm.s32 $0x2  }
.LBB2_4:
0x23: {  	p1 =	sne.s32 s14, $0x270;
	v8 =	vshrl.u32 v7, $0x10;
	v7 =	vshra.s32 v7, $0x10  }
0x24: {  	s15 =	sshrl.u32 s15, $0x12;
	v8 =	vand.u32 $0x7F, v8;
	v7 =	vand.u32 $0xFFFFFF80, v7  }
0x25: {  	s16 =	smul.u32 $0x5, s15;
	v7 =	vor.u32 v8, v7;
	_ =	sdelay $0x1  }
0x26: {  	s16 =	ssub.s32 s13, s16;
	s13 =	smov.u32 s14  }
0x27: {  	s16 =	sand.u32 $0xFFFF, s16  }
0x28: {  	s15 =	sshll.u32 s15, $0x7;
	s16 =	sshll.u32 s16, $0x4  }
0x29: {  	s15 =	sor.u32 s16, s15;
	[tilespmem:v7+s9+$0x0] =	vst.idx.add.f32.msk $0xffff, v6  }
.Ltmp1:
0x2a: {  	v7 =	vld [tilespmem:s15+$0x0];
	(pc) =	sbr.rel @p1 .LBB2_4-.Ltmp1, $2  }
0x2b: {  	_ =	sdelay $0x2  }
0x2c: {  	s14 =	sadd.s32 $0x1, s14;
	s15 =	smul.u32 $0xCCCD, s13  }
0x2d: {  	v8 =	vshrl.u32 v7, $0x10;
	v7 =	vshra.s32 v7, $0x10  }
0x2e: {  	s14 =	sshrl.u32 s15, $0x12;
	v8 =	vand.u32 $0x7F, v8;
	v7 =	vand.u32 $0xFFFFFF80, v7  }
0x2f: {  	s15 =	smul.u32 $0x5, s14;
	v7 =	vor.u32 v8, v7;
	_ =	sdelay $0x1  }
0x30: {  	s13 =	ssub.s32 s13, s15  }
0x31: {  	s13 =	sand.u32 $0xFFFF, s13  }
0x32: {  	s14 =	sshll.u32 s14, $0x7;
	s13 =	sshll.u32 s13, $0x4  }
0x33: {  	s13 =	sor.u32 s13, s14;
	[tilespmem:v7+s9+$0x0] =	vst.idx.add.f32.msk $0xffff, v6  }
0x34: {  	v7 =	vld [tilespmem:s13+$0x0];
	_ =	sdelay $0x4  }
0x35: {  	v8 =	vshrl.u32 v7, $0x10;
	v7 =	vshra.s32 v7, $0x10  }
0x36: {  	v8 =	vand.u32 $0x7F, v8;
	v7 =	vand.u32 $0xFFFFFF80, v7  }
0x37: {  	v7 =	vor.u32 v8, v7;
	_ =	sdelay $0x4  }
0x38: {  	s15 =	simm.s32 @p0 $0x4000;
	[tilespmem:v7+s9+$0x0] =	vst.idx.add.f32.msk $0xffff, v6  }
0x39: {  	s14 =	simm.s32 @p0 $0x6800;
	s13 =	simm.s32 @p0 $0x50;
	[bflag:$0x0] =	sbarrier.arrive @p0 $0xFFFF  }
0x3a: {  	[spmem:s1] =	stream.indirect.scatter.add.f32 @p0 [tilespmem:s15], [sflag:$0x1], $0x80, s14, s13, $0xb8;
	[tilespmem:$0x6B00] =	vst v63  }
0x3b: {  	s13 =	simm.s32 @p0 $0x1  }
0x3c: {  	_ =	swait.ge @p0 [sflag:s13], $0x2800  }
0x3d: {  	[sflag:s13] =	ssyncset.done @p0 $0x0  }
0x3e: {  	[sflag:s13] =	ssyncadd.s32 @p0 $0xFFFFD800  }
0x3f: {  	s13 =	simm.s32 @!p0 $0x1;
	[bflag:$0x0] =	sbarrier.arrive @p0 $0xFFFF  }
0x40: {  	[spmem:s11], [sflag:s10] =	dma.local @!p0 [hbm:s5], $0x80  }
0x41: {  	_ =	swait.ge @!p0 [sflag:s13], $0x80  }
0x42: {  	[sflag:s13] =	ssyncset.done @!p0 $0x0  }
0x43: {  	s16 =	simm.s32 @!p0 $0x4000;
	[sflag:s13] =	ssyncadd.s32 @!p0 $0xFFFFFF80  }
0x44: {  	s14 =	simm.s32 @!p0 $0x50;
	s15 =	simm.s32 @!p0 $0x6800;
	[bflag:$0x0] =	sbarrier.arrive @!p0 $0xFFFF  }
0x45: {  	[spmem:s1] =	stream.indirect.scatter.add.f32 @!p0 [tilespmem:s16], [sflag:$0x1], $0x80, s15, s14, $0xb8;
	[tilespmem:$0x6B00] =	vst v63  }
0x46: {  	_ =	swait.ge @!p0 [sflag:s13], $0x2800  }
0x47: {  	s12 =	sadd.s32 $0x1, s12;
	[sflag:s13] =	ssyncset.done @!p0 $0x0  }
0x48: {  	p1 =	sne.s32 s12, s7;
	[sflag:s13] =	ssyncadd.s32 @!p0 $0xFFFFD800  }
.Ltmp2:
0x49: {  	[bflag:$0x0] =	sbarrier.arrive @!p0 $0xFFFF;
	(pc) =	sbr.rel @p1 .LBB2_1-.Ltmp2, $4  }
0x4a: {  	[hbm:s6], [sflag:s10] =	dma.local @!p0 [spmem:s11], $0x80  }
0x4b: {  	_ =	swait.ge @!p0 [sflag:s13], $0x80  }
0x4c: {  	[sflag:s13] =	ssyncset.done @!p0 $0x0  }
0x4d: {  	[sflag:s13] =	ssyncadd.s32 @!p0 $0xFFFFFF80  }
0x4e: {  	_ =	sfence.sel $0x180000  }
0x4f: {  	[bflag:$0x0] =	sbarrier.arrive $0xFFFF  }
0x50: {  	p0 =	sne.s32 s2, $0x0;
	_ =	strace $0x90000047  }
0x51: {  	s0 =	sadd.s32 @!p0 $0x100000, s0;
	[bflag:$0x2] =	sbarrier.arrive $0xFFFF  }
0x52: {  	[sflag:s0] =	ssyncadd.tile.s32 @!p0 $0x1;
	_ =	shalt  }
.Lfunc_end2:
_tile_overlayer_lowered:
.L_overlay_start_2:
0x53: {  	(tag) =	ssettag $0x2  }
0x54: {  	s0 =	rddreg [dreg:$0x0];
	s2 =	stileid.u32  }
0x55: {  	s1 =	rddreg [dreg:$0x1];
	p0 =	sne.s32 s2, $0x0  }
0x56: {  	s3 =	rddreg [dreg:$0x2];
	[bflag:$0x3] =	sbarrier.arrive $0xFFFF;
	s2 =	simm.s32 @!p0 $0x1C01  }
0x57: {  	[timem:s3], [sflag:s2] =	dma.local @!p0 [hbm:s0], s1  }
0x58: {  	s0 =	simm.s32 @!p0 $0x1  }
0x59: {  	_ =	swait.ge @!p0 [sflag:s0], s1  }
0x5a: {  	s1 =	ssub.s32 @!p0 $0x0, s1;
	[sflag:s0] =	ssyncset.done @!p0 $0x0  }
0x5b: {  	[sflag:s0] =	ssyncadd.s32 @!p0 s1  }
0x5c: {  	[bflag:$0x3] =	sbarrier.arrive $0xFFFF  }
0x5d: {  	_ =	shalt  }

// kernel: kernel.15.cloned.1.call-start
scs
__scs_entry_jumppad:
0x0: {  	(pc) =	sbr.rel $0x88, $3  }
0x1: {  	(tag) =	ssettag $0x0;
	lr =	simm.s32 $0x1  }
0x2: {  	[smem:$0x3F8F] =	sst lr;
	_ =	strace $0xD0000000  }
0x3: {  	_ = 	snop  }
0x4: {  	_ = 	snop  }
0x5: {  	_ = 	snop  }
0x6: {  	_ = 	snop  }
0x7: {  	_ = 	snop  }
__scs_overlays_trampoline_lowered:
0x8: {  	[smem:$0x3F9E] =	sst s0  }
0x9: {  	[smem:$0x3F9F] =	sst s1  }
0xa: {  	[smem:$0x3FA0] =	sst s2  }
0xb: {  	[smem:$0x3FA1] =	sst s3  }
0xc: {  	[smem:$0x3FA2] =	sst s4  }
0xd: {  	[smem:$0x3FA3] =	sst s5  }
0xe: {  	[smem:$0x3FA4] =	sst s6  }
0xf: {  	[smem:$0x3FA5] =	sst s7  }
0x10: {  	[smem:$0x3FA6] =	sst s8  }
0x11: {  	[smem:$0x3FA7] =	sst s9;
	s0 =	simm.s32 @!p0 $0x0  }
0x12: {  	s1 =	sld [smem:$0x3F8D];
	s0 =	simm.s32 @p0 $0x1  }
0x13: {  	[smem:$0x3FA8] =	sst s0;
	s0 =	simm.s32 @!p1 $0x0  }
0x14: {  	s2 =	sld [smem:$0x3F8C];
	s0 =	simm.s32 @p1 $0x1  }
0x15: {  	[smem:$0x3FA9] =	sst s0;
	s0 =	simm.s32 @!p2 $0x0  }
0x16: {  	s3 =	sld [smem:$0x3FDB];
	s0 =	simm.s32 @p2 $0x1  }
0x17: {  	s4 =	simm.s32 $0x1BF5;
	[smem:$0x3FAB] =	sst s0  }
0x18: {  	s0 =	sld [smem:$0x3F8E];
	_ =	swait.ge [sflag:s4], $0x0  }
0x19: {  	s7 =	sld [smem:$0x3F8F]  }
0x1a: {  	s8 =	sadd.s32 $0xFFFFE003, lr  }
0x1b: {  	s9 =	sadd.s32 $0xFFFFFEF7, lr;
	s5 =	simm.s32 $0xFFFFFFFF;
	p2 =	slt.u32 s8, $0xFFFFF086  }
0x1c: {  	p1 =	slt.u32 s9, $0xF7A;
	s5 =	simm.s32 @!p2 $0x0  }
0x1d: {  	s5 =	simm.s32 @p1 $0x1;
	p0 =	seq.s32 s7, s2  }
0x1e: {  	s7 =	smul.u32 @!p0 $0xF7A, s2;
	p2 =	seq.s32 @!p0 s5, $0x0  }
0x1f: {  	s9 =	smul.u32 $0xF7A, s1;
	s8 =	simm.s32 @!p0 $0x1BF5;
	p2 =	por !p2, p0  }
0x20: {  	[sflag:s8] =	ssyncset.s32 @!p0 $0xFFFFF086;
	s6 =	sadd.s32 @!p0 s3, s7;
	s7 =	simm.s32 @!p0 $0x108  }
0x21: {  	s3 =	sadd.s32 s3, s9;
	s6 =	sadd.s32 @!p0 $0x88, s6;
	s7 =	simm.s32 @p2 $0x1082  }
0x22: {  	[simem:s7], [sflag:s8] =	dma.local @!p0 [hbm:s6], $0xF7A  }
0x23: {  	s9 =	sor.u32 $0xD0000000, s2;
	s6 =	simm.s32 $0x108;
	_ =	swait.ge @!p0 [sflag:s8], $0x0  }
0x24: {  	s3 =	sadd.s32 $0x88, s3;
	s6 =	simm.s32 @!p1 $0x1082;
	[sflag:s4] =	ssyncset.s32 $0xFFFFF086  }
0x25: {  	[simem:s6], [sflag:s4] =	dma.local [hbm:s3], $0xF7A  }
0x26: {  	[smem:$0x3F8F] =	sst s1;
	(tag) =	ssettag s2;
	_ =	strace s9  }
0x27: {  	s1 =	sld [smem:$0x3F9F]  }
0x28: {  	s2 =	sld [smem:$0x3FA0]  }
0x29: {  	s4 =	sld [smem:$0x3FA2]  }
0x2a: {  	p0 =	seq.s32 s5, $0x0;
	s5 =	sld [smem:$0x3FA3]  }
0x2b: {  	s6 =	sld [smem:$0x3FA4]  }
0x2c: {  	s7 =	sld [smem:$0x3FA5]  }
0x2d: {  	s3 =	simm.s32 $0x108;
	s8 =	sld [smem:$0x3FA6]  }
0x2e: {  	s3 =	simm.s32 @!p0 $0x1082;
	s9 =	sld [smem:$0x3FA7]  }
0x2f: {  	lr =	sadd.s32 s0, s3;
	s0 =	sld [smem:$0x3F9E]  }
0x30: {  	s3 =	sld [smem:$0x3FA1]  }
0x31: {  	[smem:$0x3FAA] =	sst s10  }
0x32: {  	s10 =	sld [smem:$0x3FA8];
	_ =	sdelay $0x3  }
0x33: {  	p0 =	seq.s32 s10, $0x1;
	s10 =	sld [smem:$0x3FAA];
	_ =	sdelay $0x3  }
0x34: {  	[smem:$0x3FAA] =	sst s10  }
0x35: {  	s10 =	sld [smem:$0x3FA9];
	_ =	sdelay $0x3  }
0x36: {  	p1 =	seq.s32 s10, $0x1;
	s10 =	sld [smem:$0x3FAA];
	_ =	sdelay $0x3  }
0x37: {  	[smem:$0x3FAA] =	sst s10  }
0x38: {  	s10 =	sld [smem:$0x3FAB]  }
0x39: {  	_ = 	snop;
	(pc) =	sbr.ind lr, $3  }
0x3a: {  	_ = 	snop  }
0x3b: {  	_ = 	snop  }
0x3c: {  	p2 =	seq.s32 s10, $0x1;
	s10 =	sld [smem:$0x3FAA]  }
0x3d: {  	_ =	shalt  }
0x3e: {  	_ =	shalt  }
0x3f: {  	_ =	shalt  }
0x40: {  	_ =	shalt  }
0x41: {  	_ =	shalt  }
0x42: {  	_ =	shalt  }
0x43: {  	_ =	shalt  }
0x44: {  	_ =	shalt  }
0x45: {  	_ =	shalt  }
0x46: {  	_ =	shalt  }
0x47: {  	_ =	shalt  }
0x48: {  	_ =	shalt  }
0x49: {  	_ =	shalt  }
0x4a: {  	_ =	shalt  }
0x4b: {  	_ =	shalt  }
0x4c: {  	_ =	shalt  }
0x4d: {  	_ =	shalt  }
0x4e: {  	_ =	shalt  }
0x4f: {  	_ =	shalt  }
0x50: {  	_ =	shalt  }
0x51: {  	_ =	shalt  }
0x52: {  	_ =	shalt  }
0x53: {  	_ =	shalt  }
0x54: {  	_ =	shalt  }
0x55: {  	_ =	shalt  }
0x56: {  	_ =	shalt  }
0x57: {  	_ =	shalt  }
0x58: {  	_ =	shalt  }
0x59: {  	_ =	shalt  }
0x5a: {  	_ =	shalt  }
0x5b: {  	_ =	shalt  }
0x5c: {  	_ =	shalt  }
0x5d: {  	_ =	shalt  }
0x5e: {  	_ =	shalt  }
0x5f: {  	_ =	shalt  }
0x60: {  	_ =	shalt  }
0x61: {  	_ =	shalt  }
0x62: {  	_ =	shalt  }
0x63: {  	_ =	shalt  }
0x64: {  	_ =	shalt  }
0x65: {  	_ =	shalt  }
0x66: {  	_ =	shalt  }
0x67: {  	_ =	shalt  }
0x68: {  	_ =	shalt  }
0x69: {  	_ =	shalt  }
0x6a: {  	_ =	shalt  }
0x6b: {  	_ =	shalt  }
0x6c: {  	_ =	shalt  }
0x6d: {  	_ =	shalt  }
0x6e: {  	_ =	shalt  }
0x6f: {  	_ =	shalt  }
0x70: {  	_ =	shalt  }
0x71: {  	_ =	shalt  }
0x72: {  	_ =	shalt  }
0x73: {  	_ =	shalt  }
0x74: {  	_ =	shalt  }
0x75: {  	_ =	shalt  }
0x76: {  	_ =	shalt  }
0x77: {  	_ =	shalt  }
0x78: {  	_ =	shalt  }
0x79: {  	_ =	shalt  }
0x7a: {  	_ =	shalt  }
0x7b: {  	_ =	shalt  }
0x7c: {  	_ =	shalt  }
0x7d: {  	_ =	shalt  }
0x7e: {  	_ =	shalt  }
0x7f: {  	_ =	shalt  }
0x80: {  	_ =	shalt  }
0x81: {  	_ =	shalt  }
0x82: {  	_ =	shalt  }
0x83: {  	_ =	shalt  }
0x84: {  	_ =	shalt  }
0x85: {  	_ =	shalt  }
0x86: {  	_ =	shalt  }
0x87: {  	_ =	shalt  }
.Lfunc_end0:
.L_simem_size_0:
called_computation.1_lowered:
.L_overlay_start_0:
0x88: {  	s2 =	sld [smem:$0x3FD9]  }
0x89: {  	s3 =	sld [smem:$0x3FFE];
	_ =	sdelay $0x1  }
0x8a: {  	s1 =	srdreg.scid  }
0x8b: {  	s0 =	sand.u32 $0x1, s1  }
0x8c: {  	s17 =	sshll.u32 s0, $0xA;
	s2 =	sadd.s32 s3, s2  }
0x8d: {  	s2 =	sadd.s32 s2, s17  }
0x8e: {  	[smem:$0x3FB6] =	sst s2  }
0x8f: {  	_ = 	snop  }
0x90: {  	s2 =	sld [smem:$0x3FD0];
	(tm) =	ssettm $0x1  }
0x91: {  	s18 =	sld [smem:$0x3FFB];
	_ =	sdelay $0x3  }
0x92: {  	_ =	strace s18  }
0x93: {  	s3 =	sld [smem:$0x3FFC];
	_ =	sdelay $0x3  }
0x94: {  	_ =	strace s3  }
0x95: {  	s3 =	sld [smem:$0x3FFD];
	_ =	sdelay $0x3  }
0x96: {  	_ =	strace s3  }
0x97: {  	_ =	strace $0x8FFFFFFF  }
0x98: {  	s19 =	sld [smem:$0x3FDB];
	_ =	sdelay $0x1  }
0x99: {  	s4 =	simm.s32 $_scs_section_size  }
0x9a: {  	s5 =	simm.s32 $_size__tile_overlayer_lowered;
	s6 =	simm.s32 $_tile_overlayer_lowered  }
0x9b: {  	s22 =	simm.s32 $0x1BFF;
	s21 =	sshll.u32 s6, $0x1;
	s3 =	sadd.s32 s4, s19  }
0x9c: {  	s7 =	simm.s32 $0x0;
	s20 =	sshll.u32 s5, $0x1;
	s5 =	sadd.s32 s21, s3  }
0x9d: {  	[timem:s7], [sflag:s22] =	dma.local [hbm:s5], s20  }
0x9e: {  	_ =	swait.ge [sflag:s22], s20  }
0x9f: {  	s4 =	ssub.s32 $0x0, s20;
	[sflag:s22] =	ssyncset.done $0x0  }
0xa0: {  	[sflag:s22] =	ssyncadd.s32 s4;
	_ =	sdelay $0x1  }
0xa1: {  	s23 =	simm.s32 $0x1B8B  }
0xa2: {  	_ =	swait.ge [sflag:s23], $0x1  }
0xa3: {  	[sflag:s23] =	ssyncset.done $0x0  }
0xa4: {  	s25 =	simm.s32 $0x1B8E;
	s24 =	sld [smem:$0x3FFE];
	[sflag:s23] =	ssyncadd.s32 $0xFFFFFFFF  }
0xa5: {  	s26 =	simm.s32 $execute0_lowered;
	[smem:$0x3FD2] =	sst s25  }
0xa6: {  	s5 =	sshll.u32 s26, $0x1;
	_ =	strace $0x80000049;
	[dreg:$0x1] =	wrdreg $0xFFFFFFFF  }
0xa7: {  	s28 =	simm.s32 $_size_execute0_lowered;
	s3 =	sadd.s32 s3, s5;
	[dreg:$0x0] =	wrdreg $0x0  }
0xa8: {  	s5 =	sshll.u32 s28, $0x1;
	[dreg:$0x2] =	wrdreg s3  }
0xa9: {  	[dreg:$0x3] =	wrdreg s5  }
0xaa: {  	[dreg:$0x4] =	wrdreg $0xC0  }
0xab: {  	_ =	task [dreg:s7], $0x5FFFF  }
0xac: {  	[dreg:$0x1] =	wrdreg $0xFFFFFFFF  }
0xad: {  	[dreg:$0x0] =	wrdreg $0x60  }
0xae: {  	[dreg:$0x2] =	wrdreg s2  }
0xaf: {  	[dreg:$0x3] =	wrdreg s24  }
0xb0: {  	[dreg:$0x4] =	wrdreg $0x0  }
0xb1: {  	[dreg:$0x5] =	wrdreg $0x9  }
0xb2: {  	_ =	task.clear_ibuf [dreg:s7], $0x6FFFF;
	_ =	strace $0x90000049  }
0xb3: {  	s29 =	simm.s32 $0x9;
	_ =	strace $0x8000004B  }
0xb4: {  	_ =	swait.ge [sflag:s29], $0x1  }
0xb5: {  	[sflag:s29] =	ssyncadd.s32 $0xFFFFFFFF  }
0xb6: {  	_ =	strace $0x9000004B  }
0xb7: {  	_ =	sfence  }
0xb8: {  	s30 =	sld [smem:$0x0];
	_ =	sdelay $0x2  }
0xb9: {  	s31 =	sshll.u32 s1, $0xD;
	s1 =	sshrl.u32 s1, $0x2  }
0xba: {  	s3 =	sand.u32 $0x4000, s31;
	s1 =	sadd.s32 s1, s30  }
0xbb: {  	s0 =	sor.u32 s3, s0;
	s1 =	sshll.u32 s1, $0x11  }
0xbc: {  	s0 =	sor.u32 s1, s0  }
0xbd: {  	s0 =	sadd.s32 $0x8F2B, s0  }
0xbe: {  	[sflag:s0] =	ssyncadd.remote.s32 $0x1  }
0xbf: {  	_ =	sfence.sel $0xFFFF  }
0xc0: {  	[dreg:$0x0] =	wrdreg $0xFFFFFFFF;
	(pc) =	sbr.abs _section_cstart, $3  }
0xc1: {  	[dreg:$0x1] =	wrdreg $0xFFFFFFFF  }
0xc2: {  	_ =	task.clear_ibuf [dreg:s7], $0x2FFFF;
	_ =	strace $0x9FFFFFFF  }
0xc3: {  	(tm) =	ssettm $0x7FFFFFFF  }
tec
execute0_lowered:
.L_overlay_start_1:
0x0: {  	(tag) =	ssettag $0x1  }
0x1: {  	s1 =	rddreg [dreg:$0x0]  }
0x2: {  	s0 =	rddreg [dreg:$0x1]  }
0x3: {  	s3 =	rddreg [dreg:$0x2];
	s4 =	simm.s32 $0x0;
	s11 =	stileid.u32  }
0x4: {  	s2 =	srdreg.scid;
	s30 =	simm.s32 $0x19000;
	s31 =	simm.s32 $0xA  }
0x5: {  	s29 =	simm.s32 $0x2;
	s12 =	simm.s32 $0x6;
	[smem:$0x7FF] =	sst s4  }
0x6: {  	s6 =	smul.u32 $0x14000, s11;
	s2 =	sand.u32 $0x1, s2;
	s5 =	sadd.s32 $0x4E00, s0  }
0x7: {  	s9 =	sshll.u32 s11, $0xF;
	s11 =	smul.u32 $0x50000, s11;
	_ =	strace $0x8000004A  }
0x8: {  	s7 =	smul.u32 $0x140000, s2;
	s10 =	sshll.u32 s2, $0xE;
	s2 =	ssub.s32 $0x2, s2  }
0x9: {  	s8 =	sshrl.u32 s6, $0x3;
	s19 =	sshrl.u32 s2, $0x1;
	s23 =	sshrl.u32 s11, $0x2  }
0xa: {  	s11 =	simm.s32 $0x4;
	s8 =	sadd.s32 s8, s0;
	s7 =	sadd.s32 s6, s7  }
0xb: {  	s6 =	sor.u32 s10, s9;
	s2 =	ssub.s32 s2, s19;
	s25 =	sadd.s32 s23, s3  }
0xc: {  	s23 =	simm.s32 $0x14000;
	s9 =	simm.s32 $0x3;
	s10 =	simm.s32 $0x1BC00  }
0xd: {  	s17 =	sshrl.u32 s7, $0x3;
	[dreg:$0xa] =	wrdreg s25;
	s26 =	sadd.s32 $0x14E00, s8  }
0xe: {  	s18 =	sshrl.u32 s6, $0x3;
	s28 =	smax.u32 s2, $0x1;
	[dreg:$0xb] =	wrdreg s26  }
0xf: {  	s25 =	simm.s32 $0x1BA00;
	s7 =	sadd.s32 s5, s18;
	[dreg:$0xd] =	wrdreg s28  }
0x10: {  	s2 =	simm.s32 $0x1BB00;
	s20 =	sadd.s32 $0x10, s7;
	[dreg:$0x4] =	wrdreg s7  }
0x11: {  	s8 =	simm.s32 $0x1BB80;
	s21 =	sadd.s32 $0x20, s7;
	[dreg:$0x5] =	wrdreg s20  }
0x12: {  	s0 =	sadd.s32 s17, s0;
	s22 =	sadd.s32 $0x30, s7;
	[dreg:$0x6] =	wrdreg s21  }
0x13: {  	s26 =	simm.s32 $0x16800;
	s24 =	sadd.s32 $0x40, s7;
	[dreg:$0x7] =	wrdreg s22  }
0x14: {  	s17 =	simm.s32 $0x5;
	s7 =	sadd.s32 $0x50, s7;
	[dreg:$0x8] =	wrdreg s24  }
0x15: {  	s18 =	simm.s32 $0x0;
	s0 =	sadd.s32 $0x3CE00, s0;
	[dreg:$0x9] =	wrdreg s7  }
0x16: {  	[dreg:$0xc] =	wrdreg s0;
	s20 =	simm.s32 $0x7;
	s21 =	simm.s32 $0x50  }
0x17: {  	s22 =	simm.s32 $0x1B980;
	s24 =	simm.s32 $0x8;
	s0 =	simm.s32 $0x1  }
.LBB2_1:
0x18: {  	s7 =	rddreg [dreg:$0x4];
	s13 =	simm.s32 $0x1B800  }
0x19: {  	[tilespmem:s13], [sflag:$0x7] =	stream.linear.gather [hbm4b:s7+s4], $0x80, $0x38;
	[tilespmem:$0x1BC80] =	vst v63  }
0x1a: {  	s19 =	rddreg [dreg:$0x5];
	s14 =	simm.s32 $0x1B880  }
0x1b: {  	[tilespmem:s14], [sflag:$0x8] =	stream.linear.gather [hbm4b:s19+s4], $0x80, $0x38;
	[tilespmem:$0x1BC80] =	vst v63  }
0x1c: {  	s28 =	rddreg [dreg:$0x6];
	s15 =	simm.s32 $0x1B900  }
0x1d: {  	[tilespmem:s15], [sflag:$0x9] =	stream.linear.gather [hbm4b:s28+s4], $0x80, $0x38;
	[tilespmem:$0x1BC80] =	vst v63  }
0x1e: {  	_ =	swait.ge [sflag:s20], $0x80  }
0x1f: {  	[sflag:s20] =	ssyncset.done $0x0  }
0x20: {  	[sflag:s20] =	ssyncadd.s32 $0xFFFFFF80  }
0x21: {  	v0 =	vld [tilespmem:$0x1B800];
	_ =	sdelay $0x1  }
0x22: {  	v1 =	vld [tilespmem:$0x1B810];
	_ =	sdelay $0x1  }
0x23: {  	v2 =	vld [tilespmem:$0x1B820]  }
0x24: {  	v3 =	vand.u32 $0xFFFF, v0  }
0x25: {  	v26 =	vld [tilespmem:$0x1B830];
	v0 =	vshra.s32 v0, $0x10;
	[tilespmem:$0x1B980] =	vst v3  }
0x26: {  	v27 =	vand.u32 $0xFFFF, v1;
	[tilespmem:$0x1BB00] =	vst v0  }
0x27: {  	v29 =	vld [tilespmem:$0x1B840];
	v28 =	vshra.s32 v1, $0x10;
	[tilespmem:$0x1B990] =	vst v27  }
0x28: {  	v30 =	vand.u32 $0xFFFF, v2;
	[tilespmem:$0x1BB10] =	vst v28  }
0x29: {  	v31 =	vshra.s32 v2, $0x10;
	[tilespmem:$0x1B9A0] =	vst v30  }
0x2a: {  	v32 =	vand.u32 $0xFFFF, v26;
	[tilespmem:$0x1BB20] =	vst v31  }
0x2b: {  	v33 =	vshra.s32 v26, $0x10;
	[tilespmem:$0x1B9B0] =	vst v32  }
0x2c: {  	v34 =	vand.u32 $0xFFFF, v29;
	[tilespmem:$0x1BB30] =	vst v33  }
0x2d: {  	v35 =	vshra.s32 v29, $0x10;
	[tilespmem:$0x1B9C0] =	vst v34  }
0x2e: {  	[tilespmem:$0x1BB40] =	vst v35  }
0x2f: {  	[tilespmem:s23], [sflag:$0x1] =	stream.indirect.gather [hbm4b:s1+s21], $0x80, s22, s21, $0xb8;
	[tilespmem:$0x1BC80] =	vst v63  }
0x30: {  	s16 =	rddreg [dreg:$0x7]  }
0x31: {  	[tilespmem:s13], [sflag:$0x7] =	stream.linear.gather [hbm4b:s16+s4], $0x80, $0x38;
	[tilespmem:$0x1BC80] =	vst v63  }
0x32: {  	_ =	swait.ge [sflag:s24], $0x80  }
0x33: {  	[sflag:s24] =	ssyncset.done $0x0  }
0x34: {  	[sflag:s24] =	ssyncadd.s32 $0xFFFFFF80  }
0x35: {  	v36 =	vld [tilespmem:$0x1B880];
	_ =	sdelay $0x1  }
0x36: {  	v37 =	vld [tilespmem:$0x1B890];
	_ =	sdelay $0x1  }
0x37: {  	v38 =	vld [tilespmem:$0x1B8A0]  }
0x38: {  	v39 =	vand.u32 $0xFFFF, v36  }
0x39: {  	v40 =	vld [tilespmem:$0x1B8B0];
	v0 =	vshra.s32 v36, $0x10;
	[tilespmem:$0x1BA00] =	vst v39  }
0x3a: {  	v41 =	vand.u32 $0xFFFF, v37;
	[tilespmem:$0x1BB80] =	vst v0  }
0x3b: {  	v43 =	vld [tilespmem:$0x1B8C0];
	v42 =	vshra.s32 v37, $0x10;
	[tilespmem:$0x1BA10] =	vst v41  }
0x3c: {  	v44 =	vand.u32 $0xFFFF, v38;
	[tilespmem:$0x1BB90] =	vst v42  }
0x3d: {  	v45 =	vshra.s32 v38, $0x10;
	[tilespmem:$0x1BA20] =	vst v44  }
0x3e: {  	v46 =	vand.u32 $0xFFFF, v40;
	[tilespmem:$0x1BBA0] =	vst v45  }
0x3f: {  	v47 =	vshra.s32 v40, $0x10;
	[tilespmem:$0x1BA30] =	vst v46  }
0x40: {  	v48 =	vand.u32 $0xFFFF, v43;
	[tilespmem:$0x1BBB0] =	vst v47  }
0x41: {  	v49 =	vshra.s32 v43, $0x10;
	[tilespmem:$0x1BA40] =	vst v48  }
0x42: {  	[tilespmem:$0x1BBC0] =	vst v49  }
0x43: {  	[tilespmem:s26], [sflag:$0x2] =	stream.indirect.gather [hbm4b:s1+s21], $0x80, s25, s21, $0xb8;
	[tilespmem:$0x1BC80] =	vst v63  }
0x44: {  	s28 =	simm.s32 $0x9;
	s19 =	rddreg [dreg:$0x8]  }
0x45: {  	[tilespmem:s14], [sflag:$0x8] =	stream.linear.gather [hbm4b:s19+s4], $0x80, $0x38;
	[tilespmem:$0x1BC80] =	vst v63  }
0x46: {  	_ =	swait.ge [sflag:s28], $0x80  }
0x47: {  	[sflag:s28] =	ssyncset.done $0x0  }
0x48: {  	[sflag:s28] =	ssyncadd.s32 $0xFFFFFF80  }
0x49: {  	v50 =	vld [tilespmem:$0x1B900];
	_ =	sdelay $0x1  }
0x4a: {  	v51 =	vld [tilespmem:$0x1B910];
	_ =	sdelay $0x1  }
0x4b: {  	v52 =	vld [tilespmem:$0x1B920]  }
0x4c: {  	v53 =	vand.u32 $0xFFFF, v50  }
0x4d: {  	v54 =	vld [tilespmem:$0x1B930];
	v0 =	vshra.s32 v50, $0x10;
	[tilespmem:$0x1BA80] =	vst v53  }
0x4e: {  	v55 =	vand.u32 $0xFFFF, v51;
	[tilespmem:$0x1BC00] =	vst v0  }
0x4f: {  	v57 =	vld [tilespmem:$0x1B940];
	v56 =	vshra.s32 v51, $0x10;
	[tilespmem:$0x1BA90] =	vst v55  }
0x50: {  	v58 =	vand.u32 $0xFFFF, v52;
	[tilespmem:$0x1BC10] =	vst v56  }
0x51: {  	v59 =	vshra.s32 v52, $0x10;
	[tilespmem:$0x1BAA0] =	vst v58  }
0x52: {  	v60 =	vand.u32 $0xFFFF, v54;
	[tilespmem:$0x1BC20] =	vst v59  }
0x53: {  	v61 =	vshra.s32 v54, $0x10;
	[tilespmem:$0x1BAB0] =	vst v60  }
0x54: {  	v62 =	vand.u32 $0xFFFF, v57;
	[tilespmem:$0x1BC30] =	vst v61  }
0x55: {  	v63 =	vshra.s32 v57, $0x10;
	[tilespmem:$0x1BAC0] =	vst v62  }
0x56: {  	s13 =	simm.s32 $0x1BA80;
	[tilespmem:$0x1BC40] =	vst v63  }
0x57: {  	[tilespmem:s30], [sflag:$0x3] =	stream.indirect.gather [hbm4b:s1+s21], $0x80, s13, s21, $0xb8;
	[tilespmem:$0x1BC80] =	vst v63  }
0x58: {  	s14 =	rddreg [dreg:$0x9]  }
0x59: {  	[tilespmem:s15], [sflag:$0x9] =	stream.linear.gather [hbm4b:s14+s4], $0x80, $0x38;
	[tilespmem:$0x1BC80] =	vst v63  }
0x5a: {  	s15 =	stileid.u32  }
0x5b: {  	s19 =	rddreg [dreg:$0xa];
	s16 =	sshll.u32 s15, $0x6  }
0x5c: {  	s19 =	sshrl.u32 s19, $0x3;
	s28 =	rddreg [dreg:$0xb];
	s13 =	sor.u32 $0x1C0A, s16  }
0x5d: {  	[spmem:s19], [sflag:s13] =	dma.local [hbm:s28], $0x2800  }
0x5e: {  	_ =	swait.ge [sflag:s31], $0x2800  }
0x5f: {  	[sflag:s31] =	ssyncset.done $0x0  }
0x60: {  	[sflag:s31] =	ssyncadd.s32 $0xFFFFD800  }
0x61: {  	s14 =	simm.s32 $0x400;
	s15 =	simm.s32 $0x0;
	[bflag:$0x0] =	sbarrier.arrive $0xFFFF  }
.LBB2_2:
0x62: {  	_ =	swait.ge [sflag:s0], $0x2800  }
0x63: {  	[sflag:s0] =	ssyncset.done $0x0  }
0x64: {  	[sflag:s0] =	ssyncadd.s32 $0xFFFFD800  }
0x65: {  	[spmem:s3] =	stream.indirect.scatter.add.f32 [tilespmem:s23], [sflag:$0x4], $0x80, s2, s21, $0xb8;
	[tilespmem:$0x1BC80] =	vst v63  }
0x66: {  	_ =	swait.ge [sflag:s29], $0x2800  }
0x67: {  	[sflag:s29] =	ssyncset.done $0x0  }
0x68: {  	[sflag:s29] =	ssyncadd.s32 $0xFFFFD800  }
0x69: {  	[spmem:s3] =	stream.indirect.scatter.add.f32 [tilespmem:s26], [sflag:$0x5], $0x80, s8, s21, $0xb8;
	[tilespmem:$0x1BC80] =	vst v63  }
0x6a: {  	_ =	swait.ge [sflag:s9], $0x2800  }
0x6b: {  	[sflag:s9] =	ssyncset.done $0x0  }
0x6c: {  	[sflag:s9] =	ssyncadd.s32 $0xFFFFD800  }
0x6d: {  	[spmem:s3] =	stream.indirect.scatter.add.f32 [tilespmem:s30], [sflag:$0x6], $0x80, s10, s21, $0xb8;
	[tilespmem:$0x1BC80] =	vst v63  }
0x6e: {  	_ =	swait.ge [sflag:s11], $0x2800  }
0x6f: {  	[sflag:s11] =	ssyncset.done $0x0  }
0x70: {  	[sflag:s11] =	ssyncadd.s32 $0xFFFFD800  }
0x71: {  	_ =	swait.ge [sflag:s20], $0x80  }
0x72: {  	[sflag:s20] =	ssyncset.done $0x0  }
0x73: {  	[sflag:s20] =	ssyncadd.s32 $0xFFFFFF80  }
0x74: {  	v0 =	vld [tilespmem:$0x1B800];
	_ =	sdelay $0x1  }
0x75: {  	v1 =	vld [tilespmem:$0x1B810];
	_ =	sdelay $0x1  }
0x76: {  	v2 =	vld [tilespmem:$0x1B820]  }
0x77: {  	v3 =	vand.u32 $0xFFFF, v0  }
0x78: {  	v40 =	vld [tilespmem:$0x1B830];
	v0 =	vshra.s32 v0, $0x10;
	[tilespmem:$0x1B980] =	vst v3  }
0x79: {  	v41 =	vand.u32 $0xFFFF, v1;
	[tilespmem:$0x1BB00] =	vst v0  }
0x7a: {  	v43 =	vld [tilespmem:$0x1B840];
	v42 =	vshra.s32 v1, $0x10;
	[tilespmem:$0x1B990] =	vst v41  }
0x7b: {  	v44 =	vand.u32 $0xFFFF, v2;
	[tilespmem:$0x1BB10] =	vst v42  }
0x7c: {  	p0 =	seq.s32 s15, $0x28;
	v45 =	vshra.s32 v2, $0x10;
	[tilespmem:$0x1B9A0] =	vst v44  }
0x7d: {  	s16 =	sadd.s32 @!p0 $0xFFFFFF00, s14;
	v46 =	vand.u32 $0xFFFF, v40;
	[tilespmem:$0x1BB20] =	vst v45  }
0x7e: {  	s7 =	sand.u32 @!p0 $0xFC00, s16;
	v47 =	vshra.s32 v40, $0x10;
	[tilespmem:$0x1B9B0] =	vst v46  }
0x7f: {  	s16 =	sand.u32 @!p0 $0x380, s16;
	s7 =	sadd.s32 @!p0 s6, s7;
	v48 =	vand.u32 $0xFFFF, v43;
	[tilespmem:$0x1BB30] =	vst v47  }
0x80: {  	s7 =	sor.u32 @!p0 s16, s7;
	v49 =	vshra.s32 v43, $0x10;
	[tilespmem:$0x1B9C0] =	vst v48  }
0x81: {  	s7 =	sshrl.u32 @!p0 s7, $0x3;
	[tilespmem:$0x1BB40] =	vst v49  }
0x82: {  	[tilespmem:s23], [sflag:$0x1] =	stream.indirect.gather [hbm4b:s1+s21], $0x80, s22, s21, $0xb8;
	[tilespmem:$0x1BC80] =	vst v63  }
0x83: {  	s28 =	simm.s32 @!p0 $0x1B800;
	s16 =	simm.s32 @!p0 $0x0;
	s7 =	sadd.s32 @!p0 s5, s7  }
0x84: {  	[tilespmem:s28], [sflag:$0x7] =	stream.linear.gather @!p0 [hbm4b:s7+s16], $0x80, $0x38;
	[tilespmem:$0x1BC80] =	vst v63  }
0x85: {  	_ =	swait.ge [sflag:s17], $0x2800  }
0x86: {  	[sflag:s17] =	ssyncset.done $0x0  }
0x87: {  	[sflag:s17] =	ssyncadd.s32 $0xFFFFD800  }
0x88: {  	_ =	swait.ge [sflag:s24], $0x80  }
0x89: {  	[sflag:s24] =	ssyncset.done $0x0  }
0x8a: {  	[sflag:s24] =	ssyncadd.s32 $0xFFFFFF80  }
0x8b: {  	v50 =	vld [tilespmem:$0x1B880];
	_ =	sdelay $0x1  }
0x8c: {  	v51 =	vld [tilespmem:$0x1B890];
	_ =	sdelay $0x1  }
0x8d: {  	v52 =	vld [tilespmem:$0x1B8A0]  }
0x8e: {  	v53 =	vand.u32 $0xFFFF, v50  }
0x8f: {  	v54 =	vld [tilespmem:$0x1B8B0];
	v0 =	vshra.s32 v50, $0x10;
	[tilespmem:$0x1BA00] =	vst v53  }
0x90: {  	v55 =	vand.u32 $0xFFFF, v51;
	[tilespmem:$0x1BB80] =	vst v0  }
0x91: {  	v57 =	vld [tilespmem:$0x1B8C0];
	v56 =	vshra.s32 v51, $0x10;
	[tilespmem:$0x1BA10] =	vst v55  }
0x92: {  	v58 =	vand.u32 $0xFFFF, v52;
	[tilespmem:$0x1BB90] =	vst v56  }
0x93: {  	v59 =	vshra.s32 v52, $0x10;
	[tilespmem:$0x1BA20] =	vst v58  }
0x94: {  	s7 =	sadd.s32 @!p0 $0xFFFFFF80, s14;
	v60 =	vand.u32 $0xFFFF, v54;
	[tilespmem:$0x1BBA0] =	vst v59  }
0x95: {  	s28 =	sand.u32 @!p0 $0xFC00, s7;
	v61 =	vshra.s32 v54, $0x10;
	[tilespmem:$0x1BA30] =	vst v60  }
0x96: {  	s7 =	sand.u32 @!p0 $0x380, s7;
	s28 =	sadd.s32 @!p0 s6, s28;
	v62 =	vand.u32 $0xFFFF, v57;
	[tilespmem:$0x1BBB0] =	vst v61  }
0x97: {  	s7 =	sor.u32 @!p0 s7, s28;
	v63 =	vshra.s32 v57, $0x10;
	[tilespmem:$0x1BA40] =	vst v62  }
0x98: {  	s7 =	sshrl.u32 @!p0 s7, $0x3;
	[tilespmem:$0x1BBC0] =	vst v63  }
0x99: {  	[tilespmem:s26], [sflag:$0x2] =	stream.indirect.gather [hbm4b:s1+s21], $0x80, s25, s21, $0xb8;
	[tilespmem:$0x1BC80] =	vst v63  }
0x9a: {  	s28 =	simm.s32 @!p0 $0x1B880;
	s7 =	sadd.s32 @!p0 s5, s7  }
0x9b: {  	[tilespmem:s28], [sflag:$0x8] =	stream.linear.gather @!p0 [hbm4b:s7+s16], $0x80, $0x38;
	[tilespmem:$0x1BC80] =	vst v63  }
0x9c: {  	s7 =	simm.s32 @!p0 $0x6  }
0x9d: {  	_ =	swait.ge @!p0 [sflag:s7], $0x2800  }
0x9e: {  	[sflag:s7] =	ssyncset.done @!p0 $0x0  }
0x9f: {  	[sflag:s7] =	ssyncadd.s32 @!p0 $0xFFFFD800;
	s7 =	simm.s32 @!p0 $0x9  }
0xa0: {  	_ =	swait.ge @!p0 [sflag:s7], $0x80  }
0xa1: {  	[sflag:s7] =	ssyncset.done @!p0 $0x0  }
0xa2: {  	[sflag:s7] =	ssyncadd.s32 @!p0 $0xFFFFFF80  }
0xa3: {  	v0 =	vld @!p0 [tilespmem:$0x1B900];
	_ =	sdelay $0x1  }
0xa4: {  	v1 =	vld @!p0 [tilespmem:$0x1B910];
	_ =	sdelay $0x1  }
0xa5: {  	v2 =	vld @!p0 [tilespmem:$0x1B920]  }
0xa6: {  	v3 =	vand.u32 @!p0 $0xFFFF, v0  }
0xa7: {  	v0 =	vshra.s32 @!p0 v0, $0x10;
	[tilespmem:$0x1BA80] =	vst @!p0 v3;
	v3 =	vld @!p0 [tilespmem:$0x1B930]  }
0xa8: {  	[tilespmem:$0x1BC00] =	vst @!p0 v0;
	v0 =	vand.u32 @!p0 $0xFFFF, v1  }
0xa9: {  	[tilespmem:$0x1BA90] =	vst @!p0 v0;
	v0 =	vshra.s32 @!p0 v1, $0x10;
	v1 =	vld @!p0 [tilespmem:$0x1B940]  }
0xaa: {  	[tilespmem:$0x1BC10] =	vst @!p0 v0;
	v0 =	vand.u32 @!p0 $0xFFFF, v2  }
0xab: {  	[tilespmem:$0x1BAA0] =	vst @!p0 v0;
	v0 =	vshra.s32 @!p0 v2, $0x10  }
0xac: {  	[tilespmem:$0x1BC20] =	vst @!p0 v0;
	v0 =	vand.u32 @!p0 $0xFFFF, v3  }
0xad: {  	[tilespmem:$0x1BAB0] =	vst @!p0 v0;
	v0 =	vshra.s32 @!p0 v3, $0x10  }
0xae: {  	p1 =	sgt.u32 @!p0 s15, $0x26;
	[tilespmem:$0x1BC30] =	vst @!p0 v0;
	v0 =	vand.u32 @!p0 $0xFFFF, v1  }
0xaf: {  	p1 =	por p1, p0;
	[tilespmem:$0x1BAC0] =	vst @!p0 v0;
	v0 =	vshra.s32 @!p0 v1, $0x10  }
0xb0: {  	s16 =	simm.s32 @!p0 $0x1BA80;
	s28 =	simm.s32 @!p0 $0x19000;
	s7 =	simm.s32 @!p0 $0x50;
	[tilespmem:$0x1BC40] =	vst @!p0 v0  }
0xb1: {  	[tilespmem:s28], [sflag:$0x3] =	stream.indirect.gather @!p0 [hbm4b:s1+s7], $0x80, s16, s7, $0xb8;
	[tilespmem:$0x1BC80] =	vst v63  }
0xb2: {  	s7 =	sadd.s32 @!p0 $0xFFFFFC00, s14;
	s16 =	sand.u32 @!p1 $0xFC00, s14  }
0xb3: {  	s16 =	sadd.s32 @!p1 s6, s16;
	s7 =	sand.u32 @!p1 $0x380, s7  }
0xb4: {  	s7 =	sor.u32 @!p1 s7, s16  }
0xb5: {  	s15 =	sadd.s32 @!p0 $0x1, s15;
	s7 =	sshrl.u32 @!p1 s7, $0x3  }
0xb6: {  	s28 =	simm.s32 @!p1 $0x1B900;
	s16 =	simm.s32 @!p1 $0x0;
	s7 =	sadd.s32 @!p1 s5, s7  }
0xb7: {  	[tilespmem:s28], [sflag:$0x9] =	stream.linear.gather @!p1 [hbm4b:s7+s16], $0x80, $0x38;
	[tilespmem:$0x1BC80] =	vst v63  }
0xb8: {  	p1 =	sne.s32 @!p0 s15, $0x29  }
0xb9: {  	p1 =	por p0, !p1  }
.Ltmp0:
0xba: {  	_ = 	snop;
	(pc) =	sbr.rel @!p1 .LBB2_2-.Ltmp0, $2  }
0xbb: {  	_ =	sdelay $0x2  }
0xbc: {  	s14 =	sadd.s32 @!p0 $0x180, s14  }
0xbd: {  	_ =	swait.ge [sflag:s0], $0x2800  }
0xbe: {  	[sflag:s0] =	ssyncset.done $0x0  }
0xbf: {  	[sflag:s0] =	ssyncadd.s32 $0xFFFFD800  }
0xc0: {  	[spmem:s3] =	stream.indirect.scatter.add.f32 [tilespmem:s23], [sflag:$0x4], $0x80, s2, s21, $0xb8;
	[tilespmem:$0x1BC80] =	vst v63  }
0xc1: {  	_ =	swait.ge [sflag:s29], $0x2800  }
0xc2: {  	[sflag:s29] =	ssyncset.done $0x0  }
0xc3: {  	[sflag:s29] =	ssyncadd.s32 $0xFFFFD800  }
0xc4: {  	[spmem:s3] =	stream.indirect.scatter.add.f32 [tilespmem:s26], [sflag:$0x5], $0x80, s8, s21, $0xb8;
	[tilespmem:$0x1BC80] =	vst v63  }
0xc5: {  	_ =	swait.ge [sflag:s11], $0x2800  }
0xc6: {  	[sflag:s11] =	ssyncset.done $0x0  }
0xc7: {  	[sflag:s11] =	ssyncadd.s32 $0xFFFFD800  }
0xc8: {  	_ =	swait.ge [sflag:s17], $0x2800  }
0xc9: {  	[sflag:s17] =	ssyncset.done $0x0  }
0xca: {  	[sflag:s17] =	ssyncadd.s32 $0xFFFFD800  }
0xcb: {  	_ =	swait.ge [sflag:s12], $0x2800  }
0xcc: {  	[sflag:s12] =	ssyncset.done $0x0  }
0xcd: {  	[sflag:s12] =	ssyncadd.s32 $0xFFFFD800  }
0xce: {  	[bflag:$0x0] =	sbarrier.arrive $0xFFFF  }
0xcf: {  	s7 =	rddreg [dreg:$0xc]  }
0xd0: {  	[hbm:s7], [sflag:s13] =	dma.local [spmem:s19], $0x2800  }
0xd1: {  	_ =	swait.ge [sflag:s31], $0x2800  }
0xd2: {  	s18 =	sadd.s32 $0x1, s18;
	s28 =	rddreg [dreg:$0xd]  }
0xd3: {  	p0 =	sne.s32 s18, s28  }
.Ltmp1:
0xd4: {  	_ = 	snop;
	(pc) =	sbr.rel @p0 .LBB2_1-.Ltmp1, $3  }
0xd5: {  	_ =	sdelay $0x1  }
0xd6: {  	[sflag:s31] =	ssyncset.done $0x0  }
0xd7: {  	[sflag:s31] =	ssyncadd.s32 $0xFFFFD800  }
0xd8: {  	_ =	sfence.sel $0x180000  }
0xd9: {  	[bflag:$0x0] =	sbarrier.arrive $0xFFFF  }
0xda: {  	_ =	strace $0x9000004A  }
0xdb: {  	s0 =	stileid.u32;
	[bflag:$0x2] =	sbarrier.arrive $0xFFFF  }
0xdc: {  	p0 =	sne.s32 s0, $0x0;
	s0 =	rddreg [dreg:$0x3]  }
0xdd: {  	s0 =	sadd.s32 @!p0 $0x100000, s0  }
0xde: {  	[sflag:s0] =	ssyncadd.tile.s32 @!p0 $0x1;
	_ =	shalt  }
.Lfunc_end2:
_tile_overlayer_lowered:
.L_overlay_start_2:
0xdf: {  	(tag) =	ssettag $0x2  }
0xe0: {  	s0 =	rddreg [dreg:$0x0];
	s2 =	stileid.u32  }
0xe1: {  	s1 =	rddreg [dreg:$0x1];
	p0 =	sne.s32 s2, $0x0  }
0xe2: {  	s3 =	rddreg [dreg:$0x2];
	[bflag:$0x3] =	sbarrier.arrive $0xFFFF;
	s2 =	simm.s32 @!p0 $0x1C0A  }
0xe3: {  	[timem:s3], [sflag:s2] =	dma.local @!p0 [hbm:s0], s1  }
0xe4: {  	s0 =	simm.s32 @!p0 $0xA  }
0xe5: {  	_ =	swait.ge @!p0 [sflag:s0], s1  }
0xe6: {  	s1 =	ssub.s32 @!p0 $0x0, s1;
	[sflag:s0] =	ssyncset.done @!p0 $0x0  }
0xe7: {  	[sflag:s0] =	ssyncadd.s32 @!p0 s1  }
0xe8: {  	[bflag:$0x3] =	sbarrier.arrive $0xFFFF  }
0xe9: {  	_ =	shalt  }

// kernel: kernel.18.cloned.1.call-start
scs
__scs_entry_jumppad:
0x0: {  	(pc) =	sbr.rel $0x88, $3  }
0x1: {  	(tag) =	ssettag $0x0;
	lr =	simm.s32 $0x1  }
0x2: {  	[smem:$0x3F8F] =	sst lr;
	_ =	strace $0xD0000000  }
0x3: {  	_ = 	snop  }
0x4: {  	_ = 	snop  }
0x5: {  	_ = 	snop  }
0x6: {  	_ = 	snop  }
0x7: {  	_ = 	snop  }
__scs_overlays_trampoline_lowered:
0x8: {  	[smem:$0x3F9E] =	sst s0  }
0x9: {  	[smem:$0x3F9F] =	sst s1  }
0xa: {  	[smem:$0x3FA0] =	sst s2  }
0xb: {  	[smem:$0x3FA1] =	sst s3  }
0xc: {  	[smem:$0x3FA2] =	sst s4  }
0xd: {  	[smem:$0x3FA3] =	sst s5  }
0xe: {  	[smem:$0x3FA4] =	sst s6  }
0xf: {  	[smem:$0x3FA5] =	sst s7  }
0x10: {  	[smem:$0x3FA6] =	sst s8  }
0x11: {  	[smem:$0x3FA7] =	sst s9;
	s0 =	simm.s32 @!p0 $0x0  }
0x12: {  	s1 =	sld [smem:$0x3F8D];
	s0 =	simm.s32 @p0 $0x1  }
0x13: {  	[smem:$0x3FA8] =	sst s0;
	s0 =	simm.s32 @!p1 $0x0  }
0x14: {  	s2 =	sld [smem:$0x3F8C];
	s0 =	simm.s32 @p1 $0x1  }
0x15: {  	[smem:$0x3FA9] =	sst s0;
	s0 =	simm.s32 @!p2 $0x0  }
0x16: {  	s3 =	sld [smem:$0x3FDB];
	s0 =	simm.s32 @p2 $0x1  }
0x17: {  	s4 =	simm.s32 $0x1BF5;
	[smem:$0x3FAB] =	sst s0  }
0x18: {  	s0 =	sld [smem:$0x3F8E];
	_ =	swait.ge [sflag:s4], $0x0  }
0x19: {  	s7 =	sld [smem:$0x3F8F]  }
0x1a: {  	s8 =	sadd.s32 $0xFFFFE003, lr  }
0x1b: {  	s9 =	sadd.s32 $0xFFFFFEF7, lr;
	s5 =	simm.s32 $0xFFFFFFFF;
	p2 =	slt.u32 s8, $0xFFFFF086  }
0x1c: {  	p1 =	slt.u32 s9, $0xF7A;
	s5 =	simm.s32 @!p2 $0x0  }
0x1d: {  	s5 =	simm.s32 @p1 $0x1;
	p0 =	seq.s32 s7, s2  }
0x1e: {  	s7 =	smul.u32 @!p0 $0xF7A, s2;
	p2 =	seq.s32 @!p0 s5, $0x0  }
0x1f: {  	s9 =	smul.u32 $0xF7A, s1;
	s8 =	simm.s32 @!p0 $0x1BF5;
	p2 =	por !p2, p0  }
0x20: {  	[sflag:s8] =	ssyncset.s32 @!p0 $0xFFFFF086;
	s6 =	sadd.s32 @!p0 s3, s7;
	s7 =	simm.s32 @!p0 $0x108  }
0x21: {  	s3 =	sadd.s32 s3, s9;
	s6 =	sadd.s32 @!p0 $0x88, s6;
	s7 =	simm.s32 @p2 $0x1082  }
0x22: {  	[simem:s7], [sflag:s8] =	dma.local @!p0 [hbm:s6], $0xF7A  }
0x23: {  	s9 =	sor.u32 $0xD0000000, s2;
	s6 =	simm.s32 $0x108;
	_ =	swait.ge @!p0 [sflag:s8], $0x0  }
0x24: {  	s3 =	sadd.s32 $0x88, s3;
	s6 =	simm.s32 @!p1 $0x1082;
	[sflag:s4] =	ssyncset.s32 $0xFFFFF086  }
0x25: {  	[simem:s6], [sflag:s4] =	dma.local [hbm:s3], $0xF7A  }
0x26: {  	[smem:$0x3F8F] =	sst s1;
	(tag) =	ssettag s2;
	_ =	strace s9  }
0x27: {  	s1 =	sld [smem:$0x3F9F]  }
0x28: {  	s2 =	sld [smem:$0x3FA0]  }
0x29: {  	s4 =	sld [smem:$0x3FA2]  }
0x2a: {  	p0 =	seq.s32 s5, $0x0;
	s5 =	sld [smem:$0x3FA3]  }
0x2b: {  	s6 =	sld [smem:$0x3FA4]  }
0x2c: {  	s7 =	sld [smem:$0x3FA5]  }
0x2d: {  	s3 =	simm.s32 $0x108;
	s8 =	sld [smem:$0x3FA6]  }
0x2e: {  	s3 =	simm.s32 @!p0 $0x1082;
	s9 =	sld [smem:$0x3FA7]  }
0x2f: {  	lr =	sadd.s32 s0, s3;
	s0 =	sld [smem:$0x3F9E]  }
0x30: {  	s3 =	sld [smem:$0x3FA1]  }
0x31: {  	[smem:$0x3FAA] =	sst s10  }
0x32: {  	s10 =	sld [smem:$0x3FA8];
	_ =	sdelay $0x3  }
0x33: {  	p0 =	seq.s32 s10, $0x1;
	s10 =	sld [smem:$0x3FAA];
	_ =	sdelay $0x3  }
0x34: {  	[smem:$0x3FAA] =	sst s10  }
0x35: {  	s10 =	sld [smem:$0x3FA9];
	_ =	sdelay $0x3  }
0x36: {  	p1 =	seq.s32 s10, $0x1;
	s10 =	sld [smem:$0x3FAA];
	_ =	sdelay $0x3  }
0x37: {  	[smem:$0x3FAA] =	sst s10  }
0x38: {  	s10 =	sld [smem:$0x3FAB]  }
0x39: {  	_ = 	snop;
	(pc) =	sbr.ind lr, $3  }
0x3a: {  	_ = 	snop  }
0x3b: {  	_ = 	snop  }
0x3c: {  	p2 =	seq.s32 s10, $0x1;
	s10 =	sld [smem:$0x3FAA]  }
0x3d: {  	_ =	shalt  }
0x3e: {  	_ =	shalt  }
0x3f: {  	_ =	shalt  }
0x40: {  	_ =	shalt  }
0x41: {  	_ =	shalt  }
0x42: {  	_ =	shalt  }
0x43: {  	_ =	shalt  }
0x44: {  	_ =	shalt  }
0x45: {  	_ =	shalt  }
0x46: {  	_ =	shalt  }
0x47: {  	_ =	shalt  }
0x48: {  	_ =	shalt  }
0x49: {  	_ =	shalt  }
0x4a: {  	_ =	shalt  }
0x4b: {  	_ =	shalt  }
0x4c: {  	_ =	shalt  }
0x4d: {  	_ =	shalt  }
0x4e: {  	_ =	shalt  }
0x4f: {  	_ =	shalt  }
0x50: {  	_ =	shalt  }
0x51: {  	_ =	shalt  }
0x52: {  	_ =	shalt  }
0x53: {  	_ =	shalt  }
0x54: {  	_ =	shalt  }
0x55: {  	_ =	shalt  }
0x56: {  	_ =	shalt  }
0x57: {  	_ =	shalt  }
0x58: {  	_ =	shalt  }
0x59: {  	_ =	shalt  }
0x5a: {  	_ =	shalt  }
0x5b: {  	_ =	shalt  }
0x5c: {  	_ =	shalt  }
0x5d: {  	_ =	shalt  }
0x5e: {  	_ =	shalt  }
0x5f: {  	_ =	shalt  }
0x60: {  	_ =	shalt  }
0x61: {  	_ =	shalt  }
0x62: {  	_ =	shalt  }
0x63: {  	_ =	shalt  }
0x64: {  	_ =	shalt  }
0x65: {  	_ =	shalt  }
0x66: {  	_ =	shalt  }
0x67: {  	_ =	shalt  }
0x68: {  	_ =	shalt  }
0x69: {  	_ =	shalt  }
0x6a: {  	_ =	shalt  }
0x6b: {  	_ =	shalt  }
0x6c: {  	_ =	shalt  }
0x6d: {  	_ =	shalt  }
0x6e: {  	_ =	shalt  }
0x6f: {  	_ =	shalt  }
0x70: {  	_ =	shalt  }
0x71: {  	_ =	shalt  }
0x72: {  	_ =	shalt  }
0x73: {  	_ =	shalt  }
0x74: {  	_ =	shalt  }
0x75: {  	_ =	shalt  }
0x76: {  	_ =	shalt  }
0x77: {  	_ =	shalt  }
0x78: {  	_ =	shalt  }
0x79: {  	_ =	shalt  }
0x7a: {  	_ =	shalt  }
0x7b: {  	_ =	shalt  }
0x7c: {  	_ =	shalt  }
0x7d: {  	_ =	shalt  }
0x7e: {  	_ =	shalt  }
0x7f: {  	_ =	shalt  }
0x80: {  	_ =	shalt  }
0x81: {  	_ =	shalt  }
0x82: {  	_ =	shalt  }
0x83: {  	_ =	shalt  }
0x84: {  	_ =	shalt  }
0x85: {  	_ =	shalt  }
0x86: {  	_ =	shalt  }
0x87: {  	_ =	shalt  }
.Lfunc_end0:
.L_simem_size_0:
called_computation.2_lowered:
.L_overlay_start_0:
0x88: {  	s2 =	sld [smem:$0x3FD9]  }
0x89: {  	s3 =	sld [smem:$0x3FFE];
	_ =	sdelay $0x1  }
0x8a: {  	s1 =	srdreg.scid  }
0x8b: {  	s0 =	sand.u32 $0x1, s1  }
0x8c: {  	s17 =	sshll.u32 s0, $0xA;
	s2 =	sadd.s32 s3, s2  }
0x8d: {  	s2 =	sadd.s32 s2, s17  }
0x8e: {  	[smem:$0x3FB6] =	sst s2  }
0x8f: {  	_ = 	snop  }
0x90: {  	s2 =	sld [smem:$0x3FD0];
	(tm) =	ssettm $0x1  }
0x91: {  	s18 =	sld [smem:$0x3FFB];
	_ =	sdelay $0x3  }
0x92: {  	_ =	strace s18  }
0x93: {  	s3 =	sld [smem:$0x3FFC];
	_ =	sdelay $0x3  }
0x94: {  	_ =	strace s3  }
0x95: {  	s3 =	sld [smem:$0x3FFD];
	_ =	sdelay $0x3  }
0x96: {  	_ =	strace s3  }
0x97: {  	_ =	strace $0x8FFFFFFF  }
0x98: {  	s19 =	sld [smem:$0x3FDB];
	_ =	sdelay $0x1  }
0x99: {  	s4 =	simm.s32 $_scs_section_size  }
0x9a: {  	s5 =	simm.s32 $_size__tile_overlayer_lowered;
	s6 =	simm.s32 $_tile_overlayer_lowered  }
0x9b: {  	s22 =	simm.s32 $0x1BFF;
	s21 =	sshll.u32 s6, $0x1;
	s3 =	sadd.s32 s4, s19  }
0x9c: {  	s7 =	simm.s32 $0x0;
	s20 =	sshll.u32 s5, $0x1;
	s5 =	sadd.s32 s21, s3  }
0x9d: {  	[timem:s7], [sflag:s22] =	dma.local [hbm:s5], s20  }
0x9e: {  	_ =	swait.ge [sflag:s22], s20  }
0x9f: {  	s4 =	ssub.s32 $0x0, s20;
	[sflag:s22] =	ssyncset.done $0x0  }
0xa0: {  	[sflag:s22] =	ssyncadd.s32 s4;
	_ =	sdelay $0x1  }
0xa1: {  	s23 =	simm.s32 $0x1B8B  }
0xa2: {  	_ =	swait.ge [sflag:s23], $0x1  }
0xa3: {  	[sflag:s23] =	ssyncset.done $0x0  }
0xa4: {  	s25 =	simm.s32 $0x1B8E;
	s24 =	sld [smem:$0x3FFE];
	[sflag:s23] =	ssyncadd.s32 $0xFFFFFFFF  }
0xa5: {  	s26 =	simm.s32 $execute0_lowered;
	[smem:$0x3FD2] =	sst s25  }
0xa6: {  	s5 =	sshll.u32 s26, $0x1;
	_ =	strace $0x8000004C;
	[dreg:$0x1] =	wrdreg $0xFFFFFFFF  }
0xa7: {  	s28 =	simm.s32 $_size_execute0_lowered;
	s3 =	sadd.s32 s3, s5;
	[dreg:$0x0] =	wrdreg $0x0  }
0xa8: {  	s5 =	sshll.u32 s28, $0x1;
	[dreg:$0x2] =	wrdreg s3  }
0xa9: {  	[dreg:$0x3] =	wrdreg s5  }
0xaa: {  	[dreg:$0x4] =	wrdreg $0xC0  }
0xab: {  	_ =	task [dreg:s7], $0x5FFFF  }
0xac: {  	[dreg:$0x1] =	wrdreg $0xFFFFFFFF  }
0xad: {  	[dreg:$0x0] =	wrdreg $0x60  }
0xae: {  	[dreg:$0x2] =	wrdreg s2  }
0xaf: {  	[dreg:$0x3] =	wrdreg s24  }
0xb0: {  	[dreg:$0x4] =	wrdreg $0x0  }
0xb1: {  	[dreg:$0x5] =	wrdreg $0x9  }
0xb2: {  	_ =	task.clear_ibuf [dreg:s7], $0x6FFFF;
	_ =	strace $0x9000004C  }
0xb3: {  	s29 =	simm.s32 $0x9;
	_ =	strace $0x8000004E  }
0xb4: {  	_ =	swait.ge [sflag:s29], $0x1  }
0xb5: {  	[sflag:s29] =	ssyncadd.s32 $0xFFFFFFFF  }
0xb6: {  	_ =	strace $0x9000004E  }
0xb7: {  	_ =	sfence  }
0xb8: {  	s30 =	sld [smem:$0x0];
	_ =	sdelay $0x2  }
0xb9: {  	s31 =	sshll.u32 s1, $0xD;
	s1 =	sshrl.u32 s1, $0x2  }
0xba: {  	s3 =	sand.u32 $0x4000, s31;
	s1 =	sadd.s32 s1, s30  }
0xbb: {  	s0 =	sor.u32 s3, s0;
	s1 =	sshll.u32 s1, $0x11  }
0xbc: {  	s0 =	sor.u32 s1, s0  }
0xbd: {  	s0 =	sadd.s32 $0x8F2B, s0  }
0xbe: {  	[sflag:s0] =	ssyncadd.remote.s32 $0x1  }
0xbf: {  	_ =	sfence.sel $0xFFFF  }
0xc0: {  	[dreg:$0x0] =	wrdreg $0xFFFFFFFF;
	(pc) =	sbr.abs _section_cstart, $3  }
0xc1: {  	[dreg:$0x1] =	wrdreg $0xFFFFFFFF  }
0xc2: {  	_ =	task.clear_ibuf [dreg:s7], $0x2FFFF;
	_ =	strace $0x9FFFFFFF  }
0xc3: {  	(tm) =	ssettm $0x7FFFFFFF  }
tec
execute0_lowered:
.L_overlay_start_1:
0x0: {  	(tag) =	ssettag $0x1  }
0x1: {  	s1 =	rddreg [dreg:$0x0]  }
0x2: {  	s0 =	rddreg [dreg:$0x1]  }
0x3: {  	s3 =	rddreg [dreg:$0x2];
	s4 =	simm.s32 $0x0;
	s11 =	stileid.u32  }
0x4: {  	s2 =	srdreg.scid;
	s30 =	simm.s32 $0x19000;
	s31 =	simm.s32 $0xA  }
0x5: {  	s29 =	simm.s32 $0x2;
	s12 =	simm.s32 $0x6;
	[smem:$0x7FF] =	sst s4  }
0x6: {  	s6 =	smul.u32 $0x14000, s11;
	s2 =	sand.u32 $0x1, s2;
	s5 =	sadd.s32 $0x4E00, s0  }
0x7: {  	s9 =	sshll.u32 s11, $0xF;
	s11 =	smul.u32 $0x50000, s11;
	_ =	strace $0x8000004D  }
0x8: {  	s7 =	smul.u32 $0x140000, s2;
	s10 =	sshll.u32 s2, $0xE;
	s2 =	ssub.s32 $0x2, s2  }
0x9: {  	s8 =	sshrl.u32 s6, $0x3;
	s19 =	sshrl.u32 s2, $0x1;
	s23 =	sshrl.u32 s11, $0x2  }
0xa: {  	s11 =	simm.s32 $0x4;
	s8 =	sadd.s32 s8, s0;
	s7 =	sadd.s32 s6, s7  }
0xb: {  	s6 =	sor.u32 s10, s9;
	s2 =	ssub.s32 s2, s19;
	s25 =	sadd.s32 s23, s3  }
0xc: {  	s23 =	simm.s32 $0x14000;
	s9 =	simm.s32 $0x3;
	s10 =	simm.s32 $0x1BC00  }
0xd: {  	s17 =	sshrl.u32 s7, $0x3;
	[dreg:$0xa] =	wrdreg s25;
	s26 =	sadd.s32 $0x14E00, s8  }
0xe: {  	s18 =	sshrl.u32 s6, $0x3;
	s28 =	smax.u32 s2, $0x1;
	[dreg:$0xb] =	wrdreg s26  }
0xf: {  	s25 =	simm.s32 $0x1BA00;
	s7 =	sadd.s32 s5, s18;
	[dreg:$0xd] =	wrdreg s28  }
0x10: {  	s2 =	simm.s32 $0x1BB00;
	s20 =	sadd.s32 $0x10, s7;
	[dreg:$0x4] =	wrdreg s7  }
0x11: {  	s8 =	simm.s32 $0x1BB80;
	s21 =	sadd.s32 $0x20, s7;
	[dreg:$0x5] =	wrdreg s20  }
0x12: {  	s0 =	sadd.s32 s17, s0;
	s22 =	sadd.s32 $0x30, s7;
	[dreg:$0x6] =	wrdreg s21  }
0x13: {  	s26 =	simm.s32 $0x16800;
	s24 =	sadd.s32 $0x40, s7;
	[dreg:$0x7] =	wrdreg s22  }
0x14: {  	s17 =	simm.s32 $0x5;
	s7 =	sadd.s32 $0x50, s7;
	[dreg:$0x8] =	wrdreg s24  }
0x15: {  	s18 =	simm.s32 $0x0;
	s0 =	sadd.s32 $0x3CE00, s0;
	[dreg:$0x9] =	wrdreg s7  }
0x16: {  	[dreg:$0xc] =	wrdreg s0;
	s20 =	simm.s32 $0x7;
	s21 =	simm.s32 $0x50  }
0x17: {  	s22 =	simm.s32 $0x1B980;
	s24 =	simm.s32 $0x8;
	s0 =	simm.s32 $0x1  }
.LBB2_1:
0x18: {  	s7 =	rddreg [dreg:$0x4];
	s13 =	simm.s32 $0x1B800  }
0x19: {  	[tilespmem:s13], [sflag:$0x7] =	stream.linear.gather [hbm4b:s7+s4], $0x80, $0x38;
	[tilespmem:$0x1BC80] =	vst v63  }
0x1a: {  	s19 =	rddreg [dreg:$0x5];
	s14 =	simm.s32 $0x1B880  }
0x1b: {  	[tilespmem:s14], [sflag:$0x8] =	stream.linear.gather [hbm4b:s19+s4], $0x80, $0x38;
	[tilespmem:$0x1BC80] =	vst v63  }
0x1c: {  	s28 =	rddreg [dreg:$0x6];
	s15 =	simm.s32 $0x1B900  }
0x1d: {  	[tilespmem:s15], [sflag:$0x9] =	stream.linear.gather [hbm4b:s28+s4], $0x80, $0x38;
	[tilespmem:$0x1BC80] =	vst v63  }
0x1e: {  	_ =	swait.ge [sflag:s20], $0x80  }
0x1f: {  	[sflag:s20] =	ssyncset.done $0x0  }
0x20: {  	[sflag:s20] =	ssyncadd.s32 $0xFFFFFF80  }
0x21: {  	v0 =	vld [tilespmem:$0x1B800];
	_ =	sdelay $0x1  }
0x22: {  	v1 =	vld [tilespmem:$0x1B810];
	_ =	sdelay $0x1  }
0x23: {  	v2 =	vld [tilespmem:$0x1B820]  }
0x24: {  	v3 =	vand.u32 $0xFFFF, v0  }
0x25: {  	v26 =	vld [tilespmem:$0x1B830];
	v0 =	vshra.s32 v0, $0x10;
	[tilespmem:$0x1B980] =	vst v3  }
0x26: {  	v27 =	vand.u32 $0xFFFF, v1;
	[tilespmem:$0x1BB00] =	vst v0  }
0x27: {  	v29 =	vld [tilespmem:$0x1B840];
	v28 =	vshra.s32 v1, $0x10;
	[tilespmem:$0x1B990] =	vst v27  }
0x28: {  	v30 =	vand.u32 $0xFFFF, v2;
	[tilespmem:$0x1BB10] =	vst v28  }
0x29: {  	v31 =	vshra.s32 v2, $0x10;
	[tilespmem:$0x1B9A0] =	vst v30  }
0x2a: {  	v32 =	vand.u32 $0xFFFF, v26;
	[tilespmem:$0x1BB20] =	vst v31  }
0x2b: {  	v33 =	vshra.s32 v26, $0x10;
	[tilespmem:$0x1B9B0] =	vst v32  }
0x2c: {  	v34 =	vand.u32 $0xFFFF, v29;
	[tilespmem:$0x1BB30] =	vst v33  }
0x2d: {  	v35 =	vshra.s32 v29, $0x10;
	[tilespmem:$0x1B9C0] =	vst v34  }
0x2e: {  	[tilespmem:$0x1BB40] =	vst v35  }
0x2f: {  	[tilespmem:s23], [sflag:$0x1] =	stream.indirect.gather [hbm4b:s1+s21], $0x80, s22, s21, $0xb8;
	[tilespmem:$0x1BC80] =	vst v63  }
0x30: {  	s16 =	rddreg [dreg:$0x7]  }
0x31: {  	[tilespmem:s13], [sflag:$0x7] =	stream.linear.gather [hbm4b:s16+s4], $0x80, $0x38;
	[tilespmem:$0x1BC80] =	vst v63  }
0x32: {  	_ =	swait.ge [sflag:s24], $0x80  }
0x33: {  	[sflag:s24] =	ssyncset.done $0x0  }
0x34: {  	[sflag:s24] =	ssyncadd.s32 $0xFFFFFF80  }
0x35: {  	v36 =	vld [tilespmem:$0x1B880];
	_ =	sdelay $0x1  }
0x36: {  	v37 =	vld [tilespmem:$0x1B890];
	_ =	sdelay $0x1  }
0x37: {  	v38 =	vld [tilespmem:$0x1B8A0]  }
0x38: {  	v39 =	vand.u32 $0xFFFF, v36  }
0x39: {  	v40 =	vld [tilespmem:$0x1B8B0];
	v0 =	vshra.s32 v36, $0x10;
	[tilespmem:$0x1BA00] =	vst v39  }
0x3a: {  	v41 =	vand.u32 $0xFFFF, v37;
	[tilespmem:$0x1BB80] =	vst v0  }
0x3b: {  	v43 =	vld [tilespmem:$0x1B8C0];
	v42 =	vshra.s32 v37, $0x10;
	[tilespmem:$0x1BA10] =	vst v41  }
0x3c: {  	v44 =	vand.u32 $0xFFFF, v38;
	[tilespmem:$0x1BB90] =	vst v42  }
0x3d: {  	v45 =	vshra.s32 v38, $0x10;
	[tilespmem:$0x1BA20] =	vst v44  }
0x3e: {  	v46 =	vand.u32 $0xFFFF, v40;
	[tilespmem:$0x1BBA0] =	vst v45  }
0x3f: {  	v47 =	vshra.s32 v40, $0x10;
	[tilespmem:$0x1BA30] =	vst v46  }
0x40: {  	v48 =	vand.u32 $0xFFFF, v43;
	[tilespmem:$0x1BBB0] =	vst v47  }
0x41: {  	v49 =	vshra.s32 v43, $0x10;
	[tilespmem:$0x1BA40] =	vst v48  }
0x42: {  	[tilespmem:$0x1BBC0] =	vst v49  }
0x43: {  	[tilespmem:s26], [sflag:$0x2] =	stream.indirect.gather [hbm4b:s1+s21], $0x80, s25, s21, $0xb8;
	[tilespmem:$0x1BC80] =	vst v63  }
0x44: {  	s28 =	simm.s32 $0x9;
	s19 =	rddreg [dreg:$0x8]  }
0x45: {  	[tilespmem:s14], [sflag:$0x8] =	stream.linear.gather [hbm4b:s19+s4], $0x80, $0x38;
	[tilespmem:$0x1BC80] =	vst v63  }
0x46: {  	_ =	swait.ge [sflag:s28], $0x80  }
0x47: {  	[sflag:s28] =	ssyncset.done $0x0  }
0x48: {  	[sflag:s28] =	ssyncadd.s32 $0xFFFFFF80  }
0x49: {  	v50 =	vld [tilespmem:$0x1B900];
	_ =	sdelay $0x1  }
0x4a: {  	v51 =	vld [tilespmem:$0x1B910];
	_ =	sdelay $0x1  }
0x4b: {  	v52 =	vld [tilespmem:$0x1B920]  }
0x4c: {  	v53 =	vand.u32 $0xFFFF, v50  }
0x4d: {  	v54 =	vld [tilespmem:$0x1B930];
	v0 =	vshra.s32 v50, $0x10;
	[tilespmem:$0x1BA80] =	vst v53  }
0x4e: {  	v55 =	vand.u32 $0xFFFF, v51;
	[tilespmem:$0x1BC00] =	vst v0  }
0x4f: {  	v57 =	vld [tilespmem:$0x1B940];
	v56 =	vshra.s32 v51, $0x10;
	[tilespmem:$0x1BA90] =	vst v55  }
0x50: {  	v58 =	vand.u32 $0xFFFF, v52;
	[tilespmem:$0x1BC10] =	vst v56  }
0x51: {  	v59 =	vshra.s32 v52, $0x10;
	[tilespmem:$0x1BAA0] =	vst v58  }
0x52: {  	v60 =	vand.u32 $0xFFFF, v54;
	[tilespmem:$0x1BC20] =	vst v59  }
0x53: {  	v61 =	vshra.s32 v54, $0x10;
	[tilespmem:$0x1BAB0] =	vst v60  }
0x54: {  	v62 =	vand.u32 $0xFFFF, v57;
	[tilespmem:$0x1BC30] =	vst v61  }
0x55: {  	v63 =	vshra.s32 v57, $0x10;
	[tilespmem:$0x1BAC0] =	vst v62  }
0x56: {  	s13 =	simm.s32 $0x1BA80;
	[tilespmem:$0x1BC40] =	vst v63  }
0x57: {  	[tilespmem:s30], [sflag:$0x3] =	stream.indirect.gather [hbm4b:s1+s21], $0x80, s13, s21, $0xb8;
	[tilespmem:$0x1BC80] =	vst v63  }
0x58: {  	s14 =	rddreg [dreg:$0x9]  }
0x59: {  	[tilespmem:s15], [sflag:$0x9] =	stream.linear.gather [hbm4b:s14+s4], $0x80, $0x38;
	[tilespmem:$0x1BC80] =	vst v63  }
0x5a: {  	s15 =	stileid.u32  }
0x5b: {  	s19 =	rddreg [dreg:$0xa];
	s16 =	sshll.u32 s15, $0x6  }
0x5c: {  	s19 =	sshrl.u32 s19, $0x3;
	s28 =	rddreg [dreg:$0xb];
	s13 =	sor.u32 $0x1C0A, s16  }
0x5d: {  	[spmem:s19], [sflag:s13] =	dma.local [hbm:s28], $0x2800  }
0x5e: {  	_ =	swait.ge [sflag:s31], $0x2800  }
0x5f: {  	[sflag:s31] =	ssyncset.done $0x0  }
0x60: {  	[sflag:s31] =	ssyncadd.s32 $0xFFFFD800  }
0x61: {  	s14 =	simm.s32 $0x400;
	s15 =	simm.s32 $0x0;
	[bflag:$0x0] =	sbarrier.arrive $0xFFFF  }
.LBB2_2:
0x62: {  	_ =	swait.ge [sflag:s0], $0x2800  }
0x63: {  	[sflag:s0] =	ssyncset.done $0x0  }
0x64: {  	[sflag:s0] =	ssyncadd.s32 $0xFFFFD800  }
0x65: {  	[spmem:s3] =	stream.indirect.scatter.add.f32 [tilespmem:s23], [sflag:$0x4], $0x80, s2, s21, $0xb8;
	[tilespmem:$0x1BC80] =	vst v63  }
0x66: {  	_ =	swait.ge [sflag:s29], $0x2800  }
0x67: {  	[sflag:s29] =	ssyncset.done $0x0  }
0x68: {  	[sflag:s29] =	ssyncadd.s32 $0xFFFFD800  }
0x69: {  	[spmem:s3] =	stream.indirect.scatter.add.f32 [tilespmem:s26], [sflag:$0x5], $0x80, s8, s21, $0xb8;
	[tilespmem:$0x1BC80] =	vst v63  }
0x6a: {  	_ =	swait.ge [sflag:s9], $0x2800  }
0x6b: {  	[sflag:s9] =	ssyncset.done $0x0  }
0x6c: {  	[sflag:s9] =	ssyncadd.s32 $0xFFFFD800  }
0x6d: {  	[spmem:s3] =	stream.indirect.scatter.add.f32 [tilespmem:s30], [sflag:$0x6], $0x80, s10, s21, $0xb8;
	[tilespmem:$0x1BC80] =	vst v63  }
0x6e: {  	_ =	swait.ge [sflag:s11], $0x2800  }
0x6f: {  	[sflag:s11] =	ssyncset.done $0x0  }
0x70: {  	[sflag:s11] =	ssyncadd.s32 $0xFFFFD800  }
0x71: {  	_ =	swait.ge [sflag:s20], $0x80  }
0x72: {  	[sflag:s20] =	ssyncset.done $0x0  }
0x73: {  	[sflag:s20] =	ssyncadd.s32 $0xFFFFFF80  }
0x74: {  	v0 =	vld [tilespmem:$0x1B800];
	_ =	sdelay $0x1  }
0x75: {  	v1 =	vld [tilespmem:$0x1B810];
	_ =	sdelay $0x1  }
0x76: {  	v2 =	vld [tilespmem:$0x1B820]  }
0x77: {  	v3 =	vand.u32 $0xFFFF, v0  }
0x78: {  	v40 =	vld [tilespmem:$0x1B830];
	v0 =	vshra.s32 v0, $0x10;
	[tilespmem:$0x1B980] =	vst v3  }
0x79: {  	v41 =	vand.u32 $0xFFFF, v1;
	[tilespmem:$0x1BB00] =	vst v0  }
0x7a: {  	v43 =	vld [tilespmem:$0x1B840];
	v42 =	vshra.s32 v1, $0x10;
	[tilespmem:$0x1B990] =	vst v41  }
0x7b: {  	v44 =	vand.u32 $0xFFFF, v2;
	[tilespmem:$0x1BB10] =	vst v42  }
0x7c: {  	p0 =	seq.s32 s15, $0x28;
	v45 =	vshra.s32 v2, $0x10;
	[tilespmem:$0x1B9A0] =	vst v44  }
0x7d: {  	s16 =	sadd.s32 @!p0 $0xFFFFFF00, s14;
	v46 =	vand.u32 $0xFFFF, v40;
	[tilespmem:$0x1BB20] =	vst v45  }
0x7e: {  	s7 =	sand.u32 @!p0 $0xFC00, s16;
	v47 =	vshra.s32 v40, $0x10;
	[tilespmem:$0x1B9B0] =	vst v46  }
0x7f: {  	s16 =	sand.u32 @!p0 $0x380, s16;
	s7 =	sadd.s32 @!p0 s6, s7;
	v48 =	vand.u32 $0xFFFF, v43;
	[tilespmem:$0x1BB30] =	vst v47  }
0x80: {  	s7 =	sor.u32 @!p0 s16, s7;
	v49 =	vshra.s32 v43, $0x10;
	[tilespmem:$0x1B9C0] =	vst v48  }
0x81: {  	s7 =	sshrl.u32 @!p0 s7, $0x3;
	[tilespmem:$0x1BB40] =	vst v49  }
0x82: {  	[tilespmem:s23], [sflag:$0x1] =	stream.indirect.gather [hbm4b:s1+s21], $0x80, s22, s21, $0xb8;
	[tilespmem:$0x1BC80] =	vst v63  }
0x83: {  	s28 =	simm.s32 @!p0 $0x1B800;
	s16 =	simm.s32 @!p0 $0x0;
	s7 =	sadd.s32 @!p0 s5, s7  }
0x84: {  	[tilespmem:s28], [sflag:$0x7] =	stream.linear.gather @!p0 [hbm4b:s7+s16], $0x80, $0x38;
	[tilespmem:$0x1BC80] =	vst v63  }
0x85: {  	_ =	swait.ge [sflag:s17], $0x2800  }
0x86: {  	[sflag:s17] =	ssyncset.done $0x0  }
0x87: {  	[sflag:s17] =	ssyncadd.s32 $0xFFFFD800  }
0x88: {  	_ =	swait.ge [sflag:s24], $0x80  }
0x89: {  	[sflag:s24] =	ssyncset.done $0x0  }
0x8a: {  	[sflag:s24] =	ssyncadd.s32 $0xFFFFFF80  }
0x8b: {  	v50 =	vld [tilespmem:$0x1B880];
	_ =	sdelay $0x1  }
0x8c: {  	v51 =	vld [tilespmem:$0x1B890];
	_ =	sdelay $0x1  }
0x8d: {  	v52 =	vld [tilespmem:$0x1B8A0]  }
0x8e: {  	v53 =	vand.u32 $0xFFFF, v50  }
0x8f: {  	v54 =	vld [tilespmem:$0x1B8B0];
	v0 =	vshra.s32 v50, $0x10;
	[tilespmem:$0x1BA00] =	vst v53  }
0x90: {  	v55 =	vand.u32 $0xFFFF, v51;
	[tilespmem:$0x1BB80] =	vst v0  }
0x91: {  	v57 =	vld [tilespmem:$0x1B8C0];
	v56 =	vshra.s32 v51, $0x10;
	[tilespmem:$0x1BA10] =	vst v55  }
0x92: {  	v58 =	vand.u32 $0xFFFF, v52;
	[tilespmem:$0x1BB90] =	vst v56  }
0x93: {  	v59 =	vshra.s32 v52, $0x10;
	[tilespmem:$0x1BA20] =	vst v58  }
0x94: {  	s7 =	sadd.s32 @!p0 $0xFFFFFF80, s14;
	v60 =	vand.u32 $0xFFFF, v54;
	[tilespmem:$0x1BBA0] =	vst v59  }
0x95: {  	s28 =	sand.u32 @!p0 $0xFC00, s7;
	v61 =	vshra.s32 v54, $0x10;
	[tilespmem:$0x1BA30] =	vst v60  }
0x96: {  	s7 =	sand.u32 @!p0 $0x380, s7;
	s28 =	sadd.s32 @!p0 s6, s28;
	v62 =	vand.u32 $0xFFFF, v57;
	[tilespmem:$0x1BBB0] =	vst v61  }
0x97: {  	s7 =	sor.u32 @!p0 s7, s28;
	v63 =	vshra.s32 v57, $0x10;
	[tilespmem:$0x1BA40] =	vst v62  }
0x98: {  	s7 =	sshrl.u32 @!p0 s7, $0x3;
	[tilespmem:$0x1BBC0] =	vst v63  }
0x99: {  	[tilespmem:s26], [sflag:$0x2] =	stream.indirect.gather [hbm4b:s1+s21], $0x80, s25, s21, $0xb8;
	[tilespmem:$0x1BC80] =	vst v63  }
0x9a: {  	s28 =	simm.s32 @!p0 $0x1B880;
	s7 =	sadd.s32 @!p0 s5, s7  }
0x9b: {  	[tilespmem:s28], [sflag:$0x8] =	stream.linear.gather @!p0 [hbm4b:s7+s16], $0x80, $0x38;
	[tilespmem:$0x1BC80] =	vst v63  }
0x9c: {  	s7 =	simm.s32 @!p0 $0x6  }
0x9d: {  	_ =	swait.ge @!p0 [sflag:s7], $0x2800  }
0x9e: {  	[sflag:s7] =	ssyncset.done @!p0 $0x0  }
0x9f: {  	[sflag:s7] =	ssyncadd.s32 @!p0 $0xFFFFD800;
	s7 =	simm.s32 @!p0 $0x9  }
0xa0: {  	_ =	swait.ge @!p0 [sflag:s7], $0x80  }
0xa1: {  	[sflag:s7] =	ssyncset.done @!p0 $0x0  }
0xa2: {  	[sflag:s7] =	ssyncadd.s32 @!p0 $0xFFFFFF80  }
0xa3: {  	v0 =	vld @!p0 [tilespmem:$0x1B900];
	_ =	sdelay $0x1  }
0xa4: {  	v1 =	vld @!p0 [tilespmem:$0x1B910];
	_ =	sdelay $0x1  }
0xa5: {  	v2 =	vld @!p0 [tilespmem:$0x1B920]  }
0xa6: {  	v3 =	vand.u32 @!p0 $0xFFFF, v0  }
0xa7: {  	v0 =	vshra.s32 @!p0 v0, $0x10;
	[tilespmem:$0x1BA80] =	vst @!p0 v3;
	v3 =	vld @!p0 [tilespmem:$0x1B930]  }
0xa8: {  	[tilespmem:$0x1BC00] =	vst @!p0 v0;
	v0 =	vand.u32 @!p0 $0xFFFF, v1  }
0xa9: {  	[tilespmem:$0x1BA90] =	vst @!p0 v0;
	v0 =	vshra.s32 @!p0 v1, $0x10;
	v1 =	vld @!p0 [tilespmem:$0x1B940]  }
0xaa: {  	[tilespmem:$0x1BC10] =	vst @!p0 v0;
	v0 =	vand.u32 @!p0 $0xFFFF, v2  }
0xab: {  	[tilespmem:$0x1BAA0] =	vst @!p0 v0;
	v0 =	vshra.s32 @!p0 v2, $0x10  }
0xac: {  	[tilespmem:$0x1BC20] =	vst @!p0 v0;
	v0 =	vand.u32 @!p0 $0xFFFF, v3  }
0xad: {  	[tilespmem:$0x1BAB0] =	vst @!p0 v0;
	v0 =	vshra.s32 @!p0 v3, $0x10  }
0xae: {  	p1 =	sgt.u32 @!p0 s15, $0x26;
	[tilespmem:$0x1BC30] =	vst @!p0 v0;
	v0 =	vand.u32 @!p0 $0xFFFF, v1  }
0xaf: {  	p1 =	por p1, p0;
	[tilespmem:$0x1BAC0] =	vst @!p0 v0;
	v0 =	vshra.s32 @!p0 v1, $0x10  }
0xb0: {  	s16 =	simm.s32 @!p0 $0x1BA80;
	s28 =	simm.s32 @!p0 $0x19000;
	s7 =	simm.s32 @!p0 $0x50;
	[tilespmem:$0x1BC40] =	vst @!p0 v0  }
0xb1: {  	[tilespmem:s28], [sflag:$0x3] =	stream.indirect.gather @!p0 [hbm4b:s1+s7], $0x80, s16, s7, $0xb8;
	[tilespmem:$0x1BC80] =	vst v63  }
0xb2: {  	s7 =	sadd.s32 @!p0 $0xFFFFFC00, s14;
	s16 =	sand.u32 @!p1 $0xFC00, s14  }
0xb3: {  	s16 =	sadd.s32 @!p1 s6, s16;
	s7 =	sand.u32 @!p1 $0x380, s7  }
0xb4: {  	s7 =	sor.u32 @!p1 s7, s16  }
0xb5: {  	s15 =	sadd.s32 @!p0 $0x1, s15;
	s7 =	sshrl.u32 @!p1 s7, $0x3  }
0xb6: {  	s28 =	simm.s32 @!p1 $0x1B900;
	s16 =	simm.s32 @!p1 $0x0;
	s7 =	sadd.s32 @!p1 s5, s7  }
0xb7: {  	[tilespmem:s28], [sflag:$0x9] =	stream.linear.gather @!p1 [hbm4b:s7+s16], $0x80, $0x38;
	[tilespmem:$0x1BC80] =	vst v63  }
0xb8: {  	p1 =	sne.s32 @!p0 s15, $0x29  }
0xb9: {  	p1 =	por p0, !p1  }
.Ltmp0:
0xba: {  	_ = 	snop;
	(pc) =	sbr.rel @!p1 .LBB2_2-.Ltmp0, $2  }
0xbb: {  	_ =	sdelay $0x2  }
0xbc: {  	s14 =	sadd.s32 @!p0 $0x180, s14  }
0xbd: {  	_ =	swait.ge [sflag:s0], $0x2800  }
0xbe: {  	[sflag:s0] =	ssyncset.done $0x0  }
0xbf: {  	[sflag:s0] =	ssyncadd.s32 $0xFFFFD800  }
0xc0: {  	[spmem:s3] =	stream.indirect.scatter.add.f32 [tilespmem:s23], [sflag:$0x4], $0x80, s2, s21, $0xb8;
	[tilespmem:$0x1BC80] =	vst v63  }
0xc1: {  	_ =	swait.ge [sflag:s29], $0x2800  }
0xc2: {  	[sflag:s29] =	ssyncset.done $0x0  }
0xc3: {  	[sflag:s29] =	ssyncadd.s32 $0xFFFFD800  }
0xc4: {  	[spmem:s3] =	stream.indirect.scatter.add.f32 [tilespmem:s26], [sflag:$0x5], $0x80, s8, s21, $0xb8;
	[tilespmem:$0x1BC80] =	vst v63  }
0xc5: {  	_ =	swait.ge [sflag:s11], $0x2800  }
0xc6: {  	[sflag:s11] =	ssyncset.done $0x0  }
0xc7: {  	[sflag:s11] =	ssyncadd.s32 $0xFFFFD800  }
0xc8: {  	_ =	swait.ge [sflag:s17], $0x2800  }
0xc9: {  	[sflag:s17] =	ssyncset.done $0x0  }
0xca: {  	[sflag:s17] =	ssyncadd.s32 $0xFFFFD800  }
0xcb: {  	_ =	swait.ge [sflag:s12], $0x2800  }
0xcc: {  	[sflag:s12] =	ssyncset.done $0x0  }
0xcd: {  	[sflag:s12] =	ssyncadd.s32 $0xFFFFD800  }
0xce: {  	[bflag:$0x0] =	sbarrier.arrive $0xFFFF  }
0xcf: {  	s7 =	rddreg [dreg:$0xc]  }
0xd0: {  	[hbm:s7], [sflag:s13] =	dma.local [spmem:s19], $0x2800  }
0xd1: {  	_ =	swait.ge [sflag:s31], $0x2800  }
0xd2: {  	s18 =	sadd.s32 $0x1, s18;
	s28 =	rddreg [dreg:$0xd]  }
0xd3: {  	p0 =	sne.s32 s18, s28  }
.Ltmp1:
0xd4: {  	_ = 	snop;
	(pc) =	sbr.rel @p0 .LBB2_1-.Ltmp1, $3  }
0xd5: {  	_ =	sdelay $0x1  }
0xd6: {  	[sflag:s31] =	ssyncset.done $0x0  }
0xd7: {  	[sflag:s31] =	ssyncadd.s32 $0xFFFFD800  }
0xd8: {  	_ =	sfence.sel $0x180000  }
0xd9: {  	[bflag:$0x0] =	sbarrier.arrive $0xFFFF  }
0xda: {  	_ =	strace $0x9000004D  }
0xdb: {  	s0 =	stileid.u32;
	[bflag:$0x2] =	sbarrier.arrive $0xFFFF  }
0xdc: {  	p0 =	sne.s32 s0, $0x0;
	s0 =	rddreg [dreg:$0x3]  }
0xdd: {  	s0 =	sadd.s32 @!p0 $0x100000, s0  }
0xde: {  	[sflag:s0] =	ssyncadd.tile.s32 @!p0 $0x1;
	_ =	shalt  }
.Lfunc_end2:
_tile_overlayer_lowered:
.L_overlay_start_2:
0xdf: {  	(tag) =	ssettag $0x2  }
0xe0: {  	s0 =	rddreg [dreg:$0x0];
	s2 =	stileid.u32  }
0xe1: {  	s1 =	rddreg [dreg:$0x1];
	p0 =	sne.s32 s2, $0x0  }
0xe2: {  	s3 =	rddreg [dreg:$0x2];
	[bflag:$0x3] =	sbarrier.arrive $0xFFFF;
	s2 =	simm.s32 @!p0 $0x1C0A  }
0xe3: {  	[timem:s3], [sflag:s2] =	dma.local @!p0 [hbm:s0], s1  }
0xe4: {  	s0 =	simm.s32 @!p0 $0xA  }
0xe5: {  	_ =	swait.ge @!p0 [sflag:s0], s1  }
0xe6: {  	s1 =	ssub.s32 @!p0 $0x0, s1;
	[sflag:s0] =	ssyncset.done @!p0 $0x0  }
0xe7: {  	[sflag:s0] =	ssyncadd.s32 @!p0 s1  }
0xe8: {  	[bflag:$0x3] =	sbarrier.arrive $0xFFFF  }
0xe9: {  	_ =	shalt  }

// kernel: kernel.21.cloned.1.call-start
scs
__scs_entry_jumppad:
0x0: {  	(pc) =	sbr.rel $0x88, $3  }
0x1: {  	(tag) =	ssettag $0x0;
	lr =	simm.s32 $0x1  }
0x2: {  	[smem:$0x3F8F] =	sst lr;
	_ =	strace $0xD0000000  }
0x3: {  	_ = 	snop  }
0x4: {  	_ = 	snop  }
0x5: {  	_ = 	snop  }
0x6: {  	_ = 	snop  }
0x7: {  	_ = 	snop  }
__scs_overlays_trampoline_lowered:
0x8: {  	[smem:$0x3F9E] =	sst s0  }
0x9: {  	[smem:$0x3F9F] =	sst s1  }
0xa: {  	[smem:$0x3FA0] =	sst s2  }
0xb: {  	[smem:$0x3FA1] =	sst s3  }
0xc: {  	[smem:$0x3FA2] =	sst s4  }
0xd: {  	[smem:$0x3FA3] =	sst s5  }
0xe: {  	[smem:$0x3FA4] =	sst s6  }
0xf: {  	[smem:$0x3FA5] =	sst s7  }
0x10: {  	[smem:$0x3FA6] =	sst s8  }
0x11: {  	[smem:$0x3FA7] =	sst s9;
	s0 =	simm.s32 @!p0 $0x0  }
0x12: {  	s1 =	sld [smem:$0x3F8D];
	s0 =	simm.s32 @p0 $0x1  }
0x13: {  	[smem:$0x3FA8] =	sst s0;
	s0 =	simm.s32 @!p1 $0x0  }
0x14: {  	s2 =	sld [smem:$0x3F8C];
	s0 =	simm.s32 @p1 $0x1  }
0x15: {  	[smem:$0x3FA9] =	sst s0;
	s0 =	simm.s32 @!p2 $0x0  }
0x16: {  	s3 =	sld [smem:$0x3FDB];
	s0 =	simm.s32 @p2 $0x1  }
0x17: {  	s4 =	simm.s32 $0x1BF5;
	[smem:$0x3FAB] =	sst s0  }
0x18: {  	s0 =	sld [smem:$0x3F8E];
	_ =	swait.ge [sflag:s4], $0x0  }
0x19: {  	s7 =	sld [smem:$0x3F8F]  }
0x1a: {  	s8 =	sadd.s32 $0xFFFFE003, lr  }
0x1b: {  	s9 =	sadd.s32 $0xFFFFFEF7, lr;
	s5 =	simm.s32 $0xFFFFFFFF;
	p2 =	slt.u32 s8, $0xFFFFF086  }
0x1c: {  	p1 =	slt.u32 s9, $0xF7A;
	s5 =	simm.s32 @!p2 $0x0  }
0x1d: {  	s5 =	simm.s32 @p1 $0x1;
	p0 =	seq.s32 s7, s2  }
0x1e: {  	s7 =	smul.u32 @!p0 $0xF7A, s2;
	p2 =	seq.s32 @!p0 s5, $0x0  }
0x1f: {  	s9 =	smul.u32 $0xF7A, s1;
	s8 =	simm.s32 @!p0 $0x1BF5;
	p2 =	por !p2, p0  }
0x20: {  	[sflag:s8] =	ssyncset.s32 @!p0 $0xFFFFF086;
	s6 =	sadd.s32 @!p0 s3, s7;
	s7 =	simm.s32 @!p0 $0x108  }
0x21: {  	s3 =	sadd.s32 s3, s9;
	s6 =	sadd.s32 @!p0 $0x88, s6;
	s7 =	simm.s32 @p2 $0x1082  }
0x22: {  	[simem:s7], [sflag:s8] =	dma.local @!p0 [hbm:s6], $0xF7A  }
0x23: {  	s9 =	sor.u32 $0xD0000000, s2;
	s6 =	simm.s32 $0x108;
	_ =	swait.ge @!p0 [sflag:s8], $0x0  }
0x24: {  	s3 =	sadd.s32 $0x88, s3;
	s6 =	simm.s32 @!p1 $0x1082;
	[sflag:s4] =	ssyncset.s32 $0xFFFFF086  }
0x25: {  	[simem:s6], [sflag:s4] =	dma.local [hbm:s3], $0xF7A  }
0x26: {  	[smem:$0x3F8F] =	sst s1;
	(tag) =	ssettag s2;
	_ =	strace s9  }
0x27: {  	s1 =	sld [smem:$0x3F9F]  }
0x28: {  	s2 =	sld [smem:$0x3FA0]  }
0x29: {  	s4 =	sld [smem:$0x3FA2]  }
0x2a: {  	p0 =	seq.s32 s5, $0x0;
	s5 =	sld [smem:$0x3FA3]  }
0x2b: {  	s6 =	sld [smem:$0x3FA4]  }
0x2c: {  	s7 =	sld [smem:$0x3FA5]  }
0x2d: {  	s3 =	simm.s32 $0x108;
	s8 =	sld [smem:$0x3FA6]  }
0x2e: {  	s3 =	simm.s32 @!p0 $0x1082;
	s9 =	sld [smem:$0x3FA7]  }
0x2f: {  	lr =	sadd.s32 s0, s3;
	s0 =	sld [smem:$0x3F9E]  }
0x30: {  	s3 =	sld [smem:$0x3FA1]  }
0x31: {  	[smem:$0x3FAA] =	sst s10  }
0x32: {  	s10 =	sld [smem:$0x3FA8];
	_ =	sdelay $0x3  }
0x33: {  	p0 =	seq.s32 s10, $0x1;
	s10 =	sld [smem:$0x3FAA];
	_ =	sdelay $0x3  }
0x34: {  	[smem:$0x3FAA] =	sst s10  }
0x35: {  	s10 =	sld [smem:$0x3FA9];
	_ =	sdelay $0x3  }
0x36: {  	p1 =	seq.s32 s10, $0x1;
	s10 =	sld [smem:$0x3FAA];
	_ =	sdelay $0x3  }
0x37: {  	[smem:$0x3FAA] =	sst s10  }
0x38: {  	s10 =	sld [smem:$0x3FAB]  }
0x39: {  	_ = 	snop;
	(pc) =	sbr.ind lr, $3  }
0x3a: {  	_ = 	snop  }
0x3b: {  	_ = 	snop  }
0x3c: {  	p2 =	seq.s32 s10, $0x1;
	s10 =	sld [smem:$0x3FAA]  }
0x3d: {  	_ =	shalt  }
0x3e: {  	_ =	shalt  }
0x3f: {  	_ =	shalt  }
0x40: {  	_ =	shalt  }
0x41: {  	_ =	shalt  }
0x42: {  	_ =	shalt  }
0x43: {  	_ =	shalt  }
0x44: {  	_ =	shalt  }
0x45: {  	_ =	shalt  }
0x46: {  	_ =	shalt  }
0x47: {  	_ =	shalt  }
0x48: {  	_ =	shalt  }
0x49: {  	_ =	shalt  }
0x4a: {  	_ =	shalt  }
0x4b: {  	_ =	shalt  }
0x4c: {  	_ =	shalt  }
0x4d: {  	_ =	shalt  }
0x4e: {  	_ =	shalt  }
0x4f: {  	_ =	shalt  }
0x50: {  	_ =	shalt  }
0x51: {  	_ =	shalt  }
0x52: {  	_ =	shalt  }
0x53: {  	_ =	shalt  }
0x54: {  	_ =	shalt  }
0x55: {  	_ =	shalt  }
0x56: {  	_ =	shalt  }
0x57: {  	_ =	shalt  }
0x58: {  	_ =	shalt  }
0x59: {  	_ =	shalt  }
0x5a: {  	_ =	shalt  }
0x5b: {  	_ =	shalt  }
0x5c: {  	_ =	shalt  }
0x5d: {  	_ =	shalt  }
0x5e: {  	_ =	shalt  }
0x5f: {  	_ =	shalt  }
0x60: {  	_ =	shalt  }
0x61: {  	_ =	shalt  }
0x62: {  	_ =	shalt  }
0x63: {  	_ =	shalt  }
0x64: {  	_ =	shalt  }
0x65: {  	_ =	shalt  }
0x66: {  	_ =	shalt  }
0x67: {  	_ =	shalt  }
0x68: {  	_ =	shalt  }
0x69: {  	_ =	shalt  }
0x6a: {  	_ =	shalt  }
0x6b: {  	_ =	shalt  }
0x6c: {  	_ =	shalt  }
0x6d: {  	_ =	shalt  }
0x6e: {  	_ =	shalt  }
0x6f: {  	_ =	shalt  }
0x70: {  	_ =	shalt  }
0x71: {  	_ =	shalt  }
0x72: {  	_ =	shalt  }
0x73: {  	_ =	shalt  }
0x74: {  	_ =	shalt  }
0x75: {  	_ =	shalt  }
0x76: {  	_ =	shalt  }
0x77: {  	_ =	shalt  }
0x78: {  	_ =	shalt  }
0x79: {  	_ =	shalt  }
0x7a: {  	_ =	shalt  }
0x7b: {  	_ =	shalt  }
0x7c: {  	_ =	shalt  }
0x7d: {  	_ =	shalt  }
0x7e: {  	_ =	shalt  }
0x7f: {  	_ =	shalt  }
0x80: {  	_ =	shalt  }
0x81: {  	_ =	shalt  }
0x82: {  	_ =	shalt  }
0x83: {  	_ =	shalt  }
0x84: {  	_ =	shalt  }
0x85: {  	_ =	shalt  }
0x86: {  	_ =	shalt  }
0x87: {  	_ =	shalt  }
.Lfunc_end0:
.L_simem_size_0:
called_computation.3_lowered:
.L_overlay_start_0:
0x88: {  	s2 =	sld [smem:$0x3FD9]  }
0x89: {  	s3 =	sld [smem:$0x3FFE];
	_ =	sdelay $0x1  }
0x8a: {  	s1 =	srdreg.scid  }
0x8b: {  	s0 =	sand.u32 $0x1, s1  }
0x8c: {  	s17 =	sshll.u32 s0, $0xA;
	s2 =	sadd.s32 s3, s2  }
0x8d: {  	s2 =	sadd.s32 s2, s17  }
0x8e: {  	[smem:$0x3FB6] =	sst s2  }
0x8f: {  	_ = 	snop  }
0x90: {  	s2 =	sld [smem:$0x3FD0];
	(tm) =	ssettm $0x1  }
0x91: {  	s18 =	sld [smem:$0x3FFB];
	_ =	sdelay $0x3  }
0x92: {  	_ =	strace s18  }
0x93: {  	s3 =	sld [smem:$0x3FFC];
	_ =	sdelay $0x3  }
0x94: {  	_ =	strace s3  }
0x95: {  	s3 =	sld [smem:$0x3FFD];
	_ =	sdelay $0x3  }
0x96: {  	_ =	strace s3  }
0x97: {  	_ =	strace $0x8FFFFFFF  }
0x98: {  	s19 =	sld [smem:$0x3FDB];
	_ =	sdelay $0x1  }
0x99: {  	s4 =	simm.s32 $_scs_section_size  }
0x9a: {  	s5 =	simm.s32 $_size__tile_overlayer_lowered;
	s6 =	simm.s32 $_tile_overlayer_lowered  }
0x9b: {  	s22 =	simm.s32 $0x1BFF;
	s21 =	sshll.u32 s6, $0x1;
	s3 =	sadd.s32 s4, s19  }
0x9c: {  	s7 =	simm.s32 $0x0;
	s20 =	sshll.u32 s5, $0x1;
	s5 =	sadd.s32 s21, s3  }
0x9d: {  	[timem:s7], [sflag:s22] =	dma.local [hbm:s5], s20  }
0x9e: {  	_ =	swait.ge [sflag:s22], s20  }
0x9f: {  	s4 =	ssub.s32 $0x0, s20;
	[sflag:s22] =	ssyncset.done $0x0  }
0xa0: {  	[sflag:s22] =	ssyncadd.s32 s4;
	_ =	sdelay $0x1  }
0xa1: {  	s23 =	simm.s32 $0x1B8B  }
0xa2: {  	_ =	swait.ge [sflag:s23], $0x1  }
0xa3: {  	[sflag:s23] =	ssyncset.done $0x0  }
0xa4: {  	s25 =	simm.s32 $0x1B8E;
	s24 =	sld [smem:$0x3FFE];
	[sflag:s23] =	ssyncadd.s32 $0xFFFFFFFF  }
0xa5: {  	s26 =	simm.s32 $execute0_lowered;
	[smem:$0x3FD2] =	sst s25  }
0xa6: {  	s5 =	sshll.u32 s26, $0x1;
	_ =	strace $0x8000004F;
	[dreg:$0x1] =	wrdreg $0xFFFFFFFF  }
0xa7: {  	s28 =	simm.s32 $_size_execute0_lowered;
	s3 =	sadd.s32 s3, s5;
	[dreg:$0x0] =	wrdreg $0x0  }
0xa8: {  	s5 =	sshll.u32 s28, $0x1;
	[dreg:$0x2] =	wrdreg s3  }
0xa9: {  	[dreg:$0x3] =	wrdreg s5  }
0xaa: {  	[dreg:$0x4] =	wrdreg $0xC0  }
0xab: {  	_ =	task [dreg:s7], $0x5FFFF  }
0xac: {  	[dreg:$0x1] =	wrdreg $0xFFFFFFFF  }
0xad: {  	[dreg:$0x0] =	wrdreg $0x60  }
0xae: {  	[dreg:$0x2] =	wrdreg s2  }
0xaf: {  	[dreg:$0x3] =	wrdreg s24  }
0xb0: {  	[dreg:$0x4] =	wrdreg $0x0  }
0xb1: {  	[dreg:$0x5] =	wrdreg $0x9  }
0xb2: {  	_ =	task.clear_ibuf [dreg:s7], $0x6FFFF;
	_ =	strace $0x9000004F  }
0xb3: {  	s29 =	simm.s32 $0x9;
	_ =	strace $0x80000051  }
0xb4: {  	_ =	swait.ge [sflag:s29], $0x1  }
0xb5: {  	[sflag:s29] =	ssyncadd.s32 $0xFFFFFFFF  }
0xb6: {  	_ =	strace $0x90000051  }
0xb7: {  	_ =	sfence  }
0xb8: {  	s30 =	sld [smem:$0x0];
	_ =	sdelay $0x2  }
0xb9: {  	s31 =	sshll.u32 s1, $0xD;
	s1 =	sshrl.u32 s1, $0x2  }
0xba: {  	s3 =	sand.u32 $0x4000, s31;
	s1 =	sadd.s32 s1, s30  }
0xbb: {  	s0 =	sor.u32 s3, s0;
	s1 =	sshll.u32 s1, $0x11  }
0xbc: {  	s0 =	sor.u32 s1, s0  }
0xbd: {  	s0 =	sadd.s32 $0x8F2B, s0  }
0xbe: {  	[sflag:s0] =	ssyncadd.remote.s32 $0x1  }
0xbf: {  	_ =	sfence.sel $0xFFFF  }
0xc0: {  	[dreg:$0x0] =	wrdreg $0xFFFFFFFF;
	(pc) =	sbr.abs _section_cstart, $3  }
0xc1: {  	[dreg:$0x1] =	wrdreg $0xFFFFFFFF  }
0xc2: {  	_ =	task.clear_ibuf [dreg:s7], $0x2FFFF;
	_ =	strace $0x9FFFFFFF  }
0xc3: {  	(tm) =	ssettm $0x7FFFFFFF  }
tec
execute0_lowered:
.L_overlay_start_1:
0x0: {  	(tag) =	ssettag $0x1  }
0x1: {  	s1 =	rddreg [dreg:$0x0]  }
0x2: {  	s0 =	rddreg [dreg:$0x1]  }
0x3: {  	s3 =	rddreg [dreg:$0x2];
	s4 =	simm.s32 $0x0;
	s11 =	stileid.u32  }
0x4: {  	s2 =	srdreg.scid;
	s30 =	simm.s32 $0x19000;
	s31 =	simm.s32 $0xA  }
0x5: {  	s29 =	simm.s32 $0x2;
	s12 =	simm.s32 $0x6;
	[smem:$0x7FF] =	sst s4  }
0x6: {  	s6 =	smul.u32 $0x14000, s11;
	s2 =	sand.u32 $0x1, s2;
	s5 =	sadd.s32 $0x4E00, s0  }
0x7: {  	s9 =	sshll.u32 s11, $0xF;
	s11 =	smul.u32 $0x50000, s11;
	_ =	strace $0x80000050  }
0x8: {  	s7 =	smul.u32 $0x140000, s2;
	s10 =	sshll.u32 s2, $0xE;
	s2 =	ssub.s32 $0x2, s2  }
0x9: {  	s8 =	sshrl.u32 s6, $0x3;
	s19 =	sshrl.u32 s2, $0x1;
	s23 =	sshrl.u32 s11, $0x2  }
0xa: {  	s11 =	simm.s32 $0x4;
	s8 =	sadd.s32 s8, s0;
	s7 =	sadd.s32 s6, s7  }
0xb: {  	s6 =	sor.u32 s10, s9;
	s2 =	ssub.s32 s2, s19;
	s25 =	sadd.s32 s23, s3  }
0xc: {  	s23 =	simm.s32 $0x14000;
	s9 =	simm.s32 $0x3;
	s10 =	simm.s32 $0x1BC00  }
0xd: {  	s17 =	sshrl.u32 s7, $0x3;
	[dreg:$0xa] =	wrdreg s25;
	s26 =	sadd.s32 $0x14E00, s8  }
0xe: {  	s18 =	sshrl.u32 s6, $0x3;
	s28 =	smax.u32 s2, $0x1;
	[dreg:$0xb] =	wrdreg s26  }
0xf: {  	s25 =	simm.s32 $0x1BA00;
	s7 =	sadd.s32 s5, s18;
	[dreg:$0xd] =	wrdreg s28  }
0x10: {  	s2 =	simm.s32 $0x1BB00;
	s20 =	sadd.s32 $0x10, s7;
	[dreg:$0x4] =	wrdreg s7  }
0x11: {  	s8 =	simm.s32 $0x1BB80;
	s21 =	sadd.s32 $0x20, s7;
	[dreg:$0x5] =	wrdreg s20  }
0x12: {  	s0 =	sadd.s32 s17, s0;
	s22 =	sadd.s32 $0x30, s7;
	[dreg:$0x6] =	wrdreg s21  }
0x13: {  	s26 =	simm.s32 $0x16800;
	s24 =	sadd.s32 $0x40, s7;
	[dreg:$0x7] =	wrdreg s22  }
0x14: {  	s17 =	simm.s32 $0x5;
	s7 =	sadd.s32 $0x50, s7;
	[dreg:$0x8] =	wrdreg s24  }
0x15: {  	s18 =	simm.s32 $0x0;
	s0 =	sadd.s32 $0x3CE00, s0;
	[dreg:$0x9] =	wrdreg s7  }
0x16: {  	[dreg:$0xc] =	wrdreg s0;
	s20 =	simm.s32 $0x7;
	s21 =	simm.s32 $0x50  }
0x17: {  	s22 =	simm.s32 $0x1B980;
	s24 =	simm.s32 $0x8;
	s0 =	simm.s32 $0x1  }
.LBB2_1:
0x18: {  	s7 =	rddreg [dreg:$0x4];
	s13 =	simm.s32 $0x1B800  }
0x19: {  	[tilespmem:s13], [sflag:$0x7] =	stream.linear.gather [hbm4b:s7+s4], $0x80, $0x38;
	[tilespmem:$0x1BC80] =	vst v63  }
0x1a: {  	s19 =	rddreg [dreg:$0x5];
	s14 =	simm.s32 $0x1B880  }
0x1b: {  	[tilespmem:s14], [sflag:$0x8] =	stream.linear.gather [hbm4b:s19+s4], $0x80, $0x38;
	[tilespmem:$0x1BC80] =	vst v63  }
0x1c: {  	s28 =	rddreg [dreg:$0x6];
	s15 =	simm.s32 $0x1B900  }
0x1d: {  	[tilespmem:s15], [sflag:$0x9] =	stream.linear.gather [hbm4b:s28+s4], $0x80, $0x38;
	[tilespmem:$0x1BC80] =	vst v63  }
0x1e: {  	_ =	swait.ge [sflag:s20], $0x80  }
0x1f: {  	[sflag:s20] =	ssyncset.done $0x0  }
0x20: {  	[sflag:s20] =	ssyncadd.s32 $0xFFFFFF80  }
0x21: {  	v0 =	vld [tilespmem:$0x1B800];
	_ =	sdelay $0x1  }
0x22: {  	v1 =	vld [tilespmem:$0x1B810];
	_ =	sdelay $0x1  }
0x23: {  	v2 =	vld [tilespmem:$0x1B820]  }
0x24: {  	v3 =	vand.u32 $0xFFFF, v0  }
0x25: {  	v26 =	vld [tilespmem:$0x1B830];
	v0 =	vshra.s32 v0, $0x10;
	[tilespmem:$0x1B980] =	vst v3  }
0x26: {  	v27 =	vand.u32 $0xFFFF, v1;
	[tilespmem:$0x1BB00] =	vst v0  }
0x27: {  	v29 =	vld [tilespmem:$0x1B840];
	v28 =	vshra.s32 v1, $0x10;
	[tilespmem:$0x1B990] =	vst v27  }
0x28: {  	v30 =	vand.u32 $0xFFFF, v2;
	[tilespmem:$0x1BB10] =	vst v28  }
0x29: {  	v31 =	vshra.s32 v2, $0x10;
	[tilespmem:$0x1B9A0] =	vst v30  }
0x2a: {  	v32 =	vand.u32 $0xFFFF, v26;
	[tilespmem:$0x1BB20] =	vst v31  }
0x2b: {  	v33 =	vshra.s32 v26, $0x10;
	[tilespmem:$0x1B9B0] =	vst v32  }
0x2c: {  	v34 =	vand.u32 $0xFFFF, v29;
	[tilespmem:$0x1BB30] =	vst v33  }
0x2d: {  	v35 =	vshra.s32 v29, $0x10;
	[tilespmem:$0x1B9C0] =	vst v34  }
0x2e: {  	[tilespmem:$0x1BB40] =	vst v35  }
0x2f: {  	[tilespmem:s23], [sflag:$0x1] =	stream.indirect.gather [hbm4b:s1+s21], $0x80, s22, s21, $0xb8;
	[tilespmem:$0x1BC80] =	vst v63  }
0x30: {  	s16 =	rddreg [dreg:$0x7]  }
0x31: {  	[tilespmem:s13], [sflag:$0x7] =	stream.linear.gather [hbm4b:s16+s4], $0x80, $0x38;
	[tilespmem:$0x1BC80] =	vst v63  }
0x32: {  	_ =	swait.ge [sflag:s24], $0x80  }
0x33: {  	[sflag:s24] =	ssyncset.done $0x0  }
0x34: {  	[sflag:s24] =	ssyncadd.s32 $0xFFFFFF80  }
0x35: {  	v36 =	vld [tilespmem:$0x1B880];
	_ =	sdelay $0x1  }
0x36: {  	v37 =	vld [tilespmem:$0x1B890];
	_ =	sdelay $0x1  }
0x37: {  	v38 =	vld [tilespmem:$0x1B8A0]  }
0x38: {  	v39 =	vand.u32 $0xFFFF, v36  }
0x39: {  	v40 =	vld [tilespmem:$0x1B8B0];
	v0 =	vshra.s32 v36, $0x10;
	[tilespmem:$0x1BA00] =	vst v39  }
0x3a: {  	v41 =	vand.u32 $0xFFFF, v37;
	[tilespmem:$0x1BB80] =	vst v0  }
0x3b: {  	v43 =	vld [tilespmem:$0x1B8C0];
	v42 =	vshra.s32 v37, $0x10;
	[tilespmem:$0x1BA10] =	vst v41  }
0x3c: {  	v44 =	vand.u32 $0xFFFF, v38;
	[tilespmem:$0x1BB90] =	vst v42  }
0x3d: {  	v45 =	vshra.s32 v38, $0x10;
	[tilespmem:$0x1BA20] =	vst v44  }
0x3e: {  	v46 =	vand.u32 $0xFFFF, v40;
	[tilespmem:$0x1BBA0] =	vst v45  }
0x3f: {  	v47 =	vshra.s32 v40, $0x10;
	[tilespmem:$0x1BA30] =	vst v46  }
0x40: {  	v48 =	vand.u32 $0xFFFF, v43;
	[tilespmem:$0x1BBB0] =	vst v47  }
0x41: {  	v49 =	vshra.s32 v43, $0x10;
	[tilespmem:$0x1BA40] =	vst v48  }
0x42: {  	[tilespmem:$0x1BBC0] =	vst v49  }
0x43: {  	[tilespmem:s26], [sflag:$0x2] =	stream.indirect.gather [hbm4b:s1+s21], $0x80, s25, s21, $0xb8;
	[tilespmem:$0x1BC80] =	vst v63  }
0x44: {  	s28 =	simm.s32 $0x9;
	s19 =	rddreg [dreg:$0x8]  }
0x45: {  	[tilespmem:s14], [sflag:$0x8] =	stream.linear.gather [hbm4b:s19+s4], $0x80, $0x38;
	[tilespmem:$0x1BC80] =	vst v63  }
0x46: {  	_ =	swait.ge [sflag:s28], $0x80  }
0x47: {  	[sflag:s28] =	ssyncset.done $0x0  }
0x48: {  	[sflag:s28] =	ssyncadd.s32 $0xFFFFFF80  }
0x49: {  	v50 =	vld [tilespmem:$0x1B900];
	_ =	sdelay $0x1  }
0x4a: {  	v51 =	vld [tilespmem:$0x1B910];
	_ =	sdelay $0x1  }
0x4b: {  	v52 =	vld [tilespmem:$0x1B920]  }
0x4c: {  	v53 =	vand.u32 $0xFFFF, v50  }
0x4d: {  	v54 =	vld [tilespmem:$0x1B930];
	v0 =	vshra.s32 v50, $0x10;
	[tilespmem:$0x1BA80] =	vst v53  }
0x4e: {  	v55 =	vand.u32 $0xFFFF, v51;
	[tilespmem:$0x1BC00] =	vst v0  }
0x4f: {  	v57 =	vld [tilespmem:$0x1B940];
	v56 =	vshra.s32 v51, $0x10;
	[tilespmem:$0x1BA90] =	vst v55  }
0x50: {  	v58 =	vand.u32 $0xFFFF, v52;
	[tilespmem:$0x1BC10] =	vst v56  }
0x51: {  	v59 =	vshra.s32 v52, $0x10;
	[tilespmem:$0x1BAA0] =	vst v58  }
0x52: {  	v60 =	vand.u32 $0xFFFF, v54;
	[tilespmem:$0x1BC20] =	vst v59  }
0x53: {  	v61 =	vshra.s32 v54, $0x10;
	[tilespmem:$0x1BAB0] =	vst v60  }
0x54: {  	v62 =	vand.u32 $0xFFFF, v57;
	[tilespmem:$0x1BC30] =	vst v61  }
0x55: {  	v63 =	vshra.s32 v57, $0x10;
	[tilespmem:$0x1BAC0] =	vst v62  }
0x56: {  	s13 =	simm.s32 $0x1BA80;
	[tilespmem:$0x1BC40] =	vst v63  }
0x57: {  	[tilespmem:s30], [sflag:$0x3] =	stream.indirect.gather [hbm4b:s1+s21], $0x80, s13, s21, $0xb8;
	[tilespmem:$0x1BC80] =	vst v63  }
0x58: {  	s14 =	rddreg [dreg:$0x9]  }
0x59: {  	[tilespmem:s15], [sflag:$0x9] =	stream.linear.gather [hbm4b:s14+s4], $0x80, $0x38;
	[tilespmem:$0x1BC80] =	vst v63  }
0x5a: {  	s15 =	stileid.u32  }
0x5b: {  	s19 =	rddreg [dreg:$0xa];
	s16 =	sshll.u32 s15, $0x6  }
0x5c: {  	s19 =	sshrl.u32 s19, $0x3;
	s28 =	rddreg [dreg:$0xb];
	s13 =	sor.u32 $0x1C0A, s16  }
0x5d: {  	[spmem:s19], [sflag:s13] =	dma.local [hbm:s28], $0x2800  }
0x5e: {  	_ =	swait.ge [sflag:s31], $0x2800  }
0x5f: {  	[sflag:s31] =	ssyncset.done $0x0  }
0x60: {  	[sflag:s31] =	ssyncadd.s32 $0xFFFFD800  }
0x61: {  	s14 =	simm.s32 $0x400;
	s15 =	simm.s32 $0x0;
	[bflag:$0x0] =	sbarrier.arrive $0xFFFF  }
.LBB2_2:
0x62: {  	_ =	swait.ge [sflag:s0], $0x2800  }
0x63: {  	[sflag:s0] =	ssyncset.done $0x0  }
0x64: {  	[sflag:s0] =	ssyncadd.s32 $0xFFFFD800  }
0x65: {  	[spmem:s3] =	stream.indirect.scatter.add.f32 [tilespmem:s23], [sflag:$0x4], $0x80, s2, s21, $0xb8;
	[tilespmem:$0x1BC80] =	vst v63  }
0x66: {  	_ =	swait.ge [sflag:s29], $0x2800  }
0x67: {  	[sflag:s29] =	ssyncset.done $0x0  }
0x68: {  	[sflag:s29] =	ssyncadd.s32 $0xFFFFD800  }
0x69: {  	[spmem:s3] =	stream.indirect.scatter.add.f32 [tilespmem:s26], [sflag:$0x5], $0x80, s8, s21, $0xb8;
	[tilespmem:$0x1BC80] =	vst v63  }
0x6a: {  	_ =	swait.ge [sflag:s9], $0x2800  }
0x6b: {  	[sflag:s9] =	ssyncset.done $0x0  }
0x6c: {  	[sflag:s9] =	ssyncadd.s32 $0xFFFFD800  }
0x6d: {  	[spmem:s3] =	stream.indirect.scatter.add.f32 [tilespmem:s30], [sflag:$0x6], $0x80, s10, s21, $0xb8;
	[tilespmem:$0x1BC80] =	vst v63  }
0x6e: {  	_ =	swait.ge [sflag:s11], $0x2800  }
0x6f: {  	[sflag:s11] =	ssyncset.done $0x0  }
0x70: {  	[sflag:s11] =	ssyncadd.s32 $0xFFFFD800  }
0x71: {  	_ =	swait.ge [sflag:s20], $0x80  }
0x72: {  	[sflag:s20] =	ssyncset.done $0x0  }
0x73: {  	[sflag:s20] =	ssyncadd.s32 $0xFFFFFF80  }
0x74: {  	v0 =	vld [tilespmem:$0x1B800];
	_ =	sdelay $0x1  }
0x75: {  	v1 =	vld [tilespmem:$0x1B810];
	_ =	sdelay $0x1  }
0x76: {  	v2 =	vld [tilespmem:$0x1B820]  }
0x77: {  	v3 =	vand.u32 $0xFFFF, v0  }
0x78: {  	v40 =	vld [tilespmem:$0x1B830];
	v0 =	vshra.s32 v0, $0x10;
	[tilespmem:$0x1B980] =	vst v3  }
0x79: {  	v41 =	vand.u32 $0xFFFF, v1;
	[tilespmem:$0x1BB00] =	vst v0  }
0x7a: {  	v43 =	vld [tilespmem:$0x1B840];
	v42 =	vshra.s32 v1, $0x10;
	[tilespmem:$0x1B990] =	vst v41  }
0x7b: {  	v44 =	vand.u32 $0xFFFF, v2;
	[tilespmem:$0x1BB10] =	vst v42  }
0x7c: {  	p0 =	seq.s32 s15, $0x28;
	v45 =	vshra.s32 v2, $0x10;
	[tilespmem:$0x1B9A0] =	vst v44  }
0x7d: {  	s16 =	sadd.s32 @!p0 $0xFFFFFF00, s14;
	v46 =	vand.u32 $0xFFFF, v40;
	[tilespmem:$0x1BB20] =	vst v45  }
0x7e: {  	s7 =	sand.u32 @!p0 $0xFC00, s16;
	v47 =	vshra.s32 v40, $0x10;
	[tilespmem:$0x1B9B0] =	vst v46  }
0x7f: {  	s16 =	sand.u32 @!p0 $0x380, s16;
	s7 =	sadd.s32 @!p0 s6, s7;
	v48 =	vand.u32 $0xFFFF, v43;
	[tilespmem:$0x1BB30] =	vst v47  }
0x80: {  	s7 =	sor.u32 @!p0 s16, s7;
	v49 =	vshra.s32 v43, $0x10;
	[tilespmem:$0x1B9C0] =	vst v48  }
0x81: {  	s7 =	sshrl.u32 @!p0 s7, $0x3;
	[tilespmem:$0x1BB40] =	vst v49  }
0x82: {  	[tilespmem:s23], [sflag:$0x1] =	stream.indirect.gather [hbm4b:s1+s21], $0x80, s22, s21, $0xb8;
	[tilespmem:$0x1BC80] =	vst v63  }
0x83: {  	s28 =	simm.s32 @!p0 $0x1B800;
	s16 =	simm.s32 @!p0 $0x0;
	s7 =	sadd.s32 @!p0 s5, s7  }
0x84: {  	[tilespmem:s28], [sflag:$0x7] =	stream.linear.gather @!p0 [hbm4b:s7+s16], $0x80, $0x38;
	[tilespmem:$0x1BC80] =	vst v63  }
0x85: {  	_ =	swait.ge [sflag:s17], $0x2800  }
0x86: {  	[sflag:s17] =	ssyncset.done $0x0  }
0x87: {  	[sflag:s17] =	ssyncadd.s32 $0xFFFFD800  }
0x88: {  	_ =	swait.ge [sflag:s24], $0x80  }
0x89: {  	[sflag:s24] =	ssyncset.done $0x0  }
0x8a: {  	[sflag:s24] =	ssyncadd.s32 $0xFFFFFF80  }
0x8b: {  	v50 =	vld [tilespmem:$0x1B880];
	_ =	sdelay $0x1  }
0x8c: {  	v51 =	vld [tilespmem:$0x1B890];
	_ =	sdelay $0x1  }
0x8d: {  	v52 =	vld [tilespmem:$0x1B8A0]  }
0x8e: {  	v53 =	vand.u32 $0xFFFF, v50  }
0x8f: {  	v54 =	vld [tilespmem:$0x1B8B0];
	v0 =	vshra.s32 v50, $0x10;
	[tilespmem:$0x1BA00] =	vst v53  }
0x90: {  	v55 =	vand.u32 $0xFFFF, v51;
	[tilespmem:$0x1BB80] =	vst v0  }
0x91: {  	v57 =	vld [tilespmem:$0x1B8C0];
	v56 =	vshra.s32 v51, $0x10;
	[tilespmem:$0x1BA10] =	vst v55  }
0x92: {  	v58 =	vand.u32 $0xFFFF, v52;
	[tilespmem:$0x1BB90] =	vst v56  }
0x93: {  	v59 =	vshra.s32 v52, $0x10;
	[tilespmem:$0x1BA20] =	vst v58  }
0x94: {  	s7 =	sadd.s32 @!p0 $0xFFFFFF80, s14;
	v60 =	vand.u32 $0xFFFF, v54;
	[tilespmem:$0x1BBA0] =	vst v59  }
0x95: {  	s28 =	sand.u32 @!p0 $0xFC00, s7;
	v61 =	vshra.s32 v54, $0x10;
	[tilespmem:$0x1BA30] =	vst v60  }
0x96: {  	s7 =	sand.u32 @!p0 $0x380, s7;
	s28 =	sadd.s32 @!p0 s6, s28;
	v62 =	vand.u32 $0xFFFF, v57;
	[tilespmem:$0x1BBB0] =	vst v61  }
0x97: {  	s7 =	sor.u32 @!p0 s7, s28;
	v63 =	vshra.s32 v57, $0x10;
	[tilespmem:$0x1BA40] =	vst v62  }
0x98: {  	s7 =	sshrl.u32 @!p0 s7, $0x3;
	[tilespmem:$0x1BBC0] =	vst v63  }
0x99: {  	[tilespmem:s26], [sflag:$0x2] =	stream.indirect.gather [hbm4b:s1+s21], $0x80, s25, s21, $0xb8;
	[tilespmem:$0x1BC80] =	vst v63  }
0x9a: {  	s28 =	simm.s32 @!p0 $0x1B880;
	s7 =	sadd.s32 @!p0 s5, s7  }
0x9b: {  	[tilespmem:s28], [sflag:$0x8] =	stream.linear.gather @!p0 [hbm4b:s7+s16], $0x80, $0x38;
	[tilespmem:$0x1BC80] =	vst v63  }
0x9c: {  	s7 =	simm.s32 @!p0 $0x6  }
0x9d: {  	_ =	swait.ge @!p0 [sflag:s7], $0x2800  }
0x9e: {  	[sflag:s7] =	ssyncset.done @!p0 $0x0  }
0x9f: {  	[sflag:s7] =	ssyncadd.s32 @!p0 $0xFFFFD800;
	s7 =	simm.s32 @!p0 $0x9  }
0xa0: {  	_ =	swait.ge @!p0 [sflag:s7], $0x80  }
0xa1: {  	[sflag:s7] =	ssyncset.done @!p0 $0x0  }
0xa2: {  	[sflag:s7] =	ssyncadd.s32 @!p0 $0xFFFFFF80  }
0xa3: {  	v0 =	vld @!p0 [tilespmem:$0x1B900];
	_ =	sdelay $0x1  }
0xa4: {  	v1 =	vld @!p0 [tilespmem:$0x1B910];
	_ =	sdelay $0x1  }
0xa5: {  	v2 =	vld @!p0 [tilespmem:$0x1B920]  }
0xa6: {  	v3 =	vand.u32 @!p0 $0xFFFF, v0  }
0xa7: {  	v0 =	vshra.s32 @!p0 v0, $0x10;
	[tilespmem:$0x1BA80] =	vst @!p0 v3;
	v3 =	vld @!p0 [tilespmem:$0x1B930]  }
0xa8: {  	[tilespmem:$0x1BC00] =	vst @!p0 v0;
	v0 =	vand.u32 @!p0 $0xFFFF, v1  }
0xa9: {  	[tilespmem:$0x1BA90] =	vst @!p0 v0;
	v0 =	vshra.s32 @!p0 v1, $0x10;
	v1 =	vld @!p0 [tilespmem:$0x1B940]  }
0xaa: {  	[tilespmem:$0x1BC10] =	vst @!p0 v0;
	v0 =	vand.u32 @!p0 $0xFFFF, v2  }
0xab: {  	[tilespmem:$0x1BAA0] =	vst @!p0 v0;
	v0 =	vshra.s32 @!p0 v2, $0x10  }
0xac: {  	[tilespmem:$0x1BC20] =	vst @!p0 v0;
	v0 =	vand.u32 @!p0 $0xFFFF, v3  }
0xad: {  	[tilespmem:$0x1BAB0] =	vst @!p0 v0;
	v0 =	vshra.s32 @!p0 v3, $0x10  }
0xae: {  	p1 =	sgt.u32 @!p0 s15, $0x26;
	[tilespmem:$0x1BC30] =	vst @!p0 v0;
	v0 =	vand.u32 @!p0 $0xFFFF, v1  }
0xaf: {  	p1 =	por p1, p0;
	[tilespmem:$0x1BAC0] =	vst @!p0 v0;
	v0 =	vshra.s32 @!p0 v1, $0x10  }
0xb0: {  	s16 =	simm.s32 @!p0 $0x1BA80;
	s28 =	simm.s32 @!p0 $0x19000;
	s7 =	simm.s32 @!p0 $0x50;
	[tilespmem:$0x1BC40] =	vst @!p0 v0  }
0xb1: {  	[tilespmem:s28], [sflag:$0x3] =	stream.indirect.gather @!p0 [hbm4b:s1+s7], $0x80, s16, s7, $0xb8;
	[tilespmem:$0x1BC80] =	vst v63  }
0xb2: {  	s7 =	sadd.s32 @!p0 $0xFFFFFC00, s14;
	s16 =	sand.u32 @!p1 $0xFC00, s14  }
0xb3: {  	s16 =	sadd.s32 @!p1 s6, s16;
	s7 =	sand.u32 @!p1 $0x380, s7  }
0xb4: {  	s7 =	sor.u32 @!p1 s7, s16  }
0xb5: {  	s15 =	sadd.s32 @!p0 $0x1, s15;
	s7 =	sshrl.u32 @!p1 s7, $0x3  }
0xb6: {  	s28 =	simm.s32 @!p1 $0x1B900;
	s16 =	simm.s32 @!p1 $0x0;
	s7 =	sadd.s32 @!p1 s5, s7  }
0xb7: {  	[tilespmem:s28], [sflag:$0x9] =	stream.linear.gather @!p1 [hbm4b:s7+s16], $0x80, $0x38;
	[tilespmem:$0x1BC80] =	vst v63  }
0xb8: {  	p1 =	sne.s32 @!p0 s15, $0x29  }
0xb9: {  	p1 =	por p0, !p1  }
.Ltmp0:
0xba: {  	_ = 	snop;
	(pc) =	sbr.rel @!p1 .LBB2_2-.Ltmp0, $2  }
0xbb: {  	_ =	sdelay $0x2  }
0xbc: {  	s14 =	sadd.s32 @!p0 $0x180, s14  }
0xbd: {  	_ =	swait.ge [sflag:s0], $0x2800  }
0xbe: {  	[sflag:s0] =	ssyncset.done $0x0  }
0xbf: {  	[sflag:s0] =	ssyncadd.s32 $0xFFFFD800  }
0xc0: {  	[spmem:s3] =	stream.indirect.scatter.add.f32 [tilespmem:s23], [sflag:$0x4], $0x80, s2, s21, $0xb8;
	[tilespmem:$0x1BC80] =	vst v63  }
0xc1: {  	_ =	swait.ge [sflag:s29], $0x2800  }
0xc2: {  	[sflag:s29] =	ssyncset.done $0x0  }
0xc3: {  	[sflag:s29] =	ssyncadd.s32 $0xFFFFD800  }
0xc4: {  	[spmem:s3] =	stream.indirect.scatter.add.f32 [tilespmem:s26], [sflag:$0x5], $0x80, s8, s21, $0xb8;
	[tilespmem:$0x1BC80] =	vst v63  }
0xc5: {  	_ =	swait.ge [sflag:s11], $0x2800  }
0xc6: {  	[sflag:s11] =	ssyncset.done $0x0  }
0xc7: {  	[sflag:s11] =	ssyncadd.s32 $0xFFFFD800  }
0xc8: {  	_ =	swait.ge [sflag:s17], $0x2800  }
0xc9: {  	[sflag:s17] =	ssyncset.done $0x0  }
0xca: {  	[sflag:s17] =	ssyncadd.s32 $0xFFFFD800  }
0xcb: {  	_ =	swait.ge [sflag:s12], $0x2800  }
0xcc: {  	[sflag:s12] =	ssyncset.done $0x0  }
0xcd: {  	[sflag:s12] =	ssyncadd.s32 $0xFFFFD800  }
0xce: {  	[bflag:$0x0] =	sbarrier.arrive $0xFFFF  }
0xcf: {  	s7 =	rddreg [dreg:$0xc]  }
0xd0: {  	[hbm:s7], [sflag:s13] =	dma.local [spmem:s19], $0x2800  }
0xd1: {  	_ =	swait.ge [sflag:s31], $0x2800  }
0xd2: {  	s18 =	sadd.s32 $0x1, s18;
	s28 =	rddreg [dreg:$0xd]  }
0xd3: {  	p0 =	sne.s32 s18, s28  }
.Ltmp1:
0xd4: {  	_ = 	snop;
	(pc) =	sbr.rel @p0 .LBB2_1-.Ltmp1, $3  }
0xd5: {  	_ =	sdelay $0x1  }
0xd6: {  	[sflag:s31] =	ssyncset.done $0x0  }
0xd7: {  	[sflag:s31] =	ssyncadd.s32 $0xFFFFD800  }
0xd8: {  	_ =	sfence.sel $0x180000  }
0xd9: {  	[bflag:$0x0] =	sbarrier.arrive $0xFFFF  }
0xda: {  	_ =	strace $0x90000050  }
0xdb: {  	s0 =	stileid.u32;
	[bflag:$0x2] =	sbarrier.arrive $0xFFFF  }
0xdc: {  	p0 =	sne.s32 s0, $0x0;
	s0 =	rddreg [dreg:$0x3]  }
0xdd: {  	s0 =	sadd.s32 @!p0 $0x100000, s0  }
0xde: {  	[sflag:s0] =	ssyncadd.tile.s32 @!p0 $0x1;
	_ =	shalt  }
.Lfunc_end2:
_tile_overlayer_lowered:
.L_overlay_start_2:
0xdf: {  	(tag) =	ssettag $0x2  }
0xe0: {  	s0 =	rddreg [dreg:$0x0];
	s2 =	stileid.u32  }
0xe1: {  	s1 =	rddreg [dreg:$0x1];
	p0 =	sne.s32 s2, $0x0  }
0xe2: {  	s3 =	rddreg [dreg:$0x2];
	[bflag:$0x3] =	sbarrier.arrive $0xFFFF;
	s2 =	simm.s32 @!p0 $0x1C0A  }
0xe3: {  	[timem:s3], [sflag:s2] =	dma.local @!p0 [hbm:s0], s1  }
0xe4: {  	s0 =	simm.s32 @!p0 $0xA  }
0xe5: {  	_ =	swait.ge @!p0 [sflag:s0], s1  }
0xe6: {  	s1 =	ssub.s32 @!p0 $0x0, s1;
	[sflag:s0] =	ssyncset.done @!p0 $0x0  }
0xe7: {  	[sflag:s0] =	ssyncadd.s32 @!p0 s1  }
0xe8: {  	[bflag:$0x3] =	sbarrier.arrive $0xFFFF  }
0xe9: {  	_ =	shalt  }

// kernel: kernel.24.cloned.1.call-start
scs
__scs_entry_jumppad:
0x0: {  	(pc) =	sbr.rel $0x88, $3  }
0x1: {  	(tag) =	ssettag $0x0;
	lr =	simm.s32 $0x1  }
0x2: {  	[smem:$0x3F8F] =	sst lr;
	_ =	strace $0xD0000000  }
0x3: {  	_ = 	snop  }
0x4: {  	_ = 	snop  }
0x5: {  	_ = 	snop  }
0x6: {  	_ = 	snop  }
0x7: {  	_ = 	snop  }
__scs_overlays_trampoline_lowered:
0x8: {  	[smem:$0x3F9E] =	sst s0  }
0x9: {  	[smem:$0x3F9F] =	sst s1  }
0xa: {  	[smem:$0x3FA0] =	sst s2  }
0xb: {  	[smem:$0x3FA1] =	sst s3  }
0xc: {  	[smem:$0x3FA2] =	sst s4  }
0xd: {  	[smem:$0x3FA3] =	sst s5  }
0xe: {  	[smem:$0x3FA4] =	sst s6  }
0xf: {  	[smem:$0x3FA5] =	sst s7  }
0x10: {  	[smem:$0x3FA6] =	sst s8  }
0x11: {  	[smem:$0x3FA7] =	sst s9;
	s0 =	simm.s32 @!p0 $0x0  }
0x12: {  	s1 =	sld [smem:$0x3F8D];
	s0 =	simm.s32 @p0 $0x1  }
0x13: {  	[smem:$0x3FA8] =	sst s0;
	s0 =	simm.s32 @!p1 $0x0  }
0x14: {  	s2 =	sld [smem:$0x3F8C];
	s0 =	simm.s32 @p1 $0x1  }
0x15: {  	[smem:$0x3FA9] =	sst s0;
	s0 =	simm.s32 @!p2 $0x0  }
0x16: {  	s3 =	sld [smem:$0x3FDB];
	s0 =	simm.s32 @p2 $0x1  }
0x17: {  	s4 =	simm.s32 $0x1BF5;
	[smem:$0x3FAB] =	sst s0  }
0x18: {  	s0 =	sld [smem:$0x3F8E];
	_ =	swait.ge [sflag:s4], $0x0  }
0x19: {  	s7 =	sld [smem:$0x3F8F]  }
0x1a: {  	s8 =	sadd.s32 $0xFFFFE003, lr  }
0x1b: {  	s9 =	sadd.s32 $0xFFFFFEF7, lr;
	s5 =	simm.s32 $0xFFFFFFFF;
	p2 =	slt.u32 s8, $0xFFFFF086  }
0x1c: {  	p1 =	slt.u32 s9, $0xF7A;
	s5 =	simm.s32 @!p2 $0x0  }
0x1d: {  	s5 =	simm.s32 @p1 $0x1;
	p0 =	seq.s32 s7, s2  }
0x1e: {  	s7 =	smul.u32 @!p0 $0xF7A, s2;
	p2 =	seq.s32 @!p0 s5, $0x0  }
0x1f: {  	s9 =	smul.u32 $0xF7A, s1;
	s8 =	simm.s32 @!p0 $0x1BF5;
	p2 =	por !p2, p0  }
0x20: {  	[sflag:s8] =	ssyncset.s32 @!p0 $0xFFFFF086;
	s6 =	sadd.s32 @!p0 s3, s7;
	s7 =	simm.s32 @!p0 $0x108  }
0x21: {  	s3 =	sadd.s32 s3, s9;
	s6 =	sadd.s32 @!p0 $0x88, s6;
	s7 =	simm.s32 @p2 $0x1082  }
0x22: {  	[simem:s7], [sflag:s8] =	dma.local @!p0 [hbm:s6], $0xF7A  }
0x23: {  	s9 =	sor.u32 $0xD0000000, s2;
	s6 =	simm.s32 $0x108;
	_ =	swait.ge @!p0 [sflag:s8], $0x0  }
0x24: {  	s3 =	sadd.s32 $0x88, s3;
	s6 =	simm.s32 @!p1 $0x1082;
	[sflag:s4] =	ssyncset.s32 $0xFFFFF086  }
0x25: {  	[simem:s6], [sflag:s4] =	dma.local [hbm:s3], $0xF7A  }
0x26: {  	[smem:$0x3F8F] =	sst s1;
	(tag) =	ssettag s2;
	_ =	strace s9  }
0x27: {  	s1 =	sld [smem:$0x3F9F]  }
0x28: {  	s2 =	sld [smem:$0x3FA0]  }
0x29: {  	s4 =	sld [smem:$0x3FA2]  }
0x2a: {  	p0 =	seq.s32 s5, $0x0;
	s5 =	sld [smem:$0x3FA3]  }
0x2b: {  	s6 =	sld [smem:$0x3FA4]  }
0x2c: {  	s7 =	sld [smem:$0x3FA5]  }
0x2d: {  	s3 =	simm.s32 $0x108;
	s8 =	sld [smem:$0x3FA6]  }
0x2e: {  	s3 =	simm.s32 @!p0 $0x1082;
	s9 =	sld [smem:$0x3FA7]  }
0x2f: {  	lr =	sadd.s32 s0, s3;
	s0 =	sld [smem:$0x3F9E]  }
0x30: {  	s3 =	sld [smem:$0x3FA1]  }
0x31: {  	[smem:$0x3FAA] =	sst s10  }
0x32: {  	s10 =	sld [smem:$0x3FA8];
	_ =	sdelay $0x3  }
0x33: {  	p0 =	seq.s32 s10, $0x1;
	s10 =	sld [smem:$0x3FAA];
	_ =	sdelay $0x3  }
0x34: {  	[smem:$0x3FAA] =	sst s10  }
0x35: {  	s10 =	sld [smem:$0x3FA9];
	_ =	sdelay $0x3  }
0x36: {  	p1 =	seq.s32 s10, $0x1;
	s10 =	sld [smem:$0x3FAA];
	_ =	sdelay $0x3  }
0x37: {  	[smem:$0x3FAA] =	sst s10  }
0x38: {  	s10 =	sld [smem:$0x3FAB]  }
0x39: {  	_ = 	snop;
	(pc) =	sbr.ind lr, $3  }
0x3a: {  	_ = 	snop  }
0x3b: {  	_ = 	snop  }
0x3c: {  	p2 =	seq.s32 s10, $0x1;
	s10 =	sld [smem:$0x3FAA]  }
0x3d: {  	_ =	shalt  }
0x3e: {  	_ =	shalt  }
0x3f: {  	_ =	shalt  }
0x40: {  	_ =	shalt  }
0x41: {  	_ =	shalt  }
0x42: {  	_ =	shalt  }
0x43: {  	_ =	shalt  }
0x44: {  	_ =	shalt  }
0x45: {  	_ =	shalt  }
0x46: {  	_ =	shalt  }
0x47: {  	_ =	shalt  }
0x48: {  	_ =	shalt  }
0x49: {  	_ =	shalt  }
0x4a: {  	_ =	shalt  }
0x4b: {  	_ =	shalt  }
0x4c: {  	_ =	shalt  }
0x4d: {  	_ =	shalt  }
0x4e: {  	_ =	shalt  }
0x4f: {  	_ =	shalt  }
0x50: {  	_ =	shalt  }
0x51: {  	_ =	shalt  }
0x52: {  	_ =	shalt  }
0x53: {  	_ =	shalt  }
0x54: {  	_ =	shalt  }
0x55: {  	_ =	shalt  }
0x56: {  	_ =	shalt  }
0x57: {  	_ =	shalt  }
0x58: {  	_ =	shalt  }
0x59: {  	_ =	shalt  }
0x5a: {  	_ =	shalt  }
0x5b: {  	_ =	shalt  }
0x5c: {  	_ =	shalt  }
0x5d: {  	_ =	shalt  }
0x5e: {  	_ =	shalt  }
0x5f: {  	_ =	shalt  }
0x60: {  	_ =	shalt  }
0x61: {  	_ =	shalt  }
0x62: {  	_ =	shalt  }
0x63: {  	_ =	shalt  }
0x64: {  	_ =	shalt  }
0x65: {  	_ =	shalt  }
0x66: {  	_ =	shalt  }
0x67: {  	_ =	shalt  }
0x68: {  	_ =	shalt  }
0x69: {  	_ =	shalt  }
0x6a: {  	_ =	shalt  }
0x6b: {  	_ =	shalt  }
0x6c: {  	_ =	shalt  }
0x6d: {  	_ =	shalt  }
0x6e: {  	_ =	shalt  }
0x6f: {  	_ =	shalt  }
0x70: {  	_ =	shalt  }
0x71: {  	_ =	shalt  }
0x72: {  	_ =	shalt  }
0x73: {  	_ =	shalt  }
0x74: {  	_ =	shalt  }
0x75: {  	_ =	shalt  }
0x76: {  	_ =	shalt  }
0x77: {  	_ =	shalt  }
0x78: {  	_ =	shalt  }
0x79: {  	_ =	shalt  }
0x7a: {  	_ =	shalt  }
0x7b: {  	_ =	shalt  }
0x7c: {  	_ =	shalt  }
0x7d: {  	_ =	shalt  }
0x7e: {  	_ =	shalt  }
0x7f: {  	_ =	shalt  }
0x80: {  	_ =	shalt  }
0x81: {  	_ =	shalt  }
0x82: {  	_ =	shalt  }
0x83: {  	_ =	shalt  }
0x84: {  	_ =	shalt  }
0x85: {  	_ =	shalt  }
0x86: {  	_ =	shalt  }
0x87: {  	_ =	shalt  }
.Lfunc_end0:
.L_simem_size_0:
called_computation.4_lowered:
.L_overlay_start_0:
0x88: {  	s2 =	sld [smem:$0x3FD9]  }
0x89: {  	s3 =	sld [smem:$0x3FFE];
	_ =	sdelay $0x1  }
0x8a: {  	s1 =	srdreg.scid  }
0x8b: {  	s0 =	sand.u32 $0x1, s1  }
0x8c: {  	s17 =	sshll.u32 s0, $0xA;
	s2 =	sadd.s32 s3, s2  }
0x8d: {  	s2 =	sadd.s32 s2, s17  }
0x8e: {  	[smem:$0x3FB6] =	sst s2  }
0x8f: {  	_ = 	snop  }
0x90: {  	s2 =	sld [smem:$0x3FD0];
	(tm) =	ssettm $0x1  }
0x91: {  	s18 =	sld [smem:$0x3FFB];
	_ =	sdelay $0x3  }
0x92: {  	_ =	strace s18  }
0x93: {  	s3 =	sld [smem:$0x3FFC];
	_ =	sdelay $0x3  }
0x94: {  	_ =	strace s3  }
0x95: {  	s3 =	sld [smem:$0x3FFD];
	_ =	sdelay $0x3  }
0x96: {  	_ =	strace s3  }
0x97: {  	_ =	strace $0x8FFFFFFF  }
0x98: {  	s19 =	sld [smem:$0x3FDB];
	_ =	sdelay $0x1  }
0x99: {  	s4 =	simm.s32 $_scs_section_size  }
0x9a: {  	s5 =	simm.s32 $_size__tile_overlayer_lowered;
	s6 =	simm.s32 $_tile_overlayer_lowered  }
0x9b: {  	s22 =	simm.s32 $0x1BFF;
	s21 =	sshll.u32 s6, $0x1;
	s3 =	sadd.s32 s4, s19  }
0x9c: {  	s7 =	simm.s32 $0x0;
	s20 =	sshll.u32 s5, $0x1;
	s5 =	sadd.s32 s21, s3  }
0x9d: {  	[timem:s7], [sflag:s22] =	dma.local [hbm:s5], s20  }
0x9e: {  	_ =	swait.ge [sflag:s22], s20  }
0x9f: {  	s4 =	ssub.s32 $0x0, s20;
	[sflag:s22] =	ssyncset.done $0x0  }
0xa0: {  	[sflag:s22] =	ssyncadd.s32 s4;
	_ =	sdelay $0x1  }
0xa1: {  	s23 =	simm.s32 $0x1B8B  }
0xa2: {  	_ =	swait.ge [sflag:s23], $0x1  }
0xa3: {  	[sflag:s23] =	ssyncset.done $0x0  }
0xa4: {  	s25 =	simm.s32 $0x1B8E;
	s24 =	sld [smem:$0x3FFE];
	[sflag:s23] =	ssyncadd.s32 $0xFFFFFFFF  }
0xa5: {  	s26 =	simm.s32 $execute0_lowered;
	[smem:$0x3FD2] =	sst s25  }
0xa6: {  	s5 =	sshll.u32 s26, $0x1;
	_ =	strace $0x80000052;
	[dreg:$0x1] =	wrdreg $0xFFFFFFFF  }
0xa7: {  	s28 =	simm.s32 $_size_execute0_lowered;
	s3 =	sadd.s32 s3, s5;
	[dreg:$0x0] =	wrdreg $0x0  }
0xa8: {  	s5 =	sshll.u32 s28, $0x1;
	[dreg:$0x2] =	wrdreg s3  }
0xa9: {  	[dreg:$0x3] =	wrdreg s5  }
0xaa: {  	[dreg:$0x4] =	wrdreg $0xC0  }
0xab: {  	_ =	task [dreg:s7], $0x5FFFF  }
0xac: {  	[dreg:$0x1] =	wrdreg $0xFFFFFFFF  }
0xad: {  	[dreg:$0x0] =	wrdreg $0x60  }
0xae: {  	[dreg:$0x2] =	wrdreg s2  }
0xaf: {  	[dreg:$0x3] =	wrdreg s24  }
0xb0: {  	[dreg:$0x4] =	wrdreg $0x0  }
0xb1: {  	[dreg:$0x5] =	wrdreg $0x9  }
0xb2: {  	_ =	task.clear_ibuf [dreg:s7], $0x6FFFF;
	_ =	strace $0x90000052  }
0xb3: {  	s29 =	simm.s32 $0x9;
	_ =	strace $0x80000054  }
0xb4: {  	_ =	swait.ge [sflag:s29], $0x1  }
0xb5: {  	[sflag:s29] =	ssyncadd.s32 $0xFFFFFFFF  }
0xb6: {  	_ =	strace $0x90000054  }
0xb7: {  	_ =	sfence  }
0xb8: {  	s30 =	sld [smem:$0x0];
	_ =	sdelay $0x2  }
0xb9: {  	s31 =	sshll.u32 s1, $0xD;
	s1 =	sshrl.u32 s1, $0x2  }
0xba: {  	s3 =	sand.u32 $0x4000, s31;
	s1 =	sadd.s32 s1, s30  }
0xbb: {  	s0 =	sor.u32 s3, s0;
	s1 =	sshll.u32 s1, $0x11  }
0xbc: {  	s0 =	sor.u32 s1, s0  }
0xbd: {  	s0 =	sadd.s32 $0x8F2B, s0  }
0xbe: {  	[sflag:s0] =	ssyncadd.remote.s32 $0x1  }
0xbf: {  	_ =	sfence.sel $0xFFFF  }
0xc0: {  	[dreg:$0x0] =	wrdreg $0xFFFFFFFF;
	(pc) =	sbr.abs _section_cstart, $3  }
0xc1: {  	[dreg:$0x1] =	wrdreg $0xFFFFFFFF  }
0xc2: {  	_ =	task.clear_ibuf [dreg:s7], $0x2FFFF;
	_ =	strace $0x9FFFFFFF  }
0xc3: {  	(tm) =	ssettm $0x7FFFFFFF  }
tec
execute0_lowered:
.L_overlay_start_1:
0x0: {  	(tag) =	ssettag $0x1  }
0x1: {  	s1 =	rddreg [dreg:$0x0]  }
0x2: {  	s0 =	rddreg [dreg:$0x1]  }
0x3: {  	s3 =	rddreg [dreg:$0x2];
	s4 =	simm.s32 $0x0;
	s11 =	stileid.u32  }
0x4: {  	s2 =	srdreg.scid;
	s30 =	simm.s32 $0x19000;
	s31 =	simm.s32 $0xA  }
0x5: {  	s29 =	simm.s32 $0x2;
	s12 =	simm.s32 $0x6;
	[smem:$0x7FF] =	sst s4  }
0x6: {  	s6 =	smul.u32 $0x14000, s11;
	s2 =	sand.u32 $0x1, s2;
	s5 =	sadd.s32 $0x4E00, s0  }
0x7: {  	s9 =	sshll.u32 s11, $0xF;
	s11 =	smul.u32 $0x50000, s11;
	_ =	strace $0x80000053  }
0x8: {  	s7 =	smul.u32 $0x140000, s2;
	s10 =	sshll.u32 s2, $0xE;
	s2 =	ssub.s32 $0x2, s2  }
0x9: {  	s8 =	sshrl.u32 s6, $0x3;
	s19 =	sshrl.u32 s2, $0x1;
	s23 =	sshrl.u32 s11, $0x2  }
0xa: {  	s11 =	simm.s32 $0x4;
	s8 =	sadd.s32 s8, s0;
	s7 =	sadd.s32 s6, s7  }
0xb: {  	s6 =	sor.u32 s10, s9;
	s2 =	ssub.s32 s2, s19;
	s25 =	sadd.s32 s23, s3  }
0xc: {  	s23 =	simm.s32 $0x14000;
	s9 =	simm.s32 $0x3;
	s10 =	simm.s32 $0x1BC00  }
0xd: {  	s17 =	sshrl.u32 s7, $0x3;
	[dreg:$0xa] =	wrdreg s25;
	s26 =	sadd.s32 $0x14E00, s8  }
0xe: {  	s18 =	sshrl.u32 s6, $0x3;
	s28 =	smax.u32 s2, $0x1;
	[dreg:$0xb] =	wrdreg s26  }
0xf: {  	s25 =	simm.s32 $0x1BA00;
	s7 =	sadd.s32 s5, s18;
	[dreg:$0xd] =	wrdreg s28  }
0x10: {  	s2 =	simm.s32 $0x1BB00;
	s20 =	sadd.s32 $0x10, s7;
	[dreg:$0x4] =	wrdreg s7  }
0x11: {  	s8 =	simm.s32 $0x1BB80;
	s21 =	sadd.s32 $0x20, s7;
	[dreg:$0x5] =	wrdreg s20  }
0x12: {  	s0 =	sadd.s32 s17, s0;
	s22 =	sadd.s32 $0x30, s7;
	[dreg:$0x6] =	wrdreg s21  }
0x13: {  	s26 =	simm.s32 $0x16800;
	s24 =	sadd.s32 $0x40, s7;
	[dreg:$0x7] =	wrdreg s22  }
0x14: {  	s17 =	simm.s32 $0x5;
	s7 =	sadd.s32 $0x50, s7;
	[dreg:$0x8] =	wrdreg s24  }
0x15: {  	s18 =	simm.s32 $0x0;
	s0 =	sadd.s32 $0x3CE00, s0;
	[dreg:$0x9] =	wrdreg s7  }
0x16: {  	[dreg:$0xc] =	wrdreg s0;
	s20 =	simm.s32 $0x7;
	s21 =	simm.s32 $0x50  }
0x17: {  	s22 =	simm.s32 $0x1B980;
	s24 =	simm.s32 $0x8;
	s0 =	simm.s32 $0x1  }
.LBB2_1:
0x18: {  	s7 =	rddreg [dreg:$0x4];
	s13 =	simm.s32 $0x1B800  }
0x19: {  	[tilespmem:s13], [sflag:$0x7] =	stream.linear.gather [hbm4b:s7+s4], $0x80, $0x38;
	[tilespmem:$0x1BC80] =	vst v63  }
0x1a: {  	s19 =	rddreg [dreg:$0x5];
	s14 =	simm.s32 $0x1B880  }
0x1b: {  	[tilespmem:s14], [sflag:$0x8] =	stream.linear.gather [hbm4b:s19+s4], $0x80, $0x38;
	[tilespmem:$0x1BC80] =	vst v63  }
0x1c: {  	s28 =	rddreg [dreg:$0x6];
	s15 =	simm.s32 $0x1B900  }
0x1d: {  	[tilespmem:s15], [sflag:$0x9] =	stream.linear.gather [hbm4b:s28+s4], $0x80, $0x38;
	[tilespmem:$0x1BC80] =	vst v63  }
0x1e: {  	_ =	swait.ge [sflag:s20], $0x80  }
0x1f: {  	[sflag:s20] =	ssyncset.done $0x0  }
0x20: {  	[sflag:s20] =	ssyncadd.s32 $0xFFFFFF80  }
0x21: {  	v0 =	vld [tilespmem:$0x1B800];
	_ =	sdelay $0x1  }
0x22: {  	v1 =	vld [tilespmem:$0x1B810];
	_ =	sdelay $0x1  }
0x23: {  	v2 =	vld [tilespmem:$0x1B820]  }
0x24: {  	v3 =	vand.u32 $0xFFFF, v0  }
0x25: {  	v26 =	vld [tilespmem:$0x1B830];
	v0 =	vshra.s32 v0, $0x10;
	[tilespmem:$0x1B980] =	vst v3  }
0x26: {  	v27 =	vand.u32 $0xFFFF, v1;
	[tilespmem:$0x1BB00] =	vst v0  }
0x27: {  	v29 =	vld [tilespmem:$0x1B840];
	v28 =	vshra.s32 v1, $0x10;
	[tilespmem:$0x1B990] =	vst v27  }
0x28: {  	v30 =	vand.u32 $0xFFFF, v2;
	[tilespmem:$0x1BB10] =	vst v28  }
0x29: {  	v31 =	vshra.s32 v2, $0x10;
	[tilespmem:$0x1B9A0] =	vst v30  }
0x2a: {  	v32 =	vand.u32 $0xFFFF, v26;
	[tilespmem:$0x1BB20] =	vst v31  }
0x2b: {  	v33 =	vshra.s32 v26, $0x10;
	[tilespmem:$0x1B9B0] =	vst v32  }
0x2c: {  	v34 =	vand.u32 $0xFFFF, v29;
	[tilespmem:$0x1BB30] =	vst v33  }
0x2d: {  	v35 =	vshra.s32 v29, $0x10;
	[tilespmem:$0x1B9C0] =	vst v34  }
0x2e: {  	[tilespmem:$0x1BB40] =	vst v35  }
0x2f: {  	[tilespmem:s23], [sflag:$0x1] =	stream.indirect.gather [hbm4b:s1+s21], $0x80, s22, s21, $0xb8;
	[tilespmem:$0x1BC80] =	vst v63  }
0x30: {  	s16 =	rddreg [dreg:$0x7]  }
0x31: {  	[tilespmem:s13], [sflag:$0x7] =	stream.linear.gather [hbm4b:s16+s4], $0x80, $0x38;
	[tilespmem:$0x1BC80] =	vst v63  }
0x32: {  	_ =	swait.ge [sflag:s24], $0x80  }
0x33: {  	[sflag:s24] =	ssyncset.done $0x0  }
0x34: {  	[sflag:s24] =	ssyncadd.s32 $0xFFFFFF80  }
0x35: {  	v36 =	vld [tilespmem:$0x1B880];
	_ =	sdelay $0x1  }
0x36: {  	v37 =	vld [tilespmem:$0x1B890];
	_ =	sdelay $0x1  }
0x37: {  	v38 =	vld [tilespmem:$0x1B8A0]  }
0x38: {  	v39 =	vand.u32 $0xFFFF, v36  }
0x39: {  	v40 =	vld [tilespmem:$0x1B8B0];
	v0 =	vshra.s32 v36, $0x10;
	[tilespmem:$0x1BA00] =	vst v39  }
0x3a: {  	v41 =	vand.u32 $0xFFFF, v37;
	[tilespmem:$0x1BB80] =	vst v0  }
0x3b: {  	v43 =	vld [tilespmem:$0x1B8C0];
	v42 =	vshra.s32 v37, $0x10;
	[tilespmem:$0x1BA10] =	vst v41  }
0x3c: {  	v44 =	vand.u32 $0xFFFF, v38;
	[tilespmem:$0x1BB90] =	vst v42  }
0x3d: {  	v45 =	vshra.s32 v38, $0x10;
	[tilespmem:$0x1BA20] =	vst v44  }
0x3e: {  	v46 =	vand.u32 $0xFFFF, v40;
	[tilespmem:$0x1BBA0] =	vst v45  }
0x3f: {  	v47 =	vshra.s32 v40, $0x10;
	[tilespmem:$0x1BA30] =	vst v46  }
0x40: {  	v48 =	vand.u32 $0xFFFF, v43;
	[tilespmem:$0x1BBB0] =	vst v47  }
0x41: {  	v49 =	vshra.s32 v43, $0x10;
	[tilespmem:$0x1BA40] =	vst v48  }
0x42: {  	[tilespmem:$0x1BBC0] =	vst v49  }
0x43: {  	[tilespmem:s26], [sflag:$0x2] =	stream.indirect.gather [hbm4b:s1+s21], $0x80, s25, s21, $0xb8;
	[tilespmem:$0x1BC80] =	vst v63  }
0x44: {  	s28 =	simm.s32 $0x9;
	s19 =	rddreg [dreg:$0x8]  }
0x45: {  	[tilespmem:s14], [sflag:$0x8] =	stream.linear.gather [hbm4b:s19+s4], $0x80, $0x38;
	[tilespmem:$0x1BC80] =	vst v63  }
0x46: {  	_ =	swait.ge [sflag:s28], $0x80  }
0x47: {  	[sflag:s28] =	ssyncset.done $0x0  }
0x48: {  	[sflag:s28] =	ssyncadd.s32 $0xFFFFFF80  }
0x49: {  	v50 =	vld [tilespmem:$0x1B900];
	_ =	sdelay $0x1  }
0x4a: {  	v51 =	vld [tilespmem:$0x1B910];
	_ =	sdelay $0x1  }
0x4b: {  	v52 =	vld [tilespmem:$0x1B920]  }
0x4c: {  	v53 =	vand.u32 $0xFFFF, v50  }
0x4d: {  	v54 =	vld [tilespmem:$0x1B930];
	v0 =	vshra.s32 v50, $0x10;
	[tilespmem:$0x1BA80] =	vst v53  }
0x4e: {  	v55 =	vand.u32 $0xFFFF, v51;
	[tilespmem:$0x1BC00] =	vst v0  }
0x4f: {  	v57 =	vld [tilespmem:$0x1B940];
	v56 =	vshra.s32 v51, $0x10;
	[tilespmem:$0x1BA90] =	vst v55  }
0x50: {  	v58 =	vand.u32 $0xFFFF, v52;
	[tilespmem:$0x1BC10] =	vst v56  }
0x51: {  	v59 =	vshra.s32 v52, $0x10;
	[tilespmem:$0x1BAA0] =	vst v58  }
0x52: {  	v60 =	vand.u32 $0xFFFF, v54;
	[tilespmem:$0x1BC20] =	vst v59  }
0x53: {  	v61 =	vshra.s32 v54, $0x10;
	[tilespmem:$0x1BAB0] =	vst v60  }
0x54: {  	v62 =	vand.u32 $0xFFFF, v57;
	[tilespmem:$0x1BC30] =	vst v61  }
0x55: {  	v63 =	vshra.s32 v57, $0x10;
	[tilespmem:$0x1BAC0] =	vst v62  }
0x56: {  	s13 =	simm.s32 $0x1BA80;
	[tilespmem:$0x1BC40] =	vst v63  }
0x57: {  	[tilespmem:s30], [sflag:$0x3] =	stream.indirect.gather [hbm4b:s1+s21], $0x80, s13, s21, $0xb8;
	[tilespmem:$0x1BC80] =	vst v63  }
0x58: {  	s14 =	rddreg [dreg:$0x9]  }
0x59: {  	[tilespmem:s15], [sflag:$0x9] =	stream.linear.gather [hbm4b:s14+s4], $0x80, $0x38;
	[tilespmem:$0x1BC80] =	vst v63  }
0x5a: {  	s15 =	stileid.u32  }
0x5b: {  	s19 =	rddreg [dreg:$0xa];
	s16 =	sshll.u32 s15, $0x6  }
0x5c: {  	s19 =	sshrl.u32 s19, $0x3;
	s28 =	rddreg [dreg:$0xb];
	s13 =	sor.u32 $0x1C0A, s16  }
0x5d: {  	[spmem:s19], [sflag:s13] =	dma.local [hbm:s28], $0x2800  }
0x5e: {  	_ =	swait.ge [sflag:s31], $0x2800  }
0x5f: {  	[sflag:s31] =	ssyncset.done $0x0  }
0x60: {  	[sflag:s31] =	ssyncadd.s32 $0xFFFFD800  }
0x61: {  	s14 =	simm.s32 $0x400;
	s15 =	simm.s32 $0x0;
	[bflag:$0x0] =	sbarrier.arrive $0xFFFF  }
.LBB2_2:
0x62: {  	_ =	swait.ge [sflag:s0], $0x2800  }
0x63: {  	[sflag:s0] =	ssyncset.done $0x0  }
0x64: {  	[sflag:s0] =	ssyncadd.s32 $0xFFFFD800  }
0x65: {  	[spmem:s3] =	stream.indirect.scatter.add.f32 [tilespmem:s23], [sflag:$0x4], $0x80, s2, s21, $0xb8;
	[tilespmem:$0x1BC80] =	vst v63  }
0x66: {  	_ =	swait.ge [sflag:s29], $0x2800  }
0x67: {  	[sflag:s29] =	ssyncset.done $0x0  }
0x68: {  	[sflag:s29] =	ssyncadd.s32 $0xFFFFD800  }
0x69: {  	[spmem:s3] =	stream.indirect.scatter.add.f32 [tilespmem:s26], [sflag:$0x5], $0x80, s8, s21, $0xb8;
	[tilespmem:$0x1BC80] =	vst v63  }
0x6a: {  	_ =	swait.ge [sflag:s9], $0x2800  }
0x6b: {  	[sflag:s9] =	ssyncset.done $0x0  }
0x6c: {  	[sflag:s9] =	ssyncadd.s32 $0xFFFFD800  }
0x6d: {  	[spmem:s3] =	stream.indirect.scatter.add.f32 [tilespmem:s30], [sflag:$0x6], $0x80, s10, s21, $0xb8;
	[tilespmem:$0x1BC80] =	vst v63  }
0x6e: {  	_ =	swait.ge [sflag:s11], $0x2800  }
0x6f: {  	[sflag:s11] =	ssyncset.done $0x0  }
0x70: {  	[sflag:s11] =	ssyncadd.s32 $0xFFFFD800  }
0x71: {  	_ =	swait.ge [sflag:s20], $0x80  }
0x72: {  	[sflag:s20] =	ssyncset.done $0x0  }
0x73: {  	[sflag:s20] =	ssyncadd.s32 $0xFFFFFF80  }
0x74: {  	v0 =	vld [tilespmem:$0x1B800];
	_ =	sdelay $0x1  }
0x75: {  	v1 =	vld [tilespmem:$0x1B810];
	_ =	sdelay $0x1  }
0x76: {  	v2 =	vld [tilespmem:$0x1B820]  }
0x77: {  	v3 =	vand.u32 $0xFFFF, v0  }
0x78: {  	v40 =	vld [tilespmem:$0x1B830];
	v0 =	vshra.s32 v0, $0x10;
	[tilespmem:$0x1B980] =	vst v3  }
0x79: {  	v41 =	vand.u32 $0xFFFF, v1;
	[tilespmem:$0x1BB00] =	vst v0  }
0x7a: {  	v43 =	vld [tilespmem:$0x1B840];
	v42 =	vshra.s32 v1, $0x10;
	[tilespmem:$0x1B990] =	vst v41  }
0x7b: {  	v44 =	vand.u32 $0xFFFF, v2;
	[tilespmem:$0x1BB10] =	vst v42  }
0x7c: {  	p0 =	seq.s32 s15, $0x28;
	v45 =	vshra.s32 v2, $0x10;
	[tilespmem:$0x1B9A0] =	vst v44  }
0x7d: {  	s16 =	sadd.s32 @!p0 $0xFFFFFF00, s14;
	v46 =	vand.u32 $0xFFFF, v40;
	[tilespmem:$0x1BB20] =	vst v45  }
0x7e: {  	s7 =	sand.u32 @!p0 $0xFC00, s16;
	v47 =	vshra.s32 v40, $0x10;
	[tilespmem:$0x1B9B0] =	vst v46  }
0x7f: {  	s16 =	sand.u32 @!p0 $0x380, s16;
	s7 =	sadd.s32 @!p0 s6, s7;
	v48 =	vand.u32 $0xFFFF, v43;
	[tilespmem:$0x1BB30] =	vst v47  }
0x80: {  	s7 =	sor.u32 @!p0 s16, s7;
	v49 =	vshra.s32 v43, $0x10;
	[tilespmem:$0x1B9C0] =	vst v48  }
0x81: {  	s7 =	sshrl.u32 @!p0 s7, $0x3;
	[tilespmem:$0x1BB40] =	vst v49  }
0x82: {  	[tilespmem:s23], [sflag:$0x1] =	stream.indirect.gather [hbm4b:s1+s21], $0x80, s22, s21, $0xb8;
	[tilespmem:$0x1BC80] =	vst v63  }
0x83: {  	s28 =	simm.s32 @!p0 $0x1B800;
	s16 =	simm.s32 @!p0 $0x0;
	s7 =	sadd.s32 @!p0 s5, s7  }
0x84: {  	[tilespmem:s28], [sflag:$0x7] =	stream.linear.gather @!p0 [hbm4b:s7+s16], $0x80, $0x38;
	[tilespmem:$0x1BC80] =	vst v63  }
0x85: {  	_ =	swait.ge [sflag:s17], $0x2800  }
0x86: {  	[sflag:s17] =	ssyncset.done $0x0  }
0x87: {  	[sflag:s17] =	ssyncadd.s32 $0xFFFFD800  }
0x88: {  	_ =	swait.ge [sflag:s24], $0x80  }
0x89: {  	[sflag:s24] =	ssyncset.done $0x0  }
0x8a: {  	[sflag:s24] =	ssyncadd.s32 $0xFFFFFF80  }
0x8b: {  	v50 =	vld [tilespmem:$0x1B880];
	_ =	sdelay $0x1  }
0x8c: {  	v51 =	vld [tilespmem:$0x1B890];
	_ =	sdelay $0x1  }
0x8d: {  	v52 =	vld [tilespmem:$0x1B8A0]  }
0x8e: {  	v53 =	vand.u32 $0xFFFF, v50  }
0x8f: {  	v54 =	vld [tilespmem:$0x1B8B0];
	v0 =	vshra.s32 v50, $0x10;
	[tilespmem:$0x1BA00] =	vst v53  }
0x90: {  	v55 =	vand.u32 $0xFFFF, v51;
	[tilespmem:$0x1BB80] =	vst v0  }
0x91: {  	v57 =	vld [tilespmem:$0x1B8C0];
	v56 =	vshra.s32 v51, $0x10;
	[tilespmem:$0x1BA10] =	vst v55  }
0x92: {  	v58 =	vand.u32 $0xFFFF, v52;
	[tilespmem:$0x1BB90] =	vst v56  }
0x93: {  	v59 =	vshra.s32 v52, $0x10;
	[tilespmem:$0x1BA20] =	vst v58  }
0x94: {  	s7 =	sadd.s32 @!p0 $0xFFFFFF80, s14;
	v60 =	vand.u32 $0xFFFF, v54;
	[tilespmem:$0x1BBA0] =	vst v59  }
0x95: {  	s28 =	sand.u32 @!p0 $0xFC00, s7;
	v61 =	vshra.s32 v54, $0x10;
	[tilespmem:$0x1BA30] =	vst v60  }
0x96: {  	s7 =	sand.u32 @!p0 $0x380, s7;
	s28 =	sadd.s32 @!p0 s6, s28;
	v62 =	vand.u32 $0xFFFF, v57;
	[tilespmem:$0x1BBB0] =	vst v61  }
0x97: {  	s7 =	sor.u32 @!p0 s7, s28;
	v63 =	vshra.s32 v57, $0x10;
	[tilespmem:$0x1BA40] =	vst v62  }
0x98: {  	s7 =	sshrl.u32 @!p0 s7, $0x3;
	[tilespmem:$0x1BBC0] =	vst v63  }
0x99: {  	[tilespmem:s26], [sflag:$0x2] =	stream.indirect.gather [hbm4b:s1+s21], $0x80, s25, s21, $0xb8;
	[tilespmem:$0x1BC80] =	vst v63  }
0x9a: {  	s28 =	simm.s32 @!p0 $0x1B880;
	s7 =	sadd.s32 @!p0 s5, s7  }
0x9b: {  	[tilespmem:s28], [sflag:$0x8] =	stream.linear.gather @!p0 [hbm4b:s7+s16], $0x80, $0x38;
	[tilespmem:$0x1BC80] =	vst v63  }
0x9c: {  	s7 =	simm.s32 @!p0 $0x6  }
0x9d: {  	_ =	swait.ge @!p0 [sflag:s7], $0x2800  }
0x9e: {  	[sflag:s7] =	ssyncset.done @!p0 $0x0  }
0x9f: {  	[sflag:s7] =	ssyncadd.s32 @!p0 $0xFFFFD800;
	s7 =	simm.s32 @!p0 $0x9  }
0xa0: {  	_ =	swait.ge @!p0 [sflag:s7], $0x80  }
0xa1: {  	[sflag:s7] =	ssyncset.done @!p0 $0x0  }
0xa2: {  	[sflag:s7] =	ssyncadd.s32 @!p0 $0xFFFFFF80  }
0xa3: {  	v0 =	vld @!p0 [tilespmem:$0x1B900];
	_ =	sdelay $0x1  }
0xa4: {  	v1 =	vld @!p0 [tilespmem:$0x1B910];
	_ =	sdelay $0x1  }
0xa5: {  	v2 =	vld @!p0 [tilespmem:$0x1B920]  }
0xa6: {  	v3 =	vand.u32 @!p0 $0xFFFF, v0  }
0xa7: {  	v0 =	vshra.s32 @!p0 v0, $0x10;
	[tilespmem:$0x1BA80] =	vst @!p0 v3;
	v3 =	vld @!p0 [tilespmem:$0x1B930]  }
0xa8: {  	[tilespmem:$0x1BC00] =	vst @!p0 v0;
	v0 =	vand.u32 @!p0 $0xFFFF, v1  }
0xa9: {  	[tilespmem:$0x1BA90] =	vst @!p0 v0;
	v0 =	vshra.s32 @!p0 v1, $0x10;
	v1 =	vld @!p0 [tilespmem:$0x1B940]  }
0xaa: {  	[tilespmem:$0x1BC10] =	vst @!p0 v0;
	v0 =	vand.u32 @!p0 $0xFFFF, v2  }
0xab: {  	[tilespmem:$0x1BAA0] =	vst @!p0 v0;
	v0 =	vshra.s32 @!p0 v2, $0x10  }
0xac: {  	[tilespmem:$0x1BC20] =	vst @!p0 v0;
	v0 =	vand.u32 @!p0 $0xFFFF, v3  }
0xad: {  	[tilespmem:$0x1BAB0] =	vst @!p0 v0;
	v0 =	vshra.s32 @!p0 v3, $0x10  }
0xae: {  	p1 =	sgt.u32 @!p0 s15, $0x26;
	[tilespmem:$0x1BC30] =	vst @!p0 v0;
	v0 =	vand.u32 @!p0 $0xFFFF, v1  }
0xaf: {  	p1 =	por p1, p0;
	[tilespmem:$0x1BAC0] =	vst @!p0 v0;
	v0 =	vshra.s32 @!p0 v1, $0x10  }
0xb0: {  	s16 =	simm.s32 @!p0 $0x1BA80;
	s28 =	simm.s32 @!p0 $0x19000;
	s7 =	simm.s32 @!p0 $0x50;
	[tilespmem:$0x1BC40] =	vst @!p0 v0  }
0xb1: {  	[tilespmem:s28], [sflag:$0x3] =	stream.indirect.gather @!p0 [hbm4b:s1+s7], $0x80, s16, s7, $0xb8;
	[tilespmem:$0x1BC80] =	vst v63  }
0xb2: {  	s7 =	sadd.s32 @!p0 $0xFFFFFC00, s14;
	s16 =	sand.u32 @!p1 $0xFC00, s14  }
0xb3: {  	s16 =	sadd.s32 @!p1 s6, s16;
	s7 =	sand.u32 @!p1 $0x380, s7  }
0xb4: {  	s7 =	sor.u32 @!p1 s7, s16  }
0xb5: {  	s15 =	sadd.s32 @!p0 $0x1, s15;
	s7 =	sshrl.u32 @!p1 s7, $0x3  }
0xb6: {  	s28 =	simm.s32 @!p1 $0x1B900;
	s16 =	simm.s32 @!p1 $0x0;
	s7 =	sadd.s32 @!p1 s5, s7  }
0xb7: {  	[tilespmem:s28], [sflag:$0x9] =	stream.linear.gather @!p1 [hbm4b:s7+s16], $0x80, $0x38;
	[tilespmem:$0x1BC80] =	vst v63  }
0xb8: {  	p1 =	sne.s32 @!p0 s15, $0x29  }
0xb9: {  	p1 =	por p0, !p1  }
.Ltmp0:
0xba: {  	_ = 	snop;
	(pc) =	sbr.rel @!p1 .LBB2_2-.Ltmp0, $2  }
0xbb: {  	_ =	sdelay $0x2  }
0xbc: {  	s14 =	sadd.s32 @!p0 $0x180, s14  }
0xbd: {  	_ =	swait.ge [sflag:s0], $0x2800  }
0xbe: {  	[sflag:s0] =	ssyncset.done $0x0  }
0xbf: {  	[sflag:s0] =	ssyncadd.s32 $0xFFFFD800  }
0xc0: {  	[spmem:s3] =	stream.indirect.scatter.add.f32 [tilespmem:s23], [sflag:$0x4], $0x80, s2, s21, $0xb8;
	[tilespmem:$0x1BC80] =	vst v63  }
0xc1: {  	_ =	swait.ge [sflag:s29], $0x2800  }
0xc2: {  	[sflag:s29] =	ssyncset.done $0x0  }
0xc3: {  	[sflag:s29] =	ssyncadd.s32 $0xFFFFD800  }
0xc4: {  	[spmem:s3] =	stream.indirect.scatter.add.f32 [tilespmem:s26], [sflag:$0x5], $0x80, s8, s21, $0xb8;
	[tilespmem:$0x1BC80] =	vst v63  }
0xc5: {  	_ =	swait.ge [sflag:s11], $0x2800  }
0xc6: {  	[sflag:s11] =	ssyncset.done $0x0  }
0xc7: {  	[sflag:s11] =	ssyncadd.s32 $0xFFFFD800  }
0xc8: {  	_ =	swait.ge [sflag:s17], $0x2800  }
0xc9: {  	[sflag:s17] =	ssyncset.done $0x0  }
0xca: {  	[sflag:s17] =	ssyncadd.s32 $0xFFFFD800  }
0xcb: {  	_ =	swait.ge [sflag:s12], $0x2800  }
0xcc: {  	[sflag:s12] =	ssyncset.done $0x0  }
0xcd: {  	[sflag:s12] =	ssyncadd.s32 $0xFFFFD800  }
0xce: {  	[bflag:$0x0] =	sbarrier.arrive $0xFFFF  }
0xcf: {  	s7 =	rddreg [dreg:$0xc]  }
0xd0: {  	[hbm:s7], [sflag:s13] =	dma.local [spmem:s19], $0x2800  }
0xd1: {  	_ =	swait.ge [sflag:s31], $0x2800  }
0xd2: {  	s18 =	sadd.s32 $0x1, s18;
	s28 =	rddreg [dreg:$0xd]  }
0xd3: {  	p0 =	sne.s32 s18, s28  }
.Ltmp1:
0xd4: {  	_ = 	snop;
	(pc) =	sbr.rel @p0 .LBB2_1-.Ltmp1, $3  }
0xd5: {  	_ =	sdelay $0x1  }
0xd6: {  	[sflag:s31] =	ssyncset.done $0x0  }
0xd7: {  	[sflag:s31] =	ssyncadd.s32 $0xFFFFD800  }
0xd8: {  	_ =	sfence.sel $0x180000  }
0xd9: {  	[bflag:$0x0] =	sbarrier.arrive $0xFFFF  }
0xda: {  	_ =	strace $0x90000053  }
0xdb: {  	s0 =	stileid.u32;
	[bflag:$0x2] =	sbarrier.arrive $0xFFFF  }
0xdc: {  	p0 =	sne.s32 s0, $0x0;
	s0 =	rddreg [dreg:$0x3]  }
0xdd: {  	s0 =	sadd.s32 @!p0 $0x100000, s0  }
0xde: {  	[sflag:s0] =	ssyncadd.tile.s32 @!p0 $0x1;
	_ =	shalt  }
.Lfunc_end2:
_tile_overlayer_lowered:
.L_overlay_start_2:
0xdf: {  	(tag) =	ssettag $0x2  }
0xe0: {  	s0 =	rddreg [dreg:$0x0];
	s2 =	stileid.u32  }
0xe1: {  	s1 =	rddreg [dreg:$0x1];
	p0 =	sne.s32 s2, $0x0  }
0xe2: {  	s3 =	rddreg [dreg:$0x2];
	[bflag:$0x3] =	sbarrier.arrive $0xFFFF;
	s2 =	simm.s32 @!p0 $0x1C0A  }
0xe3: {  	[timem:s3], [sflag:s2] =	dma.local @!p0 [hbm:s0], s1  }
0xe4: {  	s0 =	simm.s32 @!p0 $0xA  }
0xe5: {  	_ =	swait.ge @!p0 [sflag:s0], s1  }
0xe6: {  	s1 =	ssub.s32 @!p0 $0x0, s1;
	[sflag:s0] =	ssyncset.done @!p0 $0x0  }
0xe7: {  	[sflag:s0] =	ssyncadd.s32 @!p0 s1  }
0xe8: {  	[bflag:$0x3] =	sbarrier.arrive $0xFFFF  }
0xe9: {  	_ =	shalt  }

</sc_bundles>
